<compile_context>
chip_gen: v7x
topology: tpu7x:2x2x1
jax: 0.10.2.dev20260603
libtpu: 0.0.44.dev20260713+nightly
codegen_flags: <defaults>
</compile_context>

<pallas_src>
import math

import jax
import jax.numpy as jnp
from jax.experimental import pallas as pl
from jax.experimental.pallas import tpu as pltpu

_BN_EPS = 1e-5


def _round_up(n, m):
    return ((n + m - 1) // m) * m


def _mm_kernel(a_ref, b_ref, o_ref, acc_ref):
    @pl.when(pl.program_id(2) == 0)
    def _init():
        acc_ref[...] = jnp.zeros_like(acc_ref)

    acc_ref[...] += jnp.dot(a_ref[...], b_ref[...],
                            preferred_element_type=jnp.float32)

    @pl.when(pl.program_id(2) == pl.num_programs(2) - 1)
    def _store():
        o_ref[...] = acc_ref[...]


def _matmul(a, b, bm, bn, bk):
    m, kk = a.shape
    _, n = b.shape
    grid = (m // bm, n // bn, kk // bk)
    return pl.pallas_call(
        _mm_kernel,
        grid=grid,
        in_specs=[
            pl.BlockSpec((bm, bk), lambda i, j, k: (i, k)),
            pl.BlockSpec((bk, bn), lambda i, j, k: (k, j)),
        ],
        out_specs=pl.BlockSpec((bm, bn), lambda i, j, k: (i, j)),
        out_shape=jax.ShapeDtypeStruct((m, n), jnp.float32),
        scratch_shapes=[pltpu.VMEM((bm, bn), jnp.float32)],
    )(a, b)


def _bn(h):
    mu = h.mean(axis=0)
    var = h.var(axis=0)
    return (h - mu) * jax.lax.rsqrt(var + _BN_EPS)


def kernel(x, edge_index, W0, b0, pool_w, W1, b1, W2, b2):
    f32 = jnp.float32
    n, c_in = x.shape
    hid = W0.shape[1]
    row, col = edge_index[0], edge_index[1]
    k = int(math.ceil(0.5 * n))
    np_ = _round_up(n, 512)
    kp = _round_up(k, 512)

    deg = jnp.zeros((n,), f32).at[col].add(1.0) + 2.0
    dis = jax.lax.rsqrt(deg)
    enorm = dis[row] * dis[col]
    self_w = 2.0 * dis * dis

    x_pad = jnp.zeros((np_, c_in), f32).at[:n].set(x)
    h0 = _matmul(x_pad, W0, 512, 128, 128)
    agg0 = jnp.zeros((n, hid), f32).at[col].add(enorm[:, None] * h0[row])
    h = agg0 + self_w[:, None] * h0[:n] + b0
    h = _bn(jax.nn.relu(h))
    res0 = h

    score = jnp.tanh((h @ pool_w) / jnp.linalg.norm(pool_w))
    topv, perm = jax.lax.top_k(score, k)
    inv = jnp.full((n,), 2**30, jnp.int32).at[perm].set(
        jnp.arange(k, dtype=jnp.int32))

    we = jnp.where(row != col, 1.0, 0.0).astype(f32)
    dk = jnp.arange(k)
    ar = jnp.zeros((kp, np_), f32).at[inv[row], col].add(we, mode="drop")
    ar = ar.at[dk, perm].add(1.0)
    ac = jnp.zeros((np_, kp), f32).at[row, inv[col]].add(we, mode="drop")
    ac = ac.at[perm, dk].add(1.0)
    ap = _matmul(ar.astype(jnp.bfloat16), ac.astype(jnp.bfloat16),
                 512, 512, 512)
    ahat = ap.at[dk, dk].set(2.0)
    degp = ahat.sum(axis=0)
    disp = jnp.where(degp > 0, jax.lax.rsqrt(degp), 0.0)

    hp_pad = jnp.zeros((kp, hid), f32).at[:k].set(h[perm] * topv[:, None])
    z = _matmul(hp_pad, W1, 512, 128, 128)
    z = disp[:, None] * z
    t = _matmul(z.T, ahat, 128, 512, 512).T
    outp = disp[:k, None] * t[:k] + b1
    hp2 = _bn(jax.nn.relu(outp))

    hu = res0.at[perm].add(hp2)

    hu_pad = jnp.zeros((np_, hid), f32).at[:n].set(hu)
    h2 = _matmul(hu_pad, W2, 512, 128, 128)
    agg2 = jnp.zeros((n, hid), f32).at[col].add(enorm[:, None] * h2[row])
    out = agg2 + self_w[:, None] * h2[:n] + b2
    return _bn(jax.nn.relu(out))

# --- scband reference (transcript-rebuilt; emitter-appended) ---
"""Pipeline reference for scband-hill-graph-unet-46462956208754 (READ-ONLY COPY).

The authoritative reference and input builder live on the scoring server;
editing this copy changes nothing except your own understanding.
"""

import math
import jax
import jax.numpy as jnp
import numpy as np

N = 10000
E = 320000
IN_C = 128
HID = 128
OUT_C = 128
RATIO = 0.5
BN_EPS = 1e-5


def glorot(key, shape):
    limit = math.sqrt(6.0 / (shape[0] + shape[1]))
    return jax.random.uniform(key, shape, jnp.float32, -limit, limit)


def setup_inputs(seed: int = 0) -> dict:
    key = jax.random.key(seed)
    ks = jax.random.split(key, 8)
    x = jax.random.normal(ks[0], (N, IN_C), dtype=jnp.float32)
    edge_index = jax.random.randint(ks[1], (2, E), 0, N, dtype=jnp.int32)
    W0 = glorot(ks[2], (IN_C, HID))
    b0 = jnp.zeros((HID,), jnp.float32)
    pool_w = glorot(ks[3], (1, HID))[0]
    W1 = glorot(ks[4], (HID, HID))
    b1 = jnp.zeros((HID,), jnp.float32)
    W2 = glorot(ks[5], (HID, OUT_C))
    b2 = jnp.zeros((OUT_C,), jnp.float32)
    return {"x": x, "edge_index": edge_index, "W0": W0, "b0": b0,
            "pool_w": pool_w, "W1": W1, "b1": b1, "W2": W2, "b2": b2}


def gcn_sparse(x, row, col, w, W, b, n):
    # GCNConv(improved=True): add self-loops with weight 2.0, symmetric norm,
    # message = norm * (x @ W)[src], aggregate sum at dst, + bias
    loop = jnp.arange(n, dtype=row.dtype)
    r = jnp.concatenate([row, loop])
    c = jnp.concatenate([col, loop])
    ww = jnp.concatenate([w, jnp.full((n,), 2.0, jnp.float32)])
    deg = jax.ops.segment_sum(ww, c, num_segments=n)
    dis = jnp.where(deg > 0, 1.0 / jnp.sqrt(deg), 0.0)
    norm = dis[r] * ww * dis[c]
    h = x @ W
    out = jax.ops.segment_sum(norm[:, None] * h[r], c, num_segments=n)
    return out + b


def gcn_dense(x, A, W, b):
    # same GCNConv math on a dense weighted adjacency (post-spspmm level)
    n = A.shape[0]
    A_hat = A + 2.0 * jnp.eye(n, dtype=A.dtype)
    deg = A_hat.sum(axis=0)
    dis = jnp.where(deg > 0, 1.0 / jnp.sqrt(deg), 0.0)
    Anorm = dis[:, None] * A_hat * dis[None, :]
    return Anorm.T @ (x @ W) + b


def batchnorm(x):
    # BatchNorm1d in training mode, affine weight=1 bias=0 after reset
    mu = x.mean(axis=0)
    var = x.var(axis=0)
    return (x - mu) / jnp.sqrt(var + BN_EPS)


def reference(x, edge_index, W0, b0, pool_w, W1, b1, W2, b2):
    row, col = edge_index[0], edge_index[1]
    ew = jnp.ones((E,), jnp.float32)
    # down_convs[0] (GCNBlock depth=1 -> single improved GCNConv) + relu + bn
    h = gcn_sparse(x, row, col, ew, W0, b0, N)
    h = jax.nn.relu(h)
    h = batchnorm(h)
    res0 = h
    # augment_adj: remove self loops, add self loops (w=1), A @ A, remove self loops
    # (dense equivalent of torch_sparse.spspmm; coalesce == scatter-add of duplicates)
    diag = jnp.arange(N)
    A = jnp.zeros((N, N), jnp.float32).at[row, col].add(ew)
    A = A.at[diag, diag].set(0.0)
    A = A + jnp.eye(N, dtype=jnp.float32)
    A2 = A @ A
    A2 = A2.at[diag, diag].set(0.0)
    # TopKPooling: score = tanh((x @ w)/||w||), keep top ceil(ratio*N), x *= score
    score = jnp.tanh((h @ pool_w) / jnp.linalg.norm(pool_w))
    k = int(math.ceil(RATIO * N))
    topv, perm = jax.lax.top_k(score, k)
    hp = h[perm] * topv[:, None]
    Ap = A2[perm][:, perm]
    # down_convs[1] at pooled level + relu + bn
    hp = gcn_dense(hp, Ap, W1, b1)
    hp = jax.nn.relu(hp)
    hp = batchnorm(hp)
    # unpool: scatter back to full node set, sum skip connection (sum_res=True)
    up = jnp.zeros_like(res0).at[perm].set(hp)
    hu = res0 + up
    # up_convs[0] on original graph + relu + bn
    out = gcn_sparse(hu, row, col, jnp.ones((E,), jnp.float32), W2, b2, N)
    out = jax.nn.relu(out)
    out = batchnorm(out)
    return out

if __name__ == "__main__":
    import jax
    _d = setup_inputs()
    print(jax.jit(kernel)(*tuple(_d.values())))

</pallas_src>

<mosaic_0001>
module attributes {stable_mosaic.version = 14 : i64} {
  func.func @_mm_kernel(%arg0: i32, %arg1: i32, %arg2: i32, %arg3: memref<512x128xf32, #tpu.memory_space<vmem>>, %arg4: memref<128x128xf32, #tpu.memory_space<vmem>>, %arg5: memref<512x128xf32, #tpu.memory_space<vmem>>, %arg6: memref<512x128xf32, #tpu.memory_space<vmem>>) attributes {dimension_semantics = [#tpu.dimension_semantics<arbitrary>, #tpu.dimension_semantics<arbitrary>, #tpu.dimension_semantics<arbitrary>], iteration_bounds = array<i64: 20, 1, 1>, scalar_prefetch = 0 : i64, scratch_operands = 1 : i64, tpu.core_type = #tpu.core_type<tc>, window_params = [{transform_indices = @transform_0, window_bounds = array<i64: 512, 128>}, {transform_indices = @transform_1, window_bounds = array<i64: 128, 128>}, {transform_indices = @transform_2, window_bounds = array<i64: 512, 128>}]} {
    %eq3A = arith.constant 0 : i32
    %eq3A_0 = arith.cmpi eq, %arg2, %eq3A : i32
    %convert_element_type3A = arith.extui %eq3A_0 : i1 to i32
    %cond3A = arith.constant 0 : i32
    %cond3A_1 = arith.cmpi ne, %convert_element_type3A, %cond3A : i32
    scf.if %cond3A_1 {
      %broadcast_in_dim3A = arith.constant 0.000000e+00 : f32
      %broadcast_in_dim3A_18 = vector.broadcast %broadcast_in_dim3A : f32 to vector<512x128xf32>
      %swap3A_19 = arith.constant 0 : index
      %swap3A_20 = arith.constant 0 : index
      %swap3A_21 = vector.load %arg6[%swap3A_19, %swap3A_20] : memref<512x128xf32, #tpu.memory_space<vmem>>, vector<512x128xf32>
      tpu.vector_store %arg6[%swap3A_19, %swap3A_20], %broadcast_in_dim3A_18 {strides = array<i32>} : memref<512x128xf32, #tpu.memory_space<vmem>>, vector<512x128xf32>,
    } else {
    }
    %get3A = arith.constant 0 : index
    %get3A_2 = arith.constant 0 : index
    %get3A_3 = vector.load %arg6[%get3A, %get3A_2] : memref<512x128xf32, #tpu.memory_space<vmem>>, vector<512x128xf32>
    %get3A_4 = arith.constant 0 : index
    %get3A_5 = arith.constant 0 : index
    %get3A_6 = vector.load %arg3[%get3A_4, %get3A_5] : memref<512x128xf32, #tpu.memory_space<vmem>>, vector<512x128xf32>
    %get3A_7 = arith.constant 0 : index
    %get3A_8 = arith.constant 0 : index
    %get3A_9 = vector.load %arg4[%get3A_7, %get3A_8] : memref<128x128xf32, #tpu.memory_space<vmem>>, vector<128x128xf32>
    %dot_general3A = arith.constant dense<0.000000e+00> : vector<512x128xf32>
    %dot_general3A_10 = tpu.matmul %get3A_6, %get3A_9, %dot_general3A {dimension_numbers = #tpu.dot_dimension_numbers<[1], [0], [0], [1], [0, 0, 1, 1], [], []>, transpose_lhs_hint = false} : vector<512x128xf32>, vector<128x128xf32>, vector<512x128xf32> -> vector<512x128xf32>
    %add3A = arith.addf %get3A_3, %dot_general3A_10 : vector<512x128xf32>
    %swap3A = arith.constant 0 : index
    %swap3A_11 = arith.constant 0 : index
    %swap3A_12 = vector.load %arg6[%swap3A, %swap3A_11] : memref<512x128xf32, #tpu.memory_space<vmem>>, vector<512x128xf32>
    tpu.vector_store %arg6[%swap3A, %swap3A_11], %add3A {strides = array<i32>} : memref<512x128xf32, #tpu.memory_space<vmem>>, vector<512x128xf32>,
    %eq3A_13 = arith.constant 0 : i32
    %eq3A_14 = arith.cmpi eq, %arg2, %eq3A_13 : i32
    %convert_element_type3A_15 = arith.extui %eq3A_14 : i1 to i32
    %cond3A_16 = arith.constant 0 : i32
    %cond3A_17 = arith.cmpi ne, %convert_element_type3A_15, %cond3A_16 : i32
    scf.if %cond3A_17 {
      %get3A_18 = arith.constant 0 : index
      %get3A_19 = arith.constant 0 : index
      %get3A_20 = vector.load %arg6[%get3A_18, %get3A_19] : memref<512x128xf32, #tpu.memory_space<vmem>>, vector<512x128xf32>
      %swap3A_21 = arith.constant 0 : index
      %swap3A_22 = arith.constant 0 : index
      %swap3A_23 = vector.load %arg5[%swap3A_21, %swap3A_22] : memref<512x128xf32, #tpu.memory_space<vmem>>, vector<512x128xf32>
      tpu.vector_store %arg5[%swap3A_21, %swap3A_22], %get3A_20 {strides = array<i32>} : memref<512x128xf32, #tpu.memory_space<vmem>>, vector<512x128xf32>,
    } else {
    }
    return
  }
  func.func @transform_0(%arg0: i32, %arg1: i32, %arg2: i32) -> (i32, i32) {
    %c0_i32 = arith.constant 0 : i32
    return %arg0, %arg2 : i32, i32
  }
  func.func @transform_1(%arg0: i32, %arg1: i32, %arg2: i32) -> (i32, i32) {
    %c0_i32 = arith.constant 0 : i32
    return %arg2, %arg1 : i32, i32
  }
  func.func @transform_2(%arg0: i32, %arg1: i32, %arg2: i32) -> (i32, i32) {
    %c0_i32 = arith.constant 0 : i32
    return %arg0, %arg1 : i32, i32
  }
}

module attributes {stable_mosaic.version = 14 : i64} {
  func.func @_mm_kernel(%arg0: i32, %arg1: i32, %arg2: i32, %arg3: memref<512x512xbf16, #tpu.memory_space<vmem>>, %arg4: memref<512x512xbf16, #tpu.memory_space<vmem>>, %arg5: memref<512x512xf32, #tpu.memory_space<vmem>>, %arg6: memref<512x512xf32, #tpu.memory_space<vmem>>) attributes {dimension_semantics = [#tpu.dimension_semantics<arbitrary>, #tpu.dimension_semantics<arbitrary>, #tpu.dimension_semantics<arbitrary>], iteration_bounds = array<i64: 10, 10, 20>, scalar_prefetch = 0 : i64, scratch_operands = 1 : i64, tpu.core_type = #tpu.core_type<tc>, window_params = [{transform_indices = @transform_0, window_bounds = array<i64: 512, 512>}, {transform_indices = @transform_1, window_bounds = array<i64: 512, 512>}, {transform_indices = @transform_2, window_bounds = array<i64: 512, 512>}]} {
    %eq3A = arith.constant 0 : i32
    %eq3A_0 = arith.cmpi eq, %arg2, %eq3A : i32
    %convert_element_type3A = arith.extui %eq3A_0 : i1 to i32
    %cond3A = arith.constant 0 : i32
    %cond3A_1 = arith.cmpi ne, %convert_element_type3A, %cond3A : i32
    scf.if %cond3A_1 {
      %broadcast_in_dim3A = arith.constant 0.000000e+00 : f32
      %broadcast_in_dim3A_18 = vector.broadcast %broadcast_in_dim3A : f32 to vector<512x512xf32>
      %swap3A_19 = arith.constant 0 : index
      %swap3A_20 = arith.constant 0 : index
      %swap3A_21 = vector.load %arg6[%swap3A_19, %swap3A_20] : memref<512x512xf32, #tpu.memory_space<vmem>>, vector<512x512xf32>
      tpu.vector_store %arg6[%swap3A_19, %swap3A_20], %broadcast_in_dim3A_18 {strides = array<i32>} : memref<512x512xf32, #tpu.memory_space<vmem>>, vector<512x512xf32>,
    } else {
    }
    %get3A = arith.constant 0 : index
    %get3A_2 = arith.constant 0 : index
    %get3A_3 = vector.load %arg6[%get3A, %get3A_2] : memref<512x512xf32, #tpu.memory_space<vmem>>, vector<512x512xf32>
    %get3A_4 = arith.constant 0 : index
    %get3A_5 = arith.constant 0 : index
    %get3A_6 = vector.load %arg3[%get3A_4, %get3A_5] : memref<512x512xbf16, #tpu.memory_space<vmem>>, vector<512x512xbf16>
    %get3A_7 = arith.constant 0 : index
    %get3A_8 = arith.constant 0 : index
    %get3A_9 = vector.load %arg4[%get3A_7, %get3A_8] : memref<512x512xbf16, #tpu.memory_space<vmem>>, vector<512x512xbf16>
    %dot_general3A = arith.constant dense<0.000000e+00> : vector<512x512xf32>
    %dot_general3A_10 = tpu.matmul %get3A_6, %get3A_9, %dot_general3A {dimension_numbers = #tpu.dot_dimension_numbers<[1], [0], [0], [1], [0, 0, 1, 1], [], []>, transpose_lhs_hint = false} : vector<512x512xbf16>, vector<512x512xbf16>, vector<512x512xf32> -> vector<512x512xf32>
    %add3A = arith.addf %get3A_3, %dot_general3A_10 : vector<512x512xf32>
    %swap3A = arith.constant 0 : index
    %swap3A_11 = arith.constant 0 : index
    %swap3A_12 = vector.load %arg6[%swap3A, %swap3A_11] : memref<512x512xf32, #tpu.memory_space<vmem>>, vector<512x512xf32>
    tpu.vector_store %arg6[%swap3A, %swap3A_11], %add3A {strides = array<i32>} : memref<512x512xf32, #tpu.memory_space<vmem>>, vector<512x512xf32>,
    %eq3A_13 = arith.constant 19 : i32
    %eq3A_14 = arith.cmpi eq, %arg2, %eq3A_13 : i32
    %convert_element_type3A_15 = arith.extui %eq3A_14 : i1 to i32
    %cond3A_16 = arith.constant 0 : i32
    %cond3A_17 = arith.cmpi ne, %convert_element_type3A_15, %cond3A_16 : i32
    scf.if %cond3A_17 {
      %get3A_18 = arith.constant 0 : index
      %get3A_19 = arith.constant 0 : index
      %get3A_20 = vector.load %arg6[%get3A_18, %get3A_19] : memref<512x512xf32, #tpu.memory_space<vmem>>, vector<512x512xf32>
      %swap3A_21 = arith.constant 0 : index
      %swap3A_22 = arith.constant 0 : index
      %swap3A_23 = vector.load %arg5[%swap3A_21, %swap3A_22] : memref<512x512xf32, #tpu.memory_space<vmem>>, vector<512x512xf32>
      tpu.vector_store %arg5[%swap3A_21, %swap3A_22], %get3A_20 {strides = array<i32>} : memref<512x512xf32, #tpu.memory_space<vmem>>, vector<512x512xf32>,
    } else {
    }
    return
  }
  func.func @transform_0(%arg0: i32, %arg1: i32, %arg2: i32) -> (i32, i32) {
    %c0_i32 = arith.constant 0 : i32
    return %arg0, %arg2 : i32, i32
  }
  func.func @transform_1(%arg0: i32, %arg1: i32, %arg2: i32) -> (i32, i32) {
    %c0_i32 = arith.constant 0 : i32
    return %arg2, %arg1 : i32, i32
  }
  func.func @transform_2(%arg0: i32, %arg1: i32, %arg2: i32) -> (i32, i32) {
    %c0_i32 = arith.constant 0 : i32
    return %arg0, %arg1 : i32, i32
  }
}

module attributes {stable_mosaic.version = 14 : i64} {
  func.func @_mm_kernel(%arg0: i32, %arg1: i32, %arg2: i32, %arg3: memref<512x128xf32, #tpu.memory_space<vmem>>, %arg4: memref<128x128xf32, #tpu.memory_space<vmem>>, %arg5: memref<512x128xf32, #tpu.memory_space<vmem>>, %arg6: memref<512x128xf32, #tpu.memory_space<vmem>>) attributes {dimension_semantics = [#tpu.dimension_semantics<arbitrary>, #tpu.dimension_semantics<arbitrary>, #tpu.dimension_semantics<arbitrary>], iteration_bounds = array<i64: 10, 1, 1>, scalar_prefetch = 0 : i64, scratch_operands = 1 : i64, tpu.core_type = #tpu.core_type<tc>, window_params = [{transform_indices = @transform_0, window_bounds = array<i64: 512, 128>}, {transform_indices = @transform_1, window_bounds = array<i64: 128, 128>}, {transform_indices = @transform_2, window_bounds = array<i64: 512, 128>}]} {
    %eq3A = arith.constant 0 : i32
    %eq3A_0 = arith.cmpi eq, %arg2, %eq3A : i32
    %convert_element_type3A = arith.extui %eq3A_0 : i1 to i32
    %cond3A = arith.constant 0 : i32
    %cond3A_1 = arith.cmpi ne, %convert_element_type3A, %cond3A : i32
    scf.if %cond3A_1 {
      %broadcast_in_dim3A = arith.constant 0.000000e+00 : f32
      %broadcast_in_dim3A_18 = vector.broadcast %broadcast_in_dim3A : f32 to vector<512x128xf32>
      %swap3A_19 = arith.constant 0 : index
      %swap3A_20 = arith.constant 0 : index
      %swap3A_21 = vector.load %arg6[%swap3A_19, %swap3A_20] : memref<512x128xf32, #tpu.memory_space<vmem>>, vector<512x128xf32>
      tpu.vector_store %arg6[%swap3A_19, %swap3A_20], %broadcast_in_dim3A_18 {strides = array<i32>} : memref<512x128xf32, #tpu.memory_space<vmem>>, vector<512x128xf32>,
    } else {
    }
    %get3A = arith.constant 0 : index
    %get3A_2 = arith.constant 0 : index
    %get3A_3 = vector.load %arg6[%get3A, %get3A_2] : memref<512x128xf32, #tpu.memory_space<vmem>>, vector<512x128xf32>
    %get3A_4 = arith.constant 0 : index
    %get3A_5 = arith.constant 0 : index
    %get3A_6 = vector.load %arg3[%get3A_4, %get3A_5] : memref<512x128xf32, #tpu.memory_space<vmem>>, vector<512x128xf32>
    %get3A_7 = arith.constant 0 : index
    %get3A_8 = arith.constant 0 : index
    %get3A_9 = vector.load %arg4[%get3A_7, %get3A_8] : memref<128x128xf32, #tpu.memory_space<vmem>>, vector<128x128xf32>
    %dot_general3A = arith.constant dense<0.000000e+00> : vector<512x128xf32>
    %dot_general3A_10 = tpu.matmul %get3A_6, %get3A_9, %dot_general3A {dimension_numbers = #tpu.dot_dimension_numbers<[1], [0], [0], [1], [0, 0, 1, 1], [], []>, transpose_lhs_hint = false} : vector<512x128xf32>, vector<128x128xf32>, vector<512x128xf32> -> vector<512x128xf32>
    %add3A = arith.addf %get3A_3, %dot_general3A_10 : vector<512x128xf32>
    %swap3A = arith.constant 0 : index
    %swap3A_11 = arith.constant 0 : index
    %swap3A_12 = vector.load %arg6[%swap3A, %swap3A_11] : memref<512x128xf32, #tpu.memory_space<vmem>>, vector<512x128xf32>
    tpu.vector_store %arg6[%swap3A, %swap3A_11], %add3A {strides = array<i32>} : memref<512x128xf32, #tpu.memory_space<vmem>>, vector<512x128xf32>,
    %eq3A_13 = arith.constant 0 : i32
    %eq3A_14 = arith.cmpi eq, %arg2, %eq3A_13 : i32
    %convert_element_type3A_15 = arith.extui %eq3A_14 : i1 to i32
    %cond3A_16 = arith.constant 0 : i32
    %cond3A_17 = arith.cmpi ne, %convert_element_type3A_15, %cond3A_16 : i32
    scf.if %cond3A_17 {
      %get3A_18 = arith.constant 0 : index
      %get3A_19 = arith.constant 0 : index
      %get3A_20 = vector.load %arg6[%get3A_18, %get3A_19] : memref<512x128xf32, #tpu.memory_space<vmem>>, vector<512x128xf32>
      %swap3A_21 = arith.constant 0 : index
      %swap3A_22 = arith.constant 0 : index
      %swap3A_23 = vector.load %arg5[%swap3A_21, %swap3A_22] : memref<512x128xf32, #tpu.memory_space<vmem>>, vector<512x128xf32>
      tpu.vector_store %arg5[%swap3A_21, %swap3A_22], %get3A_20 {strides = array<i32>} : memref<512x128xf32, #tpu.memory_space<vmem>>, vector<512x128xf32>,
    } else {
    }
    return
  }
  func.func @transform_0(%arg0: i32, %arg1: i32, %arg2: i32) -> (i32, i32) {
    %c0_i32 = arith.constant 0 : i32
    return %arg0, %arg2 : i32, i32
  }
  func.func @transform_1(%arg0: i32, %arg1: i32, %arg2: i32) -> (i32, i32) {
    %c0_i32 = arith.constant 0 : i32
    return %arg2, %arg1 : i32, i32
  }
  func.func @transform_2(%arg0: i32, %arg1: i32, %arg2: i32) -> (i32, i32) {
    %c0_i32 = arith.constant 0 : i32
    return %arg0, %arg1 : i32, i32
  }
}

module attributes {stable_mosaic.version = 14 : i64} {
  func.func @_mm_kernel(%arg0: i32, %arg1: i32, %arg2: i32, %arg3: memref<128x512xf32, #tpu.memory_space<vmem>>, %arg4: memref<512x512xf32, #tpu.memory_space<vmem>>, %arg5: memref<128x512xf32, #tpu.memory_space<vmem>>, %arg6: memref<128x512xf32, #tpu.memory_space<vmem>>) attributes {dimension_semantics = [#tpu.dimension_semantics<arbitrary>, #tpu.dimension_semantics<arbitrary>, #tpu.dimension_semantics<arbitrary>], iteration_bounds = array<i64: 1, 10, 10>, scalar_prefetch = 0 : i64, scratch_operands = 1 : i64, tpu.core_type = #tpu.core_type<tc>, window_params = [{transform_indices = @transform_0, window_bounds = array<i64: 128, 512>}, {transform_indices = @transform_1, window_bounds = array<i64: 512, 512>}, {transform_indices = @transform_2, window_bounds = array<i64: 128, 512>}]} {
    %eq3A = arith.constant 0 : i32
    %eq3A_0 = arith.cmpi eq, %arg2, %eq3A : i32
    %convert_element_type3A = arith.extui %eq3A_0 : i1 to i32
    %cond3A = arith.constant 0 : i32
    %cond3A_1 = arith.cmpi ne, %convert_element_type3A, %cond3A : i32
    scf.if %cond3A_1 {
      %broadcast_in_dim3A = arith.constant 0.000000e+00 : f32
      %broadcast_in_dim3A_18 = vector.broadcast %broadcast_in_dim3A : f32 to vector<128x512xf32>
      %swap3A_19 = arith.constant 0 : index
      %swap3A_20 = arith.constant 0 : index
      %swap3A_21 = vector.load %arg6[%swap3A_19, %swap3A_20] : memref<128x512xf32, #tpu.memory_space<vmem>>, vector<128x512xf32>
      tpu.vector_store %arg6[%swap3A_19, %swap3A_20], %broadcast_in_dim3A_18 {strides = array<i32>} : memref<128x512xf32, #tpu.memory_space<vmem>>, vector<128x512xf32>,
    } else {
    }
    %get3A = arith.constant 0 : index
    %get3A_2 = arith.constant 0 : index
    %get3A_3 = vector.load %arg6[%get3A, %get3A_2] : memref<128x512xf32, #tpu.memory_space<vmem>>, vector<128x512xf32>
    %get3A_4 = arith.constant 0 : index
    %get3A_5 = arith.constant 0 : index
    %get3A_6 = vector.load %arg3[%get3A_4, %get3A_5] : memref<128x512xf32, #tpu.memory_space<vmem>>, vector<128x512xf32>
    %get3A_7 = arith.constant 0 : index
    %get3A_8 = arith.constant 0 : index
    %get3A_9 = vector.load %arg4[%get3A_7, %get3A_8] : memref<512x512xf32, #tpu.memory_space<vmem>>, vector<512x512xf32>
    %dot_general3A = arith.constant dense<0.000000e+00> : vector<128x512xf32>
    %dot_general3A_10 = tpu.matmul %get3A_6, %get3A_9, %dot_general3A {dimension_numbers = #tpu.dot_dimension_numbers<[1], [0], [0], [1], [0, 0, 1, 1], [], []>, transpose_lhs_hint = false} : vector<128x512xf32>, vector<512x512xf32>, vector<128x512xf32> -> vector<128x512xf32>
    %add3A = arith.addf %get3A_3, %dot_general3A_10 : vector<128x512xf32>
    %swap3A = arith.constant 0 : index
    %swap3A_11 = arith.constant 0 : index
    %swap3A_12 = vector.load %arg6[%swap3A, %swap3A_11] : memref<128x512xf32, #tpu.memory_space<vmem>>, vector<128x512xf32>
    tpu.vector_store %arg6[%swap3A, %swap3A_11], %add3A {strides = array<i32>} : memref<128x512xf32, #tpu.memory_space<vmem>>, vector<128x512xf32>,
    %eq3A_13 = arith.constant 9 : i32
    %eq3A_14 = arith.cmpi eq, %arg2, %eq3A_13 : i32
    %convert_element_type3A_15 = arith.extui %eq3A_14 : i1 to i32
    %cond3A_16 = arith.constant 0 : i32
    %cond3A_17 = arith.cmpi ne, %convert_element_type3A_15, %cond3A_16 : i32
    scf.if %cond3A_17 {
      %get3A_18 = arith.constant 0 : index
      %get3A_19 = arith.constant 0 : index
      %get3A_20 = vector.load %arg6[%get3A_18, %get3A_19] : memref<128x512xf32, #tpu.memory_space<vmem>>, vector<128x512xf32>
      %swap3A_21 = arith.constant 0 : index
      %swap3A_22 = arith.constant 0 : index
      %swap3A_23 = vector.load %arg5[%swap3A_21, %swap3A_22] : memref<128x512xf32, #tpu.memory_space<vmem>>, vector<128x512xf32>
      tpu.vector_store %arg5[%swap3A_21, %swap3A_22], %get3A_20 {strides = array<i32>} : memref<128x512xf32, #tpu.memory_space<vmem>>, vector<128x512xf32>,
    } else {
    }
    return
  }
  func.func @transform_0(%arg0: i32, %arg1: i32, %arg2: i32) -> (i32, i32) {
    %c0_i32 = arith.constant 0 : i32
    return %arg0, %arg2 : i32, i32
  }
  func.func @transform_1(%arg0: i32, %arg1: i32, %arg2: i32) -> (i32, i32) {
    %c0_i32 = arith.constant 0 : i32
    return %arg2, %arg1 : i32, i32
  }
  func.func @transform_2(%arg0: i32, %arg1: i32, %arg2: i32) -> (i32, i32) {
    %c0_i32 = arith.constant 0 : i32
    return %arg0, %arg1 : i32, i32
  }
}

</mosaic_0001>

<sc_bundles>
// kernel: gather_offload_async_start
scs
__scs_entry_jumppad:
0x0: {  	(pc) =	sbr.rel $0x88, $3  }
0x1: {  	(tag) =	ssettag $0x0;
	lr =	simm.s32 $0x1  }
0x2: {  	[smem:$0x3F98] =	sst lr;
	_ =	strace $0xD0000000  }
0x3: {  	_ = 	snop  }
0x4: {  	_ = 	snop  }
0x5: {  	_ = 	snop  }
0x6: {  	_ = 	snop  }
0x7: {  	_ = 	snop  }
__scs_overlays_trampoline_lowered:
0x8: {  	[smem:$0x3FA7] =	sst s0  }
0x9: {  	[smem:$0x3FA8] =	sst s1  }
0xa: {  	[smem:$0x3FA9] =	sst s2  }
0xb: {  	[smem:$0x3FAA] =	sst s3  }
0xc: {  	[smem:$0x3FAB] =	sst s4  }
0xd: {  	[smem:$0x3FAC] =	sst s5  }
0xe: {  	[smem:$0x3FAD] =	sst s6  }
0xf: {  	[smem:$0x3FAE] =	sst s7  }
0x10: {  	[smem:$0x3FAF] =	sst s8  }
0x11: {  	[smem:$0x3FB0] =	sst s9;
	s0 =	simm.s32 @!p0 $0x0  }
0x12: {  	s1 =	sld [smem:$0x3F96];
	s0 =	simm.s32 @p0 $0x1  }
0x13: {  	[smem:$0x3FB1] =	sst s0;
	s0 =	simm.s32 @!p1 $0x0  }
0x14: {  	s2 =	sld [smem:$0x3F95];
	s0 =	simm.s32 @p1 $0x1  }
0x15: {  	[smem:$0x3FB2] =	sst s0;
	s0 =	simm.s32 @!p2 $0x0  }
0x16: {  	s3 =	sld [smem:$0x3FDB];
	s0 =	simm.s32 @p2 $0x1  }
0x17: {  	s4 =	simm.s32 $0x1BF5;
	[smem:$0x3FB4] =	sst s0  }
0x18: {  	s0 =	sld [smem:$0x3F97];
	_ =	swait.ge [sflag:s4], $0x0  }
0x19: {  	s7 =	sld [smem:$0x3F98]  }
0x1a: {  	s8 =	sadd.s32 $0xFFFFE003, lr  }
0x1b: {  	s9 =	sadd.s32 $0xFFFFFEF7, lr;
	s5 =	simm.s32 $0xFFFFFFFF;
	p2 =	slt.u32 s8, $0xFFFFF086  }
0x1c: {  	p1 =	slt.u32 s9, $0xF7A;
	s5 =	simm.s32 @!p2 $0x0  }
0x1d: {  	s5 =	simm.s32 @p1 $0x1;
	p0 =	seq.s32 s7, s2  }
0x1e: {  	s7 =	smul.u32 @!p0 $0xF7A, s2;
	p2 =	seq.s32 @!p0 s5, $0x0  }
0x1f: {  	s9 =	smul.u32 $0xF7A, s1;
	s8 =	simm.s32 @!p0 $0x1BF5;
	p2 =	por !p2, p0  }
0x20: {  	[sflag:s8] =	ssyncset.s32 @!p0 $0xFFFFF086;
	s6 =	sadd.s32 @!p0 s3, s7;
	s7 =	simm.s32 @!p0 $0x108  }
0x21: {  	s3 =	sadd.s32 s3, s9;
	s6 =	sadd.s32 @!p0 $0x88, s6;
	s7 =	simm.s32 @p2 $0x1082  }
0x22: {  	[simem:s7], [sflag:s8] =	dma.local @!p0 [hbm:s6], $0xF7A  }
0x23: {  	s9 =	sor.u32 $0xD0000000, s2;
	s6 =	simm.s32 $0x108;
	_ =	swait.ge @!p0 [sflag:s8], $0x0  }
0x24: {  	s3 =	sadd.s32 $0x88, s3;
	s6 =	simm.s32 @!p1 $0x1082;
	[sflag:s4] =	ssyncset.s32 $0xFFFFF086  }
0x25: {  	[simem:s6], [sflag:s4] =	dma.local [hbm:s3], $0xF7A  }
0x26: {  	[smem:$0x3F98] =	sst s1;
	(tag) =	ssettag s2;
	_ =	strace s9  }
0x27: {  	s1 =	sld [smem:$0x3FA8]  }
0x28: {  	s2 =	sld [smem:$0x3FA9]  }
0x29: {  	s4 =	sld [smem:$0x3FAB]  }
0x2a: {  	p0 =	seq.s32 s5, $0x0;
	s5 =	sld [smem:$0x3FAC]  }
0x2b: {  	s6 =	sld [smem:$0x3FAD]  }
0x2c: {  	s7 =	sld [smem:$0x3FAE]  }
0x2d: {  	s3 =	simm.s32 $0x108;
	s8 =	sld [smem:$0x3FAF]  }
0x2e: {  	s3 =	simm.s32 @!p0 $0x1082;
	s9 =	sld [smem:$0x3FB0]  }
0x2f: {  	lr =	sadd.s32 s0, s3;
	s0 =	sld [smem:$0x3FA7]  }
0x30: {  	s3 =	sld [smem:$0x3FAA]  }
0x31: {  	[smem:$0x3FB3] =	sst s10  }
0x32: {  	s10 =	sld [smem:$0x3FB1];
	_ =	sdelay $0x3  }
0x33: {  	p0 =	seq.s32 s10, $0x1;
	s10 =	sld [smem:$0x3FB3];
	_ =	sdelay $0x3  }
0x34: {  	[smem:$0x3FB3] =	sst s10  }
0x35: {  	s10 =	sld [smem:$0x3FB2];
	_ =	sdelay $0x3  }
0x36: {  	p1 =	seq.s32 s10, $0x1;
	s10 =	sld [smem:$0x3FB3];
	_ =	sdelay $0x3  }
0x37: {  	[smem:$0x3FB3] =	sst s10  }
0x38: {  	s10 =	sld [smem:$0x3FB4]  }
0x39: {  	_ = 	snop;
	(pc) =	sbr.ind lr, $3  }
0x3a: {  	_ = 	snop  }
0x3b: {  	_ = 	snop  }
0x3c: {  	p2 =	seq.s32 s10, $0x1;
	s10 =	sld [smem:$0x3FB3]  }
0x3d: {  	_ =	shalt  }
0x3e: {  	_ =	shalt  }
0x3f: {  	_ =	shalt  }
0x40: {  	_ =	shalt  }
0x41: {  	_ =	shalt  }
0x42: {  	_ =	shalt  }
0x43: {  	_ =	shalt  }
0x44: {  	_ =	shalt  }
0x45: {  	_ =	shalt  }
0x46: {  	_ =	shalt  }
0x47: {  	_ =	shalt  }
0x48: {  	_ =	shalt  }
0x49: {  	_ =	shalt  }
0x4a: {  	_ =	shalt  }
0x4b: {  	_ =	shalt  }
0x4c: {  	_ =	shalt  }
0x4d: {  	_ =	shalt  }
0x4e: {  	_ =	shalt  }
0x4f: {  	_ =	shalt  }
0x50: {  	_ =	shalt  }
0x51: {  	_ =	shalt  }
0x52: {  	_ =	shalt  }
0x53: {  	_ =	shalt  }
0x54: {  	_ =	shalt  }
0x55: {  	_ =	shalt  }
0x56: {  	_ =	shalt  }
0x57: {  	_ =	shalt  }
0x58: {  	_ =	shalt  }
0x59: {  	_ =	shalt  }
0x5a: {  	_ =	shalt  }
0x5b: {  	_ =	shalt  }
0x5c: {  	_ =	shalt  }
0x5d: {  	_ =	shalt  }
0x5e: {  	_ =	shalt  }
0x5f: {  	_ =	shalt  }
0x60: {  	_ =	shalt  }
0x61: {  	_ =	shalt  }
0x62: {  	_ =	shalt  }
0x63: {  	_ =	shalt  }
0x64: {  	_ =	shalt  }
0x65: {  	_ =	shalt  }
0x66: {  	_ =	shalt  }
0x67: {  	_ =	shalt  }
0x68: {  	_ =	shalt  }
0x69: {  	_ =	shalt  }
0x6a: {  	_ =	shalt  }
0x6b: {  	_ =	shalt  }
0x6c: {  	_ =	shalt  }
0x6d: {  	_ =	shalt  }
0x6e: {  	_ =	shalt  }
0x6f: {  	_ =	shalt  }
0x70: {  	_ =	shalt  }
0x71: {  	_ =	shalt  }
0x72: {  	_ =	shalt  }
0x73: {  	_ =	shalt  }
0x74: {  	_ =	shalt  }
0x75: {  	_ =	shalt  }
0x76: {  	_ =	shalt  }
0x77: {  	_ =	shalt  }
0x78: {  	_ =	shalt  }
0x79: {  	_ =	shalt  }
0x7a: {  	_ =	shalt  }
0x7b: {  	_ =	shalt  }
0x7c: {  	_ =	shalt  }
0x7d: {  	_ =	shalt  }
0x7e: {  	_ =	shalt  }
0x7f: {  	_ =	shalt  }
0x80: {  	_ =	shalt  }
0x81: {  	_ =	shalt  }
0x82: {  	_ =	shalt  }
0x83: {  	_ =	shalt  }
0x84: {  	_ =	shalt  }
0x85: {  	_ =	shalt  }
0x86: {  	_ =	shalt  }
0x87: {  	_ =	shalt  }
.Lfunc_end0:
.L_simem_size_0:
called_computation.7_lowered:
.L_overlay_start_0:
0x88: {  	s0 =	sld [smem:$0x3FD9]  }
0x89: {  	s1 =	sld [smem:$0x3FFE];
	_ =	sdelay $0x3  }
0x8a: {  	s0 =	sadd.s32 s1, s0  }
0x8b: {  	[smem:$0x3FBF] =	sst s0  }
0x8c: {  	_ = 	snop  }
0x8d: {  	s0 =	sld [smem:$0x3FD0];
	(tm) =	ssettm $0x1  }
0x8e: {  	s16 =	sld [smem:$0x3FFB];
	_ =	sdelay $0x3  }
0x8f: {  	_ =	strace s16  }
0x90: {  	s1 =	sld [smem:$0x3FFC];
	_ =	sdelay $0x3  }
0x91: {  	_ =	strace s1  }
0x92: {  	s1 =	sld [smem:$0x3FFD];
	_ =	sdelay $0x3  }
0x93: {  	_ =	strace s1  }
0x94: {  	_ =	strace $0x8FFFFFFF  }
0x95: {  	s17 =	sld [smem:$0x3FDB];
	_ =	sdelay $0x1  }
0x96: {  	s2 =	simm.s32 $_scs_section_size  }
0x97: {  	s3 =	simm.s32 $_size__tile_overlayer_lowered;
	s4 =	simm.s32 $_tile_overlayer_lowered  }
0x98: {  	s20 =	simm.s32 $0x1BFF;
	s19 =	sshll.u32 s4, $0x1;
	s1 =	sadd.s32 s2, s17  }
0x99: {  	s5 =	simm.s32 $0x0;
	s18 =	sshll.u32 s3, $0x1;
	s3 =	sadd.s32 s19, s1  }
0x9a: {  	[timem:s5], [sflag:s20] =	dma.local [hbm:s3], s18  }
0x9b: {  	_ =	swait.ge [sflag:s20], s18  }
0x9c: {  	s2 =	ssub.s32 $0x0, s18;
	[sflag:s20] =	ssyncset.done $0x0  }
0x9d: {  	[sflag:s20] =	ssyncadd.s32 s2;
	_ =	sdelay $0x1  }
0x9e: {  	s21 =	simm.s32 $0x1B8B  }
0x9f: {  	_ =	swait.ge [sflag:s21], $0x1  }
0xa0: {  	[sflag:s21] =	ssyncset.done $0x0  }
0xa1: {  	s23 =	simm.s32 $0x1B8E;
	s22 =	sld [smem:$0x3FFE];
	[sflag:s21] =	ssyncadd.s32 $0xFFFFFFFF  }
0xa2: {  	s24 =	simm.s32 $execute0_lowered;
	[smem:$0x3FD2] =	sst s23  }
0xa3: {  	s3 =	sshll.u32 s24, $0x1;
	_ =	strace $0x80000058;
	[dreg:$0x1] =	wrdreg $0xFFFFFFFF  }
0xa4: {  	s25 =	simm.s32 $_size_execute0_lowered;
	s1 =	sadd.s32 s1, s3;
	[dreg:$0x0] =	wrdreg $0x0  }
0xa5: {  	s3 =	sshll.u32 s25, $0x1;
	[dreg:$0x2] =	wrdreg s1  }
0xa6: {  	[dreg:$0x3] =	wrdreg s3  }
0xa7: {  	[dreg:$0x4] =	wrdreg $0xC0  }
0xa8: {  	_ =	task [dreg:s5], $0x5FFFF  }
0xa9: {  	[dreg:$0x1] =	wrdreg $0xFFFFFFFF  }
0xaa: {  	[dreg:$0x0] =	wrdreg $0x60  }
0xab: {  	[dreg:$0x2] =	wrdreg s0  }
0xac: {  	[dreg:$0x3] =	wrdreg s22  }
0xad: {  	[dreg:$0x4] =	wrdreg $0x9  }
0xae: {  	_ =	task.clear_ibuf [dreg:s5], $0x5FFFF;
	_ =	strace $0x90000058  }
0xaf: {  	s26 =	simm.s32 $0x9;
	_ =	strace $0x8000005A  }
0xb0: {  	_ =	swait.ge [sflag:s26], $0x1  }
0xb1: {  	[sflag:s26] =	ssyncadd.s32 $0xFFFFFFFF  }
0xb2: {  	_ =	strace $0x9000005A  }
0xb3: {  	_ =	sfence  }
0xb4: {  	s28 =	sld [smem:$0x0];
	_ =	sdelay $0x1  }
0xb5: {  	s29 =	srdreg.scid  }
0xb6: {  	s30 =	sshll.u32 s29, $0xD;
	s31 =	sshrl.u32 s29, $0x2  }
0xb7: {  	s2 =	sand.u32 $0x4000, s30;
	s1 =	sand.u32 $0x1, s29;
	s0 =	sadd.s32 s31, s28  }
0xb8: {  	s1 =	sor.u32 s2, s1;
	s0 =	sshll.u32 s0, $0x11  }
0xb9: {  	s0 =	sor.u32 s0, s1  }
0xba: {  	s0 =	sadd.s32 $0x8F2B, s0  }
0xbb: {  	[sflag:s0] =	ssyncadd.remote.s32 $0x1  }
0xbc: {  	_ =	sfence.sel $0xFFFF  }
0xbd: {  	[dreg:$0x0] =	wrdreg $0xFFFFFFFF;
	(pc) =	sbr.abs _section_cstart, $3  }
0xbe: {  	[dreg:$0x1] =	wrdreg $0xFFFFFFFF  }
0xbf: {  	_ =	task.clear_ibuf [dreg:s5], $0x2FFFF;
	_ =	strace $0x9FFFFFFF  }
0xc0: {  	(tm) =	ssettm $0x7FFFFFFF  }
0xc1: {  	_ =	shalt  }
tec
execute0_lowered:
.L_overlay_start_1:
0x0: {  	(tag) =	ssettag $0x1  }
0x1: {  	s0 =	stileid.u32  }
0x2: {  	s1 =	smin.u32 s0, $0x9  }
0x3: {  	s1 =	sadd.s32 s0, s1  }
0x4: {  	s2 =	simm.s32 $0x190;
	p0 =	slt.u32 s0, $0x9;
	s1 =	smul.u32 $0xC8, s1  }
0x5: {  	s2 =	simm.s32 @!p0 $0xC8  }
0x6: {  	s2 =	sadd.s32 s2, s1  }
0x7: {  	s3 =	smin.u32 s2, $0x1388  }
0x8: {  	s7 =	ssub.s32 s3, s1  }
0x9: {  	p0 =	sgt.s32 s7, $0x0  }
0xa: {  	s7 =	simm.s32 @!p0 $0x0  }
0xb: {  	s31 =	sand.u32 $0xFFF8, s7  }
0xc: {  	s2 =	sshrl.u32 s31, $0x3  }
0xd: {  	s4 =	rddreg [dreg:$0x0];
	s2 =	smul.u32 $0x147B, s2  }
0xe: {  	s9 =	rddreg [dreg:$0x1];
	s6 =	simm.s32 $0x1  }
0xf: {  	s11 =	simm.s32 $0x3;
	s13 =	simm.s32 $0x0;
	s8 =	sshrl.u32 s2, $0x11  }
0x10: {  	s12 =	simm.s32 $0x0;
	s5 =	sadd.s32 $0x28C00, s9;
	s10 =	smul.u32 $0xC8, s8  }
.Ltmp0:
0x11: {  	s9 =	sadd.s32 $0x4F000, s9;
	s2 =	rddreg [dreg:$0x2];
	(pc) =	sbr.rel .LBB2_1-.Ltmp0, $4  }
0x12: {  	_ =	strace $0x80000059;
	p0 =	sne.s32 s7, s10;
	s10 =	simm.s32 $0x1  }
0x13: {  	[sflag:s6] =	ssyncpa.u1 $0x0;
	s7 =	simm.s32 $0x2;
	s10 =	simm.s32 @!p0 $0x0  }
0x14: {  	[sflag:s7] =	ssyncpa.u1 $0x0;
	p0 =	por $0x0, $0x0;
	s8 =	sadd.s32 s8, s10  }
0x15: {  	vm0 =	vmmov $0xff;
	vm1 =	vcmask $0x3F20;
	[sflag:s11] =	ssyncpa.u1 $0x0;
	s11 =	smov.u32 s1;
	s10 =	sadd.s32 $0x1, s8  }
.LBB2_6:
0x16: {  	[hbm:s17] =	stream.linear.scatter [tilespmem:s14], [sflag:$0x3], $0x400, $0x38;
	[tilespmem:$0xC990] =	vst v63  }
.LBB2_7:
0x17: {  	s13 =	sadd.s32 $0xC8, s11  }
0x18: {  	s15 =	smov.u32 s1;
	p2 =	slt.s32 s13, s3  }
0x19: {  	s15 =	smov.u32 @p2 s13;
	p2 =	sne.s32 s12, s10  }
.Ltmp1:
0x1a: {  	p1 =	slt.u32 s12, $0x2;
	(pc) =	sbr.rel @!p2 .LBB2_8-.Ltmp1, $4  }
0x1b: {  	s14 =	simm.s32 @!p1 $0x3  }
0x1c: {  	s16 =	sadd.s32 $0x1, s12;
	_ =	swait.ge @!p1 [sflag:s14], $0x6400  }
0x1d: {  	p0 =	por !p0, !p0;
	s13 =	smov.u32 s11;
	[sflag:s14] =	ssyncset.done @!p1 $0x0  }
0x1e: {  	s12 =	smov.u32 s16;
	s11 =	smov.u32 s15;
	[sflag:s14] =	ssyncadd.s32 @!p1 $0xFFFF9C00  }
.LBB2_1:
0x1f: {  	p1 =	sge.u32 s12, s8  }
0x20: {  	s14 =	sxor.u32 @!p1 $0xFFFFFFFF, s12  }
0x21: {  	s14 =	sand.u32 @!p1 $0x1, s14  }
0x22: {  	s14 =	smul.u32 @!p1 $0x320, s14  }
0x23: {  	s31 =	sadd.s32 $0xFFFFFFFF, s12;
	s15 =	sshrl.u32 @!p1 s11, $0x3  }
0x24: {  	s16 =	sand.u32 @!p1 $0x7, s11;
	s15 =	sadd.s32 @!p1 s5, s15;
	s14 =	sshrl.u32 @!p1 s14, $0x2  }
0x25: {  	[tilespmem:s14], [sflag:$0x2] =	stream.linear.gather @!p1 [hbm4b:s15+s16], $0xC8, $0x38;
	[tilespmem:$0xC990] =	vst v63  }
0x26: {  	p1 =	sge.u32 s31, s8  }
.Ltmp2:
0x27: {  	_ = 	snop;
	(pc) =	sbr.rel @p1 .LBB2_7-.Ltmp2, $1  }
0x28: {  	_ =	sdelay $0x3  }
0x29: {  	s14 =	simm.s32 $0x1  }
0x2a: {  	s14 =	simm.s32 @!p0 $0x0  }
0x2b: {  	s15 =	smul.u32 $0x320, s14  }
0x2c: {  	_ =	swait.ge [sflag:s7], $0xC8  }
0x2d: {  	[sflag:s7] =	ssyncset.done $0x0;
	s16 =	sshrl.u32 s15, $0x2  }
0x2e: {  	[sflag:s7] =	ssyncadd.s32 $0xFFFFFF38;
	s15 =	sadd.s32 $0x0, s16  }
0x2f: {  	v0 =	vld.msk [tilespmem:s15+$0x0 ss:$0x1], $0xffff;
	_ =	sdelay $0x4  }
0x30: {  	vm2 =	vgt.s32 v0, $0x0  }
0x31: {  	v0 =	vnsel vm2, $0x0, v0  }
0x32: {  	v0 =	vmin.u32 v0, $0x270F  }
0x33: {  	v0 =	vshll.u32 v0, $0x4  }
0x34: {  	s14 =	smul.u32 $0x19000, s14  }
0x35: {  	s31 =	sand.u32 $0x1, s12  }
0x36: {  	s17 =	smul.u32 $0x320, s31;
	s14 =	sshrl.u32 s14, $0x2  }
0x37: {  	s19 =	smul.u32 $0x19000, s31;
	s14 =	sor.u32 $0x190, s14  }
0x38: {  	[tilespmem:s14], [sflag:$0x1] =	stream.indirect_vreg.gather [hbm:s4], $0x80, v0, vm0, $0x38;
	[tilespmem:$0xC990] =	vst v63  }
0x39: {  	s18 =	sshrl.u32 s17, $0x2;
	s20 =	sadd.s32 $0x10, s16;
	s15 =	sadd.s32 $0x400, s14  }
0x3a: {  	[tilespmem:s15], [sflag:$0x1] =	stream.indirect_vreg.gather [hbm:s4], $0x80, v0, vm1, $0x38;
	[tilespmem:$0xC990] =	vst v63  }
0x3b: {  	s17 =	sshrl.u32 s19, $0x2;
	s19 =	smov.u32 s14;
	v0 =	vld.msk [tilespmem:s20+$0x0 ss:$0x1], $0xffff;
	s20 =	simm.s32 $0x80  }
.LBB2_3:
0x3c: {  	p1 =	sne.s32 s20, $0x2C0;
	_ =	sdelay $0x4  }
0x3d: {  	vm2 =	vgt.s32 v0, $0x0  }
0x3e: {  	v0 =	vnsel vm2, $0x0, v0  }
0x3f: {  	v0 =	vmin.u32 v0, $0x270F  }
0x40: {  	v0 =	vshll.u32 v0, $0x4;
	_ =	sdelay $0x3  }
.Ltmp3:
0x41: {  	s21 =	sshra.s32 s20, $0x2;
	s19 =	sadd.s32 $0x800, s19;
	(pc) =	sbr.rel @p1 .LBB2_3-.Ltmp3, $4  }
0x42: {  	[tilespmem:s19], [sflag:$0x1] =	stream.indirect_vreg.gather [hbm:s4], $0x80, v0, vm0, $0x38;
	[tilespmem:$0xC990] =	vst v63  }
0x43: {  	s21 =	sadd.s32 s21, s16;
	s22 =	sadd.s32 $0x400, s19  }
0x44: {  	[tilespmem:s22], [sflag:$0x1] =	stream.indirect_vreg.gather [hbm:s4], $0x80, v0, vm1, $0x38;
	[tilespmem:$0xC990] =	vst v63  }
0x45: {  	s20 =	sadd.s32 $0x40, s20;
	v0 =	vld.msk [tilespmem:s21+$0x0 ss:$0x1], $0xffff  }
0x46: {  	_ =	sdelay $0x3  }
0x47: {  	vm2 =	vgt.s32 v0, $0x0  }
0x48: {  	v0 =	vnsel vm2, $0x0, v0  }
0x49: {  	v0 =	vmin.u32 v0, $0x270F  }
0x4a: {  	v0 =	vshll.u32 v0, $0x4;
	_ =	sdelay $0x3  }
0x4b: {  	s16 =	sadd.s32 $0x800, s19  }
0x4c: {  	[tilespmem:s16], [sflag:$0x1] =	stream.indirect_vreg.gather [hbm:s4], $0x80, v0, vm0, $0x38;
	[tilespmem:$0xC990] =	vst v63  }
0x4d: {  	s16 =	sadd.s32 $0x400, s16  }
0x4e: {  	[tilespmem:s16], [sflag:$0x1] =	stream.indirect_vreg.gather [hbm:s4], $0x80, v0, vm1, $0x38;
	[tilespmem:$0xC990] =	vst v63  }
0x4f: {  	v0 =	vld.msk [tilespmem:s18+$0xC0 ss:$0x1], $0xff;
	_ =	sdelay $0x4  }
0x50: {  	vm2 =	vgt.s32 v0, $0x0  }
0x51: {  	v0 =	vnsel vm2, $0x0, v0  }
0x52: {  	v0 =	vmin.u32 v0, $0x270F  }
0x53: {  	v0 =	vshll.u32 v0, $0x4;
	_ =	sdelay $0x3  }
0x54: {  	s31 =	sadd.s32 $0x6190, s17  }
0x55: {  	[tilespmem:s31], [sflag:$0x1] =	stream.indirect_vreg.gather [hbm:s4], $0x80, v0, vm0, $0x38;
	[tilespmem:$0xC990] =	vst v63  }
0x56: {  	s13 =	sshll.u32 s13, $0x4;
	_ =	swait.ge [sflag:s6], $0x6400  }
0x57: {  	s13 =	sadd.s32 s13, s9;
	[sflag:s6] =	ssyncset.done $0x0  }
0x58: {  	s17 =	sadd.s32 $0x0, s13;
	s16 =	simm.s32 $0x80;
	[sflag:s6] =	ssyncadd.s32 $0xFFFF9C00  }
.LBB2_5:
0x59: {  	[hbm:s17] =	stream.linear.scatter [tilespmem:s14], [sflag:$0x3], $0x400, $0x38;
	[tilespmem:$0xC990] =	vst v63  }
0x5a: {  	s17 =	smov.u32 s16;
	s14 =	smov.u32 s15;
	p1 =	sne.s32 s16, $0xC00  }
.Ltmp4:
0x5b: {  	s16 =	sadd.s32 $0x80, s16;
	(pc) =	sbr.rel @p1 .LBB2_5-.Ltmp4, $2  }
0x5c: {  	_ =	sdelay $0x2  }
0x5d: {  	s15 =	sadd.s32 $0x400, s15;
	s17 =	sadd.s32 s17, s13  }
.Ltmp5:
0x5e: {  	_ = 	snop;
	(pc) =	sbr.rel .LBB2_6-.Ltmp5, $1  }
0x5f: {  	_ =	sdelay $0x3  }
.LBB2_8:
0x60: {  	_ =	sfence.sel $0x180000  }
0x61: {  	s1 =	simm.s32 $0x2;
	[bflag:$0x0] =	sbarrier.arrive $0xFFFF  }
0x62: {  	s30 =	simm.s32 $0x3;
	[sflag:s1] =	ssyncpa.u1 $0x1  }
0x63: {  	s31 =	simm.s32 $0x1;
	[sflag:s30] =	ssyncpa.u1 $0x1  }
0x64: {  	[sflag:s31] =	ssyncpa.u1 $0x1  }
0x65: {  	p0 =	sne.s32 s0, $0x0;
	_ =	strace $0x90000059  }
0x66: {  	s0 =	sadd.s32 @!p0 $0x100000, s2;
	[bflag:$0x2] =	sbarrier.arrive $0xFFFF  }
0x67: {  	[sflag:s0] =	ssyncadd.tile.s32 @!p0 $0x1;
	_ =	shalt  }
.Lfunc_end2:
_tile_overlayer_lowered:
.L_overlay_start_2:
0x68: {  	(tag) =	ssettag $0x2  }
0x69: {  	s0 =	rddreg [dreg:$0x0];
	s2 =	stileid.u32  }
0x6a: {  	s1 =	rddreg [dreg:$0x1];
	p0 =	sne.s32 s2, $0x0  }
0x6b: {  	s3 =	rddreg [dreg:$0x2];
	[bflag:$0x3] =	sbarrier.arrive $0xFFFF;
	s2 =	simm.s32 @!p0 $0x1C01  }
0x6c: {  	[timem:s3], [sflag:s2] =	dma.local @!p0 [hbm:s0], s1  }
0x6d: {  	s0 =	simm.s32 @!p0 $0x1  }
0x6e: {  	_ =	swait.ge @!p0 [sflag:s0], s1  }
0x6f: {  	s1 =	ssub.s32 @!p0 $0x0, s1;
	[sflag:s0] =	ssyncset.done @!p0 $0x0  }
0x70: {  	[sflag:s0] =	ssyncadd.s32 @!p0 s1  }
0x71: {  	[bflag:$0x3] =	sbarrier.arrive $0xFFFF  }
0x72: {  	_ =	shalt  }

// kernel: scatter_offload_async_start.1
scs
__scs_entry_jumppad:
0x0: {  	(pc) =	sbr.rel $0x88, $3  }
0x1: {  	(tag) =	ssettag $0x0;
	lr =	simm.s32 $0x1  }
0x2: {  	[smem:$0x3F98] =	sst lr;
	_ =	strace $0xD0000000  }
0x3: {  	_ = 	snop  }
0x4: {  	_ = 	snop  }
0x5: {  	_ = 	snop  }
0x6: {  	_ = 	snop  }
0x7: {  	_ = 	snop  }
__scs_overlays_trampoline_lowered:
0x8: {  	[smem:$0x3FA7] =	sst s0  }
0x9: {  	[smem:$0x3FA8] =	sst s1  }
0xa: {  	[smem:$0x3FA9] =	sst s2  }
0xb: {  	[smem:$0x3FAA] =	sst s3  }
0xc: {  	[smem:$0x3FAB] =	sst s4  }
0xd: {  	[smem:$0x3FAC] =	sst s5  }
0xe: {  	[smem:$0x3FAD] =	sst s6  }
0xf: {  	[smem:$0x3FAE] =	sst s7  }
0x10: {  	[smem:$0x3FAF] =	sst s8  }
0x11: {  	[smem:$0x3FB0] =	sst s9;
	s0 =	simm.s32 @!p0 $0x0  }
0x12: {  	s1 =	sld [smem:$0x3F96];
	s0 =	simm.s32 @p0 $0x1  }
0x13: {  	[smem:$0x3FB1] =	sst s0;
	s0 =	simm.s32 @!p1 $0x0  }
0x14: {  	s2 =	sld [smem:$0x3F95];
	s0 =	simm.s32 @p1 $0x1  }
0x15: {  	[smem:$0x3FB2] =	sst s0;
	s0 =	simm.s32 @!p2 $0x0  }
0x16: {  	s3 =	sld [smem:$0x3FDB];
	s0 =	simm.s32 @p2 $0x1  }
0x17: {  	s4 =	simm.s32 $0x1BF5;
	[smem:$0x3FB4] =	sst s0  }
0x18: {  	s0 =	sld [smem:$0x3F97];
	_ =	swait.ge [sflag:s4], $0x0  }
0x19: {  	s7 =	sld [smem:$0x3F98]  }
0x1a: {  	s8 =	sadd.s32 $0xFFFFE003, lr  }
0x1b: {  	s9 =	sadd.s32 $0xFFFFFEF7, lr;
	s5 =	simm.s32 $0xFFFFFFFF;
	p2 =	slt.u32 s8, $0xFFFFF086  }
0x1c: {  	p1 =	slt.u32 s9, $0xF7A;
	s5 =	simm.s32 @!p2 $0x0  }
0x1d: {  	s5 =	simm.s32 @p1 $0x1;
	p0 =	seq.s32 s7, s2  }
0x1e: {  	s7 =	smul.u32 @!p0 $0xF7A, s2;
	p2 =	seq.s32 @!p0 s5, $0x0  }
0x1f: {  	s9 =	smul.u32 $0xF7A, s1;
	s8 =	simm.s32 @!p0 $0x1BF5;
	p2 =	por !p2, p0  }
0x20: {  	[sflag:s8] =	ssyncset.s32 @!p0 $0xFFFFF086;
	s6 =	sadd.s32 @!p0 s3, s7;
	s7 =	simm.s32 @!p0 $0x108  }
0x21: {  	s3 =	sadd.s32 s3, s9;
	s6 =	sadd.s32 @!p0 $0x88, s6;
	s7 =	simm.s32 @p2 $0x1082  }
0x22: {  	[simem:s7], [sflag:s8] =	dma.local @!p0 [hbm:s6], $0xF7A  }
0x23: {  	s9 =	sor.u32 $0xD0000000, s2;
	s6 =	simm.s32 $0x108;
	_ =	swait.ge @!p0 [sflag:s8], $0x0  }
0x24: {  	s3 =	sadd.s32 $0x88, s3;
	s6 =	simm.s32 @!p1 $0x1082;
	[sflag:s4] =	ssyncset.s32 $0xFFFFF086  }
0x25: {  	[simem:s6], [sflag:s4] =	dma.local [hbm:s3], $0xF7A  }
0x26: {  	[smem:$0x3F98] =	sst s1;
	(tag) =	ssettag s2;
	_ =	strace s9  }
0x27: {  	s1 =	sld [smem:$0x3FA8]  }
0x28: {  	s2 =	sld [smem:$0x3FA9]  }
0x29: {  	s4 =	sld [smem:$0x3FAB]  }
0x2a: {  	p0 =	seq.s32 s5, $0x0;
	s5 =	sld [smem:$0x3FAC]  }
0x2b: {  	s6 =	sld [smem:$0x3FAD]  }
0x2c: {  	s7 =	sld [smem:$0x3FAE]  }
0x2d: {  	s3 =	simm.s32 $0x108;
	s8 =	sld [smem:$0x3FAF]  }
0x2e: {  	s3 =	simm.s32 @!p0 $0x1082;
	s9 =	sld [smem:$0x3FB0]  }
0x2f: {  	lr =	sadd.s32 s0, s3;
	s0 =	sld [smem:$0x3FA7]  }
0x30: {  	s3 =	sld [smem:$0x3FAA]  }
0x31: {  	[smem:$0x3FB3] =	sst s10  }
0x32: {  	s10 =	sld [smem:$0x3FB1];
	_ =	sdelay $0x3  }
0x33: {  	p0 =	seq.s32 s10, $0x1;
	s10 =	sld [smem:$0x3FB3];
	_ =	sdelay $0x3  }
0x34: {  	[smem:$0x3FB3] =	sst s10  }
0x35: {  	s10 =	sld [smem:$0x3FB2];
	_ =	sdelay $0x3  }
0x36: {  	p1 =	seq.s32 s10, $0x1;
	s10 =	sld [smem:$0x3FB3];
	_ =	sdelay $0x3  }
0x37: {  	[smem:$0x3FB3] =	sst s10  }
0x38: {  	s10 =	sld [smem:$0x3FB4]  }
0x39: {  	_ = 	snop;
	(pc) =	sbr.ind lr, $3  }
0x3a: {  	_ = 	snop  }
0x3b: {  	_ = 	snop  }
0x3c: {  	p2 =	seq.s32 s10, $0x1;
	s10 =	sld [smem:$0x3FB3]  }
0x3d: {  	_ =	shalt  }
0x3e: {  	_ =	shalt  }
0x3f: {  	_ =	shalt  }
0x40: {  	_ =	shalt  }
0x41: {  	_ =	shalt  }
0x42: {  	_ =	shalt  }
0x43: {  	_ =	shalt  }
0x44: {  	_ =	shalt  }
0x45: {  	_ =	shalt  }
0x46: {  	_ =	shalt  }
0x47: {  	_ =	shalt  }
0x48: {  	_ =	shalt  }
0x49: {  	_ =	shalt  }
0x4a: {  	_ =	shalt  }
0x4b: {  	_ =	shalt  }
0x4c: {  	_ =	shalt  }
0x4d: {  	_ =	shalt  }
0x4e: {  	_ =	shalt  }
0x4f: {  	_ =	shalt  }
0x50: {  	_ =	shalt  }
0x51: {  	_ =	shalt  }
0x52: {  	_ =	shalt  }
0x53: {  	_ =	shalt  }
0x54: {  	_ =	shalt  }
0x55: {  	_ =	shalt  }
0x56: {  	_ =	shalt  }
0x57: {  	_ =	shalt  }
0x58: {  	_ =	shalt  }
0x59: {  	_ =	shalt  }
0x5a: {  	_ =	shalt  }
0x5b: {  	_ =	shalt  }
0x5c: {  	_ =	shalt  }
0x5d: {  	_ =	shalt  }
0x5e: {  	_ =	shalt  }
0x5f: {  	_ =	shalt  }
0x60: {  	_ =	shalt  }
0x61: {  	_ =	shalt  }
0x62: {  	_ =	shalt  }
0x63: {  	_ =	shalt  }
0x64: {  	_ =	shalt  }
0x65: {  	_ =	shalt  }
0x66: {  	_ =	shalt  }
0x67: {  	_ =	shalt  }
0x68: {  	_ =	shalt  }
0x69: {  	_ =	shalt  }
0x6a: {  	_ =	shalt  }
0x6b: {  	_ =	shalt  }
0x6c: {  	_ =	shalt  }
0x6d: {  	_ =	shalt  }
0x6e: {  	_ =	shalt  }
0x6f: {  	_ =	shalt  }
0x70: {  	_ =	shalt  }
0x71: {  	_ =	shalt  }
0x72: {  	_ =	shalt  }
0x73: {  	_ =	shalt  }
0x74: {  	_ =	shalt  }
0x75: {  	_ =	shalt  }
0x76: {  	_ =	shalt  }
0x77: {  	_ =	shalt  }
0x78: {  	_ =	shalt  }
0x79: {  	_ =	shalt  }
0x7a: {  	_ =	shalt  }
0x7b: {  	_ =	shalt  }
0x7c: {  	_ =	shalt  }
0x7d: {  	_ =	shalt  }
0x7e: {  	_ =	shalt  }
0x7f: {  	_ =	shalt  }
0x80: {  	_ =	shalt  }
0x81: {  	_ =	shalt  }
0x82: {  	_ =	shalt  }
0x83: {  	_ =	shalt  }
0x84: {  	_ =	shalt  }
0x85: {  	_ =	shalt  }
0x86: {  	_ =	shalt  }
0x87: {  	_ =	shalt  }
.Lfunc_end0:
.L_simem_size_0:
called_computation.1_lowered:
.L_overlay_start_0:
0x88: {  	s2 =	sld [smem:$0x3FD9]  }
0x89: {  	s3 =	sld [smem:$0x3FFE];
	_ =	sdelay $0x1  }
0x8a: {  	s1 =	srdreg.scid  }
0x8b: {  	s0 =	sand.u32 $0x1, s1  }
0x8c: {  	s16 =	sshll.u32 s0, $0xA;
	s2 =	sadd.s32 s3, s2  }
0x8d: {  	s2 =	sadd.s32 s2, s16  }
0x8e: {  	[smem:$0x3FBF] =	sst s2  }
0x8f: {  	_ = 	snop  }
0x90: {  	s2 =	sld [smem:$0x3FD0];
	(tm) =	ssettm $0x1  }
0x91: {  	s17 =	sld [smem:$0x3FFB];
	_ =	sdelay $0x3  }
0x92: {  	_ =	strace s17  }
0x93: {  	s3 =	sld [smem:$0x3FFC];
	_ =	sdelay $0x3  }
0x94: {  	_ =	strace s3  }
0x95: {  	s3 =	sld [smem:$0x3FFD];
	_ =	sdelay $0x3  }
0x96: {  	_ =	strace s3  }
0x97: {  	_ =	strace $0x8FFFFFFF  }
0x98: {  	s18 =	sld [smem:$0x3FDB];
	_ =	sdelay $0x1  }
0x99: {  	s4 =	simm.s32 $_scs_section_size  }
0x9a: {  	s5 =	simm.s32 $_size__tile_overlayer_lowered;
	s6 =	simm.s32 $_tile_overlayer_lowered  }
0x9b: {  	s21 =	simm.s32 $0x1BFF;
	s20 =	sshll.u32 s6, $0x1;
	s3 =	sadd.s32 s4, s18  }
0x9c: {  	s7 =	simm.s32 $0x0;
	s19 =	sshll.u32 s5, $0x1;
	s5 =	sadd.s32 s20, s3  }
0x9d: {  	[timem:s7], [sflag:s21] =	dma.local [hbm:s5], s19  }
0x9e: {  	_ =	swait.ge [sflag:s21], s19  }
0x9f: {  	s4 =	ssub.s32 $0x0, s19;
	[sflag:s21] =	ssyncset.done $0x0  }
0xa0: {  	[sflag:s21] =	ssyncadd.s32 s4;
	_ =	sdelay $0x1  }
0xa1: {  	s22 =	simm.s32 $0x1B8B  }
0xa2: {  	_ =	swait.ge [sflag:s22], $0x1  }
0xa3: {  	[sflag:s22] =	ssyncset.done $0x0  }
0xa4: {  	s23 =	sld [smem:$0x3FFE];
	[sflag:s22] =	ssyncadd.s32 $0xFFFFFFFF  }
0xa5: {  	s25 =	simm.s32 $0x1B8E;
	s24 =	sld [smem:$0x0]  }
0xa6: {  	s26 =	simm.s32 $execute0_lowered;
	[smem:$0x3FD2] =	sst s25  }
0xa7: {  	s6 =	sshll.u32 s26, $0x1;
	_ =	strace $0x80000049;
	[dreg:$0x1] =	wrdreg $0xFFFFFFFF  }
0xa8: {  	s28 =	simm.s32 $_size_execute0_lowered;
	s3 =	sadd.s32 s3, s6;
	[dreg:$0x0] =	wrdreg $0x0  }
0xa9: {  	s6 =	sshll.u32 s28, $0x1;
	[dreg:$0x2] =	wrdreg s3  }
0xaa: {  	[dreg:$0x3] =	wrdreg s6  }
0xab: {  	[dreg:$0x4] =	wrdreg $0xC0  }
0xac: {  	_ =	task [dreg:s7], $0x5FFFF  }
0xad: {  	[dreg:$0x1] =	wrdreg $0xFFFFFFFF  }
0xae: {  	[dreg:$0x0] =	wrdreg $0x60  }
0xaf: {  	[dreg:$0x2] =	wrdreg s2  }
0xb0: {  	[dreg:$0x3] =	wrdreg s23  }
0xb1: {  	[dreg:$0x4] =	wrdreg s1  }
0xb2: {  	[dreg:$0x5] =	wrdreg s24  }
0xb3: {  	[dreg:$0x6] =	wrdreg $0x9  }
0xb4: {  	_ =	task.clear_ibuf [dreg:s7], $0x7FFFF;
	_ =	strace $0x90000049  }
0xb5: {  	s29 =	simm.s32 $0x9;
	_ =	strace $0x8000004B  }
0xb6: {  	_ =	swait.ge [sflag:s29], $0x1  }
0xb7: {  	[sflag:s29] =	ssyncadd.s32 $0xFFFFFFFF  }
0xb8: {  	_ =	strace $0x9000004B  }
0xb9: {  	_ =	sfence  }
0xba: {  	s30 =	sld [smem:$0x0];
	_ =	sdelay $0x2  }
0xbb: {  	s31 =	sshll.u32 s1, $0xD;
	s1 =	sshrl.u32 s1, $0x2  }
0xbc: {  	s3 =	sand.u32 $0x4000, s31;
	s1 =	sadd.s32 s1, s30  }
0xbd: {  	s0 =	sor.u32 s3, s0;
	s1 =	sshll.u32 s1, $0x11  }
0xbe: {  	s0 =	sor.u32 s1, s0  }
0xbf: {  	s0 =	sadd.s32 $0x8F2B, s0  }
0xc0: {  	[sflag:s0] =	ssyncadd.remote.s32 $0x1  }
0xc1: {  	_ =	sfence.sel $0xFFFF  }
0xc2: {  	[dreg:$0x0] =	wrdreg $0xFFFFFFFF;
	(pc) =	sbr.abs _section_cstart, $3  }
0xc3: {  	[dreg:$0x1] =	wrdreg $0xFFFFFFFF  }
0xc4: {  	_ =	task.clear_ibuf [dreg:s7], $0x2FFFF;
	_ =	strace $0x9FFFFFFF  }
0xc5: {  	(tm) =	ssettm $0x7FFFFFFF  }
tec
execute0_lowered:
.L_overlay_start_1:
0x0: {  	(tag) =	ssettag $0x1  }
0x1: {  	s1 =	rddreg [dreg:$0x0]  }
0x2: {  	s2 =	rddreg [dreg:$0x1]  }
0x3: {  	s3 =	rddreg [dreg:$0x2];
	_ =	strace $0x8000004A;
	s0 =	simm.s32 $0x1  }
0x4: {  	v0 =	vimm.s32 $0x0;
	[sflag:s0] =	ssyncpa.u1 $0x0;
	s0 =	simm.s32 $0x108  }
0x5: {  	[tilespmem:s0+$0x70] =	vst v0  }
0x6: {  	[tilespmem:s0+$0x60] =	vst v0  }
0x7: {  	[tilespmem:s0+$0x50] =	vst v0  }
0x8: {  	[tilespmem:s0+$0x40] =	vst v0  }
0x9: {  	[tilespmem:s0+$0x30] =	vst v0  }
0xa: {  	s15 =	sadd.s32 $0x3B400, s2;
	s6 =	sadd.s32 $0x77600, s2;
	[tilespmem:s0+$0x20] =	vst v0  }
0xb: {  	s14 =	sadd.s32 $0x45200, s2;
	s5 =	sand.u32 $0x1, s3;
	s3 =	simm.s32 $0x40;
	[tilespmem:s0+$0x10] =	vst v0  }
.LBB2_1:
0xc: {  	s3 =	sadd.s32 $0x40, s3;
	[tilespmem:s0+$0x0] =	vst v0;
	s0 =	sadd.s32 $0x80, s0  }
0xd: {  	p0 =	slt.u32 s3, $0x3C40;
	[tilespmem:s0+$0x70] =	vst v0  }
0xe: {  	[tilespmem:s0+$0x60] =	vst v0  }
.Ltmp0:
0xf: {  	[tilespmem:s0+$0x50] =	vst v0;
	(pc) =	sbr.rel @p0 .LBB2_1-.Ltmp0, $4  }
0x10: {  	[tilespmem:s0+$0x40] =	vst v0  }
0x11: {  	[tilespmem:s0+$0x30] =	vst v0  }
0x12: {  	[tilespmem:s0+$0x20] =	vst v0  }
0x13: {  	[tilespmem:s0+$0x10] =	vst v0  }
0x14: {  	s9 =	stileid.u32  }
0x15: {  	s2 =	smul.u32 $0x29, s9  }
0x16: {  	s3 =	smin.u32 s9, $0xB  }
0x17: {  	s2 =	sadd.s32 s3, s2  }
0x18: {  	p0 =	slt.u32 s9, $0xB;
	s7 =	smul.u32 $0xF0, s2;
	s2 =	simm.s32 $0x2760  }
0x19: {  	s2 =	simm.s32 @!p0 $0x2670  }
0x1a: {  	s2 =	sadd.s32 s2, s7  }
0x1b: {  	s8 =	smin.u32 s2, $0x27100  }
0x1c: {  	s2 =	ssub.s32 s8, s7  }
0x1d: {  	p0 =	sgt.s32 s2, $0x0  }
0x1e: {  	s29 =	simm.s32 $0x2;
	s10 =	simm.s32 $0x9;
	s2 =	simm.s32 @!p0 $0x0  }
0x1f: {  	s4 =	simm.s32 $0xA;
	s11 =	simm.s32 $0xB;
	s28 =	smulhi.u32 $0x88888889, s2  }
0x20: {  	[dreg:$0x5] =	wrdreg s5;
	s31 =	smul.u32 $0x4E20, s5;
	s12 =	simm.s32 $0x1  }
0x21: {  	s22 =	simm.s32 $0x0;
	s18 =	simm.s32 $0xC;
	s30 =	sshrl.u32 s28, $0x7  }
0x22: {  	s20 =	simm.s32 $0x0;
	s21 =	simm.s32 $0x0;
	s3 =	smul.u32 $0xF0, s30  }
.Ltmp1:
0x23: {  	[tilespmem:s0+$0x0] =	vst v0;
	v0 =	vimm.s32 $0xFFFFFFFF;
	[sflag:s29] =	ssyncpa.u1 $0x0;
	s16 =	sshll.u32 s9, $0x8;
	(pc) =	sbr.rel .LBB2_3-.Ltmp1, $4  }
0x24: {  	[tilespmem:$0xF208] =	vst v0;
	[sflag:s10] =	ssyncpa.u1 $0x0;
	p0 =	sne.s32 s2, s3;
	s2 =	simm.s32 $0x1  }
0x25: {  	s14 =	sadd.s32 s31, s14;
	[sflag:s4] =	ssyncpa.u1 $0x0;
	s2 =	simm.s32 @!p0 $0x0  }
0x26: {  	s15 =	sadd.s32 s31, s15;
	[sflag:s11] =	ssyncpa.u1 $0x0;
	s13 =	sadd.s32 s2, s30  }
0x27: {  	v0 =	vlaneseq.u32;
	s19 =	smov.u32 s7;
	p0 =	por $0x0, $0x0;
	s17 =	sadd.s32 $0x1, s13  }
.LBB2_18:
0x28: {  	s0 =	sshrl.u32 s31, $0x2  }
.LBB2_20:
0x29: {  	_ =	swait.ge [sflag:s18], s0  }
0x2a: {  	s31 =	ssub.s32 $0x0, s0;
	v1 =	vmov s24;
	vm0 =	veq.s32 v0, $0x0;
	[sflag:s18] =	ssyncset.done $0x0  }
0x2b: {  	vm15 =	veq.s32 v0, $0x2;
	v1 =	vsel vm0, s30, v1;
	[sflag:s18] =	ssyncadd.s32 s31  }
0x2c: {  	v1 =	vsel vm15, s22, v1;
	[sflag:s18] =	ssyncpa.u1 $0x1  }
0x2d: {  	[tilespmem:$0xF208] =	vst v1  }
.LBB2_21:
0x2e: {  	s0 =	sadd.s32 $0xF0, s19  }
0x2f: {  	s2 =	smov.u32 s7;
	p1 =	slt.s32 s0, s8  }
0x30: {  	s2 =	smov.u32 @p1 s0;
	p1 =	sne.s32 s21, s17  }
.Ltmp2:
0x31: {  	_ = 	snop;
	(pc) =	sbr.rel @!p1 .LBB2_22-.Ltmp2, $3  }
0x32: {  	_ =	sdelay $0x1  }
0x33: {  	s22 =	smov.u32 s20;
	s31 =	sadd.s32 $0x1, s21;
	s20 =	smov.u32 s19  }
0x34: {  	p0 =	por !p0, !p0;
	s21 =	smov.u32 s31;
	s19 =	smov.u32 s2  }
.LBB2_3:
0x35: {  	p1 =	sge.u32 s21, s13  }
0x36: {  	s0 =	smulhi.u32 @!p1 $0xAAAAAAAB, s21  }
0x37: {  	s2 =	smov.u32 s19;
	p2 =	sgt.s32 @!p1 s19, $0x27010  }
0x38: {  	s3 =	sshra.s32 @!p1 s19, $0x1F;
	p2 =	por !p2, p1;
	s0 =	sshrl.u32 @!p1 s0, $0x1  }
0x39: {  	s3 =	sand.u32 @!p1 s3, s19;
	s2 =	simm.s32 @p2 $0x27010;
	s0 =	smul.u32 @!p1 $0x3, s0  }
0x3a: {  	s2 =	ssub.s32 @!p1 s2, s3  }
0x3b: {  	s2 =	sadd.s32 @!p1 $0xFFFD8FF0, s2;
	s0 =	ssub.s32 @!p1 s21, s0  }
0x3c: {  	s3 =	sshll.u32 @!p1 s2, $0x2;
	p2 =	sgt.s32 @!p1 s2, $0xEF;
	s0 =	smul.u32 @!p1 $0x3C0, s0  }
0x3d: {  	s4 =	sand.u32 @!p1 $0x7, s19;
	s2 =	ssub.s32 @!p1 $0x3C0, s3;
	p2 =	por !p2, p1  }
0x3e: {  	s3 =	sshrl.u32 @!p1 s19, $0x3;
	s2 =	sshrl.u32 @!p1 s2, $0x2;
	s0 =	sshrl.u32 @!p1 s0, $0x2  }
0x3f: {  	s3 =	sadd.s32 @!p1 s3, s14;
	s2 =	simm.s32 @!p2 $0x0;
	s0 =	sadd.s32 @!p1 $0x10248, s0  }
0x40: {  	[tilespmem:s0], [sflag:$0xA] =	stream.linear.gather @!p1 [hbm4b:s3+s4], s2, $0x38;
	[tilespmem:$0x1F6F8] =	vst v63  }
0x41: {  	s0 =	sadd.s32 $0xFFFFFFFF, s21  }
0x42: {  	p1 =	sge.u32 s0, s13  }
0x43: {  	p2 =	sgt.s32 @!p1 s20, $0x27010  }
0x44: {  	s2 =	smov.u32 s20;
	s3 =	sshra.s32 @!p1 s20, $0x1F;
	p2 =	por !p2, p1  }
0x45: {  	s3 =	sand.u32 @!p1 s3, s20;
	s2 =	simm.s32 @p2 $0x27010  }
0x46: {  	s2 =	ssub.s32 @!p1 s2, s3  }
0x47: {  	s2 =	sadd.s32 @!p1 $0xFFFD8FF0, s2  }
0x48: {  	s4 =	sand.u32 @!p1 $0x1, s0;
	s3 =	sshll.u32 @!p1 s2, $0x2  }
0x49: {  	p2 =	sgt.s32 @!p1 s2, $0xEF;
	s2 =	ssub.s32 @!p1 $0x3C0, s3;
	s3 =	smulhi.u32 @!p1 $0xAAAAAAAB, s0  }
0x4a: {  	s23 =	smul.u32 @!p1 $0x3C0, s4;
	p2 =	por !p2, p1;
	s2 =	sshrl.u32 @!p1 s2, $0x2  }
0x4b: {  	s5 =	simm.s32 @!p1 $0xA;
	s2 =	simm.s32 @!p2 $0x0;
	s3 =	sshrl.u32 @!p1 s3, $0x1  }
0x4c: {  	s23 =	sshrl.u32 @!p1 s23, $0x2;
	_ =	swait.ge @!p1 [sflag:s5], s2;
	s3 =	smul.u32 @!p1 $0x3, s3  }
0x4d: {  	s23 =	sadd.s32 @!p1 $0x10518, s23;
	s24 =	ssub.s32 @!p1 $0x0, s2;
	[sflag:s5] =	ssyncset.done @!p1 $0x0  }
0x4e: {  	[sflag:s5] =	ssyncadd.s32 @!p1 s24;
	s5 =	sshrl.u32 @!p1 s20, $0x3;
	s0 =	ssub.s32 @!p1 s0, s3  }
0x4f: {  	s24 =	sand.u32 @!p1 $0x7, s20;
	s5 =	sadd.s32 @!p1 s5, s15;
	s0 =	smul.u32 @!p1 $0x3C0, s0  }
0x50: {  	[tilespmem:s23], [sflag:$0xB] =	stream.linear.gather @!p1 [hbm4b:s5+s24], s2, $0x38;
	[tilespmem:$0x1F6F8] =	vst v63  }
0x51: {  	s3 =	ssub.s32 @!p1 $0x27100, s20;
	s2 =	smul.u32 @!p1 $0x1E000, s4  }
0x52: {  	p2 =	slt.s32 @!p1 s3, $0xF0  }
0x53: {  	p2 =	por !p2, p1;
	s0 =	sshrl.u32 @!p1 s0, $0x2;
	s2 =	sshrl.u32 @!p1 s2, $0x2  }
0x54: {  	s3 =	simm.s32 @p2 $0xF0;
	s0 =	sadd.s32 @!p1 $0x10248, s0;
	s2 =	sor.u32 @!p1 $0x106F8, s2  }
0x55: {  	[tilespmem:s2], [sflag:$0x9] =	stream.indirect.gather @!p1 [hbm4b:s6+s3], $0x80, s0, s3, $0xb8;
	[tilespmem:$0x1F6F8] =	vst v63  }
0x56: {  	p1 =	slt.u32 s21, $0x2  }
.Ltmp3:
0x57: {  	_ = 	snop;
	(pc) =	sbr.rel @p1 .LBB2_21-.Ltmp3, $1  }
0x58: {  	_ =	sdelay $0x3  }
0x59: {  	p1 =	sgt.s32 s22, $0x27010  }
0x5a: {  	s0 =	smov.u32 s22;
	s2 =	sshra.s32 s22, $0x1F;
	s3 =	ssub.s32 $0x27100, s22  }
0x5b: {  	s0 =	simm.s32 @!p1 $0x27010;
	s2 =	sand.u32 s2, s22;
	p1 =	slt.s32 s3, $0xF0  }
0x5c: {  	s0 =	ssub.s32 s0, s2;
	s3 =	simm.s32 @!p1 $0xF0  }
0x5d: {  	s0 =	sadd.s32 $0xFFFD8FF0, s0;
	s25 =	sshll.u32 s3, $0x7  }
0x5e: {  	s26 =	sshll.u32 s0, $0x2;
	s2 =	sand.u32 $0x3FFFFF80, s25  }
0x5f: {  	p1 =	sgt.s32 s0, $0xEF;
	s29 =	ssub.s32 $0x3C0, s26;
	_ =	swait.ge [sflag:s10], s2  }
0x60: {  	s2 =	ssub.s32 $0x0, s2;
	[sflag:s10] =	ssyncset.done $0x0;
	s0 =	sshrl.u32 s29, $0x2  }
0x61: {  	[sflag:s10] =	ssyncadd.s32 s2;
	s0 =	simm.s32 @p1 $0x0  }
0x62: {  	_ =	swait.ge [sflag:s11], s0  }
0x63: {  	s0 =	ssub.s32 $0x0, s0;
	[sflag:s11] =	ssyncset.done $0x0  }
0x64: {  	[sflag:s11] =	ssyncadd.s32 s0  }
0x65: {  	v1 =	vld [tilespmem:$0xF208];
	_ =	sdelay $0x4  }
0x66: {  	(v2sf) =	vpush v1, $0x0  }
0x67: {  	(v2sf) =	vpush v1, $0x1  }
0x68: {  	(v2sf) =	vpush v1, $0x2;
	_ =	sdelay $0x3  }
0x69: {  	s0 =	sadd.s32 $0xF0, s22  }
0x6a: {  	s2 =	ssub.s32 $0x4E200, s22;
	p1 =	slt.s32 s8, s0  }
0x6b: {  	s0 =	smov.u32 @p1 s8;
	p1 =	sgt.s32 s2, $0x0  }
0x6c: {  	s26 =	ssub.s32 s0, s22;
	s2 =	simm.s32 @!p1 $0x0  }
0x6d: {  	p1 =	slt.s32 s2, s26  }
0x6e: {  	s26 =	smov.u32 @p1 s2  }
0x6f: {  	s25 =	simm.s32 $0x1;
	p1 =	slt.s32 s26, $0x1  }
.Ltmp4:
0x70: {  	s25 =	simm.s32 @!p0 $0x0;
	(pc) =	sbr.rel @p1 .LBB2_8-.Ltmp4, $4  }
0x71: {  	s31 =	smul.u32 $0x3C0, s25  }
0x72: {  	s28 =	spop (v2sf)  }
0x73: {  	s0 =	sshrl.u32 s31, $0x2;
	s30 =	spop (v2sf)  }
0x74: {  	s23 =	sadd.s32 $0x10518, s0;
	s22 =	spop (v2sf)  }
0x75: {  	s0 =	smin.u32 s26, $0x10  }
0x76: {  	v1 =	vmov s0  }
0x77: {  	p2 =	sgt.s32 s26, $0x10;
	vm1 =	vgt.u32 v1, v0  }
.Ltmp5:
0x78: {  	_ = 	snop;
	(pc) =	sbr.rel @!p2 .LBB2_7-.Ltmp5, $2  }
0x79: {  	_ =	sdelay $0x2  }
0x7a: {  	s4 =	simm.s32 $0x10;
	s24 =	sadd.s32 $0xFFFFFFF0, s26;
	s0 =	smov.u32 s23;
	vm0 =	vmmov vm1  }
.LBB2_6:
0x7b: {  	s2 =	smin.u32 s24, $0x10;
	s4 =	sadd.s32 $0x10, s4;
	v1 =	vld.msk [tilespmem:s0+$0x0 ss:$0x1], vm1  }
0x7c: {  	v2 =	vmov s2;
	p2 =	slt.s32 s4, s26  }
0x7d: {  	vm1 =	vgt.u32 v2, v0  }
.Ltmp6:
0x7e: {  	(pc) =	sbr.rel @p2 .LBB2_6-.Ltmp6, $3  }
0x7f: {  	_ =	sdelay $0x1  }
0x80: {  	v1 =	vshll.u32 v1, $0x4  }
0x81: {  	s24 =	sadd.s32 $0xFFFFFFF0, s24;
	[tilespmem:s0+$0x0] =	vst.msk vm0, v1;
	s0 =	sadd.s32 $0x10, s0;
	vm0 =	vmmov vm1  }
.LBB2_7:
0x82: {  	_ =	sdelay $0x4  }
0x83: {  	v1 =	vld.msk [tilespmem:s0+$0x0 ss:$0x1], vm1;
	_ =	sdelay $0x4  }
0x84: {  	v1 =	vshll.u32 v1, $0x4  }
0x85: {  	[tilespmem:s0+$0x0] =	vst.msk vm0, v1  }
.LBB2_8:
0x86: {  	s0 =	sand.u32 $0x1, s21  }
0x87: {  	s0 =	smul.u32 $0xF0, s0  }
0x88: {  	p2 =	sne.s32 s30, $0xFFFFFFFF  }
0x89: {  	v1 =	vld.msk @!p2 [tilespmem:s0+$0x10518], $0x1;
	_ =	sdelay $0x4  }
0x8a: {  	(v2sf) =	vpush @!p2 v1, $0x0;
	_ =	sdelay $0xc  }
.Ltmp7:
0x8b: {  	_ = 	snop;
	(pc) =	sbr.rel @p1 .LBB2_19-.Ltmp7, $4  }
0x8c: {  	_ = 	snop  }
0x8d: {  	s29 =	spop @!p2 (v2sf)  }
0x8e: {  	s22 =	simm.s32 @!p2 $0x0;
	s24 =	smov.u32 s29  }
0x8f: {  	[sflag:s18] =	ssyncpa.u1 $0x0;
	s29 =	smov.u32 @p2 s28;
	s24 =	smov.u32 @p2 s30  }
0x90: {  	v1 =	vld.msk [tilespmem:s23+$0x0], $0x1;
	_ =	sdelay $0x4  }
0x91: {  	(v2sf) =	vpush v1, $0x0;
	_ =	sdelay $0xe  }
0x92: {  	s2 =	smul.u32 $0x1E000, s25;
	s0 =	spop (v2sf)  }
0x93: {  	s26 =	ssub.s32 $0x0, s26;
	p1 =	seq.s32 s29, s0  }
0x94: {  	s30 =	sadd.s32 $0x1, s26;
	s2 =	sshrl.u32 s2, $0x2;
	p2 =	sgt.s32 @!p1 s29, $0x0  }
0x95: {  	s25 =	sor.u32 $0x10738, s2;
	s2 =	smov.u32 s29;
	p2 =	por !p2, p1  }
0x96: {  	s2 =	simm.s32 @p2 $0x0;
	p2 =	seq.s32 s30, $0x0  }
.Ltmp8:
0x97: {  	_ = 	snop;
	(pc) =	sbr.rel @p2 .LBB2_11-.Ltmp8, $4  }
0x98: {  	_ = 	snop  }
0x99: {  	s28 =	simm.s32 $0x0;
	s31 =	sadd.s32 $0x1, s23;
	s2 =	smin.u32 @!p1 s2, $0x270F0  }
0x9a: {  	s4 =	simm.s32 @!p1 $0x1;
	s5 =	simm.s32 @!p1 $0x7988;
	s3 =	sand.u32 @!p1 $0x3FFF8, s2  }
0x9b: {  	s4 =	smov.u32 @p1 s28;
	s2 =	sand.u32 @!p1 $0x7, s2;
	s3 =	sadd.s32 @!p1 s1, s3  }
.LBB2_10:
0x9c: {  	s9 =	smov.u32 s4  }
0x9d: {  	[tilespmem:s5], [sflag:$0x2] =	stream.linear.gather @!p1 [hbm4b:s3+s2], $0x80, $0x38;
	[tilespmem:$0x1F6F8] =	vst v63  }
0x9e: {  	s30 =	sadd.s32 $0x1, s30;
	s2 =	smov.u32 s0;
	v1 =	vld.msk [tilespmem:s31+$0x0], $0x1  }
0x9f: {  	p2 =	seq.s32 s30, $0x0;
	_ =	sdelay $0x3  }
0xa0: {  	(v2sf) =	vpush v1, $0x0;
	_ =	sdelay $0xe  }
0xa1: {  	s0 =	spop (v2sf)  }
0xa2: {  	p1 =	seq.s32 s2, s0  }
0xa3: {  	p3 =	sgt.s32 @!p1 s2, $0x0;
	s3 =	sshll.u32 @!p1 s4, $0x9;
	s4 =	sadd.s32 @!p1 $0x1, s4  }
.Ltmp9:
0xa4: {  	p3 =	por !p3, p1;
	s3 =	sshra.s32 @!p1 s3, $0x2;
	(pc) =	sbr.rel @!p2 .LBB2_10-.Ltmp9, $4  }
0xa5: {  	s4 =	smov.u32 @p1 s9;
	s2 =	simm.s32 @p3 $0x0;
	s5 =	sadd.s32 @!p1 $0x7988, s3  }
0xa6: {  	s2 =	smin.u32 @!p1 s2, $0x270F0  }
0xa7: {  	s3 =	sand.u32 @!p1 $0x3FFF8, s2;
	s2 =	sand.u32 @!p1 $0x7, s2  }
0xa8: {  	s31 =	sadd.s32 $0x1, s31;
	s3 =	sadd.s32 @!p1 s1, s3  }
.LBB2_11:
0xa9: {  	[tilespmem:s5], [sflag:$0x2] =	stream.linear.gather @!p1 [hbm4b:s3+s2], $0x80, $0x38;
	[tilespmem:$0x1F6F8] =	vst v63  }
.Ltmp10:
0xaa: {  	s0 =	sshll.u32 s4, $0x7;
	(pc) =	sbr.rel .LBB2_12-.Ltmp10, $4  }
0xab: {  	s30 =	simm.s32 $0x2;
	s0 =	sand.u32 $0x3FFFFF80, s0  }
0xac: {  	_ =	swait.ge [sflag:s30], s0  }
0xad: {  	s0 =	ssub.s32 $0x0, s0;
	[sflag:s30] =	ssyncset.done $0x0  }
0xae: {  	s31 =	simm.s32 $0x0;
	[sflag:s30] =	ssyncadd.s32 s0  }
.LBB2_13:
0xaf: {  	v1 =	vld [tilespmem:s25+$0xFFFFFFC0];
	_ =	sdelay $0x3  }
0xb0: {  	s0 =	sshra.s32 s0, $0x2  }
0xb1: {  	[tilespmem:s0+$0x108] =	vst.add.f32.msk $0xffff, v1  }
0xb2: {  	v1 =	vld [tilespmem:s25+$0xFFFFFFD0];
	_ =	sdelay $0x4  }
0xb3: {  	[tilespmem:s0+$0x118] =	vst.add.f32.msk $0xffff, v1  }
0xb4: {  	v1 =	vld [tilespmem:s25+$0xFFFFFFE0];
	_ =	sdelay $0x4  }
0xb5: {  	[tilespmem:s0+$0x128] =	vst.add.f32.msk $0xffff, v1  }
0xb6: {  	v1 =	vld [tilespmem:s25+$0xFFFFFFF0];
	_ =	sdelay $0x4  }
0xb7: {  	[tilespmem:s0+$0x138] =	vst.add.f32.msk $0xffff, v1  }
0xb8: {  	v1 =	vld [tilespmem:s25+$0x0];
	_ =	sdelay $0x4  }
0xb9: {  	[tilespmem:s0+$0x148] =	vst.add.f32.msk $0xffff, v1  }
0xba: {  	v1 =	vld [tilespmem:s25+$0x10];
	_ =	sdelay $0x4  }
0xbb: {  	[tilespmem:s0+$0x158] =	vst.add.f32.msk $0xffff, v1  }
0xbc: {  	v1 =	vld [tilespmem:s25+$0x20];
	_ =	sdelay $0x4  }
0xbd: {  	[tilespmem:s0+$0x168] =	vst.add.f32.msk $0xffff, v1  }
0xbe: {  	v1 =	vld [tilespmem:s25+$0x30];
	_ =	sdelay $0x4  }
0xbf: {  	[tilespmem:s0+$0x178] =	vst.add.f32.msk $0xffff, v1  }
.LBB2_17:
0xc0: {  	s26 =	sadd.s32 $0x1, s26  }
0xc1: {  	p1 =	seq.s32 s26, $0x0  }
.Ltmp11:
0xc2: {  	_ = 	snop;
	(pc) =	sbr.rel @p1 .LBB2_18-.Ltmp11, $2  }
0xc3: {  	_ =	sdelay $0x2  }
0xc4: {  	s23 =	sadd.s32 $0x1, s23;
	s25 =	sadd.s32 $0x80, s25;
	s29 =	smov.u32 s30  }
.LBB2_12:
0xc5: {  	v1 =	vld.msk [tilespmem:s23+$0x0], $0x1;
	_ =	sdelay $0x4  }
0xc6: {  	(v2sf) =	vpush v1, $0x0;
	_ =	sdelay $0xe  }
0xc7: {  	s30 =	spop (v2sf)  }
0xc8: {  	p1 =	sne.s32 s29, s30  }
.Ltmp12:
0xc9: {  	_ = 	snop;
	(pc) =	sbr.rel @!p1 .LBB2_13-.Ltmp12, $2  }
0xca: {  	_ =	sdelay $0x2  }
0xcb: {  	s0 =	sshll.u32 s22, $0x9  }
0xcc: {  	p1 =	seq.s32 s29, s24  }
.Ltmp13:
0xcd: {  	_ = 	snop;
	(pc) =	sbr.rel @!p1 .LBB2_15-.Ltmp13, $1  }
0xce: {  	_ =	sdelay $0x3  }
0xcf: {  	s0 =	sshra.s32 s0, $0x2  }
.Ltmp14:
0xd0: {  	s0 =	sadd.s32 $0x108, s0;
	(pc) =	sbr.rel .LBB2_16-.Ltmp14, $4  }
0xd1: {  	[spmem:s16] =	stream.linear.scatter [tilespmem:s0], [sflag:$0x1], $0x80, $0x38;
	[tilespmem:$0x1F6F8] =	vst v63  }
0xd2: {  	_ =	swait.ge [sflag:s12], $0x80  }
0xd3: {  	[sflag:s12] =	ssyncset.done $0x0  }
0xd4: {  	[sflag:s12] =	ssyncadd.s32 $0xFFFFFF80  }
.LBB2_15:
0xd5: {  	s2 =	sshll.u32 s28, $0x9  }
0xd6: {  	s2 =	sshra.s32 s2, $0x2  }
0xd7: {  	v1 =	vld [tilespmem:s2+$0x7988];
	_ =	sdelay $0x3  }
0xd8: {  	s0 =	sshra.s32 s0, $0x2  }
0xd9: {  	[tilespmem:s0+$0x108] =	vst.add.f32.msk $0xffff, v1  }
0xda: {  	v1 =	vld [tilespmem:s2+$0x7998];
	_ =	sdelay $0x4  }
0xdb: {  	[tilespmem:s0+$0x118] =	vst.add.f32.msk $0xffff, v1  }
0xdc: {  	v1 =	vld [tilespmem:s2+$0x79A8];
	_ =	sdelay $0x4  }
0xdd: {  	[tilespmem:s0+$0x128] =	vst.add.f32.msk $0xffff, v1  }
0xde: {  	v1 =	vld [tilespmem:s2+$0x79B8];
	_ =	sdelay $0x4  }
0xdf: {  	[tilespmem:s0+$0x138] =	vst.add.f32.msk $0xffff, v1  }
0xe0: {  	v1 =	vld [tilespmem:s2+$0x79C8];
	_ =	sdelay $0x4  }
0xe1: {  	[tilespmem:s0+$0x148] =	vst.add.f32.msk $0xffff, v1  }
0xe2: {  	v1 =	vld [tilespmem:s2+$0x79D8];
	_ =	sdelay $0x4  }
0xe3: {  	[tilespmem:s0+$0x158] =	vst.add.f32.msk $0xffff, v1  }
0xe4: {  	v1 =	vld [tilespmem:s2+$0x79E8];
	_ =	sdelay $0x4  }
0xe5: {  	[tilespmem:s0+$0x168] =	vst.add.f32.msk $0xffff, v1  }
0xe6: {  	v1 =	vld [tilespmem:s2+$0x79F8];
	_ =	sdelay $0x2  }
0xe7: {  	p1 =	sgt.u32 s29, $0x270F0  }
0xe8: {  	s2 =	sand.u32 @!p1 $0x3FFF8, s29  }
0xe9: {  	s3 =	sadd.s32 $0x108, s0;
	[tilespmem:s0+$0x178] =	vst.add.f32.msk $0xffff, v1;
	s0 =	sadd.s32 @!p1 s1, s2;
	s2 =	sand.u32 @!p1 $0x7, s29  }
0xea: {  	[hbm4b:s0+s2] =	stream.linear.scatter @!p1 [tilespmem:s3], [sflag:$0xC], $0x80, $0x38;
	[tilespmem:$0x1F6F8] =	vst v63  }
0xeb: {  	s0 =	simm.s32 $0x0  }
0xec: {  	s0 =	simm.s32 @!p1 $0x200  }
0xed: {  	s31 =	sadd.s32 s0, s31  }
.LBB2_16:
0xee: {  	s0 =	sadd.s32 $0x1, s22  }
0xef: {  	s2 =	smulhi.u32 $0x88888889, s0;
	_ =	sdelay $0x1  }
0xf0: {  	v1 =	vld [tilespmem:s25+$0xFFFFFFC0];
	s2 =	sshrl.u32 s2, $0x7  }
0xf1: {  	s2 =	smul.u32 $0xF0, s2;
	_ =	sdelay $0x1  }
0xf2: {  	s22 =	ssub.s32 s0, s2  }
0xf3: {  	s0 =	sshll.u32 s22, $0x7  }
0xf4: {  	[tilespmem:s0+$0x108] =	vst v1  }
0xf5: {  	v1 =	vld [tilespmem:s25+$0xFFFFFFD0];
	_ =	sdelay $0x4  }
0xf6: {  	[tilespmem:s0+$0x118] =	vst v1  }
0xf7: {  	v1 =	vld [tilespmem:s25+$0xFFFFFFE0];
	_ =	sdelay $0x4  }
0xf8: {  	[tilespmem:s0+$0x128] =	vst v1  }
0xf9: {  	v1 =	vld [tilespmem:s25+$0xFFFFFFF0];
	_ =	sdelay $0x4  }
0xfa: {  	[tilespmem:s0+$0x138] =	vst v1  }
0xfb: {  	v1 =	vld [tilespmem:s25+$0x0];
	_ =	sdelay $0x4  }
0xfc: {  	[tilespmem:s0+$0x148] =	vst v1  }
0xfd: {  	v1 =	vld [tilespmem:s25+$0x10];
	_ =	sdelay $0x4  }
0xfe: {  	[tilespmem:s0+$0x158] =	vst v1  }
0xff: {  	v1 =	vld [tilespmem:s25+$0x20];
	_ =	sdelay $0x4  }
0x100: {  	[tilespmem:s0+$0x168] =	vst v1  }
0x101: {  	v1 =	vld [tilespmem:s25+$0x30]  }
.Ltmp15:
0x102: {  	_ = 	snop;
	(pc) =	sbr.rel .LBB2_17-.Ltmp15, $2  }
0x103: {  	_ =	sdelay $0x2  }
0x104: {  	s28 =	sadd.s32 $0x1, s28;
	[tilespmem:s0+$0x178] =	vst v1  }
.LBB2_19:
.Ltmp16:
0x105: {  	(pc) =	sbr.rel .LBB2_20-.Ltmp16, $4  }
0x106: {  	_ = 	snop  }
0x107: {  	s0 =	simm.s32 $0x2  }
0x108: {  	_ =	swait.ge [sflag:s0], $0x0  }
0x109: {  	s30 =	smov.u32 s29;
	[sflag:s0] =	ssyncset.done $0x0;
	s0 =	simm.s32 $0x0  }
.LBB2_22:
0x10a: {  	_ =	sfence.sel $0x180000  }
0x10b: {  	s0 =	simm.s32 $0x9;
	[bflag:$0x0] =	sbarrier.arrive $0xFFFF  }
0x10c: {  	s24 =	simm.s32 $0xA;
	[sflag:s0] =	ssyncpa.u1 $0x1  }
0x10d: {  	s25 =	simm.s32 $0xB;
	[sflag:s24] =	ssyncpa.u1 $0x1  }
0x10e: {  	s26 =	simm.s32 $0x2;
	[sflag:s25] =	ssyncpa.u1 $0x1  }
0x10f: {  	[sflag:s26] =	ssyncpa.u1 $0x1  }
0x110: {  	v0 =	vld [tilespmem:$0xF208];
	_ =	sdelay $0x4  }
0x111: {  	(v2sf) =	vpush v0, $0x0  }
0x112: {  	(v2sf) =	vpush v0, $0x1;
	_ =	sdelay $0x1  }
0x113: {  	(v2sf) =	vpush v0, $0x2;
	_ =	sdelay $0xb  }
0x114: {  	s0 =	spop (v2sf)  }
0x115: {  	s2 =	spop (v2sf)  }
0x116: {  	s3 =	smov.u32 s0;
	p0 =	sne.s32 s0, s2  }
0x117: {  	s4 =	spop (v2sf);
	s3 =	simm.s32 @!p0 $0xFFFFFFFF  }
0x118: {  	v2 =	vimm.s32 $0x1;
	v3 =	vlaneseq.u32;
	p0 =	seq.s32 s4, $0xFFFFFFFF;
	v1 =	vmov s3  }
0x119: {  	s16 =	stileid.u32;
	v0 =	vperm.xlane v0, v2;
	p1 =	sne.s32 @!p0 s0, s2;
	v1 =	vperm.xlane v1, v3  }
0x11a: {  	vm0 =	vcmask $0x3F04;
	s6 =	simm.s32 $0xF208;
	s0 =	simm.s32 @!p0 $0x1;
	p1 =	por !p1, p0  }
0x11b: {  	s3 =	sshll.u32 s16, $0x1;
	s2 =	sshll.u32 @!p0 s4, $0x9;
	s0 =	simm.s32 @p1 $0x0;
	v0 =	vsel vm0, v1, v0  }
0x11c: {  	s5 =	sor.u32 $0x1000, s3;
	s2 =	sshra.s32 @!p0 s2, $0x2;
	s0 =	sor.u32 @!p0 s0, s3;
	[tilespmem:$0xF208] =	vst v0  }
0x11d: {  	[spmem:s5] =	stream.linear.scatter [tilespmem:s6], [sflag:$0x1], $0x2, $0x38;
	[tilespmem:$0x1F6F8] =	vst v63  }
0x11e: {  	s2 =	sadd.s32 @!p0 $0x108, s2;
	s0 =	sshll.u32 @!p0 s0, $0x7  }
0x11f: {  	[spmem:s0] =	stream.linear.scatter @!p0 [tilespmem:s2], [sflag:$0x1], $0x80, $0x38;
	[tilespmem:$0x1F6F8] =	vst v63  }
0x120: {  	s0 =	simm.s32 @!p0 $0x82  }
0x121: {  	s28 =	simm.s32 $0x1;
	s0 =	simm.s32 @p0 $0x2  }
0x122: {  	_ =	swait.ge [sflag:s28], s0  }
0x123: {  	s0 =	ssub.s32 $0x0, s0;
	[sflag:s28] =	ssyncset.done $0x0  }
0x124: {  	p0 =	sne.s32 s16, $0x0;
	[sflag:s28] =	ssyncadd.s32 s0  }
.Ltmp17:
0x125: {  	_ =	sfence.stream.spmem;
	(pc) =	sbr.rel @p0 .LBB2_39-.Ltmp17, $4  }
0x126: {  	s29 =	simm.s32 $0x3;
	[bflag:$0x0] =	sbarrier.arrive $0xFFFF  }
0x127: {  	s30 =	simm.s32 $0x4;
	[sflag:s29] =	ssyncpa.u1 $0x1  }
0x128: {  	s31 =	simm.s32 $0x3C;
	[sflag:s30] =	ssyncpa.u1 $0x1  }
0x129: {  	s15 =	rddreg [dreg:$0x5];
	[sflag:s31] =	ssyncpa.u1 $0x1  }
0x12a: {  	_ =	sfence.stream.spmem;
	s0 =	simm.s32 $0x5  }
0x12b: {  	s2 =	simm.s32 $0x1000;
	s3 =	simm.s32 $0xF218;
	[sflag:s0] =	ssyncpa.u1 $0x0  }
0x12c: {  	[tilespmem:s3], [sflag:$0x5] =	stream.linear.gather [spmem:s2], $0x20, $0x38;
	[tilespmem:$0x1F6F8] =	vst v63  }
0x12d: {  	s26 =	simm.s32 $0x0;
	s28 =	simm.s32 $0xF238  }
0x12e: {  	[tilespmem:s28], [sflag:$0x5] =	stream.linear.gather [spmem:s26], $0x1000, $0x38;
	[tilespmem:$0x1F6F8] =	vst v63  }
0x12f: {  	_ =	swait.ge [sflag:s0], $0x1020  }
0x130: {  	[sflag:s0] =	ssyncset.done $0x0  }
0x131: {  	s29 =	simm.s32 $0x0;
	[sflag:s0] =	ssyncadd.s32 $0xFFFFEFE0  }
0x132: {  	v0 =	vld.msk [tilespmem:s29+$0xF218], $0x1;
	_ =	sdelay $0x1  }
0x133: {  	s30 =	simm.s32 $0x1  }
0x134: {  	v1 =	vld.msk [tilespmem:s30+$0xF218], $0x1;
	_ =	sdelay $0x1  }
0x135: {  	(v2sf) =	vpush v0, $0x0;
	_ =	sdelay $0x2  }
0x136: {  	(v2sf) =	vpush v1, $0x0;
	_ =	sdelay $0x2  }
0x137: {  	s31 =	simm.s32 $0x2  }
0x138: {  	v0 =	vld.msk [tilespmem:s31+$0xF218], $0x1;
	_ =	sdelay $0x2  }
0x139: {  	s4 =	simm.s32 $0xFFFFFFFF;
	s5 =	simm.s32 $0xFFFFFFFF;
	s0 =	simm.s32 $0xC  }
.LBB2_24:
0x13a: {  	s2 =	smov.u32 s5;
	s3 =	smov.u32 s4  }
0x13b: {  	s4 =	sshra.s32 s0, $0x2;
	p1 =	sne.s32 s0, $0x7C;
	s0 =	sadd.s32 $0x4, s0;
	(v2sf) =	vpush v0, $0x0  }
0x13c: {  	v0 =	vld.msk [tilespmem:s4+$0xF218], $0x1  }
.Ltmp18:
0x13d: {  	(pc) =	sbr.rel @p1 .LBB2_24-.Ltmp18, $4  }
0x13e: {  	s5 =	spop (v2sf)  }
0x13f: {  	p2 =	sne.s32 s3, $0xFFFFFFFF;
	s4 =	smov.u32 s5  }
0x140: {  	p3 =	seq.s32 s5, $0xFFFFFFFF;
	s4 =	smov.u32 @p2 s3  }
0x141: {  	s5 =	smov.u32 @p3 s2;
	s4 =	smov.u32 @p3 s3  }
0x142: {  	(v2sf) =	vpush v0, $0x0;
	_ =	sdelay $0x8  }
0x143: {  	s0 =	spop (v2sf)  }
0x144: {  	p1 =	sne.s32 s4, $0xFFFFFFFF;
	s2 =	smov.u32 s0  }
0x145: {  	s9 =	simm.s32 $0x6;
	p2 =	seq.s32 s0, $0xFFFFFFFF;
	s2 =	smov.u32 @p1 s4  }
0x146: {  	s6 =	simm.s32 $0x0;
	s2 =	smov.u32 @p2 s4;
	s3 =	spop (v2sf)  }
0x147: {  	s0 =	smov.u32 @p2 s5;
	p1 =	sne.s32 s2, $0xFFFFFFFF;
	s4 =	smov.u32 s3  }
.Ltmp19:
0x148: {  	p2 =	seq.s32 s3, $0xFFFFFFFF;
	s4 =	smov.u32 @p1 s2;
	(pc) =	sbr.rel .LBB2_26-.Ltmp19, $4  }
0x149: {  	s10 =	simm.s32 $0xF188;
	s4 =	smov.u32 @p2 s2;
	s7 =	spop (v2sf)  }
0x14a: {  	s11 =	simm.s32 $0x0;
	p1 =	sne.s32 s4, $0xFFFFFFFF;
	s8 =	smov.u32 s7  }
0x14b: {  	s3 =	smov.u32 @p2 s0;
	p2 =	seq.s32 s7, $0xFFFFFFFF;
	s8 =	smov.u32 @p1 s4  }
0x14c: {  	[sflag:s9] =	ssyncpa.u1 $0x0;
	s7 =	smov.u32 @p2 s3;
	s8 =	smov.u32 @p2 s4  }
.LBB2_32:
0x14d: {  	p1 =	sgt.u32 s12, $0x270F0  }
0x14e: {  	p2 =	seq.s32 @!p1 s12, s8  }
0x14f: {  	p1 =	por p1, p2  }
0x150: {  	p2 =	sne.s32 @!p1 s12, s7  }
0x151: {  	p1 =	por p1, !p2  }
0x152: {  	s0 =	sshll.u32 @p1 s11, $0x9  }
0x153: {  	s0 =	sand.u32 @!p1 $0x3FFF8, s12  }
0x154: {  	s2 =	sand.u32 @!p1 $0x7, s12;
	s0 =	sadd.s32 @!p1 s1, s0  }
0x155: {  	[tilespmem:s10], [sflag:$0x6] =	stream.linear.gather @!p1 [hbm4b:s0+s2], $0x80, $0x38;
	[tilespmem:$0x1F6F8] =	vst v63  }
0x156: {  	_ =	swait.ge @!p1 [sflag:s9], $0x80  }
0x157: {  	[sflag:s9] =	ssyncset.done @!p1 $0x0  }
0x158: {  	[sflag:s9] =	ssyncadd.s32 @!p1 $0xFFFFFF80  }
0x159: {  	v1 =	vld @!p1 [tilespmem:$0xF188];
	_ =	sdelay $0x2  }
0x15a: {  	s0 =	sshll.u32 @!p1 s11, $0x9  }
0x15b: {  	s2 =	sshrl.u32 @!p1 s0, $0x2  }
0x15c: {  	[tilespmem:s2+$0xF238] =	vst.add.f32.msk @!p1 $0xffff, v1  }
0x15d: {  	v1 =	vld @!p1 [tilespmem:$0xF198];
	_ =	sdelay $0x4  }
0x15e: {  	[tilespmem:s2+$0xF248] =	vst.add.f32.msk @!p1 $0xffff, v1  }
0x15f: {  	v1 =	vld @!p1 [tilespmem:$0xF1A8];
	_ =	sdelay $0x4  }
0x160: {  	[tilespmem:s2+$0xF258] =	vst.add.f32.msk @!p1 $0xffff, v1  }
0x161: {  	v1 =	vld @!p1 [tilespmem:$0xF1B8];
	_ =	sdelay $0x4  }
0x162: {  	[tilespmem:s2+$0xF268] =	vst.add.f32.msk @!p1 $0xffff, v1  }
0x163: {  	v1 =	vld @!p1 [tilespmem:$0xF1C8];
	_ =	sdelay $0x4  }
0x164: {  	[tilespmem:s2+$0xF278] =	vst.add.f32.msk @!p1 $0xffff, v1  }
0x165: {  	v1 =	vld @!p1 [tilespmem:$0xF1D8];
	_ =	sdelay $0x4  }
0x166: {  	[tilespmem:s2+$0xF288] =	vst.add.f32.msk @!p1 $0xffff, v1  }
0x167: {  	v1 =	vld @!p1 [tilespmem:$0xF1E8];
	_ =	sdelay $0x4  }
0x168: {  	[tilespmem:s2+$0xF298] =	vst.add.f32.msk @!p1 $0xffff, v1  }
0x169: {  	v1 =	vld @!p1 [tilespmem:$0xF1F8];
	_ =	sdelay $0x4  }
0x16a: {  	[tilespmem:s2+$0xF2A8] =	vst.add.f32.msk @!p1 $0xffff, v1  }
0x16b: {  	s0 =	sshrl.u32 s0, $0x2;
	[tilespmem:s6+$0xF218] =	vst.msk $0x1, v0  }
0x16c: {  	v0 =	vld [tilespmem:s0+$0xF238];
	_ =	sdelay $0x2  }
0x16d: {  	s31 =	sshll.u32 s6, $0x9  }
0x16e: {  	s2 =	sshra.s32 s31, $0x2  }
0x16f: {  	[tilespmem:s2+$0xF238] =	vst v0  }
0x170: {  	v0 =	vld [tilespmem:s0+$0xF248];
	_ =	sdelay $0x4  }
0x171: {  	[tilespmem:s2+$0xF248] =	vst v0  }
0x172: {  	v0 =	vld [tilespmem:s0+$0xF258];
	_ =	sdelay $0x4  }
0x173: {  	[tilespmem:s2+$0xF258] =	vst v0  }
0x174: {  	v0 =	vld [tilespmem:s0+$0xF268];
	_ =	sdelay $0x4  }
0x175: {  	[tilespmem:s2+$0xF268] =	vst v0  }
0x176: {  	v0 =	vld [tilespmem:s0+$0xF278];
	_ =	sdelay $0x4  }
0x177: {  	[tilespmem:s2+$0xF278] =	vst v0  }
0x178: {  	v0 =	vld [tilespmem:s0+$0xF288];
	_ =	sdelay $0x4  }
0x179: {  	[tilespmem:s2+$0xF288] =	vst v0  }
0x17a: {  	v0 =	vld [tilespmem:s0+$0xF298];
	_ =	sdelay $0x4  }
0x17b: {  	[tilespmem:s2+$0xF298] =	vst v0  }
0x17c: {  	v0 =	vld [tilespmem:s0+$0xF2A8];
	_ =	sdelay $0x4  }
0x17d: {  	s6 =	sadd.s32 $0x1, s6;
	[tilespmem:s2+$0xF2A8] =	vst v0  }
.LBB2_33:
0x17e: {  	s11 =	sadd.s32 $0x1, s11  }
0x17f: {  	p1 =	sne.s32 s11, $0x20  }
.Ltmp20:
0x180: {  	_ = 	snop;
	(pc) =	sbr.rel @!p1 .LBB2_34-.Ltmp20, $1  }
0x181: {  	_ =	sdelay $0x3  }
.LBB2_26:
0x182: {  	v0 =	vld.msk [tilespmem:s11+$0xF218], $0x1;
	_ =	sdelay $0x4  }
0x183: {  	(v2sf) =	vpush v0, $0x0;
	_ =	sdelay $0xe  }
0x184: {  	s12 =	spop (v2sf)  }
0x185: {  	p1 =	seq.s32 s12, $0xFFFFFFFF  }
.Ltmp21:
0x186: {  	_ = 	snop;
	(pc) =	sbr.rel @p1 .LBB2_33-.Ltmp21, $1  }
0x187: {  	_ =	sdelay $0x3  }
0x188: {  	p1 =	slt.s32 s6, $0x1  }
.Ltmp22:
0x189: {  	_ = 	snop;
	(pc) =	sbr.rel @p1 .LBB2_32-.Ltmp22, $1  }
0x18a: {  	_ =	sdelay $0x3  }
0x18b: {  	s13 =	simm.s32 $0xF218;
	p1 =	por $0x0, $0x0  }
0x18c: {  	v1 =	vld.msk @!p1 [tilespmem:s13+$0x0], $0x1;
	_ =	sdelay $0x4  }
0x18d: {  	(v2sf) =	vpush @!p1 v1, $0x0;
	_ =	sdelay $0xd  }
0x18e: {  	p3 =	sne.s32 s6, $0x1  }
.Ltmp23:
0x18f: {  	s0 =	spop @!p1 (v2sf);
	(pc) =	sbr.rel @!p3 .LBB2_30-.Ltmp23, $4  }
0x190: {  	p2 =	seq.s32 @!p1 s12, s0  }
0x191: {  	s14 =	simm.s32 $0x0;
	p2 =	por !p2, p1  }
0x192: {  	s2 =	simm.s32 $0xFFFFFFFF;
	s14 =	simm.s32 @p2 $0xFFFFFFFF  }
0x193: {  	s0 =	simm.s32 $0x1;
	s14 =	smov.u32 @p1 s2  }
.LBB2_29:
0x194: {  	s2 =	smov.u32 s14;
	p1 =	sne.s32 s14, $0xFFFFFFFF  }
0x195: {  	s13 =	sadd.s32 $0x1, s13;
	s14 =	smov.u32 s0;
	s0 =	sadd.s32 $0x1, s0  }
0x196: {  	p2 =	sne.s32 s6, s0;
	v1 =	vld.msk @!p1 [tilespmem:s13+$0x0], $0x1;
	_ =	sdelay $0x4  }
0x197: {  	(v2sf) =	vpush @!p1 v1, $0x0;
	_ =	sdelay $0xe  }
.Ltmp24:
0x198: {  	s3 =	spop @!p1 (v2sf);
	(pc) =	sbr.rel @p2 .LBB2_29-.Ltmp24, $4  }
0x199: {  	p3 =	seq.s32 @!p1 s12, s3  }
0x19a: {  	p3 =	por !p3, p1  }
0x19b: {  	s14 =	simm.s32 @p3 $0xFFFFFFFF  }
0x19c: {  	s14 =	smov.u32 @p1 s2  }
.LBB2_30:
0x19d: {  	p1 =	seq.s32 s14, $0xFFFFFFFF  }
.Ltmp25:
0x19e: {  	_ = 	snop;
	(pc) =	sbr.rel @p1 .LBB2_32-.Ltmp25, $1  }
0x19f: {  	_ =	sdelay $0x3  }
0x1a0: {  	s0 =	sshll.u32 s11, $0x7  }
0x1a1: {  	s0 =	sand.u32 $0x3FFFFF80, s0  }
0x1a2: {  	v0 =	vld [tilespmem:s0+$0xF238];
	_ =	sdelay $0x2  }
0x1a3: {  	s2 =	sshll.u32 s14, $0x9  }
0x1a4: {  	s2 =	sshra.s32 s2, $0x2  }
0x1a5: {  	[tilespmem:s2+$0xF238] =	vst.add.f32.msk $0xffff, v0  }
0x1a6: {  	v0 =	vld [tilespmem:s0+$0xF248];
	_ =	sdelay $0x4  }
0x1a7: {  	[tilespmem:s2+$0xF248] =	vst.add.f32.msk $0xffff, v0  }
0x1a8: {  	v0 =	vld [tilespmem:s0+$0xF258];
	_ =	sdelay $0x4  }
0x1a9: {  	[tilespmem:s2+$0xF258] =	vst.add.f32.msk $0xffff, v0  }
0x1aa: {  	v0 =	vld [tilespmem:s0+$0xF268];
	_ =	sdelay $0x4  }
0x1ab: {  	[tilespmem:s2+$0xF268] =	vst.add.f32.msk $0xffff, v0  }
0x1ac: {  	v0 =	vld [tilespmem:s0+$0xF278];
	_ =	sdelay $0x4  }
0x1ad: {  	[tilespmem:s2+$0xF278] =	vst.add.f32.msk $0xffff, v0  }
0x1ae: {  	v0 =	vld [tilespmem:s0+$0xF288];
	_ =	sdelay $0x4  }
0x1af: {  	[tilespmem:s2+$0xF288] =	vst.add.f32.msk $0xffff, v0  }
0x1b0: {  	v0 =	vld [tilespmem:s0+$0xF298];
	_ =	sdelay $0x4  }
0x1b1: {  	[tilespmem:s2+$0xF298] =	vst.add.f32.msk $0xffff, v0  }
0x1b2: {  	v0 =	vld [tilespmem:s0+$0xF2A8]  }
.Ltmp26:
0x1b3: {  	_ = 	snop;
	(pc) =	sbr.rel .LBB2_33-.Ltmp26, $2  }
0x1b4: {  	_ =	sdelay $0x2  }
0x1b5: {  	[tilespmem:s2+$0xF2A8] =	vst.add.f32.msk $0xffff, v0  }
.LBB2_34:
0x1b6: {  	s0 =	simm.s32 $0x6;
	p1 =	seq.s32 s6, $0x0  }
0x1b7: {  	[sflag:s0] =	ssyncpa.u1 $0x1;
	v0 =	vimm.s32 @p1 $0xFFFFFFFF  }
0x1b8: {  	s9 =	sadd.s32 $0xFFFFFFFF, s6;
	[tilespmem:$0x10238] =	vst @p1 v0  }
0x1b9: {  	v0 =	vld.msk @!p1 [tilespmem:s9+$0xF218], $0x1;
	_ =	sdelay $0x1  }
0x1ba: {  	v1 =	vld.msk @!p1 [tilespmem:$0xF218], $0x1;
	_ =	sdelay $0x2  }
0x1bb: {  	p2 =	seq.s32 @!p1 s9, $0x0;
	v0 =	vbroadcast @!p1 v0, $0x0  }
0x1bc: {  	vm0 =	vmmov @!p1 $0x1;
	p2 =	por !p2, p1  }
0x1bd: {  	v1 =	vnsel @!p1 vm0, $0xFFFFFFFF, v1;
	vm0 =	vcmask @!p1 $0x308;
	v0 =	vpsel !p2, $0xFFFFFFFF, v0  }
0x1be: {  	p2 =	sne.s32 @!p1 s8, s7;
	v0 =	vsel @!p1 vm0, v1, v0  }
0x1bf: {  	s0 =	simm.s32 @!p1 $0xF238;
	s2 =	simm.s32 @!p1 $0x0;
	p3 =	por !p2, p1;
	[tilespmem:$0x10238] =	vst @!p1 v0  }
0x1c0: {  	[spmem:s2] =	stream.linear.scatter @!p1 [tilespmem:s0], [sflag:$0x1], $0x80, $0x38;
	[tilespmem:$0x1F6F8] =	vst v63  }
0x1c1: {  	s0 =	sshll.u32 @!p3 s9, $0x9  }
0x1c2: {  	s0 =	sshra.s32 @!p3 s0, $0x2  }
0x1c3: {  	s2 =	simm.s32 @!p3 $0x80;
	s0 =	sadd.s32 @!p3 $0xF238, s0  }
0x1c4: {  	[spmem:s2] =	stream.linear.scatter @!p3 [tilespmem:s0], [sflag:$0x1], $0x80, $0x38;
	[tilespmem:$0x1F6F8] =	vst v63  }
0x1c5: {  	s0 =	simm.s32 @!p3 $0x1  }
0x1c6: {  	_ =	swait.ge @!p3 [sflag:s0], $0x100  }
0x1c7: {  	p1 =	por p2, p1;
	[sflag:s0] =	ssyncset.done @!p3 $0x0  }
0x1c8: {  	[sflag:s0] =	ssyncadd.s32 @!p3 $0xFFFFFF00;
	s0 =	simm.s32 @!p1 $0x1  }
0x1c9: {  	_ =	swait.ge @!p1 [sflag:s0], $0x80  }
0x1ca: {  	s29 =	simm.s32 $0x10238;
	[sflag:s0] =	ssyncset.done @!p1 $0x0  }
0x1cb: {  	s30 =	simm.s32 $0x1000;
	s31 =	simm.s32 $0x1;
	[sflag:s0] =	ssyncadd.s32 @!p1 $0xFFFFFF80  }
0x1cc: {  	[spmem:s30] =	stream.linear.scatter [tilespmem:s29], [sflag:$0x1], $0x10, $0x38;
	[tilespmem:$0x1F6F8] =	vst v63  }
0x1cd: {  	_ =	swait.ge [sflag:s31], $0x10  }
0x1ce: {  	[sflag:s31] =	ssyncset.done $0x0  }
0x1cf: {  	p1 =	seq.s32 s15, $0x0;
	s8 =	rddreg [dreg:$0x2];
	[sflag:s31] =	ssyncadd.s32 $0xFFFFFFF0  }
0x1d0: {  	s2 =	sshll.u32 @p1 s8, $0xE;
	s7 =	rddreg [dreg:$0x3]  }
0x1d1: {  	s0 =	sadd.s32 @p1 $0x15C3C, s2;
	s2 =	sshll.u32 @p1 s7, $0x11  }
0x1d2: {  	_ =	sfence.stream.spmem;
	s0 =	sor.u32 @p1 s2, s0  }
0x1d3: {  	[sflag:s0] =	ssyncadd.remote.s32 @p1 $0x1;
	s0 =	simm.s32 @p1 $0x4  }
0x1d4: {  	s3 =	simm.s32 @!p1 $0x3C;
	s2 =	sand.u32 $0xFFFFFFFE, s8;
	_ =	swait.ge @p1 [sflag:s0], $0x22  }
0x1d5: {  	s4 =	simm.s32 @!p1 $0x0;
	s2 =	sadd.s32 @!p1 $0x4, s2;
	[sflag:s0] =	ssyncset.done @p1 $0x0  }
0x1d6: {  	s5 =	simm.s32 @!p1 $0x100;
	[sflag:s0] =	ssyncadd.s32 @p1 $0xFFFFFFDE;
	s0 =	sshll.u32 @!p1 s2, $0x1A  }
0x1d7: {  	s2 =	sshll.u32 @!p1 s2, $0xD;
	s0 =	sor.u32 @!p1 s0, s7;
	_ =	swait.eq @!p1 [sflag:s3], $0x1  }
0x1d8: {  	s2 =	sor.u32 @!p1 $0x1C04, s2;
	s3 =	simm.s32 @!p1 $0x1C03;
	s0 =	sor.u32 @!p1 $0x80004000, s0  }
0x1d9: {  	[spmem:s5], [sflag:s2] =	dma.general @!p1 [spmem:s4], [sflag:s3], length:$0x20, [dreg:$0x0], stride_count:$0x0, ici_dest:s0, dma_misc:DstOpCode:WRITE  }
0x1da: {  	p2 =	slt.s32 s9, $0x2;
	s4 =	simm.s32 @!p1 $0x200;
	s5 =	simm.s32 @!p1 $0x202  }
0x1db: {  	[spmem:s5], [sflag:s2] =	dma.general @!p1 [spmem:s4], [sflag:s3], length:$0x2, [dreg:$0x0], stride_count:$0x0, ici_dest:s0, dma_misc:DstOpCode:WRITE  }
.Ltmp27:
0x1dc: {  	s0 =	simm.s32 @!p1 $0x3;
	(pc) =	sbr.rel @p2 .LBB2_38-.Ltmp27, $4  }
0x1dd: {  	s2 =	sshll.u32 @!p1 s8, $0xE;
	_ =	swait.ge @!p1 [sflag:s0], $0x22  }
0x1de: {  	s3 =	sshll.u32 @!p1 s7, $0x11;
	s2 =	sadd.s32 @!p1 $0x11C3C, s2;
	[sflag:s0] =	ssyncset.done @!p1 $0x0  }
0x1df: {  	[sflag:s0] =	ssyncadd.s32 @!p1 $0xFFFFFFDE;
	s0 =	sor.u32 @!p1 s3, s2  }
0x1e0: {  	[sflag:s0] =	ssyncadd.remote.s32 @!p1 $0xFFFFFFFF;
	s0 =	simm.s32 $0x0  }
0x1e1: {  	s0 =	simm.s32 $0xF219  }
0x1e2: {  	v0 =	vld.msk [tilespmem:s0+$0x0], $0x1;
	_ =	sdelay $0x4  }
0x1e3: {  	(v2sf) =	vpush v0, $0x0;
	_ =	sdelay $0xb  }
0x1e4: {  	s31 =	sadd.s32 $0xFFFFFFFE, s6  }
0x1e5: {  	s0 =	sadd.s32 $0xFFFFFFFF, s31  }
0x1e6: {  	p2 =	sne.s32 s0, $0x0  }
.Ltmp28:
0x1e7: {  	s2 =	spop (v2sf);
	(pc) =	sbr.rel @!p2 .LBB2_37-.Ltmp28, $4  }
0x1e8: {  	s4 =	simm.s32 $0xF2B8;
	s7 =	simm.s32 $0x0;
	p1 =	sgt.u32 s2, $0x270F0  }
0x1e9: {  	s5 =	simm.s32 $0x0;
	s6 =	simm.s32 $0xF21A;
	s3 =	sand.u32 @!p1 $0x3FFF8, s2  }
0x1ea: {  	s2 =	sand.u32 @!p1 $0x7, s2;
	s7 =	simm.s32 @!p1 $0x200;
	s3 =	sadd.s32 @!p1 s1, s3  }
0x1eb: {  	[hbm4b:s3+s2] =	stream.linear.scatter @!p1 [tilespmem:s4], [sflag:$0x5], $0x80, $0x38;
	[tilespmem:$0x1F6F8] =	vst v63  }
.LBB2_36:
0x1ec: {  	v0 =	vld.msk [tilespmem:s6+$0x0], $0x1;
	s0 =	sadd.s32 $0xFFFFFFFF, s0;
	s5 =	sadd.s32 s5, s7  }
0x1ed: {  	p1 =	sne.s32 s0, $0x0;
	_ =	sdelay $0x3  }
0x1ee: {  	(v2sf) =	vpush v0, $0x0;
	_ =	sdelay $0xe  }
.Ltmp29:
0x1ef: {  	s2 =	spop (v2sf);
	(pc) =	sbr.rel @p1 .LBB2_36-.Ltmp29, $4  }
0x1f0: {  	s7 =	simm.s32 $0x0;
	p2 =	sgt.u32 s2, $0x270F0  }
0x1f1: {  	s4 =	sadd.s32 $0x80, s4;
	s7 =	simm.s32 @!p2 $0x200;
	s3 =	sand.u32 @!p2 $0x3FFF8, s2  }
0x1f2: {  	s6 =	sadd.s32 $0x1, s6;
	s2 =	sand.u32 @!p2 $0x7, s2;
	s3 =	sadd.s32 @!p2 s1, s3  }
0x1f3: {  	[hbm4b:s3+s2] =	stream.linear.scatter @!p2 [tilespmem:s4], [sflag:$0x5], $0x80, $0x38;
	[tilespmem:$0x1F6F8] =	vst v63  }
.LBB2_37:
0x1f4: {  	s0 =	sadd.s32 s5, s7  }
0x1f5: {  	s0 =	sshrl.u32 s0, $0x2  }
.LBB2_38:
0x1f6: {  	s2 =	simm.s32 $0x5  }
0x1f7: {  	_ =	swait.ge [sflag:s2], s0  }
0x1f8: {  	s31 =	ssub.s32 $0x0, s0;
	[sflag:s2] =	ssyncset.done $0x0  }
0x1f9: {  	[sflag:s2] =	ssyncadd.s32 s31  }
0x1fa: {  	[sflag:s2] =	ssyncpa.u1 $0x1  }
.LBB2_39:
0x1fb: {  	s0 =	sor.u32 s15, s16  }
0x1fc: {  	p1 =	sne.s32 s0, $0x0  }
.Ltmp30:
0x1fd: {  	_ = 	snop;
	(pc) =	sbr.rel @p1 .LBB2_54-.Ltmp30, $3  }
0x1fe: {  	_ =	sdelay $0x1  }
0x1ff: {  	[bflag:$0x0] =	sbarrier.arrive $0xFFFF  }
0x200: {  	_ =	sfence  }
0x201: {  	s0 =	simm.s32 $0x7  }
0x202: {  	s2 =	simm.s32 $0x1000;
	s3 =	simm.s32 $0xF218;
	[sflag:s0] =	ssyncpa.u1 $0x0  }
0x203: {  	[tilespmem:s3], [sflag:$0x7] =	stream.linear.gather [spmem:s2], $0x20, $0x38;
	[tilespmem:$0x1F6F8] =	vst v63  }
0x204: {  	s30 =	simm.s32 $0xF238;
	s2 =	simm.s32 $0x0  }
0x205: {  	[tilespmem:s30], [sflag:$0x7] =	stream.linear.gather [spmem:s2], $0x1000, $0x38;
	[tilespmem:$0x1F6F8] =	vst v63  }
.Ltmp31:
0x206: {  	_ = 	snop;
	(pc) =	sbr.rel .LBB2_41-.Ltmp31, $4  }
0x207: {  	_ =	swait.ge [sflag:s0], $0x1020  }
0x208: {  	[sflag:s0] =	ssyncset.done $0x0  }
0x209: {  	s31 =	simm.s32 $0x8;
	[sflag:s0] =	ssyncadd.s32 $0xFFFFEFE0  }
0x20a: {  	s3 =	simm.s32 $0x0;
	[sflag:s31] =	ssyncpa.u1 $0x0  }
.LBB2_47:
0x20b: {  	p1 =	slt.u32 s4, $0x270F1  }
0x20c: {  	s0 =	sand.u32 @p1 $0x3FFF8, s4  }
0x20d: {  	s4 =	sand.u32 @p1 $0x7, s4;
	s5 =	simm.s32 @p1 $0xF188;
	s0 =	sadd.s32 @p1 s1, s0  }
0x20e: {  	[tilespmem:s5], [sflag:$0x8] =	stream.linear.gather @p1 [hbm4b:s0+s4], $0x80, $0x38;
	[tilespmem:$0x1F6F8] =	vst v63  }
0x20f: {  	s0 =	simm.s32 @p1 $0x8  }
0x210: {  	_ =	swait.ge @p1 [sflag:s0], $0x80  }
0x211: {  	[sflag:s0] =	ssyncset.done @p1 $0x0  }
0x212: {  	[sflag:s0] =	ssyncadd.s32 @p1 $0xFFFFFF80  }
0x213: {  	v1 =	vld @p1 [tilespmem:$0xF188];
	_ =	sdelay $0x2  }
0x214: {  	s0 =	sshll.u32 @p1 s3, $0x9  }
0x215: {  	s4 =	sshrl.u32 @p1 s0, $0x2  }
0x216: {  	[tilespmem:s4+$0xF238] =	vst.add.f32.msk @p1 $0xffff, v1  }
0x217: {  	v1 =	vld @p1 [tilespmem:$0xF198];
	_ =	sdelay $0x4  }
0x218: {  	[tilespmem:s4+$0xF248] =	vst.add.f32.msk @p1 $0xffff, v1  }
0x219: {  	v1 =	vld @p1 [tilespmem:$0xF1A8];
	_ =	sdelay $0x4  }
0x21a: {  	[tilespmem:s4+$0xF258] =	vst.add.f32.msk @p1 $0xffff, v1  }
0x21b: {  	v1 =	vld @p1 [tilespmem:$0xF1B8];
	_ =	sdelay $0x4  }
0x21c: {  	[tilespmem:s4+$0xF268] =	vst.add.f32.msk @p1 $0xffff, v1  }
0x21d: {  	v1 =	vld @p1 [tilespmem:$0xF1C8];
	_ =	sdelay $0x4  }
0x21e: {  	[tilespmem:s4+$0xF278] =	vst.add.f32.msk @p1 $0xffff, v1  }
0x21f: {  	v1 =	vld @p1 [tilespmem:$0xF1D8];
	_ =	sdelay $0x4  }
0x220: {  	[tilespmem:s4+$0xF288] =	vst.add.f32.msk @p1 $0xffff, v1  }
0x221: {  	v1 =	vld @p1 [tilespmem:$0xF1E8];
	_ =	sdelay $0x4  }
0x222: {  	[tilespmem:s4+$0xF298] =	vst.add.f32.msk @p1 $0xffff, v1  }
0x223: {  	v1 =	vld @p1 [tilespmem:$0xF1F8];
	_ =	sdelay $0x3  }
0x224: {  	s5 =	sshll.u32 @!p1 s3, $0x9  }
0x225: {  	s5 =	smov.u32 @p1 s0;
	[tilespmem:s4+$0xF2A8] =	vst.add.f32.msk @p1 $0xffff, v1  }
0x226: {  	s0 =	sshrl.u32 s5, $0x2;
	[tilespmem:s2+$0xF218] =	vst.msk $0x1, v0  }
0x227: {  	v0 =	vld [tilespmem:s0+$0xF238];
	_ =	sdelay $0x2  }
0x228: {  	s31 =	sshll.u32 s2, $0x9  }
0x229: {  	s4 =	sshra.s32 s31, $0x2  }
0x22a: {  	[tilespmem:s4+$0xF238] =	vst v0  }
0x22b: {  	v0 =	vld [tilespmem:s0+$0xF248];
	_ =	sdelay $0x4  }
0x22c: {  	[tilespmem:s4+$0xF248] =	vst v0  }
0x22d: {  	v0 =	vld [tilespmem:s0+$0xF258];
	_ =	sdelay $0x4  }
0x22e: {  	[tilespmem:s4+$0xF258] =	vst v0  }
0x22f: {  	v0 =	vld [tilespmem:s0+$0xF268];
	_ =	sdelay $0x4  }
0x230: {  	[tilespmem:s4+$0xF268] =	vst v0  }
0x231: {  	v0 =	vld [tilespmem:s0+$0xF278];
	_ =	sdelay $0x4  }
0x232: {  	[tilespmem:s4+$0xF278] =	vst v0  }
0x233: {  	v0 =	vld [tilespmem:s0+$0xF288];
	_ =	sdelay $0x4  }
0x234: {  	[tilespmem:s4+$0xF288] =	vst v0  }
0x235: {  	v0 =	vld [tilespmem:s0+$0xF298];
	_ =	sdelay $0x4  }
0x236: {  	[tilespmem:s4+$0xF298] =	vst v0  }
0x237: {  	v0 =	vld [tilespmem:s0+$0xF2A8];
	_ =	sdelay $0x4  }
0x238: {  	s2 =	sadd.s32 $0x1, s2;
	[tilespmem:s4+$0xF2A8] =	vst v0  }
.LBB2_48:
0x239: {  	s3 =	sadd.s32 $0x1, s3  }
0x23a: {  	p1 =	sne.s32 s3, $0x20  }
.Ltmp32:
0x23b: {  	_ = 	snop;
	(pc) =	sbr.rel @!p1 .LBB2_49-.Ltmp32, $1  }
0x23c: {  	_ =	sdelay $0x3  }
.LBB2_41:
0x23d: {  	v0 =	vld.msk [tilespmem:s3+$0xF218], $0x1;
	_ =	sdelay $0x4  }
0x23e: {  	(v2sf) =	vpush v0, $0x0;
	_ =	sdelay $0xe  }
0x23f: {  	s4 =	spop (v2sf)  }
0x240: {  	p1 =	seq.s32 s4, $0xFFFFFFFF  }
.Ltmp33:
0x241: {  	_ = 	snop;
	(pc) =	sbr.rel @p1 .LBB2_48-.Ltmp33, $1  }
0x242: {  	_ =	sdelay $0x3  }
0x243: {  	p1 =	slt.s32 s2, $0x1  }
.Ltmp34:
0x244: {  	_ = 	snop;
	(pc) =	sbr.rel @p1 .LBB2_47-.Ltmp34, $1  }
0x245: {  	_ =	sdelay $0x3  }
0x246: {  	s5 =	simm.s32 $0xF218;
	p1 =	por $0x0, $0x0  }
0x247: {  	v1 =	vld.msk @!p1 [tilespmem:s5+$0x0], $0x1;
	_ =	sdelay $0x4  }
0x248: {  	(v2sf) =	vpush @!p1 v1, $0x0;
	_ =	sdelay $0xd  }
0x249: {  	p3 =	sne.s32 s2, $0x1  }
.Ltmp35:
0x24a: {  	s0 =	spop @!p1 (v2sf);
	(pc) =	sbr.rel @!p3 .LBB2_45-.Ltmp35, $4  }
0x24b: {  	p2 =	seq.s32 @!p1 s4, s0  }
0x24c: {  	s6 =	simm.s32 $0x0;
	p2 =	por !p2, p1  }
0x24d: {  	s7 =	simm.s32 $0xFFFFFFFF;
	s6 =	simm.s32 @p2 $0xFFFFFFFF  }
0x24e: {  	s0 =	simm.s32 $0x1;
	s6 =	smov.u32 @p1 s7  }
.LBB2_44:
0x24f: {  	s7 =	smov.u32 s6;
	p1 =	sne.s32 s6, $0xFFFFFFFF  }
0x250: {  	s5 =	sadd.s32 $0x1, s5;
	s6 =	smov.u32 s0;
	s0 =	sadd.s32 $0x1, s0  }
0x251: {  	p2 =	sne.s32 s2, s0;
	v1 =	vld.msk @!p1 [tilespmem:s5+$0x0], $0x1;
	_ =	sdelay $0x4  }
0x252: {  	(v2sf) =	vpush @!p1 v1, $0x0;
	_ =	sdelay $0xe  }
.Ltmp36:
0x253: {  	s8 =	spop @!p1 (v2sf);
	(pc) =	sbr.rel @p2 .LBB2_44-.Ltmp36, $4  }
0x254: {  	p3 =	seq.s32 @!p1 s4, s8  }
0x255: {  	p3 =	por !p3, p1  }
0x256: {  	s6 =	simm.s32 @p3 $0xFFFFFFFF  }
0x257: {  	s6 =	smov.u32 @p1 s7  }
.LBB2_45:
0x258: {  	p1 =	seq.s32 s6, $0xFFFFFFFF  }
.Ltmp37:
0x259: {  	_ = 	snop;
	(pc) =	sbr.rel @p1 .LBB2_47-.Ltmp37, $1  }
0x25a: {  	_ =	sdelay $0x3  }
0x25b: {  	s0 =	sshll.u32 s3, $0x7  }
0x25c: {  	s0 =	sand.u32 $0x3FFFFF80, s0  }
0x25d: {  	v0 =	vld [tilespmem:s0+$0xF238];
	_ =	sdelay $0x2  }
0x25e: {  	s4 =	sshll.u32 s6, $0x9  }
0x25f: {  	s4 =	sshra.s32 s4, $0x2  }
0x260: {  	[tilespmem:s4+$0xF238] =	vst.add.f32.msk $0xffff, v0  }
0x261: {  	v0 =	vld [tilespmem:s0+$0xF248];
	_ =	sdelay $0x4  }
0x262: {  	[tilespmem:s4+$0xF248] =	vst.add.f32.msk $0xffff, v0  }
0x263: {  	v0 =	vld [tilespmem:s0+$0xF258];
	_ =	sdelay $0x4  }
0x264: {  	[tilespmem:s4+$0xF258] =	vst.add.f32.msk $0xffff, v0  }
0x265: {  	v0 =	vld [tilespmem:s0+$0xF268];
	_ =	sdelay $0x4  }
0x266: {  	[tilespmem:s4+$0xF268] =	vst.add.f32.msk $0xffff, v0  }
0x267: {  	v0 =	vld [tilespmem:s0+$0xF278];
	_ =	sdelay $0x4  }
0x268: {  	[tilespmem:s4+$0xF278] =	vst.add.f32.msk $0xffff, v0  }
0x269: {  	v0 =	vld [tilespmem:s0+$0xF288];
	_ =	sdelay $0x4  }
0x26a: {  	[tilespmem:s4+$0xF288] =	vst.add.f32.msk $0xffff, v0  }
0x26b: {  	v0 =	vld [tilespmem:s0+$0xF298];
	_ =	sdelay $0x4  }
0x26c: {  	[tilespmem:s4+$0xF298] =	vst.add.f32.msk $0xffff, v0  }
0x26d: {  	v0 =	vld [tilespmem:s0+$0xF2A8]  }
.Ltmp38:
0x26e: {  	_ = 	snop;
	(pc) =	sbr.rel .LBB2_48-.Ltmp38, $2  }
0x26f: {  	_ =	sdelay $0x2  }
0x270: {  	[tilespmem:s4+$0xF2A8] =	vst.add.f32.msk $0xffff, v0  }
.LBB2_49:
0x271: {  	p1 =	slt.s32 s2, $0x1  }
.Ltmp39:
0x272: {  	_ = 	snop;
	(pc) =	sbr.rel @p1 .LBB2_53-.Ltmp39, $3  }
0x273: {  	_ =	sdelay $0x1  }
0x274: {  	s0 =	simm.s32 $0x8  }
0x275: {  	s3 =	simm.s32 $0x0;
	[sflag:s0] =	ssyncpa.u1 $0x1  }
0x276: {  	s0 =	simm.s32 $0xF218  }
0x277: {  	v0 =	vld.msk [tilespmem:s0+$0x0], $0x1;
	_ =	sdelay $0x4  }
0x278: {  	(v2sf) =	vpush v0, $0x0;
	_ =	sdelay $0xe  }
0x279: {  	s0 =	sadd.s32 $0xFFFFFFFF, s2;
	s5 =	spop (v2sf)  }
0x27a: {  	p2 =	sne.s32 s0, $0x0;
	p1 =	sgt.u32 s5, $0x270F0  }
.Ltmp40:
0x27b: {  	s6 =	sand.u32 @!p1 $0x3FFF8, s5;
	(pc) =	sbr.rel @!p2 .LBB2_52-.Ltmp40, $4  }
0x27c: {  	s4 =	simm.s32 $0xF238;
	s5 =	sand.u32 @!p1 $0x7, s5;
	s2 =	sadd.s32 @!p1 s1, s6  }
0x27d: {  	[hbm4b:s2+s5] =	stream.linear.scatter @!p1 [tilespmem:s4], [sflag:$0x7], $0x80, $0x38;
	[tilespmem:$0x1F6F8] =	vst v63  }
0x27e: {  	s5 =	simm.s32 $0x0  }
0x27f: {  	s2 =	simm.s32 $0xF219;
	s5 =	simm.s32 @!p1 $0x200  }
.LBB2_51:
0x280: {  	v0 =	vld.msk [tilespmem:s2+$0x0], $0x1;
	s0 =	sadd.s32 $0xFFFFFFFF, s0;
	s3 =	sadd.s32 s3, s5  }
0x281: {  	p1 =	sne.s32 s0, $0x0;
	_ =	sdelay $0x3  }
0x282: {  	(v2sf) =	vpush v0, $0x0;
	_ =	sdelay $0xe  }
.Ltmp41:
0x283: {  	s6 =	spop (v2sf);
	(pc) =	sbr.rel @p1 .LBB2_51-.Ltmp41, $4  }
0x284: {  	s5 =	simm.s32 $0x0;
	p2 =	sgt.u32 s6, $0x270F0  }
0x285: {  	s4 =	sadd.s32 $0x80, s4;
	s5 =	simm.s32 @!p2 $0x200;
	s7 =	sand.u32 @!p2 $0x3FFF8, s6  }
0x286: {  	s2 =	sadd.s32 $0x1, s2;
	s6 =	sand.u32 @!p2 $0x7, s6;
	s7 =	sadd.s32 @!p2 s1, s7  }
0x287: {  	[hbm4b:s7+s6] =	stream.linear.scatter @!p2 [tilespmem:s4], [sflag:$0x7], $0x80, $0x38;
	[tilespmem:$0x1F6F8] =	vst v63  }
.LBB2_52:
0x288: {  	s0 =	sadd.s32 s3, s5  }
0x289: {  	s3 =	sshrl.u32 s0, $0x2  }
.LBB2_53:
0x28a: {  	s0 =	simm.s32 $0x7  }
0x28b: {  	_ =	swait.ge [sflag:s0], s3  }
0x28c: {  	s1 =	ssub.s32 $0x0, s3;
	[sflag:s0] =	ssyncset.done $0x0  }
0x28d: {  	[sflag:s0] =	ssyncadd.s32 s1  }
0x28e: {  	[sflag:s0] =	ssyncpa.u1 $0x1  }
.LBB2_54:
0x28f: {  	_ =	sfence;
	s0 =	simm.s32 $0x1  }
0x290: {  	[sflag:s0] =	ssyncpa.u1 $0x1  }
0x291: {  	_ =	strace $0x9000004A  }
0x292: {  	[bflag:$0x2] =	sbarrier.arrive $0xFFFF  }
0x293: {  	s0 =	rddreg [dreg:$0x4]  }
0x294: {  	s0 =	sadd.s32 @!p0 $0x100000, s0  }
0x295: {  	[sflag:s0] =	ssyncadd.tile.s32 @!p0 $0x1;
	_ =	shalt  }
.Lfunc_end2:
_tile_overlayer_lowered:
.L_overlay_start_2:
0x296: {  	(tag) =	ssettag $0x2  }
0x297: {  	s0 =	rddreg [dreg:$0x0];
	s2 =	stileid.u32  }
0x298: {  	s1 =	rddreg [dreg:$0x1];
	p0 =	sne.s32 s2, $0x0  }
0x299: {  	s3 =	rddreg [dreg:$0x2];
	[bflag:$0x3] =	sbarrier.arrive $0xFFFF;
	s2 =	simm.s32 @!p0 $0x1C01  }
0x29a: {  	[timem:s3], [sflag:s2] =	dma.local @!p0 [hbm:s0], s1  }
0x29b: {  	s0 =	simm.s32 @!p0 $0x1  }
0x29c: {  	_ =	swait.ge @!p0 [sflag:s0], s1  }
0x29d: {  	s1 =	ssub.s32 @!p0 $0x0, s1;
	[sflag:s0] =	ssyncset.done @!p0 $0x0  }
0x29e: {  	[sflag:s0] =	ssyncadd.s32 @!p0 s1  }
0x29f: {  	[bflag:$0x3] =	sbarrier.arrive $0xFFFF  }
0x2a0: {  	_ =	shalt  }

// kernel: scatter_offload_async_start.2
scs
__scs_entry_jumppad:
0x0: {  	(pc) =	sbr.rel $0x88, $3  }
0x1: {  	(tag) =	ssettag $0x0;
	lr =	simm.s32 $0x1  }
0x2: {  	[smem:$0x3F98] =	sst lr;
	_ =	strace $0xD0000000  }
0x3: {  	_ = 	snop  }
0x4: {  	_ = 	snop  }
0x5: {  	_ = 	snop  }
0x6: {  	_ = 	snop  }
0x7: {  	_ = 	snop  }
__scs_overlays_trampoline_lowered:
0x8: {  	[smem:$0x3FA7] =	sst s0  }
0x9: {  	[smem:$0x3FA8] =	sst s1  }
0xa: {  	[smem:$0x3FA9] =	sst s2  }
0xb: {  	[smem:$0x3FAA] =	sst s3  }
0xc: {  	[smem:$0x3FAB] =	sst s4  }
0xd: {  	[smem:$0x3FAC] =	sst s5  }
0xe: {  	[smem:$0x3FAD] =	sst s6  }
0xf: {  	[smem:$0x3FAE] =	sst s7  }
0x10: {  	[smem:$0x3FAF] =	sst s8  }
0x11: {  	[smem:$0x3FB0] =	sst s9;
	s0 =	simm.s32 @!p0 $0x0  }
0x12: {  	s1 =	sld [smem:$0x3F96];
	s0 =	simm.s32 @p0 $0x1  }
0x13: {  	[smem:$0x3FB1] =	sst s0;
	s0 =	simm.s32 @!p1 $0x0  }
0x14: {  	s2 =	sld [smem:$0x3F95];
	s0 =	simm.s32 @p1 $0x1  }
0x15: {  	[smem:$0x3FB2] =	sst s0;
	s0 =	simm.s32 @!p2 $0x0  }
0x16: {  	s3 =	sld [smem:$0x3FDB];
	s0 =	simm.s32 @p2 $0x1  }
0x17: {  	s4 =	simm.s32 $0x1BF5;
	[smem:$0x3FB4] =	sst s0  }
0x18: {  	s0 =	sld [smem:$0x3F97];
	_ =	swait.ge [sflag:s4], $0x0  }
0x19: {  	s7 =	sld [smem:$0x3F98]  }
0x1a: {  	s8 =	sadd.s32 $0xFFFFE003, lr  }
0x1b: {  	s9 =	sadd.s32 $0xFFFFFEF7, lr;
	s5 =	simm.s32 $0xFFFFFFFF;
	p2 =	slt.u32 s8, $0xFFFFF086  }
0x1c: {  	p1 =	slt.u32 s9, $0xF7A;
	s5 =	simm.s32 @!p2 $0x0  }
0x1d: {  	s5 =	simm.s32 @p1 $0x1;
	p0 =	seq.s32 s7, s2  }
0x1e: {  	s7 =	smul.u32 @!p0 $0xF7A, s2;
	p2 =	seq.s32 @!p0 s5, $0x0  }
0x1f: {  	s9 =	smul.u32 $0xF7A, s1;
	s8 =	simm.s32 @!p0 $0x1BF5;
	p2 =	por !p2, p0  }
0x20: {  	[sflag:s8] =	ssyncset.s32 @!p0 $0xFFFFF086;
	s6 =	sadd.s32 @!p0 s3, s7;
	s7 =	simm.s32 @!p0 $0x108  }
0x21: {  	s3 =	sadd.s32 s3, s9;
	s6 =	sadd.s32 @!p0 $0x88, s6;
	s7 =	simm.s32 @p2 $0x1082  }
0x22: {  	[simem:s7], [sflag:s8] =	dma.local @!p0 [hbm:s6], $0xF7A  }
0x23: {  	s9 =	sor.u32 $0xD0000000, s2;
	s6 =	simm.s32 $0x108;
	_ =	swait.ge @!p0 [sflag:s8], $0x0  }
0x24: {  	s3 =	sadd.s32 $0x88, s3;
	s6 =	simm.s32 @!p1 $0x1082;
	[sflag:s4] =	ssyncset.s32 $0xFFFFF086  }
0x25: {  	[simem:s6], [sflag:s4] =	dma.local [hbm:s3], $0xF7A  }
0x26: {  	[smem:$0x3F98] =	sst s1;
	(tag) =	ssettag s2;
	_ =	strace s9  }
0x27: {  	s1 =	sld [smem:$0x3FA8]  }
0x28: {  	s2 =	sld [smem:$0x3FA9]  }
0x29: {  	s4 =	sld [smem:$0x3FAB]  }
0x2a: {  	p0 =	seq.s32 s5, $0x0;
	s5 =	sld [smem:$0x3FAC]  }
0x2b: {  	s6 =	sld [smem:$0x3FAD]  }
0x2c: {  	s7 =	sld [smem:$0x3FAE]  }
0x2d: {  	s3 =	simm.s32 $0x108;
	s8 =	sld [smem:$0x3FAF]  }
0x2e: {  	s3 =	simm.s32 @!p0 $0x1082;
	s9 =	sld [smem:$0x3FB0]  }
0x2f: {  	lr =	sadd.s32 s0, s3;
	s0 =	sld [smem:$0x3FA7]  }
0x30: {  	s3 =	sld [smem:$0x3FAA]  }
0x31: {  	[smem:$0x3FB3] =	sst s10  }
0x32: {  	s10 =	sld [smem:$0x3FB1];
	_ =	sdelay $0x3  }
0x33: {  	p0 =	seq.s32 s10, $0x1;
	s10 =	sld [smem:$0x3FB3];
	_ =	sdelay $0x3  }
0x34: {  	[smem:$0x3FB3] =	sst s10  }
0x35: {  	s10 =	sld [smem:$0x3FB2];
	_ =	sdelay $0x3  }
0x36: {  	p1 =	seq.s32 s10, $0x1;
	s10 =	sld [smem:$0x3FB3];
	_ =	sdelay $0x3  }
0x37: {  	[smem:$0x3FB3] =	sst s10  }
0x38: {  	s10 =	sld [smem:$0x3FB4]  }
0x39: {  	_ = 	snop;
	(pc) =	sbr.ind lr, $3  }
0x3a: {  	_ = 	snop  }
0x3b: {  	_ = 	snop  }
0x3c: {  	p2 =	seq.s32 s10, $0x1;
	s10 =	sld [smem:$0x3FB3]  }
0x3d: {  	_ =	shalt  }
0x3e: {  	_ =	shalt  }
0x3f: {  	_ =	shalt  }
0x40: {  	_ =	shalt  }
0x41: {  	_ =	shalt  }
0x42: {  	_ =	shalt  }
0x43: {  	_ =	shalt  }
0x44: {  	_ =	shalt  }
0x45: {  	_ =	shalt  }
0x46: {  	_ =	shalt  }
0x47: {  	_ =	shalt  }
0x48: {  	_ =	shalt  }
0x49: {  	_ =	shalt  }
0x4a: {  	_ =	shalt  }
0x4b: {  	_ =	shalt  }
0x4c: {  	_ =	shalt  }
0x4d: {  	_ =	shalt  }
0x4e: {  	_ =	shalt  }
0x4f: {  	_ =	shalt  }
0x50: {  	_ =	shalt  }
0x51: {  	_ =	shalt  }
0x52: {  	_ =	shalt  }
0x53: {  	_ =	shalt  }
0x54: {  	_ =	shalt  }
0x55: {  	_ =	shalt  }
0x56: {  	_ =	shalt  }
0x57: {  	_ =	shalt  }
0x58: {  	_ =	shalt  }
0x59: {  	_ =	shalt  }
0x5a: {  	_ =	shalt  }
0x5b: {  	_ =	shalt  }
0x5c: {  	_ =	shalt  }
0x5d: {  	_ =	shalt  }
0x5e: {  	_ =	shalt  }
0x5f: {  	_ =	shalt  }
0x60: {  	_ =	shalt  }
0x61: {  	_ =	shalt  }
0x62: {  	_ =	shalt  }
0x63: {  	_ =	shalt  }
0x64: {  	_ =	shalt  }
0x65: {  	_ =	shalt  }
0x66: {  	_ =	shalt  }
0x67: {  	_ =	shalt  }
0x68: {  	_ =	shalt  }
0x69: {  	_ =	shalt  }
0x6a: {  	_ =	shalt  }
0x6b: {  	_ =	shalt  }
0x6c: {  	_ =	shalt  }
0x6d: {  	_ =	shalt  }
0x6e: {  	_ =	shalt  }
0x6f: {  	_ =	shalt  }
0x70: {  	_ =	shalt  }
0x71: {  	_ =	shalt  }
0x72: {  	_ =	shalt  }
0x73: {  	_ =	shalt  }
0x74: {  	_ =	shalt  }
0x75: {  	_ =	shalt  }
0x76: {  	_ =	shalt  }
0x77: {  	_ =	shalt  }
0x78: {  	_ =	shalt  }
0x79: {  	_ =	shalt  }
0x7a: {  	_ =	shalt  }
0x7b: {  	_ =	shalt  }
0x7c: {  	_ =	shalt  }
0x7d: {  	_ =	shalt  }
0x7e: {  	_ =	shalt  }
0x7f: {  	_ =	shalt  }
0x80: {  	_ =	shalt  }
0x81: {  	_ =	shalt  }
0x82: {  	_ =	shalt  }
0x83: {  	_ =	shalt  }
0x84: {  	_ =	shalt  }
0x85: {  	_ =	shalt  }
0x86: {  	_ =	shalt  }
0x87: {  	_ =	shalt  }
.Lfunc_end0:
.L_simem_size_0:
called_computation.2_lowered:
.L_overlay_start_0:
0x88: {  	s0 =	sld [smem:$0x3FD9]  }
0x89: {  	s1 =	sld [smem:$0x3FFE];
	_ =	sdelay $0x3  }
0x8a: {  	s0 =	sadd.s32 s1, s0  }
0x8b: {  	[smem:$0x3FBF] =	sst s0  }
0x8c: {  	_ = 	snop  }
0x8d: {  	s0 =	sld [smem:$0x3FD0];
	(tm) =	ssettm $0x1  }
0x8e: {  	s16 =	sld [smem:$0x3FFB];
	_ =	sdelay $0x3  }
0x8f: {  	_ =	strace s16  }
0x90: {  	s1 =	sld [smem:$0x3FFC];
	_ =	sdelay $0x3  }
0x91: {  	_ =	strace s1  }
0x92: {  	s1 =	sld [smem:$0x3FFD];
	_ =	sdelay $0x3  }
0x93: {  	_ =	strace s1  }
0x94: {  	_ =	strace $0x8FFFFFFF  }
0x95: {  	s17 =	sld [smem:$0x3FDB];
	_ =	sdelay $0x1  }
0x96: {  	s2 =	simm.s32 $_scs_section_size  }
0x97: {  	s3 =	simm.s32 $_size__tile_overlayer_lowered;
	s4 =	simm.s32 $_tile_overlayer_lowered  }
0x98: {  	s20 =	simm.s32 $0x1BFF;
	s19 =	sshll.u32 s4, $0x1;
	s1 =	sadd.s32 s2, s17  }
0x99: {  	s5 =	simm.s32 $0x0;
	s18 =	sshll.u32 s3, $0x1;
	s3 =	sadd.s32 s19, s1  }
0x9a: {  	[timem:s5], [sflag:s20] =	dma.local [hbm:s3], s18  }
0x9b: {  	_ =	swait.ge [sflag:s20], s18  }
0x9c: {  	s2 =	ssub.s32 $0x0, s18;
	[sflag:s20] =	ssyncset.done $0x0  }
0x9d: {  	[sflag:s20] =	ssyncadd.s32 s2;
	_ =	sdelay $0x1  }
0x9e: {  	s21 =	simm.s32 $0x1B8B  }
0x9f: {  	_ =	swait.ge [sflag:s21], $0x1  }
0xa0: {  	[sflag:s21] =	ssyncset.done $0x0  }
0xa1: {  	s23 =	simm.s32 $0x1B8E;
	s22 =	sld [smem:$0x3FFE];
	[sflag:s21] =	ssyncadd.s32 $0xFFFFFFFF  }
0xa2: {  	s24 =	simm.s32 $execute0_lowered;
	[smem:$0x3FD2] =	sst s23  }
0xa3: {  	s3 =	sshll.u32 s24, $0x1;
	_ =	strace $0x8000005E;
	[dreg:$0x1] =	wrdreg $0xFFFFFFFF  }
0xa4: {  	s25 =	simm.s32 $_size_execute0_lowered;
	s1 =	sadd.s32 s1, s3;
	[dreg:$0x0] =	wrdreg $0x0  }
0xa5: {  	s3 =	sshll.u32 s25, $0x1;
	[dreg:$0x2] =	wrdreg s1  }
0xa6: {  	[dreg:$0x3] =	wrdreg s3  }
0xa7: {  	[dreg:$0x4] =	wrdreg $0xC0  }
0xa8: {  	_ =	task [dreg:s5], $0x5FFFF  }
0xa9: {  	[dreg:$0x1] =	wrdreg $0xFFFFFFFF  }
0xaa: {  	[dreg:$0x0] =	wrdreg $0x60  }
0xab: {  	[dreg:$0x2] =	wrdreg s0  }
0xac: {  	[dreg:$0x3] =	wrdreg s22  }
0xad: {  	[dreg:$0x4] =	wrdreg $0x9  }
0xae: {  	_ =	task.clear_ibuf [dreg:s5], $0x5FFFF;
	_ =	strace $0x9000005E  }
0xaf: {  	s26 =	simm.s32 $0x9;
	_ =	strace $0x80000060  }
0xb0: {  	_ =	swait.ge [sflag:s26], $0x1  }
0xb1: {  	[sflag:s26] =	ssyncadd.s32 $0xFFFFFFFF  }
0xb2: {  	_ =	strace $0x90000060  }
0xb3: {  	_ =	sfence  }
0xb4: {  	s28 =	sld [smem:$0x0];
	_ =	sdelay $0x1  }
0xb5: {  	s29 =	srdreg.scid  }
0xb6: {  	s30 =	sshll.u32 s29, $0xD;
	s31 =	sshrl.u32 s29, $0x2  }
0xb7: {  	s2 =	sand.u32 $0x4000, s30;
	s1 =	sand.u32 $0x1, s29;
	s0 =	sadd.s32 s31, s28  }
0xb8: {  	s1 =	sor.u32 s2, s1;
	s0 =	sshll.u32 s0, $0x11  }
0xb9: {  	s0 =	sor.u32 s0, s1  }
0xba: {  	s0 =	sadd.s32 $0x8F2B, s0  }
0xbb: {  	[sflag:s0] =	ssyncadd.remote.s32 $0x1  }
0xbc: {  	_ =	sfence.sel $0xFFFF  }
0xbd: {  	[dreg:$0x0] =	wrdreg $0xFFFFFFFF;
	(pc) =	sbr.abs _section_cstart, $3  }
0xbe: {  	[dreg:$0x1] =	wrdreg $0xFFFFFFFF  }
0xbf: {  	_ =	task.clear_ibuf [dreg:s5], $0x2FFFF;
	_ =	strace $0x9FFFFFFF  }
0xc0: {  	(tm) =	ssettm $0x7FFFFFFF  }
0xc1: {  	_ =	shalt  }
tec
execute0_lowered:
.L_overlay_start_1:
0x0: {  	(tag) =	ssettag $0x1  }
0x1: {  	s1 =	rddreg [dreg:$0x0]  }
0x2: {  	s29 =	rddreg [dreg:$0x1];
	_ =	strace $0x8000005F;
	s0 =	simm.s32 $0x1  }
0x3: {  	s8 =	simm.s32 $0x108;
	v0 =	vimm.s32 $0x0;
	[sflag:s0] =	ssyncpa.u1 $0x0  }
0x4: {  	[tilespmem:s8+$0x70] =	vst v0  }
0x5: {  	[tilespmem:s8+$0x60] =	vst v0  }
0x6: {  	[tilespmem:s8+$0x50] =	vst v0  }
0x7: {  	[tilespmem:s8+$0x40] =	vst v0  }
0x8: {  	[tilespmem:s8+$0x30] =	vst v0  }
0x9: {  	[tilespmem:s8+$0x20] =	vst v0  }
0xa: {  	s2 =	simm.s32 $0x40;
	s4 =	sadd.s32 $0x29400, s29;
	s5 =	sadd.s32 $0x29800, s29;
	[tilespmem:s8+$0x10] =	vst v0  }
.LBB2_1:
0xb: {  	s2 =	sadd.s32 $0x40, s2;
	[tilespmem:s8+$0x0] =	vst v0;
	s8 =	sadd.s32 $0x80, s8  }
0xc: {  	p0 =	slt.u32 s2, $0x3C40;
	[tilespmem:s8+$0x70] =	vst v0  }
0xd: {  	[tilespmem:s8+$0x60] =	vst v0  }
.Ltmp0:
0xe: {  	[tilespmem:s8+$0x50] =	vst v0;
	(pc) =	sbr.rel @p0 .LBB2_1-.Ltmp0, $4  }
0xf: {  	[tilespmem:s8+$0x40] =	vst v0  }
0x10: {  	[tilespmem:s8+$0x30] =	vst v0  }
0x11: {  	[tilespmem:s8+$0x20] =	vst v0  }
0x12: {  	[tilespmem:s8+$0x10] =	vst v0  }
0x13: {  	s3 =	stileid.u32  }
0x14: {  	s0 =	smin.u32 s3, $0x5  }
0x15: {  	s0 =	sadd.s32 s3, s0  }
0x16: {  	p0 =	slt.u32 s3, $0x5;
	s6 =	smul.u32 $0xF0, s0;
	s0 =	simm.s32 $0x1E0  }
0x17: {  	s0 =	simm.s32 @!p0 $0xF0  }
0x18: {  	s0 =	sadd.s32 s0, s6  }
0x19: {  	s7 =	smin.u32 s0, $0x1388  }
0x1a: {  	s0 =	ssub.s32 s7, s6  }
0x1b: {  	p0 =	sgt.s32 s0, $0x0  }
0x1c: {  	s0 =	simm.s32 @!p0 $0x0  }
0x1d: {  	s2 =	smul.u32 $0x8889, s0  }
0x1e: {  	s31 =	simm.s32 $0x2;
	s9 =	simm.s32 $0x7;
	s10 =	simm.s32 $0x8  }
0x1f: {  	s19 =	simm.s32 $0x0;
	s15 =	simm.s32 $0xA;
	s2 =	sshrl.u32 s2, $0x17  }
0x20: {  	s17 =	simm.s32 $0x0;
	s18 =	simm.s32 $0x0;
	s11 =	smul.u32 $0xF0, s2  }
.Ltmp1:
0x21: {  	[tilespmem:s8+$0x0] =	vst v0;
	v0 =	vimm.s32 $0xFFFFFFFF;
	[sflag:s31] =	ssyncpa.u1 $0x0;
	s13 =	sshll.u32 s3, $0x8;
	(pc) =	sbr.rel .LBB2_3-.Ltmp1, $4  }
0x22: {  	[tilespmem:$0xF208] =	vst v0;
	[sflag:s9] =	ssyncpa.u1 $0x0;
	p0 =	sne.s32 s0, s11;
	s0 =	simm.s32 $0x1  }
0x23: {  	[sflag:s10] =	ssyncpa.u1 $0x0;
	s10 =	simm.s32 $0x9;
	s0 =	simm.s32 @!p0 $0x0  }
0x24: {  	[sflag:s10] =	ssyncpa.u1 $0x0;
	s16 =	smov.u32 s6;
	s12 =	sadd.s32 s2, s0  }
0x25: {  	v0 =	vlaneseq.u32;
	s11 =	simm.s32 $0x1;
	p0 =	por $0x0, $0x0;
	s14 =	sadd.s32 $0x1, s12  }
.LBB2_18:
0x26: {  	s0 =	sshrl.u32 s28, $0x2  }
.LBB2_20:
0x27: {  	_ =	swait.ge [sflag:s15], s0  }
0x28: {  	s31 =	ssub.s32 $0x0, s0;
	v1 =	vmov s22;
	vm0 =	veq.s32 v0, $0x0;
	[sflag:s15] =	ssyncset.done $0x0  }
0x29: {  	vm15 =	veq.s32 v0, $0x2;
	v1 =	vsel vm0, s26, v1;
	[sflag:s15] =	ssyncadd.s32 s31  }
0x2a: {  	v1 =	vsel vm15, s19, v1;
	[sflag:s15] =	ssyncpa.u1 $0x1  }
0x2b: {  	[tilespmem:$0xF208] =	vst v1  }
.LBB2_21:
0x2c: {  	s0 =	sadd.s32 $0xF0, s16  }
0x2d: {  	s2 =	smov.u32 s6;
	p1 =	slt.s32 s0, s7  }
0x2e: {  	s2 =	smov.u32 @p1 s0;
	p1 =	sne.s32 s18, s14  }
.Ltmp2:
0x2f: {  	_ = 	snop;
	(pc) =	sbr.rel @!p1 .LBB2_22-.Ltmp2, $3  }
0x30: {  	_ =	sdelay $0x1  }
0x31: {  	s19 =	smov.u32 s17;
	s31 =	sadd.s32 $0x1, s18;
	s17 =	smov.u32 s16  }
0x32: {  	p0 =	por !p0, !p0;
	s18 =	smov.u32 s31;
	s16 =	smov.u32 s2  }
.LBB2_3:
0x33: {  	p1 =	sge.u32 s18, s12  }
0x34: {  	s0 =	smulhi.u32 @!p1 $0xAAAAAAAB, s18  }
0x35: {  	s2 =	smov.u32 s16;
	p2 =	sgt.s32 @!p1 s16, $0x1298  }
0x36: {  	s20 =	sshra.s32 @!p1 s16, $0x1F;
	p2 =	por !p2, p1;
	s0 =	sshrl.u32 @!p1 s0, $0x1  }
0x37: {  	s20 =	sand.u32 @!p1 s20, s16;
	s2 =	simm.s32 @p2 $0x1298;
	s0 =	smul.u32 @!p1 $0x3, s0  }
0x38: {  	s2 =	ssub.s32 @!p1 s2, s20  }
0x39: {  	s2 =	sadd.s32 @!p1 $0xFFFFED68, s2;
	s0 =	ssub.s32 @!p1 s18, s0  }
0x3a: {  	s20 =	sshll.u32 @!p1 s2, $0x2;
	p2 =	sgt.s32 @!p1 s2, $0xEF;
	s0 =	smul.u32 @!p1 $0x3C0, s0  }
0x3b: {  	s21 =	sand.u32 @!p1 $0x7, s16;
	s2 =	ssub.s32 @!p1 $0x3C0, s20;
	p2 =	por !p2, p1  }
0x3c: {  	s20 =	sshrl.u32 @!p1 s16, $0x3;
	s2 =	sshrl.u32 @!p1 s2, $0x2;
	s0 =	sshrl.u32 @!p1 s0, $0x2  }
0x3d: {  	s20 =	sadd.s32 @!p1 s5, s20;
	s2 =	simm.s32 @!p2 $0x0;
	s0 =	sadd.s32 @!p1 $0x10238, s0  }
0x3e: {  	[tilespmem:s0], [sflag:$0x8] =	stream.linear.gather @!p1 [hbm4b:s20+s21], s2, $0x38;
	[tilespmem:$0x1F6E8] =	vst v63  }
0x3f: {  	s0 =	sadd.s32 $0xFFFFFFFF, s18  }
0x40: {  	p1 =	sge.u32 s0, s12  }
0x41: {  	p2 =	sgt.s32 @!p1 s17, $0x1298  }
0x42: {  	s2 =	smov.u32 s17;
	s20 =	sshra.s32 @!p1 s17, $0x1F;
	p2 =	por !p2, p1  }
0x43: {  	s20 =	sand.u32 @!p1 s20, s17;
	s2 =	simm.s32 @p2 $0x1298  }
0x44: {  	s2 =	ssub.s32 @!p1 s2, s20  }
0x45: {  	s2 =	sadd.s32 @!p1 $0xFFFFED68, s2  }
0x46: {  	s21 =	sand.u32 @!p1 $0x1, s0;
	s20 =	sshll.u32 @!p1 s2, $0x2  }
0x47: {  	p2 =	sgt.s32 @!p1 s2, $0xEF;
	s2 =	ssub.s32 @!p1 $0x3C0, s20;
	s20 =	smulhi.u32 @!p1 $0xAAAAAAAB, s0  }
0x48: {  	s23 =	smul.u32 @!p1 $0x3C0, s21;
	p2 =	por !p2, p1;
	s2 =	sshrl.u32 @!p1 s2, $0x2  }
0x49: {  	s22 =	simm.s32 @!p1 $0x8;
	s2 =	simm.s32 @!p2 $0x0;
	s20 =	sshrl.u32 @!p1 s20, $0x1  }
0x4a: {  	s23 =	sshrl.u32 @!p1 s23, $0x2;
	_ =	swait.ge @!p1 [sflag:s22], s2;
	s20 =	smul.u32 @!p1 $0x3, s20  }
0x4b: {  	s23 =	sor.u32 @!p1 $0x10508, s23;
	s24 =	ssub.s32 @!p1 $0x0, s2;
	[sflag:s22] =	ssyncset.done @!p1 $0x0  }
0x4c: {  	[sflag:s22] =	ssyncadd.s32 @!p1 s24;
	s22 =	sshrl.u32 @!p1 s17, $0x3;
	s0 =	ssub.s32 @!p1 s0, s20  }
0x4d: {  	s24 =	sand.u32 @!p1 $0x7, s17;
	s22 =	sadd.s32 @!p1 s4, s22;
	s0 =	smul.u32 @!p1 $0x3C0, s0  }
0x4e: {  	[tilespmem:s23], [sflag:$0x9] =	stream.linear.gather @!p1 [hbm4b:s22+s24], s2, $0x38;
	[tilespmem:$0x1F6E8] =	vst v63  }
0x4f: {  	s20 =	ssub.s32 @!p1 $0x1388, s17;
	s2 =	smul.u32 @!p1 $0x1E000, s21  }
0x50: {  	p2 =	slt.s32 @!p1 s20, $0xF0  }
0x51: {  	p2 =	por !p2, p1;
	s0 =	sshrl.u32 @!p1 s0, $0x2;
	s2 =	sshrl.u32 @!p1 s2, $0x2  }
0x52: {  	s20 =	simm.s32 @p2 $0xF0;
	s0 =	sadd.s32 @!p1 $0x10238, s0;
	s2 =	sor.u32 @!p1 $0x106E8, s2  }
0x53: {  	[tilespmem:s2], [sflag:$0x7] =	stream.indirect.gather @!p1 [hbm4b:s29+s20], $0x80, s0, s20, $0xb8;
	[tilespmem:$0x1F6E8] =	vst v63  }
0x54: {  	p1 =	slt.u32 s18, $0x2  }
.Ltmp3:
0x55: {  	_ = 	snop;
	(pc) =	sbr.rel @p1 .LBB2_21-.Ltmp3, $1  }
0x56: {  	_ =	sdelay $0x3  }
0x57: {  	p1 =	sgt.s32 s19, $0x1298;
	s0 =	smov.u32 s19  }
0x58: {  	s2 =	sshra.s32 s19, $0x1F;
	s21 =	ssub.s32 $0x1388, s19;
	s0 =	simm.s32 @!p1 $0x1298  }
0x59: {  	s2 =	sand.u32 s2, s19;
	p1 =	slt.s32 s21, $0xF0;
	s20 =	smov.u32 s21  }
0x5a: {  	s0 =	ssub.s32 s0, s2;
	s20 =	simm.s32 @!p1 $0xF0  }
0x5b: {  	s0 =	sadd.s32 $0xFFFFED68, s0;
	s26 =	sshll.u32 s20, $0x7  }
0x5c: {  	s28 =	sshll.u32 s0, $0x2;
	s2 =	sand.u32 $0x3FFFFF80, s26  }
0x5d: {  	p1 =	sgt.s32 s0, $0xEF;
	s30 =	ssub.s32 $0x3C0, s28;
	_ =	swait.ge [sflag:s9], s2  }
0x5e: {  	s2 =	ssub.s32 $0x0, s2;
	[sflag:s9] =	ssyncset.done $0x0;
	s0 =	sshrl.u32 s30, $0x2  }
0x5f: {  	[sflag:s9] =	ssyncadd.s32 s2;
	s0 =	simm.s32 @p1 $0x0  }
0x60: {  	_ =	swait.ge [sflag:s10], s0  }
0x61: {  	s0 =	ssub.s32 $0x0, s0;
	[sflag:s10] =	ssyncset.done $0x0  }
0x62: {  	[sflag:s10] =	ssyncadd.s32 s0  }
0x63: {  	v1 =	vld [tilespmem:$0xF208];
	_ =	sdelay $0x4  }
0x64: {  	(v2sf) =	vpush v1, $0x0  }
0x65: {  	(v2sf) =	vpush v1, $0x1  }
0x66: {  	(v2sf) =	vpush v1, $0x2;
	_ =	sdelay $0x3  }
0x67: {  	s0 =	sadd.s32 $0xF0, s19  }
0x68: {  	p1 =	slt.s32 s7, s0  }
0x69: {  	s0 =	smov.u32 @p1 s7;
	p1 =	sgt.s32 s21, $0x0  }
0x6a: {  	s20 =	ssub.s32 s0, s19;
	s21 =	simm.s32 @!p1 $0x0  }
0x6b: {  	p1 =	slt.s32 s21, s20  }
0x6c: {  	s20 =	smov.u32 @p1 s21  }
0x6d: {  	s23 =	simm.s32 $0x1;
	p1 =	slt.s32 s20, $0x1  }
.Ltmp4:
0x6e: {  	s23 =	simm.s32 @!p0 $0x0;
	(pc) =	sbr.rel @p1 .LBB2_8-.Ltmp4, $4  }
0x6f: {  	s31 =	smul.u32 $0x3C0, s23  }
0x70: {  	s24 =	spop (v2sf)  }
0x71: {  	s0 =	sshrl.u32 s31, $0x2;
	s26 =	spop (v2sf)  }
0x72: {  	s21 =	sor.u32 $0x10508, s0;
	s19 =	spop (v2sf)  }
0x73: {  	s0 =	smin.u32 s20, $0x10  }
0x74: {  	v1 =	vmov s0  }
0x75: {  	p2 =	sgt.s32 s20, $0x10;
	vm1 =	vgt.u32 v1, v0  }
.Ltmp5:
0x76: {  	_ = 	snop;
	(pc) =	sbr.rel @!p2 .LBB2_7-.Ltmp5, $2  }
0x77: {  	_ =	sdelay $0x2  }
0x78: {  	s25 =	simm.s32 $0x10;
	s28 =	sadd.s32 $0xFFFFFFF0, s20;
	s22 =	smov.u32 s21;
	vm0 =	vmmov vm1  }
.LBB2_6:
0x79: {  	s0 =	smin.u32 s28, $0x10;
	s25 =	sadd.s32 $0x10, s25;
	v1 =	vld.msk [tilespmem:s22+$0x0 ss:$0x1], vm1  }
0x7a: {  	v2 =	vmov s0;
	p2 =	slt.s32 s25, s20  }
0x7b: {  	vm1 =	vgt.u32 v2, v0  }
.Ltmp6:
0x7c: {  	(pc) =	sbr.rel @p2 .LBB2_6-.Ltmp6, $3  }
0x7d: {  	_ =	sdelay $0x1  }
0x7e: {  	v1 =	vshll.u32 v1, $0x4  }
0x7f: {  	s28 =	sadd.s32 $0xFFFFFFF0, s28;
	[tilespmem:s22+$0x0] =	vst.msk vm0, v1;
	s22 =	sadd.s32 $0x10, s22;
	vm0 =	vmmov vm1  }
.LBB2_7:
0x80: {  	_ =	sdelay $0x4  }
0x81: {  	v1 =	vld.msk [tilespmem:s22+$0x0 ss:$0x1], vm1;
	_ =	sdelay $0x4  }
0x82: {  	v1 =	vshll.u32 v1, $0x4  }
0x83: {  	[tilespmem:s22+$0x0] =	vst.msk vm0, v1  }
.LBB2_8:
0x84: {  	s0 =	sand.u32 $0x1, s18  }
0x85: {  	s0 =	smul.u32 $0xF0, s0  }
0x86: {  	p2 =	sne.s32 s26, $0xFFFFFFFF  }
0x87: {  	v1 =	vld.msk @!p2 [tilespmem:s0+$0x10508], $0x1;
	_ =	sdelay $0x4  }
0x88: {  	(v2sf) =	vpush @!p2 v1, $0x0;
	_ =	sdelay $0xc  }
.Ltmp7:
0x89: {  	_ = 	snop;
	(pc) =	sbr.rel @p1 .LBB2_19-.Ltmp7, $4  }
0x8a: {  	_ = 	snop  }
0x8b: {  	s25 =	spop @!p2 (v2sf)  }
0x8c: {  	s19 =	simm.s32 @!p2 $0x0;
	s22 =	smov.u32 s25  }
0x8d: {  	[sflag:s15] =	ssyncpa.u1 $0x0;
	s25 =	smov.u32 @p2 s24;
	s22 =	smov.u32 @p2 s26  }
0x8e: {  	v1 =	vld.msk [tilespmem:s21+$0x0], $0x1;
	_ =	sdelay $0x4  }
0x8f: {  	(v2sf) =	vpush v1, $0x0;
	_ =	sdelay $0xe  }
0x90: {  	s8 =	smov.u32 s29;
	s0 =	smul.u32 $0x1E000, s23;
	s29 =	spop (v2sf)  }
0x91: {  	p1 =	seq.s32 s25, s29  }
0x92: {  	s26 =	sadd.s32 $0xFFFFFFFF, s20;
	s0 =	sshrl.u32 s0, $0x2;
	p2 =	sgt.s32 @!p1 s25, $0x0  }
0x93: {  	s23 =	sor.u32 $0x10728, s0;
	s0 =	smov.u32 s25;
	p2 =	por !p2, p1  }
0x94: {  	s0 =	simm.s32 @p2 $0x0;
	p2 =	sne.s32 s26, $0x0  }
.Ltmp8:
0x95: {  	_ = 	snop;
	(pc) =	sbr.rel @!p2 .LBB2_11-.Ltmp8, $4  }
0x96: {  	_ = 	snop  }
0x97: {  	s24 =	simm.s32 $0x0;
	s28 =	sadd.s32 $0x1, s21;
	s0 =	smin.u32 @!p1 s0, $0x270F0  }
0x98: {  	s30 =	simm.s32 @!p1 $0x1;
	s31 =	simm.s32 @!p1 $0x7988;
	s2 =	sand.u32 @!p1 $0x3FFF8, s0  }
0x99: {  	s30 =	smov.u32 @p1 s24;
	s0 =	sand.u32 @!p1 $0x7, s0;
	s2 =	sadd.s32 @!p1 s1, s2  }
.LBB2_10:
0x9a: {  	s3 =	smov.u32 s30  }
0x9b: {  	[tilespmem:s31], [sflag:$0x2] =	stream.linear.gather @!p1 [hbm4b:s2+s0], $0x80, $0x38;
	[tilespmem:$0x1F6E8] =	vst v63  }
0x9c: {  	s26 =	sadd.s32 $0xFFFFFFFF, s26;
	s0 =	smov.u32 s29;
	v1 =	vld.msk [tilespmem:s28+$0x0], $0x1  }
0x9d: {  	p2 =	sne.s32 s26, $0x0;
	_ =	sdelay $0x3  }
0x9e: {  	(v2sf) =	vpush v1, $0x0;
	_ =	sdelay $0xe  }
0x9f: {  	s29 =	spop (v2sf)  }
0xa0: {  	p1 =	seq.s32 s0, s29  }
0xa1: {  	p3 =	sgt.s32 @!p1 s0, $0x0;
	s2 =	sshll.u32 @!p1 s30, $0x9;
	s30 =	sadd.s32 @!p1 $0x1, s30  }
.Ltmp9:
0xa2: {  	p3 =	por !p3, p1;
	s2 =	sshra.s32 @!p1 s2, $0x2;
	(pc) =	sbr.rel @p2 .LBB2_10-.Ltmp9, $4  }
0xa3: {  	s30 =	smov.u32 @p1 s3;
	s0 =	simm.s32 @p3 $0x0;
	s31 =	sadd.s32 @!p1 $0x7988, s2  }
0xa4: {  	s0 =	smin.u32 @!p1 s0, $0x270F0  }
0xa5: {  	s2 =	sand.u32 @!p1 $0x3FFF8, s0;
	s0 =	sand.u32 @!p1 $0x7, s0  }
0xa6: {  	s28 =	sadd.s32 $0x1, s28;
	s2 =	sadd.s32 @!p1 s1, s2  }
.LBB2_11:
0xa7: {  	[tilespmem:s31], [sflag:$0x2] =	stream.linear.gather @!p1 [hbm4b:s2+s0], $0x80, $0x38;
	[tilespmem:$0x1F6E8] =	vst v63  }
.Ltmp10:
0xa8: {  	s30 =	sshll.u32 s30, $0x7;
	(pc) =	sbr.rel .LBB2_12-.Ltmp10, $4  }
0xa9: {  	s31 =	simm.s32 $0x2;
	s0 =	sand.u32 $0x3FFFFF80, s30  }
0xaa: {  	_ =	swait.ge [sflag:s31], s0  }
0xab: {  	s0 =	ssub.s32 $0x0, s0;
	[sflag:s31] =	ssyncset.done $0x0  }
0xac: {  	s28 =	simm.s32 $0x0;
	s29 =	smov.u32 s8;
	[sflag:s31] =	ssyncadd.s32 s0  }
.LBB2_13:
0xad: {  	v1 =	vld [tilespmem:s23+$0xFFFFFFC0];
	_ =	sdelay $0x3  }
0xae: {  	s0 =	sshra.s32 s0, $0x2  }
0xaf: {  	[tilespmem:s0+$0x108] =	vst.add.f32.msk $0xffff, v1  }
0xb0: {  	v1 =	vld [tilespmem:s23+$0xFFFFFFD0];
	_ =	sdelay $0x4  }
0xb1: {  	[tilespmem:s0+$0x118] =	vst.add.f32.msk $0xffff, v1  }
0xb2: {  	v1 =	vld [tilespmem:s23+$0xFFFFFFE0];
	_ =	sdelay $0x4  }
0xb3: {  	[tilespmem:s0+$0x128] =	vst.add.f32.msk $0xffff, v1  }
0xb4: {  	v1 =	vld [tilespmem:s23+$0xFFFFFFF0];
	_ =	sdelay $0x4  }
0xb5: {  	[tilespmem:s0+$0x138] =	vst.add.f32.msk $0xffff, v1  }
0xb6: {  	v1 =	vld [tilespmem:s23+$0x0];
	_ =	sdelay $0x4  }
0xb7: {  	[tilespmem:s0+$0x148] =	vst.add.f32.msk $0xffff, v1  }
0xb8: {  	v1 =	vld [tilespmem:s23+$0x10];
	_ =	sdelay $0x4  }
0xb9: {  	[tilespmem:s0+$0x158] =	vst.add.f32.msk $0xffff, v1  }
0xba: {  	v1 =	vld [tilespmem:s23+$0x20];
	_ =	sdelay $0x4  }
0xbb: {  	[tilespmem:s0+$0x168] =	vst.add.f32.msk $0xffff, v1  }
0xbc: {  	v1 =	vld [tilespmem:s23+$0x30];
	_ =	sdelay $0x4  }
0xbd: {  	[tilespmem:s0+$0x178] =	vst.add.f32.msk $0xffff, v1  }
.LBB2_17:
0xbe: {  	s20 =	sadd.s32 $0xFFFFFFFF, s20  }
0xbf: {  	p1 =	sne.s32 s20, $0x0  }
.Ltmp11:
0xc0: {  	_ = 	snop;
	(pc) =	sbr.rel @!p1 .LBB2_18-.Ltmp11, $2  }
0xc1: {  	_ =	sdelay $0x2  }
0xc2: {  	s21 =	sadd.s32 $0x1, s21;
	s23 =	sadd.s32 $0x80, s23;
	s25 =	smov.u32 s26  }
.LBB2_12:
0xc3: {  	v1 =	vld.msk [tilespmem:s21+$0x0], $0x1;
	_ =	sdelay $0x4  }
0xc4: {  	(v2sf) =	vpush v1, $0x0;
	_ =	sdelay $0xe  }
0xc5: {  	s26 =	spop (v2sf)  }
0xc6: {  	p1 =	sne.s32 s25, s26  }
.Ltmp12:
0xc7: {  	_ = 	snop;
	(pc) =	sbr.rel @!p1 .LBB2_13-.Ltmp12, $2  }
0xc8: {  	_ =	sdelay $0x2  }
0xc9: {  	s0 =	sshll.u32 s19, $0x9  }
0xca: {  	p1 =	seq.s32 s25, s22  }
.Ltmp13:
0xcb: {  	_ = 	snop;
	(pc) =	sbr.rel @!p1 .LBB2_15-.Ltmp13, $1  }
0xcc: {  	_ =	sdelay $0x3  }
0xcd: {  	s0 =	sshra.s32 s0, $0x2  }
.Ltmp14:
0xce: {  	s0 =	sadd.s32 $0x108, s0;
	(pc) =	sbr.rel .LBB2_16-.Ltmp14, $4  }
0xcf: {  	[spmem:s13] =	stream.linear.scatter [tilespmem:s0], [sflag:$0x1], $0x80, $0x38;
	[tilespmem:$0x1F6E8] =	vst v63  }
0xd0: {  	_ =	swait.ge [sflag:s11], $0x80  }
0xd1: {  	[sflag:s11] =	ssyncset.done $0x0  }
0xd2: {  	[sflag:s11] =	ssyncadd.s32 $0xFFFFFF80  }
.LBB2_15:
0xd3: {  	s2 =	sshll.u32 s24, $0x9  }
0xd4: {  	s2 =	sshra.s32 s2, $0x2  }
0xd5: {  	v1 =	vld [tilespmem:s2+$0x7988];
	_ =	sdelay $0x3  }
0xd6: {  	s0 =	sshra.s32 s0, $0x2  }
0xd7: {  	[tilespmem:s0+$0x108] =	vst.add.f32.msk $0xffff, v1  }
0xd8: {  	v1 =	vld [tilespmem:s2+$0x7998];
	_ =	sdelay $0x4  }
0xd9: {  	[tilespmem:s0+$0x118] =	vst.add.f32.msk $0xffff, v1  }
0xda: {  	v1 =	vld [tilespmem:s2+$0x79A8];
	_ =	sdelay $0x4  }
0xdb: {  	[tilespmem:s0+$0x128] =	vst.add.f32.msk $0xffff, v1  }
0xdc: {  	v1 =	vld [tilespmem:s2+$0x79B8];
	_ =	sdelay $0x4  }
0xdd: {  	[tilespmem:s0+$0x138] =	vst.add.f32.msk $0xffff, v1  }
0xde: {  	v1 =	vld [tilespmem:s2+$0x79C8];
	_ =	sdelay $0x4  }
0xdf: {  	[tilespmem:s0+$0x148] =	vst.add.f32.msk $0xffff, v1  }
0xe0: {  	v1 =	vld [tilespmem:s2+$0x79D8];
	_ =	sdelay $0x4  }
0xe1: {  	[tilespmem:s0+$0x158] =	vst.add.f32.msk $0xffff, v1  }
0xe2: {  	v1 =	vld [tilespmem:s2+$0x79E8];
	_ =	sdelay $0x4  }
0xe3: {  	[tilespmem:s0+$0x168] =	vst.add.f32.msk $0xffff, v1  }
0xe4: {  	v1 =	vld [tilespmem:s2+$0x79F8];
	_ =	sdelay $0x2  }
0xe5: {  	p1 =	sgt.u32 s25, $0x270F0  }
0xe6: {  	s2 =	sand.u32 @!p1 $0x3FFF8, s25  }
0xe7: {  	s3 =	sadd.s32 $0x108, s0;
	[tilespmem:s0+$0x178] =	vst.add.f32.msk $0xffff, v1;
	s0 =	sadd.s32 @!p1 s1, s2;
	s2 =	sand.u32 @!p1 $0x7, s25  }
0xe8: {  	[hbm4b:s0+s2] =	stream.linear.scatter @!p1 [tilespmem:s3], [sflag:$0xA], $0x80, $0x38;
	[tilespmem:$0x1F6E8] =	vst v63  }
0xe9: {  	s0 =	simm.s32 $0x0  }
0xea: {  	s0 =	simm.s32 @!p1 $0x200  }
0xeb: {  	s28 =	sadd.s32 s0, s28  }
.LBB2_16:
0xec: {  	s0 =	sadd.s32 $0x1, s19  }
0xed: {  	s2 =	smulhi.u32 $0x88888889, s0;
	_ =	sdelay $0x1  }
0xee: {  	v1 =	vld [tilespmem:s23+$0xFFFFFFC0];
	s2 =	sshrl.u32 s2, $0x7  }
0xef: {  	s2 =	smul.u32 $0xF0, s2;
	_ =	sdelay $0x1  }
0xf0: {  	s19 =	ssub.s32 s0, s2  }
0xf1: {  	s0 =	sshll.u32 s19, $0x7  }
0xf2: {  	[tilespmem:s0+$0x108] =	vst v1  }
0xf3: {  	v1 =	vld [tilespmem:s23+$0xFFFFFFD0];
	_ =	sdelay $0x4  }
0xf4: {  	[tilespmem:s0+$0x118] =	vst v1  }
0xf5: {  	v1 =	vld [tilespmem:s23+$0xFFFFFFE0];
	_ =	sdelay $0x4  }
0xf6: {  	[tilespmem:s0+$0x128] =	vst v1  }
0xf7: {  	v1 =	vld [tilespmem:s23+$0xFFFFFFF0];
	_ =	sdelay $0x4  }
0xf8: {  	[tilespmem:s0+$0x138] =	vst v1  }
0xf9: {  	v1 =	vld [tilespmem:s23+$0x0];
	_ =	sdelay $0x4  }
0xfa: {  	[tilespmem:s0+$0x148] =	vst v1  }
0xfb: {  	v1 =	vld [tilespmem:s23+$0x10];
	_ =	sdelay $0x4  }
0xfc: {  	[tilespmem:s0+$0x158] =	vst v1  }
0xfd: {  	v1 =	vld [tilespmem:s23+$0x20];
	_ =	sdelay $0x4  }
0xfe: {  	[tilespmem:s0+$0x168] =	vst v1  }
0xff: {  	v1 =	vld [tilespmem:s23+$0x30]  }
.Ltmp15:
0x100: {  	_ = 	snop;
	(pc) =	sbr.rel .LBB2_17-.Ltmp15, $2  }
0x101: {  	_ =	sdelay $0x2  }
0x102: {  	s24 =	sadd.s32 $0x1, s24;
	[tilespmem:s0+$0x178] =	vst v1  }
.LBB2_19:
.Ltmp16:
0x103: {  	(pc) =	sbr.rel .LBB2_20-.Ltmp16, $4  }
0x104: {  	_ = 	snop  }
0x105: {  	s0 =	simm.s32 $0x2  }
0x106: {  	_ =	swait.ge [sflag:s0], $0x0  }
0x107: {  	s26 =	smov.u32 s25;
	[sflag:s0] =	ssyncset.done $0x0;
	s0 =	simm.s32 $0x0  }
.LBB2_22:
0x108: {  	_ =	sfence.sel $0x180000  }
0x109: {  	s0 =	simm.s32 $0x7;
	[bflag:$0x0] =	sbarrier.arrive $0xFFFF  }
0x10a: {  	s25 =	simm.s32 $0x8;
	[sflag:s0] =	ssyncpa.u1 $0x1  }
0x10b: {  	s26 =	simm.s32 $0x9;
	[sflag:s25] =	ssyncpa.u1 $0x1  }
0x10c: {  	s28 =	simm.s32 $0x2;
	[sflag:s26] =	ssyncpa.u1 $0x1  }
0x10d: {  	[sflag:s28] =	ssyncpa.u1 $0x1  }
0x10e: {  	v0 =	vld [tilespmem:$0xF208];
	_ =	sdelay $0x4  }
0x10f: {  	(v2sf) =	vpush v0, $0x0  }
0x110: {  	(v2sf) =	vpush v0, $0x1;
	_ =	sdelay $0x1  }
0x111: {  	(v2sf) =	vpush v0, $0x2;
	_ =	sdelay $0xb  }
0x112: {  	s0 =	spop (v2sf)  }
0x113: {  	s2 =	spop (v2sf)  }
0x114: {  	s3 =	smov.u32 s0;
	p0 =	sne.s32 s0, s2  }
0x115: {  	s4 =	spop (v2sf);
	s3 =	simm.s32 @!p0 $0xFFFFFFFF  }
0x116: {  	v2 =	vimm.s32 $0x1;
	v3 =	vlaneseq.u32;
	p0 =	seq.s32 s4, $0xFFFFFFFF;
	v1 =	vmov s3  }
0x117: {  	s7 =	stileid.u32;
	v0 =	vperm.xlane v0, v2;
	p1 =	sne.s32 @!p0 s0, s2;
	v1 =	vperm.xlane v1, v3  }
0x118: {  	vm0 =	vcmask $0x3F04;
	s6 =	simm.s32 $0xF208;
	s0 =	simm.s32 @!p0 $0x1;
	p1 =	por !p1, p0  }
0x119: {  	s3 =	sshll.u32 s7, $0x1;
	s2 =	sshll.u32 @!p0 s4, $0x9;
	s0 =	simm.s32 @p1 $0x0;
	v0 =	vsel vm0, v1, v0  }
0x11a: {  	s5 =	sor.u32 $0x1000, s3;
	s2 =	sshra.s32 @!p0 s2, $0x2;
	s0 =	sor.u32 @!p0 s0, s3;
	[tilespmem:$0xF208] =	vst v0  }
0x11b: {  	[spmem:s5] =	stream.linear.scatter [tilespmem:s6], [sflag:$0x1], $0x2, $0x38;
	[tilespmem:$0x1F6E8] =	vst v63  }
0x11c: {  	s2 =	sadd.s32 @!p0 $0x108, s2;
	s0 =	sshll.u32 @!p0 s0, $0x7  }
0x11d: {  	[spmem:s0] =	stream.linear.scatter @!p0 [tilespmem:s2], [sflag:$0x1], $0x80, $0x38;
	[tilespmem:$0x1F6E8] =	vst v63  }
0x11e: {  	s0 =	simm.s32 @!p0 $0x82  }
0x11f: {  	s3 =	simm.s32 $0x1;
	s0 =	simm.s32 @p0 $0x2  }
0x120: {  	_ =	swait.ge [sflag:s3], s0  }
0x121: {  	s0 =	ssub.s32 $0x0, s0;
	[sflag:s3] =	ssyncset.done $0x0  }
0x122: {  	[sflag:s3] =	ssyncadd.s32 s0  }
0x123: {  	_ =	sfence.stream.spmem  }
0x124: {  	s29 =	simm.s32 $0x3;
	[bflag:$0x0] =	sbarrier.arrive $0xFFFF  }
0x125: {  	s30 =	simm.s32 $0x4;
	[sflag:s29] =	ssyncpa.u1 $0x1  }
0x126: {  	s31 =	simm.s32 $0x3C;
	[sflag:s30] =	ssyncpa.u1 $0x1  }
0x127: {  	p0 =	sne.s32 s7, $0x0;
	[sflag:s31] =	ssyncpa.u1 $0x1  }
0x128: {  	_ =	sfence @p0  }
0x129: {  	[sflag:s3] =	ssyncpa.u1 @p0 $0x1  }
0x12a: {  	_ =	strace @p0 $0x9000005F  }
0x12b: {  	[bflag:$0x2] =	sbarrier.arrive @p0 $0xFFFF  }
0x12c: {  	_ =	shalt @p0  }
.LBB2_23:
0x12d: {  	_ =	sfence.stream.spmem;
	s0 =	simm.s32 $0x5  }
0x12e: {  	s2 =	simm.s32 $0x1000;
	s3 =	simm.s32 $0xF218;
	[sflag:s0] =	ssyncpa.u1 $0x0  }
0x12f: {  	[tilespmem:s3], [sflag:$0x5] =	stream.linear.gather [spmem:s2], $0x20, $0x38;
	[tilespmem:$0x1F6E8] =	vst v63  }
0x130: {  	s30 =	simm.s32 $0xF238;
	s2 =	simm.s32 $0x0  }
0x131: {  	[tilespmem:s30], [sflag:$0x5] =	stream.linear.gather [spmem:s2], $0x1000, $0x38;
	[tilespmem:$0x1F6E8] =	vst v63  }
.Ltmp17:
0x132: {  	_ = 	snop;
	(pc) =	sbr.rel .LBB2_24-.Ltmp17, $4  }
0x133: {  	_ =	swait.ge [sflag:s0], $0x1020  }
0x134: {  	[sflag:s0] =	ssyncset.done $0x0  }
0x135: {  	s31 =	simm.s32 $0x6;
	[sflag:s0] =	ssyncadd.s32 $0xFFFFEFE0  }
0x136: {  	s3 =	simm.s32 $0x0;
	[sflag:s31] =	ssyncpa.u1 $0x0  }
.LBB2_30:
0x137: {  	p0 =	slt.u32 s4, $0x270F1  }
0x138: {  	s0 =	sand.u32 @p0 $0x3FFF8, s4  }
0x139: {  	s4 =	sand.u32 @p0 $0x7, s4;
	s5 =	simm.s32 @p0 $0xF188;
	s0 =	sadd.s32 @p0 s1, s0  }
0x13a: {  	[tilespmem:s5], [sflag:$0x6] =	stream.linear.gather @p0 [hbm4b:s0+s4], $0x80, $0x38;
	[tilespmem:$0x1F6E8] =	vst v63  }
0x13b: {  	s0 =	simm.s32 @p0 $0x6  }
0x13c: {  	_ =	swait.ge @p0 [sflag:s0], $0x80  }
0x13d: {  	[sflag:s0] =	ssyncset.done @p0 $0x0  }
0x13e: {  	[sflag:s0] =	ssyncadd.s32 @p0 $0xFFFFFF80  }
0x13f: {  	v1 =	vld @p0 [tilespmem:$0xF188];
	_ =	sdelay $0x2  }
0x140: {  	s0 =	sshll.u32 @p0 s3, $0x9  }
0x141: {  	s4 =	sshrl.u32 @p0 s0, $0x2  }
0x142: {  	[tilespmem:s4+$0xF238] =	vst.add.f32.msk @p0 $0xffff, v1  }
0x143: {  	v1 =	vld @p0 [tilespmem:$0xF198];
	_ =	sdelay $0x4  }
0x144: {  	[tilespmem:s4+$0xF248] =	vst.add.f32.msk @p0 $0xffff, v1  }
0x145: {  	v1 =	vld @p0 [tilespmem:$0xF1A8];
	_ =	sdelay $0x4  }
0x146: {  	[tilespmem:s4+$0xF258] =	vst.add.f32.msk @p0 $0xffff, v1  }
0x147: {  	v1 =	vld @p0 [tilespmem:$0xF1B8];
	_ =	sdelay $0x4  }
0x148: {  	[tilespmem:s4+$0xF268] =	vst.add.f32.msk @p0 $0xffff, v1  }
0x149: {  	v1 =	vld @p0 [tilespmem:$0xF1C8];
	_ =	sdelay $0x4  }
0x14a: {  	[tilespmem:s4+$0xF278] =	vst.add.f32.msk @p0 $0xffff, v1  }
0x14b: {  	v1 =	vld @p0 [tilespmem:$0xF1D8];
	_ =	sdelay $0x4  }
0x14c: {  	[tilespmem:s4+$0xF288] =	vst.add.f32.msk @p0 $0xffff, v1  }
0x14d: {  	v1 =	vld @p0 [tilespmem:$0xF1E8];
	_ =	sdelay $0x4  }
0x14e: {  	[tilespmem:s4+$0xF298] =	vst.add.f32.msk @p0 $0xffff, v1  }
0x14f: {  	v1 =	vld @p0 [tilespmem:$0xF1F8];
	_ =	sdelay $0x3  }
0x150: {  	s5 =	sshll.u32 @!p0 s3, $0x9  }
0x151: {  	s5 =	smov.u32 @p0 s0;
	[tilespmem:s4+$0xF2A8] =	vst.add.f32.msk @p0 $0xffff, v1  }
0x152: {  	s0 =	sshrl.u32 s5, $0x2;
	[tilespmem:s2+$0xF218] =	vst.msk $0x1, v0  }
0x153: {  	v0 =	vld [tilespmem:s0+$0xF238];
	_ =	sdelay $0x2  }
0x154: {  	s31 =	sshll.u32 s2, $0x9  }
0x155: {  	s4 =	sshra.s32 s31, $0x2  }
0x156: {  	[tilespmem:s4+$0xF238] =	vst v0  }
0x157: {  	v0 =	vld [tilespmem:s0+$0xF248];
	_ =	sdelay $0x4  }
0x158: {  	[tilespmem:s4+$0xF248] =	vst v0  }
0x159: {  	v0 =	vld [tilespmem:s0+$0xF258];
	_ =	sdelay $0x4  }
0x15a: {  	[tilespmem:s4+$0xF258] =	vst v0  }
0x15b: {  	v0 =	vld [tilespmem:s0+$0xF268];
	_ =	sdelay $0x4  }
0x15c: {  	[tilespmem:s4+$0xF268] =	vst v0  }
0x15d: {  	v0 =	vld [tilespmem:s0+$0xF278];
	_ =	sdelay $0x4  }
0x15e: {  	[tilespmem:s4+$0xF278] =	vst v0  }
0x15f: {  	v0 =	vld [tilespmem:s0+$0xF288];
	_ =	sdelay $0x4  }
0x160: {  	[tilespmem:s4+$0xF288] =	vst v0  }
0x161: {  	v0 =	vld [tilespmem:s0+$0xF298];
	_ =	sdelay $0x4  }
0x162: {  	[tilespmem:s4+$0xF298] =	vst v0  }
0x163: {  	v0 =	vld [tilespmem:s0+$0xF2A8];
	_ =	sdelay $0x4  }
0x164: {  	s2 =	sadd.s32 $0x1, s2;
	[tilespmem:s4+$0xF2A8] =	vst v0  }
.LBB2_31:
0x165: {  	s3 =	sadd.s32 $0x1, s3  }
0x166: {  	p0 =	sne.s32 s3, $0x20  }
.Ltmp18:
0x167: {  	_ = 	snop;
	(pc) =	sbr.rel @!p0 .LBB2_32-.Ltmp18, $1  }
0x168: {  	_ =	sdelay $0x3  }
.LBB2_24:
0x169: {  	v0 =	vld.msk [tilespmem:s3+$0xF218], $0x1;
	_ =	sdelay $0x4  }
0x16a: {  	(v2sf) =	vpush v0, $0x0;
	_ =	sdelay $0xe  }
0x16b: {  	s4 =	spop (v2sf)  }
0x16c: {  	p0 =	seq.s32 s4, $0xFFFFFFFF  }
.Ltmp19:
0x16d: {  	_ = 	snop;
	(pc) =	sbr.rel @p0 .LBB2_31-.Ltmp19, $1  }
0x16e: {  	_ =	sdelay $0x3  }
0x16f: {  	p0 =	slt.s32 s2, $0x1  }
.Ltmp20:
0x170: {  	_ = 	snop;
	(pc) =	sbr.rel @p0 .LBB2_30-.Ltmp20, $1  }
0x171: {  	_ =	sdelay $0x3  }
0x172: {  	s5 =	simm.s32 $0xF218;
	p0 =	por $0x0, $0x0  }
0x173: {  	v1 =	vld.msk @!p0 [tilespmem:s5+$0x0], $0x1;
	_ =	sdelay $0x4  }
0x174: {  	(v2sf) =	vpush @!p0 v1, $0x0;
	_ =	sdelay $0xd  }
0x175: {  	p2 =	sne.s32 s2, $0x1  }
.Ltmp21:
0x176: {  	s0 =	spop @!p0 (v2sf);
	(pc) =	sbr.rel @!p2 .LBB2_28-.Ltmp21, $4  }
0x177: {  	p1 =	seq.s32 @!p0 s4, s0  }
0x178: {  	s6 =	simm.s32 $0x0;
	p1 =	por !p1, p0  }
0x179: {  	s0 =	simm.s32 $0xFFFFFFFF;
	s6 =	simm.s32 @p1 $0xFFFFFFFF  }
0x17a: {  	s7 =	simm.s32 $0x1;
	s6 =	smov.u32 @p0 s0  }
.LBB2_27:
0x17b: {  	s0 =	smov.u32 s6;
	p0 =	sne.s32 s6, $0xFFFFFFFF  }
0x17c: {  	s5 =	sadd.s32 $0x1, s5;
	s6 =	smov.u32 s7;
	s7 =	sadd.s32 $0x1, s7  }
0x17d: {  	p1 =	sne.s32 s2, s7;
	v1 =	vld.msk @!p0 [tilespmem:s5+$0x0], $0x1;
	_ =	sdelay $0x4  }
0x17e: {  	(v2sf) =	vpush @!p0 v1, $0x0;
	_ =	sdelay $0xe  }
.Ltmp22:
0x17f: {  	s8 =	spop @!p0 (v2sf);
	(pc) =	sbr.rel @p1 .LBB2_27-.Ltmp22, $4  }
0x180: {  	p2 =	seq.s32 @!p0 s4, s8  }
0x181: {  	p2 =	por !p2, p0  }
0x182: {  	s6 =	simm.s32 @p2 $0xFFFFFFFF  }
0x183: {  	s6 =	smov.u32 @p0 s0  }
.LBB2_28:
0x184: {  	p0 =	seq.s32 s6, $0xFFFFFFFF  }
.Ltmp23:
0x185: {  	_ = 	snop;
	(pc) =	sbr.rel @p0 .LBB2_30-.Ltmp23, $1  }
0x186: {  	_ =	sdelay $0x3  }
0x187: {  	s0 =	sshll.u32 s3, $0x7  }
0x188: {  	s0 =	sand.u32 $0x3FFFFF80, s0  }
0x189: {  	v0 =	vld [tilespmem:s0+$0xF238];
	_ =	sdelay $0x2  }
0x18a: {  	s4 =	sshll.u32 s6, $0x9  }
0x18b: {  	s4 =	sshra.s32 s4, $0x2  }
0x18c: {  	[tilespmem:s4+$0xF238] =	vst.add.f32.msk $0xffff, v0  }
0x18d: {  	v0 =	vld [tilespmem:s0+$0xF248];
	_ =	sdelay $0x4  }
0x18e: {  	[tilespmem:s4+$0xF248] =	vst.add.f32.msk $0xffff, v0  }
0x18f: {  	v0 =	vld [tilespmem:s0+$0xF258];
	_ =	sdelay $0x4  }
0x190: {  	[tilespmem:s4+$0xF258] =	vst.add.f32.msk $0xffff, v0  }
0x191: {  	v0 =	vld [tilespmem:s0+$0xF268];
	_ =	sdelay $0x4  }
0x192: {  	[tilespmem:s4+$0xF268] =	vst.add.f32.msk $0xffff, v0  }
0x193: {  	v0 =	vld [tilespmem:s0+$0xF278];
	_ =	sdelay $0x4  }
0x194: {  	[tilespmem:s4+$0xF278] =	vst.add.f32.msk $0xffff, v0  }
0x195: {  	v0 =	vld [tilespmem:s0+$0xF288];
	_ =	sdelay $0x4  }
0x196: {  	[tilespmem:s4+$0xF288] =	vst.add.f32.msk $0xffff, v0  }
0x197: {  	v0 =	vld [tilespmem:s0+$0xF298];
	_ =	sdelay $0x4  }
0x198: {  	[tilespmem:s4+$0xF298] =	vst.add.f32.msk $0xffff, v0  }
0x199: {  	v0 =	vld [tilespmem:s0+$0xF2A8]  }
.Ltmp24:
0x19a: {  	_ = 	snop;
	(pc) =	sbr.rel .LBB2_31-.Ltmp24, $2  }
0x19b: {  	_ =	sdelay $0x2  }
0x19c: {  	[tilespmem:s4+$0xF2A8] =	vst.add.f32.msk $0xffff, v0  }
.LBB2_32:
0x19d: {  	p0 =	slt.s32 s2, $0x1  }
.Ltmp25:
0x19e: {  	_ = 	snop;
	(pc) =	sbr.rel @p0 .LBB2_36-.Ltmp25, $3  }
0x19f: {  	_ =	sdelay $0x1  }
0x1a0: {  	s0 =	simm.s32 $0x6  }
0x1a1: {  	s3 =	simm.s32 $0x0;
	[sflag:s0] =	ssyncpa.u1 $0x1  }
0x1a2: {  	s0 =	simm.s32 $0xF218  }
0x1a3: {  	v0 =	vld.msk [tilespmem:s0+$0x0], $0x1;
	_ =	sdelay $0x4  }
0x1a4: {  	(v2sf) =	vpush v0, $0x0;
	_ =	sdelay $0xd  }
0x1a5: {  	s2 =	sadd.s32 $0xFFFFFFFF, s2  }
0x1a6: {  	p1 =	sne.s32 s2, $0x0;
	s0 =	spop (v2sf)  }
.Ltmp26:
0x1a7: {  	p0 =	sgt.u32 s0, $0x270F0;
	(pc) =	sbr.rel @!p1 .LBB2_35-.Ltmp26, $4  }
0x1a8: {  	s4 =	simm.s32 $0xF238;
	s5 =	sand.u32 @!p0 $0x3FFF8, s0  }
0x1a9: {  	s6 =	simm.s32 $0x0;
	s0 =	sand.u32 @!p0 $0x7, s0;
	s5 =	sadd.s32 @!p0 s1, s5  }
0x1aa: {  	[hbm4b:s5+s0] =	stream.linear.scatter @!p0 [tilespmem:s4], [sflag:$0x5], $0x80, $0x38;
	[tilespmem:$0x1F6E8] =	vst v63  }
0x1ab: {  	s6 =	simm.s32 @!p0 $0x200;
	s5 =	simm.s32 $0xF219  }
.LBB2_34:
0x1ac: {  	v0 =	vld.msk [tilespmem:s5+$0x0], $0x1;
	s2 =	sadd.s32 $0xFFFFFFFF, s2;
	s3 =	sadd.s32 s3, s6  }
0x1ad: {  	p0 =	sne.s32 s2, $0x0;
	_ =	sdelay $0x3  }
0x1ae: {  	(v2sf) =	vpush v0, $0x0;
	_ =	sdelay $0xe  }
.Ltmp27:
0x1af: {  	s0 =	spop (v2sf);
	(pc) =	sbr.rel @p0 .LBB2_34-.Ltmp27, $4  }
0x1b0: {  	s6 =	simm.s32 $0x0;
	p1 =	sgt.u32 s0, $0x270F0  }
0x1b1: {  	s4 =	sadd.s32 $0x80, s4;
	s6 =	simm.s32 @!p1 $0x200;
	s7 =	sand.u32 @!p1 $0x3FFF8, s0  }
0x1b2: {  	s5 =	sadd.s32 $0x1, s5;
	s0 =	sand.u32 @!p1 $0x7, s0;
	s7 =	sadd.s32 @!p1 s1, s7  }
0x1b3: {  	[hbm4b:s7+s0] =	stream.linear.scatter @!p1 [tilespmem:s4], [sflag:$0x5], $0x80, $0x38;
	[tilespmem:$0x1F6E8] =	vst v63  }
.LBB2_35:
0x1b4: {  	s0 =	sadd.s32 s3, s6  }
0x1b5: {  	s3 =	sshrl.u32 s0, $0x2  }
.LBB2_36:
0x1b6: {  	s0 =	simm.s32 $0x5  }
0x1b7: {  	_ =	swait.ge [sflag:s0], s3  }
0x1b8: {  	s1 =	ssub.s32 $0x0, s3;
	[sflag:s0] =	ssyncset.done $0x0  }
0x1b9: {  	[sflag:s0] =	ssyncadd.s32 s1  }
0x1ba: {  	[sflag:s0] =	ssyncpa.u1 $0x1  }
0x1bb: {  	s30 =	simm.s32 $0x1;
	_ =	sfence  }
0x1bc: {  	[sflag:s30] =	ssyncpa.u1 $0x1  }
0x1bd: {  	_ =	strace $0x9000005F  }
0x1be: {  	[bflag:$0x2] =	sbarrier.arrive $0xFFFF  }
0x1bf: {  	s31 =	rddreg [dreg:$0x2]  }
0x1c0: {  	s0 =	sadd.s32 $0x100000, s31  }
0x1c1: {  	[sflag:s0] =	ssyncadd.tile.s32 $0x1;
	_ =	shalt  }
.Lfunc_end2:
_tile_overlayer_lowered:
.L_overlay_start_2:
0x1c2: {  	(tag) =	ssettag $0x2  }
0x1c3: {  	s0 =	rddreg [dreg:$0x0];
	s2 =	stileid.u32  }
0x1c4: {  	s1 =	rddreg [dreg:$0x1];
	p0 =	sne.s32 s2, $0x0  }
0x1c5: {  	s3 =	rddreg [dreg:$0x2];
	[bflag:$0x3] =	sbarrier.arrive $0xFFFF;
	s2 =	simm.s32 @!p0 $0x1C01  }
0x1c6: {  	[timem:s3], [sflag:s2] =	dma.local @!p0 [hbm:s0], s1  }
0x1c7: {  	s0 =	simm.s32 @!p0 $0x1  }
0x1c8: {  	_ =	swait.ge @!p0 [sflag:s0], s1  }
0x1c9: {  	s1 =	ssub.s32 @!p0 $0x0, s1;
	[sflag:s0] =	ssyncset.done @!p0 $0x0  }
0x1ca: {  	[sflag:s0] =	ssyncadd.s32 @!p0 s1  }
0x1cb: {  	[bflag:$0x3] =	sbarrier.arrive $0xFFFF  }
0x1cc: {  	_ =	shalt  }

// kernel: scatter_offload_async_start.3
scs
__scs_entry_jumppad:
0x0: {  	(pc) =	sbr.rel $0x88, $3  }
0x1: {  	(tag) =	ssettag $0x0;
	lr =	simm.s32 $0x1  }
0x2: {  	[smem:$0x3F98] =	sst lr;
	_ =	strace $0xD0000000  }
0x3: {  	_ = 	snop  }
0x4: {  	_ = 	snop  }
0x5: {  	_ = 	snop  }
0x6: {  	_ = 	snop  }
0x7: {  	_ = 	snop  }
__scs_overlays_trampoline_lowered:
0x8: {  	[smem:$0x3FA7] =	sst s0  }
0x9: {  	[smem:$0x3FA8] =	sst s1  }
0xa: {  	[smem:$0x3FA9] =	sst s2  }
0xb: {  	[smem:$0x3FAA] =	sst s3  }
0xc: {  	[smem:$0x3FAB] =	sst s4  }
0xd: {  	[smem:$0x3FAC] =	sst s5  }
0xe: {  	[smem:$0x3FAD] =	sst s6  }
0xf: {  	[smem:$0x3FAE] =	sst s7  }
0x10: {  	[smem:$0x3FAF] =	sst s8  }
0x11: {  	[smem:$0x3FB0] =	sst s9;
	s0 =	simm.s32 @!p0 $0x0  }
0x12: {  	s1 =	sld [smem:$0x3F96];
	s0 =	simm.s32 @p0 $0x1  }
0x13: {  	[smem:$0x3FB1] =	sst s0;
	s0 =	simm.s32 @!p1 $0x0  }
0x14: {  	s2 =	sld [smem:$0x3F95];
	s0 =	simm.s32 @p1 $0x1  }
0x15: {  	[smem:$0x3FB2] =	sst s0;
	s0 =	simm.s32 @!p2 $0x0  }
0x16: {  	s3 =	sld [smem:$0x3FDB];
	s0 =	simm.s32 @p2 $0x1  }
0x17: {  	s4 =	simm.s32 $0x1BF5;
	[smem:$0x3FB4] =	sst s0  }
0x18: {  	s0 =	sld [smem:$0x3F97];
	_ =	swait.ge [sflag:s4], $0x0  }
0x19: {  	s7 =	sld [smem:$0x3F98]  }
0x1a: {  	s8 =	sadd.s32 $0xFFFFE003, lr  }
0x1b: {  	s9 =	sadd.s32 $0xFFFFFEF7, lr;
	s5 =	simm.s32 $0xFFFFFFFF;
	p2 =	slt.u32 s8, $0xFFFFF086  }
0x1c: {  	p1 =	slt.u32 s9, $0xF7A;
	s5 =	simm.s32 @!p2 $0x0  }
0x1d: {  	s5 =	simm.s32 @p1 $0x1;
	p0 =	seq.s32 s7, s2  }
0x1e: {  	s7 =	smul.u32 @!p0 $0xF7A, s2;
	p2 =	seq.s32 @!p0 s5, $0x0  }
0x1f: {  	s9 =	smul.u32 $0xF7A, s1;
	s8 =	simm.s32 @!p0 $0x1BF5;
	p2 =	por !p2, p0  }
0x20: {  	[sflag:s8] =	ssyncset.s32 @!p0 $0xFFFFF086;
	s6 =	sadd.s32 @!p0 s3, s7;
	s7 =	simm.s32 @!p0 $0x108  }
0x21: {  	s3 =	sadd.s32 s3, s9;
	s6 =	sadd.s32 @!p0 $0x88, s6;
	s7 =	simm.s32 @p2 $0x1082  }
0x22: {  	[simem:s7], [sflag:s8] =	dma.local @!p0 [hbm:s6], $0xF7A  }
0x23: {  	s9 =	sor.u32 $0xD0000000, s2;
	s6 =	simm.s32 $0x108;
	_ =	swait.ge @!p0 [sflag:s8], $0x0  }
0x24: {  	s3 =	sadd.s32 $0x88, s3;
	s6 =	simm.s32 @!p1 $0x1082;
	[sflag:s4] =	ssyncset.s32 $0xFFFFF086  }
0x25: {  	[simem:s6], [sflag:s4] =	dma.local [hbm:s3], $0xF7A  }
0x26: {  	[smem:$0x3F98] =	sst s1;
	(tag) =	ssettag s2;
	_ =	strace s9  }
0x27: {  	s1 =	sld [smem:$0x3FA8]  }
0x28: {  	s2 =	sld [smem:$0x3FA9]  }
0x29: {  	s4 =	sld [smem:$0x3FAB]  }
0x2a: {  	p0 =	seq.s32 s5, $0x0;
	s5 =	sld [smem:$0x3FAC]  }
0x2b: {  	s6 =	sld [smem:$0x3FAD]  }
0x2c: {  	s7 =	sld [smem:$0x3FAE]  }
0x2d: {  	s3 =	simm.s32 $0x108;
	s8 =	sld [smem:$0x3FAF]  }
0x2e: {  	s3 =	simm.s32 @!p0 $0x1082;
	s9 =	sld [smem:$0x3FB0]  }
0x2f: {  	lr =	sadd.s32 s0, s3;
	s0 =	sld [smem:$0x3FA7]  }
0x30: {  	s3 =	sld [smem:$0x3FAA]  }
0x31: {  	[smem:$0x3FB3] =	sst s10  }
0x32: {  	s10 =	sld [smem:$0x3FB1];
	_ =	sdelay $0x3  }
0x33: {  	p0 =	seq.s32 s10, $0x1;
	s10 =	sld [smem:$0x3FB3];
	_ =	sdelay $0x3  }
0x34: {  	[smem:$0x3FB3] =	sst s10  }
0x35: {  	s10 =	sld [smem:$0x3FB2];
	_ =	sdelay $0x3  }
0x36: {  	p1 =	seq.s32 s10, $0x1;
	s10 =	sld [smem:$0x3FB3];
	_ =	sdelay $0x3  }
0x37: {  	[smem:$0x3FB3] =	sst s10  }
0x38: {  	s10 =	sld [smem:$0x3FB4]  }
0x39: {  	_ = 	snop;
	(pc) =	sbr.ind lr, $3  }
0x3a: {  	_ = 	snop  }
0x3b: {  	_ = 	snop  }
0x3c: {  	p2 =	seq.s32 s10, $0x1;
	s10 =	sld [smem:$0x3FB3]  }
0x3d: {  	_ =	shalt  }
0x3e: {  	_ =	shalt  }
0x3f: {  	_ =	shalt  }
0x40: {  	_ =	shalt  }
0x41: {  	_ =	shalt  }
0x42: {  	_ =	shalt  }
0x43: {  	_ =	shalt  }
0x44: {  	_ =	shalt  }
0x45: {  	_ =	shalt  }
0x46: {  	_ =	shalt  }
0x47: {  	_ =	shalt  }
0x48: {  	_ =	shalt  }
0x49: {  	_ =	shalt  }
0x4a: {  	_ =	shalt  }
0x4b: {  	_ =	shalt  }
0x4c: {  	_ =	shalt  }
0x4d: {  	_ =	shalt  }
0x4e: {  	_ =	shalt  }
0x4f: {  	_ =	shalt  }
0x50: {  	_ =	shalt  }
0x51: {  	_ =	shalt  }
0x52: {  	_ =	shalt  }
0x53: {  	_ =	shalt  }
0x54: {  	_ =	shalt  }
0x55: {  	_ =	shalt  }
0x56: {  	_ =	shalt  }
0x57: {  	_ =	shalt  }
0x58: {  	_ =	shalt  }
0x59: {  	_ =	shalt  }
0x5a: {  	_ =	shalt  }
0x5b: {  	_ =	shalt  }
0x5c: {  	_ =	shalt  }
0x5d: {  	_ =	shalt  }
0x5e: {  	_ =	shalt  }
0x5f: {  	_ =	shalt  }
0x60: {  	_ =	shalt  }
0x61: {  	_ =	shalt  }
0x62: {  	_ =	shalt  }
0x63: {  	_ =	shalt  }
0x64: {  	_ =	shalt  }
0x65: {  	_ =	shalt  }
0x66: {  	_ =	shalt  }
0x67: {  	_ =	shalt  }
0x68: {  	_ =	shalt  }
0x69: {  	_ =	shalt  }
0x6a: {  	_ =	shalt  }
0x6b: {  	_ =	shalt  }
0x6c: {  	_ =	shalt  }
0x6d: {  	_ =	shalt  }
0x6e: {  	_ =	shalt  }
0x6f: {  	_ =	shalt  }
0x70: {  	_ =	shalt  }
0x71: {  	_ =	shalt  }
0x72: {  	_ =	shalt  }
0x73: {  	_ =	shalt  }
0x74: {  	_ =	shalt  }
0x75: {  	_ =	shalt  }
0x76: {  	_ =	shalt  }
0x77: {  	_ =	shalt  }
0x78: {  	_ =	shalt  }
0x79: {  	_ =	shalt  }
0x7a: {  	_ =	shalt  }
0x7b: {  	_ =	shalt  }
0x7c: {  	_ =	shalt  }
0x7d: {  	_ =	shalt  }
0x7e: {  	_ =	shalt  }
0x7f: {  	_ =	shalt  }
0x80: {  	_ =	shalt  }
0x81: {  	_ =	shalt  }
0x82: {  	_ =	shalt  }
0x83: {  	_ =	shalt  }
0x84: {  	_ =	shalt  }
0x85: {  	_ =	shalt  }
0x86: {  	_ =	shalt  }
0x87: {  	_ =	shalt  }
.Lfunc_end0:
.L_simem_size_0:
called_computation.3_lowered:
.L_overlay_start_0:
0x88: {  	s2 =	sld [smem:$0x3FD9]  }
0x89: {  	s3 =	sld [smem:$0x3FFE];
	_ =	sdelay $0x1  }
0x8a: {  	s1 =	srdreg.scid  }
0x8b: {  	s0 =	sand.u32 $0x1, s1  }
0x8c: {  	s16 =	sshll.u32 s0, $0xA;
	s2 =	sadd.s32 s3, s2  }
0x8d: {  	s2 =	sadd.s32 s2, s16  }
0x8e: {  	[smem:$0x3FBF] =	sst s2  }
0x8f: {  	_ = 	snop  }
0x90: {  	s2 =	sld [smem:$0x3FD0];
	(tm) =	ssettm $0x1  }
0x91: {  	s17 =	sld [smem:$0x3FFB];
	_ =	sdelay $0x3  }
0x92: {  	_ =	strace s17  }
0x93: {  	s3 =	sld [smem:$0x3FFC];
	_ =	sdelay $0x3  }
0x94: {  	_ =	strace s3  }
0x95: {  	s3 =	sld [smem:$0x3FFD];
	_ =	sdelay $0x3  }
0x96: {  	_ =	strace s3  }
0x97: {  	_ =	strace $0x8FFFFFFF  }
0x98: {  	s18 =	sld [smem:$0x3FDB];
	_ =	sdelay $0x1  }
0x99: {  	s4 =	simm.s32 $_scs_section_size  }
0x9a: {  	s5 =	simm.s32 $_size__tile_overlayer_lowered;
	s6 =	simm.s32 $_tile_overlayer_lowered  }
0x9b: {  	s21 =	simm.s32 $0x1BFF;
	s20 =	sshll.u32 s6, $0x1;
	s3 =	sadd.s32 s4, s18  }
0x9c: {  	s7 =	simm.s32 $0x0;
	s19 =	sshll.u32 s5, $0x1;
	s5 =	sadd.s32 s20, s3  }
0x9d: {  	[timem:s7], [sflag:s21] =	dma.local [hbm:s5], s19  }
0x9e: {  	_ =	swait.ge [sflag:s21], s19  }
0x9f: {  	s4 =	ssub.s32 $0x0, s19;
	[sflag:s21] =	ssyncset.done $0x0  }
0xa0: {  	[sflag:s21] =	ssyncadd.s32 s4;
	_ =	sdelay $0x1  }
0xa1: {  	s22 =	simm.s32 $0x1B8B  }
0xa2: {  	_ =	swait.ge [sflag:s22], $0x1  }
0xa3: {  	[sflag:s22] =	ssyncset.done $0x0  }
0xa4: {  	s23 =	sld [smem:$0x3FFE];
	[sflag:s22] =	ssyncadd.s32 $0xFFFFFFFF  }
0xa5: {  	s25 =	simm.s32 $0x1B8E;
	s24 =	sld [smem:$0x0]  }
0xa6: {  	s26 =	simm.s32 $execute0_lowered;
	[smem:$0x3FD2] =	sst s25  }
0xa7: {  	s6 =	sshll.u32 s26, $0x1;
	_ =	strace $0x80000061;
	[dreg:$0x1] =	wrdreg $0xFFFFFFFF  }
0xa8: {  	s28 =	simm.s32 $_size_execute0_lowered;
	s3 =	sadd.s32 s3, s6;
	[dreg:$0x0] =	wrdreg $0x0  }
0xa9: {  	s6 =	sshll.u32 s28, $0x1;
	[dreg:$0x2] =	wrdreg s3  }
0xaa: {  	[dreg:$0x3] =	wrdreg s6  }
0xab: {  	[dreg:$0x4] =	wrdreg $0xC0  }
0xac: {  	_ =	task [dreg:s7], $0x5FFFF  }
0xad: {  	[dreg:$0x1] =	wrdreg $0xFFFFFFFF  }
0xae: {  	[dreg:$0x0] =	wrdreg $0x60  }
0xaf: {  	[dreg:$0x2] =	wrdreg s2  }
0xb0: {  	[dreg:$0x3] =	wrdreg s23  }
0xb1: {  	[dreg:$0x4] =	wrdreg s1  }
0xb2: {  	[dreg:$0x5] =	wrdreg s24  }
0xb3: {  	[dreg:$0x6] =	wrdreg $0x9  }
0xb4: {  	_ =	task.clear_ibuf [dreg:s7], $0x7FFFF;
	_ =	strace $0x90000061  }
0xb5: {  	s29 =	simm.s32 $0x9;
	_ =	strace $0x80000063  }
0xb6: {  	_ =	swait.ge [sflag:s29], $0x1  }
0xb7: {  	[sflag:s29] =	ssyncadd.s32 $0xFFFFFFFF  }
0xb8: {  	_ =	strace $0x90000063  }
0xb9: {  	_ =	sfence  }
0xba: {  	s30 =	sld [smem:$0x0];
	_ =	sdelay $0x2  }
0xbb: {  	s31 =	sshll.u32 s1, $0xD;
	s1 =	sshrl.u32 s1, $0x2  }
0xbc: {  	s3 =	sand.u32 $0x4000, s31;
	s1 =	sadd.s32 s1, s30  }
0xbd: {  	s0 =	sor.u32 s3, s0;
	s1 =	sshll.u32 s1, $0x11  }
0xbe: {  	s0 =	sor.u32 s1, s0  }
0xbf: {  	s0 =	sadd.s32 $0x8F2B, s0  }
0xc0: {  	[sflag:s0] =	ssyncadd.remote.s32 $0x1  }
0xc1: {  	_ =	sfence.sel $0xFFFF  }
0xc2: {  	[dreg:$0x0] =	wrdreg $0xFFFFFFFF;
	(pc) =	sbr.abs _section_cstart, $3  }
0xc3: {  	[dreg:$0x1] =	wrdreg $0xFFFFFFFF  }
0xc4: {  	_ =	task.clear_ibuf [dreg:s7], $0x2FFFF;
	_ =	strace $0x9FFFFFFF  }
0xc5: {  	(tm) =	ssettm $0x7FFFFFFF  }
tec
execute0_lowered:
.L_overlay_start_1:
0x0: {  	(tag) =	ssettag $0x1  }
0x1: {  	s1 =	rddreg [dreg:$0x0]  }
0x2: {  	s2 =	rddreg [dreg:$0x1]  }
0x3: {  	s3 =	rddreg [dreg:$0x2];
	_ =	strace $0x80000062;
	s0 =	simm.s32 $0x1  }
0x4: {  	v0 =	vimm.s32 $0x0;
	[sflag:s0] =	ssyncpa.u1 $0x0;
	s0 =	simm.s32 $0x108  }
0x5: {  	[tilespmem:s0+$0x70] =	vst v0  }
0x6: {  	[tilespmem:s0+$0x60] =	vst v0  }
0x7: {  	[tilespmem:s0+$0x50] =	vst v0  }
0x8: {  	[tilespmem:s0+$0x40] =	vst v0  }
0x9: {  	[tilespmem:s0+$0x30] =	vst v0  }
0xa: {  	s15 =	sadd.s32 $0x3B400, s2;
	s6 =	sadd.s32 $0x4F000, s2;
	[tilespmem:s0+$0x20] =	vst v0  }
0xb: {  	s14 =	sadd.s32 $0x45200, s2;
	s5 =	sand.u32 $0x1, s3;
	s3 =	simm.s32 $0x40;
	[tilespmem:s0+$0x10] =	vst v0  }
.LBB2_1:
0xc: {  	s3 =	sadd.s32 $0x40, s3;
	[tilespmem:s0+$0x0] =	vst v0;
	s0 =	sadd.s32 $0x80, s0  }
0xd: {  	p0 =	slt.u32 s3, $0x3C40;
	[tilespmem:s0+$0x70] =	vst v0  }
0xe: {  	[tilespmem:s0+$0x60] =	vst v0  }
.Ltmp0:
0xf: {  	[tilespmem:s0+$0x50] =	vst v0;
	(pc) =	sbr.rel @p0 .LBB2_1-.Ltmp0, $4  }
0x10: {  	[tilespmem:s0+$0x40] =	vst v0  }
0x11: {  	[tilespmem:s0+$0x30] =	vst v0  }
0x12: {  	[tilespmem:s0+$0x20] =	vst v0  }
0x13: {  	[tilespmem:s0+$0x10] =	vst v0  }
0x14: {  	s9 =	stileid.u32  }
0x15: {  	s2 =	smul.u32 $0x29, s9  }
0x16: {  	s3 =	smin.u32 s9, $0xB  }
0x17: {  	s2 =	sadd.s32 s3, s2  }
0x18: {  	p0 =	slt.u32 s9, $0xB;
	s7 =	smul.u32 $0xF0, s2;
	s2 =	simm.s32 $0x2760  }
0x19: {  	s2 =	simm.s32 @!p0 $0x2670  }
0x1a: {  	s2 =	sadd.s32 s2, s7  }
0x1b: {  	s8 =	smin.u32 s2, $0x27100  }
0x1c: {  	s2 =	ssub.s32 s8, s7  }
0x1d: {  	p0 =	sgt.s32 s2, $0x0  }
0x1e: {  	s29 =	simm.s32 $0x2;
	s10 =	simm.s32 $0x9;
	s2 =	simm.s32 @!p0 $0x0  }
0x1f: {  	s4 =	simm.s32 $0xA;
	s11 =	simm.s32 $0xB;
	s28 =	smulhi.u32 $0x88888889, s2  }
0x20: {  	[dreg:$0x5] =	wrdreg s5;
	s31 =	smul.u32 $0x4E20, s5;
	s12 =	simm.s32 $0x1  }
0x21: {  	s22 =	simm.s32 $0x0;
	s18 =	simm.s32 $0xC;
	s30 =	sshrl.u32 s28, $0x7  }
0x22: {  	s20 =	simm.s32 $0x0;
	s21 =	simm.s32 $0x0;
	s3 =	smul.u32 $0xF0, s30  }
.Ltmp1:
0x23: {  	[tilespmem:s0+$0x0] =	vst v0;
	v0 =	vimm.s32 $0xFFFFFFFF;
	[sflag:s29] =	ssyncpa.u1 $0x0;
	s16 =	sshll.u32 s9, $0x8;
	(pc) =	sbr.rel .LBB2_3-.Ltmp1, $4  }
0x24: {  	[tilespmem:$0xF208] =	vst v0;
	[sflag:s10] =	ssyncpa.u1 $0x0;
	p0 =	sne.s32 s2, s3;
	s2 =	simm.s32 $0x1  }
0x25: {  	s14 =	sadd.s32 s31, s14;
	[sflag:s4] =	ssyncpa.u1 $0x0;
	s2 =	simm.s32 @!p0 $0x0  }
0x26: {  	s15 =	sadd.s32 s31, s15;
	[sflag:s11] =	ssyncpa.u1 $0x0;
	s13 =	sadd.s32 s2, s30  }
0x27: {  	v0 =	vlaneseq.u32;
	s19 =	smov.u32 s7;
	p0 =	por $0x0, $0x0;
	s17 =	sadd.s32 $0x1, s13  }
.LBB2_18:
0x28: {  	s0 =	sshrl.u32 s31, $0x2  }
.LBB2_20:
0x29: {  	_ =	swait.ge [sflag:s18], s0  }
0x2a: {  	s31 =	ssub.s32 $0x0, s0;
	v1 =	vmov s24;
	vm0 =	veq.s32 v0, $0x0;
	[sflag:s18] =	ssyncset.done $0x0  }
0x2b: {  	vm15 =	veq.s32 v0, $0x2;
	v1 =	vsel vm0, s30, v1;
	[sflag:s18] =	ssyncadd.s32 s31  }
0x2c: {  	v1 =	vsel vm15, s22, v1;
	[sflag:s18] =	ssyncpa.u1 $0x1  }
0x2d: {  	[tilespmem:$0xF208] =	vst v1  }
.LBB2_21:
0x2e: {  	s0 =	sadd.s32 $0xF0, s19  }
0x2f: {  	s2 =	smov.u32 s7;
	p1 =	slt.s32 s0, s8  }
0x30: {  	s2 =	smov.u32 @p1 s0;
	p1 =	sne.s32 s21, s17  }
.Ltmp2:
0x31: {  	_ = 	snop;
	(pc) =	sbr.rel @!p1 .LBB2_22-.Ltmp2, $3  }
0x32: {  	_ =	sdelay $0x1  }
0x33: {  	s22 =	smov.u32 s20;
	s31 =	sadd.s32 $0x1, s21;
	s20 =	smov.u32 s19  }
0x34: {  	p0 =	por !p0, !p0;
	s21 =	smov.u32 s31;
	s19 =	smov.u32 s2  }
.LBB2_3:
0x35: {  	p1 =	sge.u32 s21, s13  }
0x36: {  	s0 =	smulhi.u32 @!p1 $0xAAAAAAAB, s21  }
0x37: {  	s2 =	smov.u32 s19;
	p2 =	sgt.s32 @!p1 s19, $0x27010  }
0x38: {  	s3 =	sshra.s32 @!p1 s19, $0x1F;
	p2 =	por !p2, p1;
	s0 =	sshrl.u32 @!p1 s0, $0x1  }
0x39: {  	s3 =	sand.u32 @!p1 s3, s19;
	s2 =	simm.s32 @p2 $0x27010;
	s0 =	smul.u32 @!p1 $0x3, s0  }
0x3a: {  	s2 =	ssub.s32 @!p1 s2, s3  }
0x3b: {  	s2 =	sadd.s32 @!p1 $0xFFFD8FF0, s2;
	s0 =	ssub.s32 @!p1 s21, s0  }
0x3c: {  	s3 =	sshll.u32 @!p1 s2, $0x2;
	p2 =	sgt.s32 @!p1 s2, $0xEF;
	s0 =	smul.u32 @!p1 $0x3C0, s0  }
0x3d: {  	s4 =	sand.u32 @!p1 $0x7, s19;
	s2 =	ssub.s32 @!p1 $0x3C0, s3;
	p2 =	por !p2, p1  }
0x3e: {  	s3 =	sshrl.u32 @!p1 s19, $0x3;
	s2 =	sshrl.u32 @!p1 s2, $0x2;
	s0 =	sshrl.u32 @!p1 s0, $0x2  }
0x3f: {  	s3 =	sadd.s32 @!p1 s3, s14;
	s2 =	simm.s32 @!p2 $0x0;
	s0 =	sadd.s32 @!p1 $0x10248, s0  }
0x40: {  	[tilespmem:s0], [sflag:$0xA] =	stream.linear.gather @!p1 [hbm4b:s3+s4], s2, $0x38;
	[tilespmem:$0x1F6F8] =	vst v63  }
0x41: {  	s0 =	sadd.s32 $0xFFFFFFFF, s21  }
0x42: {  	p1 =	sge.u32 s0, s13  }
0x43: {  	p2 =	sgt.s32 @!p1 s20, $0x27010  }
0x44: {  	s2 =	smov.u32 s20;
	s3 =	sshra.s32 @!p1 s20, $0x1F;
	p2 =	por !p2, p1  }
0x45: {  	s3 =	sand.u32 @!p1 s3, s20;
	s2 =	simm.s32 @p2 $0x27010  }
0x46: {  	s2 =	ssub.s32 @!p1 s2, s3  }
0x47: {  	s2 =	sadd.s32 @!p1 $0xFFFD8FF0, s2  }
0x48: {  	s4 =	sand.u32 @!p1 $0x1, s0;
	s3 =	sshll.u32 @!p1 s2, $0x2  }
0x49: {  	p2 =	sgt.s32 @!p1 s2, $0xEF;
	s2 =	ssub.s32 @!p1 $0x3C0, s3;
	s3 =	smulhi.u32 @!p1 $0xAAAAAAAB, s0  }
0x4a: {  	s23 =	smul.u32 @!p1 $0x3C0, s4;
	p2 =	por !p2, p1;
	s2 =	sshrl.u32 @!p1 s2, $0x2  }
0x4b: {  	s5 =	simm.s32 @!p1 $0xA;
	s2 =	simm.s32 @!p2 $0x0;
	s3 =	sshrl.u32 @!p1 s3, $0x1  }
0x4c: {  	s23 =	sshrl.u32 @!p1 s23, $0x2;
	_ =	swait.ge @!p1 [sflag:s5], s2;
	s3 =	smul.u32 @!p1 $0x3, s3  }
0x4d: {  	s23 =	sadd.s32 @!p1 $0x10518, s23;
	s24 =	ssub.s32 @!p1 $0x0, s2;
	[sflag:s5] =	ssyncset.done @!p1 $0x0  }
0x4e: {  	[sflag:s5] =	ssyncadd.s32 @!p1 s24;
	s5 =	sshrl.u32 @!p1 s20, $0x3;
	s0 =	ssub.s32 @!p1 s0, s3  }
0x4f: {  	s24 =	sand.u32 @!p1 $0x7, s20;
	s5 =	sadd.s32 @!p1 s5, s15;
	s0 =	smul.u32 @!p1 $0x3C0, s0  }
0x50: {  	[tilespmem:s23], [sflag:$0xB] =	stream.linear.gather @!p1 [hbm4b:s5+s24], s2, $0x38;
	[tilespmem:$0x1F6F8] =	vst v63  }
0x51: {  	s3 =	ssub.s32 @!p1 $0x27100, s20;
	s2 =	smul.u32 @!p1 $0x1E000, s4  }
0x52: {  	p2 =	slt.s32 @!p1 s3, $0xF0  }
0x53: {  	p2 =	por !p2, p1;
	s0 =	sshrl.u32 @!p1 s0, $0x2;
	s2 =	sshrl.u32 @!p1 s2, $0x2  }
0x54: {  	s3 =	simm.s32 @p2 $0xF0;
	s0 =	sadd.s32 @!p1 $0x10248, s0;
	s2 =	sor.u32 @!p1 $0x106F8, s2  }
0x55: {  	[tilespmem:s2], [sflag:$0x9] =	stream.indirect.gather @!p1 [hbm4b:s6+s3], $0x80, s0, s3, $0xb8;
	[tilespmem:$0x1F6F8] =	vst v63  }
0x56: {  	p1 =	slt.u32 s21, $0x2  }
.Ltmp3:
0x57: {  	_ = 	snop;
	(pc) =	sbr.rel @p1 .LBB2_21-.Ltmp3, $1  }
0x58: {  	_ =	sdelay $0x3  }
0x59: {  	p1 =	sgt.s32 s22, $0x27010  }
0x5a: {  	s0 =	smov.u32 s22;
	s2 =	sshra.s32 s22, $0x1F;
	s3 =	ssub.s32 $0x27100, s22  }
0x5b: {  	s0 =	simm.s32 @!p1 $0x27010;
	s2 =	sand.u32 s2, s22;
	p1 =	slt.s32 s3, $0xF0  }
0x5c: {  	s0 =	ssub.s32 s0, s2;
	s3 =	simm.s32 @!p1 $0xF0  }
0x5d: {  	s0 =	sadd.s32 $0xFFFD8FF0, s0;
	s25 =	sshll.u32 s3, $0x7  }
0x5e: {  	s26 =	sshll.u32 s0, $0x2;
	s2 =	sand.u32 $0x3FFFFF80, s25  }
0x5f: {  	p1 =	sgt.s32 s0, $0xEF;
	s29 =	ssub.s32 $0x3C0, s26;
	_ =	swait.ge [sflag:s10], s2  }
0x60: {  	s2 =	ssub.s32 $0x0, s2;
	[sflag:s10] =	ssyncset.done $0x0;
	s0 =	sshrl.u32 s29, $0x2  }
0x61: {  	[sflag:s10] =	ssyncadd.s32 s2;
	s0 =	simm.s32 @p1 $0x0  }
0x62: {  	_ =	swait.ge [sflag:s11], s0  }
0x63: {  	s0 =	ssub.s32 $0x0, s0;
	[sflag:s11] =	ssyncset.done $0x0  }
0x64: {  	[sflag:s11] =	ssyncadd.s32 s0  }
0x65: {  	v1 =	vld [tilespmem:$0xF208];
	_ =	sdelay $0x4  }
0x66: {  	(v2sf) =	vpush v1, $0x0  }
0x67: {  	(v2sf) =	vpush v1, $0x1  }
0x68: {  	(v2sf) =	vpush v1, $0x2;
	_ =	sdelay $0x3  }
0x69: {  	s0 =	sadd.s32 $0xF0, s22  }
0x6a: {  	s2 =	ssub.s32 $0x4E200, s22;
	p1 =	slt.s32 s8, s0  }
0x6b: {  	s0 =	smov.u32 @p1 s8;
	p1 =	sgt.s32 s2, $0x0  }
0x6c: {  	s26 =	ssub.s32 s0, s22;
	s2 =	simm.s32 @!p1 $0x0  }
0x6d: {  	p1 =	slt.s32 s2, s26  }
0x6e: {  	s26 =	smov.u32 @p1 s2  }
0x6f: {  	s25 =	simm.s32 $0x1;
	p1 =	slt.s32 s26, $0x1  }
.Ltmp4:
0x70: {  	s25 =	simm.s32 @!p0 $0x0;
	(pc) =	sbr.rel @p1 .LBB2_8-.Ltmp4, $4  }
0x71: {  	s31 =	smul.u32 $0x3C0, s25  }
0x72: {  	s28 =	spop (v2sf)  }
0x73: {  	s0 =	sshrl.u32 s31, $0x2;
	s30 =	spop (v2sf)  }
0x74: {  	s23 =	sadd.s32 $0x10518, s0;
	s22 =	spop (v2sf)  }
0x75: {  	s0 =	smin.u32 s26, $0x10  }
0x76: {  	v1 =	vmov s0  }
0x77: {  	p2 =	sgt.s32 s26, $0x10;
	vm1 =	vgt.u32 v1, v0  }
.Ltmp5:
0x78: {  	_ = 	snop;
	(pc) =	sbr.rel @!p2 .LBB2_7-.Ltmp5, $2  }
0x79: {  	_ =	sdelay $0x2  }
0x7a: {  	s4 =	simm.s32 $0x10;
	s24 =	sadd.s32 $0xFFFFFFF0, s26;
	s0 =	smov.u32 s23;
	vm0 =	vmmov vm1  }
.LBB2_6:
0x7b: {  	s2 =	smin.u32 s24, $0x10;
	s4 =	sadd.s32 $0x10, s4;
	v1 =	vld.msk [tilespmem:s0+$0x0 ss:$0x1], vm1  }
0x7c: {  	v2 =	vmov s2;
	p2 =	slt.s32 s4, s26  }
0x7d: {  	vm1 =	vgt.u32 v2, v0  }
.Ltmp6:
0x7e: {  	(pc) =	sbr.rel @p2 .LBB2_6-.Ltmp6, $3  }
0x7f: {  	_ =	sdelay $0x1  }
0x80: {  	v1 =	vshll.u32 v1, $0x4  }
0x81: {  	s24 =	sadd.s32 $0xFFFFFFF0, s24;
	[tilespmem:s0+$0x0] =	vst.msk vm0, v1;
	s0 =	sadd.s32 $0x10, s0;
	vm0 =	vmmov vm1  }
.LBB2_7:
0x82: {  	_ =	sdelay $0x4  }
0x83: {  	v1 =	vld.msk [tilespmem:s0+$0x0 ss:$0x1], vm1;
	_ =	sdelay $0x4  }
0x84: {  	v1 =	vshll.u32 v1, $0x4  }
0x85: {  	[tilespmem:s0+$0x0] =	vst.msk vm0, v1  }
.LBB2_8:
0x86: {  	s0 =	sand.u32 $0x1, s21  }
0x87: {  	s0 =	smul.u32 $0xF0, s0  }
0x88: {  	p2 =	sne.s32 s30, $0xFFFFFFFF  }
0x89: {  	v1 =	vld.msk @!p2 [tilespmem:s0+$0x10518], $0x1;
	_ =	sdelay $0x4  }
0x8a: {  	(v2sf) =	vpush @!p2 v1, $0x0;
	_ =	sdelay $0xc  }
.Ltmp7:
0x8b: {  	_ = 	snop;
	(pc) =	sbr.rel @p1 .LBB2_19-.Ltmp7, $4  }
0x8c: {  	_ = 	snop  }
0x8d: {  	s29 =	spop @!p2 (v2sf)  }
0x8e: {  	s22 =	simm.s32 @!p2 $0x0;
	s24 =	smov.u32 s29  }
0x8f: {  	[sflag:s18] =	ssyncpa.u1 $0x0;
	s29 =	smov.u32 @p2 s28;
	s24 =	smov.u32 @p2 s30  }
0x90: {  	v1 =	vld.msk [tilespmem:s23+$0x0], $0x1;
	_ =	sdelay $0x4  }
0x91: {  	(v2sf) =	vpush v1, $0x0;
	_ =	sdelay $0xe  }
0x92: {  	s2 =	smul.u32 $0x1E000, s25;
	s0 =	spop (v2sf)  }
0x93: {  	s26 =	ssub.s32 $0x0, s26;
	p1 =	seq.s32 s29, s0  }
0x94: {  	s30 =	sadd.s32 $0x1, s26;
	s2 =	sshrl.u32 s2, $0x2;
	p2 =	sgt.s32 @!p1 s29, $0x0  }
0x95: {  	s25 =	sor.u32 $0x10738, s2;
	s2 =	smov.u32 s29;
	p2 =	por !p2, p1  }
0x96: {  	s2 =	simm.s32 @p2 $0x0;
	p2 =	seq.s32 s30, $0x0  }
.Ltmp8:
0x97: {  	_ = 	snop;
	(pc) =	sbr.rel @p2 .LBB2_11-.Ltmp8, $4  }
0x98: {  	_ = 	snop  }
0x99: {  	s28 =	simm.s32 $0x0;
	s31 =	sadd.s32 $0x1, s23;
	s2 =	smin.u32 @!p1 s2, $0x270F0  }
0x9a: {  	s4 =	simm.s32 @!p1 $0x1;
	s5 =	simm.s32 @!p1 $0x7988;
	s3 =	sand.u32 @!p1 $0x3FFF8, s2  }
0x9b: {  	s4 =	smov.u32 @p1 s28;
	s2 =	sand.u32 @!p1 $0x7, s2;
	s3 =	sadd.s32 @!p1 s1, s3  }
.LBB2_10:
0x9c: {  	s9 =	smov.u32 s4  }
0x9d: {  	[tilespmem:s5], [sflag:$0x2] =	stream.linear.gather @!p1 [hbm4b:s3+s2], $0x80, $0x38;
	[tilespmem:$0x1F6F8] =	vst v63  }
0x9e: {  	s30 =	sadd.s32 $0x1, s30;
	s2 =	smov.u32 s0;
	v1 =	vld.msk [tilespmem:s31+$0x0], $0x1  }
0x9f: {  	p2 =	seq.s32 s30, $0x0;
	_ =	sdelay $0x3  }
0xa0: {  	(v2sf) =	vpush v1, $0x0;
	_ =	sdelay $0xe  }
0xa1: {  	s0 =	spop (v2sf)  }
0xa2: {  	p1 =	seq.s32 s2, s0  }
0xa3: {  	p3 =	sgt.s32 @!p1 s2, $0x0;
	s3 =	sshll.u32 @!p1 s4, $0x9;
	s4 =	sadd.s32 @!p1 $0x1, s4  }
.Ltmp9:
0xa4: {  	p3 =	por !p3, p1;
	s3 =	sshra.s32 @!p1 s3, $0x2;
	(pc) =	sbr.rel @!p2 .LBB2_10-.Ltmp9, $4  }
0xa5: {  	s4 =	smov.u32 @p1 s9;
	s2 =	simm.s32 @p3 $0x0;
	s5 =	sadd.s32 @!p1 $0x7988, s3  }
0xa6: {  	s2 =	smin.u32 @!p1 s2, $0x270F0  }
0xa7: {  	s3 =	sand.u32 @!p1 $0x3FFF8, s2;
	s2 =	sand.u32 @!p1 $0x7, s2  }
0xa8: {  	s31 =	sadd.s32 $0x1, s31;
	s3 =	sadd.s32 @!p1 s1, s3  }
.LBB2_11:
0xa9: {  	[tilespmem:s5], [sflag:$0x2] =	stream.linear.gather @!p1 [hbm4b:s3+s2], $0x80, $0x38;
	[tilespmem:$0x1F6F8] =	vst v63  }
.Ltmp10:
0xaa: {  	s0 =	sshll.u32 s4, $0x7;
	(pc) =	sbr.rel .LBB2_12-.Ltmp10, $4  }
0xab: {  	s30 =	simm.s32 $0x2;
	s0 =	sand.u32 $0x3FFFFF80, s0  }
0xac: {  	_ =	swait.ge [sflag:s30], s0  }
0xad: {  	s0 =	ssub.s32 $0x0, s0;
	[sflag:s30] =	ssyncset.done $0x0  }
0xae: {  	s31 =	simm.s32 $0x0;
	[sflag:s30] =	ssyncadd.s32 s0  }
.LBB2_13:
0xaf: {  	v1 =	vld [tilespmem:s25+$0xFFFFFFC0];
	_ =	sdelay $0x3  }
0xb0: {  	s0 =	sshra.s32 s0, $0x2  }
0xb1: {  	[tilespmem:s0+$0x108] =	vst.add.f32.msk $0xffff, v1  }
0xb2: {  	v1 =	vld [tilespmem:s25+$0xFFFFFFD0];
	_ =	sdelay $0x4  }
0xb3: {  	[tilespmem:s0+$0x118] =	vst.add.f32.msk $0xffff, v1  }
0xb4: {  	v1 =	vld [tilespmem:s25+$0xFFFFFFE0];
	_ =	sdelay $0x4  }
0xb5: {  	[tilespmem:s0+$0x128] =	vst.add.f32.msk $0xffff, v1  }
0xb6: {  	v1 =	vld [tilespmem:s25+$0xFFFFFFF0];
	_ =	sdelay $0x4  }
0xb7: {  	[tilespmem:s0+$0x138] =	vst.add.f32.msk $0xffff, v1  }
0xb8: {  	v1 =	vld [tilespmem:s25+$0x0];
	_ =	sdelay $0x4  }
0xb9: {  	[tilespmem:s0+$0x148] =	vst.add.f32.msk $0xffff, v1  }
0xba: {  	v1 =	vld [tilespmem:s25+$0x10];
	_ =	sdelay $0x4  }
0xbb: {  	[tilespmem:s0+$0x158] =	vst.add.f32.msk $0xffff, v1  }
0xbc: {  	v1 =	vld [tilespmem:s25+$0x20];
	_ =	sdelay $0x4  }
0xbd: {  	[tilespmem:s0+$0x168] =	vst.add.f32.msk $0xffff, v1  }
0xbe: {  	v1 =	vld [tilespmem:s25+$0x30];
	_ =	sdelay $0x4  }
0xbf: {  	[tilespmem:s0+$0x178] =	vst.add.f32.msk $0xffff, v1  }
.LBB2_17:
0xc0: {  	s26 =	sadd.s32 $0x1, s26  }
0xc1: {  	p1 =	seq.s32 s26, $0x0  }
.Ltmp11:
0xc2: {  	_ = 	snop;
	(pc) =	sbr.rel @p1 .LBB2_18-.Ltmp11, $2  }
0xc3: {  	_ =	sdelay $0x2  }
0xc4: {  	s23 =	sadd.s32 $0x1, s23;
	s25 =	sadd.s32 $0x80, s25;
	s29 =	smov.u32 s30  }
.LBB2_12:
0xc5: {  	v1 =	vld.msk [tilespmem:s23+$0x0], $0x1;
	_ =	sdelay $0x4  }
0xc6: {  	(v2sf) =	vpush v1, $0x0;
	_ =	sdelay $0xe  }
0xc7: {  	s30 =	spop (v2sf)  }
0xc8: {  	p1 =	sne.s32 s29, s30  }
.Ltmp12:
0xc9: {  	_ = 	snop;
	(pc) =	sbr.rel @!p1 .LBB2_13-.Ltmp12, $2  }
0xca: {  	_ =	sdelay $0x2  }
0xcb: {  	s0 =	sshll.u32 s22, $0x9  }
0xcc: {  	p1 =	seq.s32 s29, s24  }
.Ltmp13:
0xcd: {  	_ = 	snop;
	(pc) =	sbr.rel @!p1 .LBB2_15-.Ltmp13, $1  }
0xce: {  	_ =	sdelay $0x3  }
0xcf: {  	s0 =	sshra.s32 s0, $0x2  }
.Ltmp14:
0xd0: {  	s0 =	sadd.s32 $0x108, s0;
	(pc) =	sbr.rel .LBB2_16-.Ltmp14, $4  }
0xd1: {  	[spmem:s16] =	stream.linear.scatter [tilespmem:s0], [sflag:$0x1], $0x80, $0x38;
	[tilespmem:$0x1F6F8] =	vst v63  }
0xd2: {  	_ =	swait.ge [sflag:s12], $0x80  }
0xd3: {  	[sflag:s12] =	ssyncset.done $0x0  }
0xd4: {  	[sflag:s12] =	ssyncadd.s32 $0xFFFFFF80  }
.LBB2_15:
0xd5: {  	s2 =	sshll.u32 s28, $0x9  }
0xd6: {  	s2 =	sshra.s32 s2, $0x2  }
0xd7: {  	v1 =	vld [tilespmem:s2+$0x7988];
	_ =	sdelay $0x3  }
0xd8: {  	s0 =	sshra.s32 s0, $0x2  }
0xd9: {  	[tilespmem:s0+$0x108] =	vst.add.f32.msk $0xffff, v1  }
0xda: {  	v1 =	vld [tilespmem:s2+$0x7998];
	_ =	sdelay $0x4  }
0xdb: {  	[tilespmem:s0+$0x118] =	vst.add.f32.msk $0xffff, v1  }
0xdc: {  	v1 =	vld [tilespmem:s2+$0x79A8];
	_ =	sdelay $0x4  }
0xdd: {  	[tilespmem:s0+$0x128] =	vst.add.f32.msk $0xffff, v1  }
0xde: {  	v1 =	vld [tilespmem:s2+$0x79B8];
	_ =	sdelay $0x4  }
0xdf: {  	[tilespmem:s0+$0x138] =	vst.add.f32.msk $0xffff, v1  }
0xe0: {  	v1 =	vld [tilespmem:s2+$0x79C8];
	_ =	sdelay $0x4  }
0xe1: {  	[tilespmem:s0+$0x148] =	vst.add.f32.msk $0xffff, v1  }
0xe2: {  	v1 =	vld [tilespmem:s2+$0x79D8];
	_ =	sdelay $0x4  }
0xe3: {  	[tilespmem:s0+$0x158] =	vst.add.f32.msk $0xffff, v1  }
0xe4: {  	v1 =	vld [tilespmem:s2+$0x79E8];
	_ =	sdelay $0x4  }
0xe5: {  	[tilespmem:s0+$0x168] =	vst.add.f32.msk $0xffff, v1  }
0xe6: {  	v1 =	vld [tilespmem:s2+$0x79F8];
	_ =	sdelay $0x2  }
0xe7: {  	p1 =	sgt.u32 s29, $0x270F0  }
0xe8: {  	s2 =	sand.u32 @!p1 $0x3FFF8, s29  }
0xe9: {  	s3 =	sadd.s32 $0x108, s0;
	[tilespmem:s0+$0x178] =	vst.add.f32.msk $0xffff, v1;
	s0 =	sadd.s32 @!p1 s1, s2;
	s2 =	sand.u32 @!p1 $0x7, s29  }
0xea: {  	[hbm4b:s0+s2] =	stream.linear.scatter @!p1 [tilespmem:s3], [sflag:$0xC], $0x80, $0x38;
	[tilespmem:$0x1F6F8] =	vst v63  }
0xeb: {  	s0 =	simm.s32 $0x0  }
0xec: {  	s0 =	simm.s32 @!p1 $0x200  }
0xed: {  	s31 =	sadd.s32 s0, s31  }
.LBB2_16:
0xee: {  	s0 =	sadd.s32 $0x1, s22  }
0xef: {  	s2 =	smulhi.u32 $0x88888889, s0;
	_ =	sdelay $0x1  }
0xf0: {  	v1 =	vld [tilespmem:s25+$0xFFFFFFC0];
	s2 =	sshrl.u32 s2, $0x7  }
0xf1: {  	s2 =	smul.u32 $0xF0, s2;
	_ =	sdelay $0x1  }
0xf2: {  	s22 =	ssub.s32 s0, s2  }
0xf3: {  	s0 =	sshll.u32 s22, $0x7  }
0xf4: {  	[tilespmem:s0+$0x108] =	vst v1  }
0xf5: {  	v1 =	vld [tilespmem:s25+$0xFFFFFFD0];
	_ =	sdelay $0x4  }
0xf6: {  	[tilespmem:s0+$0x118] =	vst v1  }
0xf7: {  	v1 =	vld [tilespmem:s25+$0xFFFFFFE0];
	_ =	sdelay $0x4  }
0xf8: {  	[tilespmem:s0+$0x128] =	vst v1  }
0xf9: {  	v1 =	vld [tilespmem:s25+$0xFFFFFFF0];
	_ =	sdelay $0x4  }
0xfa: {  	[tilespmem:s0+$0x138] =	vst v1  }
0xfb: {  	v1 =	vld [tilespmem:s25+$0x0];
	_ =	sdelay $0x4  }
0xfc: {  	[tilespmem:s0+$0x148] =	vst v1  }
0xfd: {  	v1 =	vld [tilespmem:s25+$0x10];
	_ =	sdelay $0x4  }
0xfe: {  	[tilespmem:s0+$0x158] =	vst v1  }
0xff: {  	v1 =	vld [tilespmem:s25+$0x20];
	_ =	sdelay $0x4  }
0x100: {  	[tilespmem:s0+$0x168] =	vst v1  }
0x101: {  	v1 =	vld [tilespmem:s25+$0x30]  }
.Ltmp15:
0x102: {  	_ = 	snop;
	(pc) =	sbr.rel .LBB2_17-.Ltmp15, $2  }
0x103: {  	_ =	sdelay $0x2  }
0x104: {  	s28 =	sadd.s32 $0x1, s28;
	[tilespmem:s0+$0x178] =	vst v1  }
.LBB2_19:
.Ltmp16:
0x105: {  	(pc) =	sbr.rel .LBB2_20-.Ltmp16, $4  }
0x106: {  	_ = 	snop  }
0x107: {  	s0 =	simm.s32 $0x2  }
0x108: {  	_ =	swait.ge [sflag:s0], $0x0  }
0x109: {  	s30 =	smov.u32 s29;
	[sflag:s0] =	ssyncset.done $0x0;
	s0 =	simm.s32 $0x0  }
.LBB2_22:
0x10a: {  	_ =	sfence.sel $0x180000  }
0x10b: {  	s0 =	simm.s32 $0x9;
	[bflag:$0x0] =	sbarrier.arrive $0xFFFF  }
0x10c: {  	s24 =	simm.s32 $0xA;
	[sflag:s0] =	ssyncpa.u1 $0x1  }
0x10d: {  	s25 =	simm.s32 $0xB;
	[sflag:s24] =	ssyncpa.u1 $0x1  }
0x10e: {  	s26 =	simm.s32 $0x2;
	[sflag:s25] =	ssyncpa.u1 $0x1  }
0x10f: {  	[sflag:s26] =	ssyncpa.u1 $0x1  }
0x110: {  	v0 =	vld [tilespmem:$0xF208];
	_ =	sdelay $0x4  }
0x111: {  	(v2sf) =	vpush v0, $0x0  }
0x112: {  	(v2sf) =	vpush v0, $0x1;
	_ =	sdelay $0x1  }
0x113: {  	(v2sf) =	vpush v0, $0x2;
	_ =	sdelay $0xb  }
0x114: {  	s0 =	spop (v2sf)  }
0x115: {  	s2 =	spop (v2sf)  }
0x116: {  	s3 =	smov.u32 s0;
	p0 =	sne.s32 s0, s2  }
0x117: {  	s4 =	spop (v2sf);
	s3 =	simm.s32 @!p0 $0xFFFFFFFF  }
0x118: {  	v2 =	vimm.s32 $0x1;
	v3 =	vlaneseq.u32;
	p0 =	seq.s32 s4, $0xFFFFFFFF;
	v1 =	vmov s3  }
0x119: {  	s16 =	stileid.u32;
	v0 =	vperm.xlane v0, v2;
	p1 =	sne.s32 @!p0 s0, s2;
	v1 =	vperm.xlane v1, v3  }
0x11a: {  	vm0 =	vcmask $0x3F04;
	s6 =	simm.s32 $0xF208;
	s0 =	simm.s32 @!p0 $0x1;
	p1 =	por !p1, p0  }
0x11b: {  	s3 =	sshll.u32 s16, $0x1;
	s2 =	sshll.u32 @!p0 s4, $0x9;
	s0 =	simm.s32 @p1 $0x0;
	v0 =	vsel vm0, v1, v0  }
0x11c: {  	s5 =	sor.u32 $0x1000, s3;
	s2 =	sshra.s32 @!p0 s2, $0x2;
	s0 =	sor.u32 @!p0 s0, s3;
	[tilespmem:$0xF208] =	vst v0  }
0x11d: {  	[spmem:s5] =	stream.linear.scatter [tilespmem:s6], [sflag:$0x1], $0x2, $0x38;
	[tilespmem:$0x1F6F8] =	vst v63  }
0x11e: {  	s2 =	sadd.s32 @!p0 $0x108, s2;
	s0 =	sshll.u32 @!p0 s0, $0x7  }
0x11f: {  	[spmem:s0] =	stream.linear.scatter @!p0 [tilespmem:s2], [sflag:$0x1], $0x80, $0x38;
	[tilespmem:$0x1F6F8] =	vst v63  }
0x120: {  	s0 =	simm.s32 @!p0 $0x82  }
0x121: {  	s28 =	simm.s32 $0x1;
	s0 =	simm.s32 @p0 $0x2  }
0x122: {  	_ =	swait.ge [sflag:s28], s0  }
0x123: {  	s0 =	ssub.s32 $0x0, s0;
	[sflag:s28] =	ssyncset.done $0x0  }
0x124: {  	p0 =	sne.s32 s16, $0x0;
	[sflag:s28] =	ssyncadd.s32 s0  }
.Ltmp17:
0x125: {  	_ =	sfence.stream.spmem;
	(pc) =	sbr.rel @p0 .LBB2_39-.Ltmp17, $4  }
0x126: {  	s29 =	simm.s32 $0x3;
	[bflag:$0x0] =	sbarrier.arrive $0xFFFF  }
0x127: {  	s30 =	simm.s32 $0x4;
	[sflag:s29] =	ssyncpa.u1 $0x1  }
0x128: {  	s31 =	simm.s32 $0x3C;
	[sflag:s30] =	ssyncpa.u1 $0x1  }
0x129: {  	s15 =	rddreg [dreg:$0x5];
	[sflag:s31] =	ssyncpa.u1 $0x1  }
0x12a: {  	_ =	sfence.stream.spmem;
	s0 =	simm.s32 $0x5  }
0x12b: {  	s2 =	simm.s32 $0x1000;
	s3 =	simm.s32 $0xF218;
	[sflag:s0] =	ssyncpa.u1 $0x0  }
0x12c: {  	[tilespmem:s3], [sflag:$0x5] =	stream.linear.gather [spmem:s2], $0x20, $0x38;
	[tilespmem:$0x1F6F8] =	vst v63  }
0x12d: {  	s26 =	simm.s32 $0x0;
	s28 =	simm.s32 $0xF238  }
0x12e: {  	[tilespmem:s28], [sflag:$0x5] =	stream.linear.gather [spmem:s26], $0x1000, $0x38;
	[tilespmem:$0x1F6F8] =	vst v63  }
0x12f: {  	_ =	swait.ge [sflag:s0], $0x1020  }
0x130: {  	[sflag:s0] =	ssyncset.done $0x0  }
0x131: {  	s29 =	simm.s32 $0x0;
	[sflag:s0] =	ssyncadd.s32 $0xFFFFEFE0  }
0x132: {  	v0 =	vld.msk [tilespmem:s29+$0xF218], $0x1;
	_ =	sdelay $0x1  }
0x133: {  	s30 =	simm.s32 $0x1  }
0x134: {  	v1 =	vld.msk [tilespmem:s30+$0xF218], $0x1;
	_ =	sdelay $0x1  }
0x135: {  	(v2sf) =	vpush v0, $0x0;
	_ =	sdelay $0x2  }
0x136: {  	(v2sf) =	vpush v1, $0x0;
	_ =	sdelay $0x2  }
0x137: {  	s31 =	simm.s32 $0x2  }
0x138: {  	v0 =	vld.msk [tilespmem:s31+$0xF218], $0x1;
	_ =	sdelay $0x2  }
0x139: {  	s4 =	simm.s32 $0xFFFFFFFF;
	s5 =	simm.s32 $0xFFFFFFFF;
	s0 =	simm.s32 $0xC  }
.LBB2_24:
0x13a: {  	s2 =	smov.u32 s5;
	s3 =	smov.u32 s4  }
0x13b: {  	s4 =	sshra.s32 s0, $0x2;
	p1 =	sne.s32 s0, $0x7C;
	s0 =	sadd.s32 $0x4, s0;
	(v2sf) =	vpush v0, $0x0  }
0x13c: {  	v0 =	vld.msk [tilespmem:s4+$0xF218], $0x1  }
.Ltmp18:
0x13d: {  	(pc) =	sbr.rel @p1 .LBB2_24-.Ltmp18, $4  }
0x13e: {  	s5 =	spop (v2sf)  }
0x13f: {  	p2 =	sne.s32 s3, $0xFFFFFFFF;
	s4 =	smov.u32 s5  }
0x140: {  	p3 =	seq.s32 s5, $0xFFFFFFFF;
	s4 =	smov.u32 @p2 s3  }
0x141: {  	s5 =	smov.u32 @p3 s2;
	s4 =	smov.u32 @p3 s3  }
0x142: {  	(v2sf) =	vpush v0, $0x0;
	_ =	sdelay $0x8  }
0x143: {  	s0 =	spop (v2sf)  }
0x144: {  	p1 =	sne.s32 s4, $0xFFFFFFFF;
	s2 =	smov.u32 s0  }
0x145: {  	s9 =	simm.s32 $0x6;
	p2 =	seq.s32 s0, $0xFFFFFFFF;
	s2 =	smov.u32 @p1 s4  }
0x146: {  	s6 =	simm.s32 $0x0;
	s2 =	smov.u32 @p2 s4;
	s3 =	spop (v2sf)  }
0x147: {  	s0 =	smov.u32 @p2 s5;
	p1 =	sne.s32 s2, $0xFFFFFFFF;
	s4 =	smov.u32 s3  }
.Ltmp19:
0x148: {  	p2 =	seq.s32 s3, $0xFFFFFFFF;
	s4 =	smov.u32 @p1 s2;
	(pc) =	sbr.rel .LBB2_26-.Ltmp19, $4  }
0x149: {  	s10 =	simm.s32 $0xF188;
	s4 =	smov.u32 @p2 s2;
	s7 =	spop (v2sf)  }
0x14a: {  	s11 =	simm.s32 $0x0;
	p1 =	sne.s32 s4, $0xFFFFFFFF;
	s8 =	smov.u32 s7  }
0x14b: {  	s3 =	smov.u32 @p2 s0;
	p2 =	seq.s32 s7, $0xFFFFFFFF;
	s8 =	smov.u32 @p1 s4  }
0x14c: {  	[sflag:s9] =	ssyncpa.u1 $0x0;
	s7 =	smov.u32 @p2 s3;
	s8 =	smov.u32 @p2 s4  }
.LBB2_32:
0x14d: {  	p1 =	sgt.u32 s12, $0x270F0  }
0x14e: {  	p2 =	seq.s32 @!p1 s12, s8  }
0x14f: {  	p1 =	por p1, p2  }
0x150: {  	p2 =	sne.s32 @!p1 s12, s7  }
0x151: {  	p1 =	por p1, !p2  }
0x152: {  	s0 =	sshll.u32 @p1 s11, $0x9  }
0x153: {  	s0 =	sand.u32 @!p1 $0x3FFF8, s12  }
0x154: {  	s2 =	sand.u32 @!p1 $0x7, s12;
	s0 =	sadd.s32 @!p1 s1, s0  }
0x155: {  	[tilespmem:s10], [sflag:$0x6] =	stream.linear.gather @!p1 [hbm4b:s0+s2], $0x80, $0x38;
	[tilespmem:$0x1F6F8] =	vst v63  }
0x156: {  	_ =	swait.ge @!p1 [sflag:s9], $0x80  }
0x157: {  	[sflag:s9] =	ssyncset.done @!p1 $0x0  }
0x158: {  	[sflag:s9] =	ssyncadd.s32 @!p1 $0xFFFFFF80  }
0x159: {  	v1 =	vld @!p1 [tilespmem:$0xF188];
	_ =	sdelay $0x2  }
0x15a: {  	s0 =	sshll.u32 @!p1 s11, $0x9  }
0x15b: {  	s2 =	sshrl.u32 @!p1 s0, $0x2  }
0x15c: {  	[tilespmem:s2+$0xF238] =	vst.add.f32.msk @!p1 $0xffff, v1  }
0x15d: {  	v1 =	vld @!p1 [tilespmem:$0xF198];
	_ =	sdelay $0x4  }
0x15e: {  	[tilespmem:s2+$0xF248] =	vst.add.f32.msk @!p1 $0xffff, v1  }
0x15f: {  	v1 =	vld @!p1 [tilespmem:$0xF1A8];
	_ =	sdelay $0x4  }
0x160: {  	[tilespmem:s2+$0xF258] =	vst.add.f32.msk @!p1 $0xffff, v1  }
0x161: {  	v1 =	vld @!p1 [tilespmem:$0xF1B8];
	_ =	sdelay $0x4  }
0x162: {  	[tilespmem:s2+$0xF268] =	vst.add.f32.msk @!p1 $0xffff, v1  }
0x163: {  	v1 =	vld @!p1 [tilespmem:$0xF1C8];
	_ =	sdelay $0x4  }
0x164: {  	[tilespmem:s2+$0xF278] =	vst.add.f32.msk @!p1 $0xffff, v1  }
0x165: {  	v1 =	vld @!p1 [tilespmem:$0xF1D8];
	_ =	sdelay $0x4  }
0x166: {  	[tilespmem:s2+$0xF288] =	vst.add.f32.msk @!p1 $0xffff, v1  }
0x167: {  	v1 =	vld @!p1 [tilespmem:$0xF1E8];
	_ =	sdelay $0x4  }
0x168: {  	[tilespmem:s2+$0xF298] =	vst.add.f32.msk @!p1 $0xffff, v1  }
0x169: {  	v1 =	vld @!p1 [tilespmem:$0xF1F8];
	_ =	sdelay $0x4  }
0x16a: {  	[tilespmem:s2+$0xF2A8] =	vst.add.f32.msk @!p1 $0xffff, v1  }
0x16b: {  	s0 =	sshrl.u32 s0, $0x2;
	[tilespmem:s6+$0xF218] =	vst.msk $0x1, v0  }
0x16c: {  	v0 =	vld [tilespmem:s0+$0xF238];
	_ =	sdelay $0x2  }
0x16d: {  	s31 =	sshll.u32 s6, $0x9  }
0x16e: {  	s2 =	sshra.s32 s31, $0x2  }
0x16f: {  	[tilespmem:s2+$0xF238] =	vst v0  }
0x170: {  	v0 =	vld [tilespmem:s0+$0xF248];
	_ =	sdelay $0x4  }
0x171: {  	[tilespmem:s2+$0xF248] =	vst v0  }
0x172: {  	v0 =	vld [tilespmem:s0+$0xF258];
	_ =	sdelay $0x4  }
0x173: {  	[tilespmem:s2+$0xF258] =	vst v0  }
0x174: {  	v0 =	vld [tilespmem:s0+$0xF268];
	_ =	sdelay $0x4  }
0x175: {  	[tilespmem:s2+$0xF268] =	vst v0  }
0x176: {  	v0 =	vld [tilespmem:s0+$0xF278];
	_ =	sdelay $0x4  }
0x177: {  	[tilespmem:s2+$0xF278] =	vst v0  }
0x178: {  	v0 =	vld [tilespmem:s0+$0xF288];
	_ =	sdelay $0x4  }
0x179: {  	[tilespmem:s2+$0xF288] =	vst v0  }
0x17a: {  	v0 =	vld [tilespmem:s0+$0xF298];
	_ =	sdelay $0x4  }
0x17b: {  	[tilespmem:s2+$0xF298] =	vst v0  }
0x17c: {  	v0 =	vld [tilespmem:s0+$0xF2A8];
	_ =	sdelay $0x4  }
0x17d: {  	s6 =	sadd.s32 $0x1, s6;
	[tilespmem:s2+$0xF2A8] =	vst v0  }
.LBB2_33:
0x17e: {  	s11 =	sadd.s32 $0x1, s11  }
0x17f: {  	p1 =	sne.s32 s11, $0x20  }
.Ltmp20:
0x180: {  	_ = 	snop;
	(pc) =	sbr.rel @!p1 .LBB2_34-.Ltmp20, $1  }
0x181: {  	_ =	sdelay $0x3  }
.LBB2_26:
0x182: {  	v0 =	vld.msk [tilespmem:s11+$0xF218], $0x1;
	_ =	sdelay $0x4  }
0x183: {  	(v2sf) =	vpush v0, $0x0;
	_ =	sdelay $0xe  }
0x184: {  	s12 =	spop (v2sf)  }
0x185: {  	p1 =	seq.s32 s12, $0xFFFFFFFF  }
.Ltmp21:
0x186: {  	_ = 	snop;
	(pc) =	sbr.rel @p1 .LBB2_33-.Ltmp21, $1  }
0x187: {  	_ =	sdelay $0x3  }
0x188: {  	p1 =	slt.s32 s6, $0x1  }
.Ltmp22:
0x189: {  	_ = 	snop;
	(pc) =	sbr.rel @p1 .LBB2_32-.Ltmp22, $1  }
0x18a: {  	_ =	sdelay $0x3  }
0x18b: {  	s13 =	simm.s32 $0xF218;
	p1 =	por $0x0, $0x0  }
0x18c: {  	v1 =	vld.msk @!p1 [tilespmem:s13+$0x0], $0x1;
	_ =	sdelay $0x4  }
0x18d: {  	(v2sf) =	vpush @!p1 v1, $0x0;
	_ =	sdelay $0xd  }
0x18e: {  	p3 =	sne.s32 s6, $0x1  }
.Ltmp23:
0x18f: {  	s0 =	spop @!p1 (v2sf);
	(pc) =	sbr.rel @!p3 .LBB2_30-.Ltmp23, $4  }
0x190: {  	p2 =	seq.s32 @!p1 s12, s0  }
0x191: {  	s14 =	simm.s32 $0x0;
	p2 =	por !p2, p1  }
0x192: {  	s2 =	simm.s32 $0xFFFFFFFF;
	s14 =	simm.s32 @p2 $0xFFFFFFFF  }
0x193: {  	s0 =	simm.s32 $0x1;
	s14 =	smov.u32 @p1 s2  }
.LBB2_29:
0x194: {  	s2 =	smov.u32 s14;
	p1 =	sne.s32 s14, $0xFFFFFFFF  }
0x195: {  	s13 =	sadd.s32 $0x1, s13;
	s14 =	smov.u32 s0;
	s0 =	sadd.s32 $0x1, s0  }
0x196: {  	p2 =	sne.s32 s6, s0;
	v1 =	vld.msk @!p1 [tilespmem:s13+$0x0], $0x1;
	_ =	sdelay $0x4  }
0x197: {  	(v2sf) =	vpush @!p1 v1, $0x0;
	_ =	sdelay $0xe  }
.Ltmp24:
0x198: {  	s3 =	spop @!p1 (v2sf);
	(pc) =	sbr.rel @p2 .LBB2_29-.Ltmp24, $4  }
0x199: {  	p3 =	seq.s32 @!p1 s12, s3  }
0x19a: {  	p3 =	por !p3, p1  }
0x19b: {  	s14 =	simm.s32 @p3 $0xFFFFFFFF  }
0x19c: {  	s14 =	smov.u32 @p1 s2  }
.LBB2_30:
0x19d: {  	p1 =	seq.s32 s14, $0xFFFFFFFF  }
.Ltmp25:
0x19e: {  	_ = 	snop;
	(pc) =	sbr.rel @p1 .LBB2_32-.Ltmp25, $1  }
0x19f: {  	_ =	sdelay $0x3  }
0x1a0: {  	s0 =	sshll.u32 s11, $0x7  }
0x1a1: {  	s0 =	sand.u32 $0x3FFFFF80, s0  }
0x1a2: {  	v0 =	vld [tilespmem:s0+$0xF238];
	_ =	sdelay $0x2  }
0x1a3: {  	s2 =	sshll.u32 s14, $0x9  }
0x1a4: {  	s2 =	sshra.s32 s2, $0x2  }
0x1a5: {  	[tilespmem:s2+$0xF238] =	vst.add.f32.msk $0xffff, v0  }
0x1a6: {  	v0 =	vld [tilespmem:s0+$0xF248];
	_ =	sdelay $0x4  }
0x1a7: {  	[tilespmem:s2+$0xF248] =	vst.add.f32.msk $0xffff, v0  }
0x1a8: {  	v0 =	vld [tilespmem:s0+$0xF258];
	_ =	sdelay $0x4  }
0x1a9: {  	[tilespmem:s2+$0xF258] =	vst.add.f32.msk $0xffff, v0  }
0x1aa: {  	v0 =	vld [tilespmem:s0+$0xF268];
	_ =	sdelay $0x4  }
0x1ab: {  	[tilespmem:s2+$0xF268] =	vst.add.f32.msk $0xffff, v0  }
0x1ac: {  	v0 =	vld [tilespmem:s0+$0xF278];
	_ =	sdelay $0x4  }
0x1ad: {  	[tilespmem:s2+$0xF278] =	vst.add.f32.msk $0xffff, v0  }
0x1ae: {  	v0 =	vld [tilespmem:s0+$0xF288];
	_ =	sdelay $0x4  }
0x1af: {  	[tilespmem:s2+$0xF288] =	vst.add.f32.msk $0xffff, v0  }
0x1b0: {  	v0 =	vld [tilespmem:s0+$0xF298];
	_ =	sdelay $0x4  }
0x1b1: {  	[tilespmem:s2+$0xF298] =	vst.add.f32.msk $0xffff, v0  }
0x1b2: {  	v0 =	vld [tilespmem:s0+$0xF2A8]  }
.Ltmp26:
0x1b3: {  	_ = 	snop;
	(pc) =	sbr.rel .LBB2_33-.Ltmp26, $2  }
0x1b4: {  	_ =	sdelay $0x2  }
0x1b5: {  	[tilespmem:s2+$0xF2A8] =	vst.add.f32.msk $0xffff, v0  }
.LBB2_34:
0x1b6: {  	s0 =	simm.s32 $0x6;
	p1 =	seq.s32 s6, $0x0  }
0x1b7: {  	[sflag:s0] =	ssyncpa.u1 $0x1;
	v0 =	vimm.s32 @p1 $0xFFFFFFFF  }
0x1b8: {  	s9 =	sadd.s32 $0xFFFFFFFF, s6;
	[tilespmem:$0x10238] =	vst @p1 v0  }
0x1b9: {  	v0 =	vld.msk @!p1 [tilespmem:s9+$0xF218], $0x1;
	_ =	sdelay $0x1  }
0x1ba: {  	v1 =	vld.msk @!p1 [tilespmem:$0xF218], $0x1;
	_ =	sdelay $0x2  }
0x1bb: {  	p2 =	seq.s32 @!p1 s9, $0x0;
	v0 =	vbroadcast @!p1 v0, $0x0  }
0x1bc: {  	vm0 =	vmmov @!p1 $0x1;
	p2 =	por !p2, p1  }
0x1bd: {  	v1 =	vnsel @!p1 vm0, $0xFFFFFFFF, v1;
	vm0 =	vcmask @!p1 $0x308;
	v0 =	vpsel !p2, $0xFFFFFFFF, v0  }
0x1be: {  	p2 =	sne.s32 @!p1 s8, s7;
	v0 =	vsel @!p1 vm0, v1, v0  }
0x1bf: {  	s0 =	simm.s32 @!p1 $0xF238;
	s2 =	simm.s32 @!p1 $0x0;
	p3 =	por !p2, p1;
	[tilespmem:$0x10238] =	vst @!p1 v0  }
0x1c0: {  	[spmem:s2] =	stream.linear.scatter @!p1 [tilespmem:s0], [sflag:$0x1], $0x80, $0x38;
	[tilespmem:$0x1F6F8] =	vst v63  }
0x1c1: {  	s0 =	sshll.u32 @!p3 s9, $0x9  }
0x1c2: {  	s0 =	sshra.s32 @!p3 s0, $0x2  }
0x1c3: {  	s2 =	simm.s32 @!p3 $0x80;
	s0 =	sadd.s32 @!p3 $0xF238, s0  }
0x1c4: {  	[spmem:s2] =	stream.linear.scatter @!p3 [tilespmem:s0], [sflag:$0x1], $0x80, $0x38;
	[tilespmem:$0x1F6F8] =	vst v63  }
0x1c5: {  	s0 =	simm.s32 @!p3 $0x1  }
0x1c6: {  	_ =	swait.ge @!p3 [sflag:s0], $0x100  }
0x1c7: {  	p1 =	por p2, p1;
	[sflag:s0] =	ssyncset.done @!p3 $0x0  }
0x1c8: {  	[sflag:s0] =	ssyncadd.s32 @!p3 $0xFFFFFF00;
	s0 =	simm.s32 @!p1 $0x1  }
0x1c9: {  	_ =	swait.ge @!p1 [sflag:s0], $0x80  }
0x1ca: {  	s29 =	simm.s32 $0x10238;
	[sflag:s0] =	ssyncset.done @!p1 $0x0  }
0x1cb: {  	s30 =	simm.s32 $0x1000;
	s31 =	simm.s32 $0x1;
	[sflag:s0] =	ssyncadd.s32 @!p1 $0xFFFFFF80  }
0x1cc: {  	[spmem:s30] =	stream.linear.scatter [tilespmem:s29], [sflag:$0x1], $0x10, $0x38;
	[tilespmem:$0x1F6F8] =	vst v63  }
0x1cd: {  	_ =	swait.ge [sflag:s31], $0x10  }
0x1ce: {  	[sflag:s31] =	ssyncset.done $0x0  }
0x1cf: {  	p1 =	seq.s32 s15, $0x0;
	s8 =	rddreg [dreg:$0x2];
	[sflag:s31] =	ssyncadd.s32 $0xFFFFFFF0  }
0x1d0: {  	s2 =	sshll.u32 @p1 s8, $0xE;
	s7 =	rddreg [dreg:$0x3]  }
0x1d1: {  	s0 =	sadd.s32 @p1 $0x15C3C, s2;
	s2 =	sshll.u32 @p1 s7, $0x11  }
0x1d2: {  	_ =	sfence.stream.spmem;
	s0 =	sor.u32 @p1 s2, s0  }
0x1d3: {  	[sflag:s0] =	ssyncadd.remote.s32 @p1 $0x1;
	s0 =	simm.s32 @p1 $0x4  }
0x1d4: {  	s3 =	simm.s32 @!p1 $0x3C;
	s2 =	sand.u32 $0xFFFFFFFE, s8;
	_ =	swait.ge @p1 [sflag:s0], $0x22  }
0x1d5: {  	s4 =	simm.s32 @!p1 $0x0;
	s2 =	sadd.s32 @!p1 $0x4, s2;
	[sflag:s0] =	ssyncset.done @p1 $0x0  }
0x1d6: {  	s5 =	simm.s32 @!p1 $0x100;
	[sflag:s0] =	ssyncadd.s32 @p1 $0xFFFFFFDE;
	s0 =	sshll.u32 @!p1 s2, $0x1A  }
0x1d7: {  	s2 =	sshll.u32 @!p1 s2, $0xD;
	s0 =	sor.u32 @!p1 s0, s7;
	_ =	swait.eq @!p1 [sflag:s3], $0x1  }
0x1d8: {  	s2 =	sor.u32 @!p1 $0x1C04, s2;
	s3 =	simm.s32 @!p1 $0x1C03;
	s0 =	sor.u32 @!p1 $0x80004000, s0  }
0x1d9: {  	[spmem:s5], [sflag:s2] =	dma.general @!p1 [spmem:s4], [sflag:s3], length:$0x20, [dreg:$0x0], stride_count:$0x0, ici_dest:s0, dma_misc:DstOpCode:WRITE  }
0x1da: {  	p2 =	slt.s32 s9, $0x2;
	s4 =	simm.s32 @!p1 $0x200;
	s5 =	simm.s32 @!p1 $0x202  }
0x1db: {  	[spmem:s5], [sflag:s2] =	dma.general @!p1 [spmem:s4], [sflag:s3], length:$0x2, [dreg:$0x0], stride_count:$0x0, ici_dest:s0, dma_misc:DstOpCode:WRITE  }
.Ltmp27:
0x1dc: {  	s0 =	simm.s32 @!p1 $0x3;
	(pc) =	sbr.rel @p2 .LBB2_38-.Ltmp27, $4  }
0x1dd: {  	s2 =	sshll.u32 @!p1 s8, $0xE;
	_ =	swait.ge @!p1 [sflag:s0], $0x22  }
0x1de: {  	s3 =	sshll.u32 @!p1 s7, $0x11;
	s2 =	sadd.s32 @!p1 $0x11C3C, s2;
	[sflag:s0] =	ssyncset.done @!p1 $0x0  }
0x1df: {  	[sflag:s0] =	ssyncadd.s32 @!p1 $0xFFFFFFDE;
	s0 =	sor.u32 @!p1 s3, s2  }
0x1e0: {  	[sflag:s0] =	ssyncadd.remote.s32 @!p1 $0xFFFFFFFF;
	s0 =	simm.s32 $0x0  }
0x1e1: {  	s0 =	simm.s32 $0xF219  }
0x1e2: {  	v0 =	vld.msk [tilespmem:s0+$0x0], $0x1;
	_ =	sdelay $0x4  }
0x1e3: {  	(v2sf) =	vpush v0, $0x0;
	_ =	sdelay $0xb  }
0x1e4: {  	s31 =	sadd.s32 $0xFFFFFFFE, s6  }
0x1e5: {  	s0 =	sadd.s32 $0xFFFFFFFF, s31  }
0x1e6: {  	p2 =	sne.s32 s0, $0x0  }
.Ltmp28:
0x1e7: {  	s2 =	spop (v2sf);
	(pc) =	sbr.rel @!p2 .LBB2_37-.Ltmp28, $4  }
0x1e8: {  	s4 =	simm.s32 $0xF2B8;
	s7 =	simm.s32 $0x0;
	p1 =	sgt.u32 s2, $0x270F0  }
0x1e9: {  	s5 =	simm.s32 $0x0;
	s6 =	simm.s32 $0xF21A;
	s3 =	sand.u32 @!p1 $0x3FFF8, s2  }
0x1ea: {  	s2 =	sand.u32 @!p1 $0x7, s2;
	s7 =	simm.s32 @!p1 $0x200;
	s3 =	sadd.s32 @!p1 s1, s3  }
0x1eb: {  	[hbm4b:s3+s2] =	stream.linear.scatter @!p1 [tilespmem:s4], [sflag:$0x5], $0x80, $0x38;
	[tilespmem:$0x1F6F8] =	vst v63  }
.LBB2_36:
0x1ec: {  	v0 =	vld.msk [tilespmem:s6+$0x0], $0x1;
	s0 =	sadd.s32 $0xFFFFFFFF, s0;
	s5 =	sadd.s32 s5, s7  }
0x1ed: {  	p1 =	sne.s32 s0, $0x0;
	_ =	sdelay $0x3  }
0x1ee: {  	(v2sf) =	vpush v0, $0x0;
	_ =	sdelay $0xe  }
.Ltmp29:
0x1ef: {  	s2 =	spop (v2sf);
	(pc) =	sbr.rel @p1 .LBB2_36-.Ltmp29, $4  }
0x1f0: {  	s7 =	simm.s32 $0x0;
	p2 =	sgt.u32 s2, $0x270F0  }
0x1f1: {  	s4 =	sadd.s32 $0x80, s4;
	s7 =	simm.s32 @!p2 $0x200;
	s3 =	sand.u32 @!p2 $0x3FFF8, s2  }
0x1f2: {  	s6 =	sadd.s32 $0x1, s6;
	s2 =	sand.u32 @!p2 $0x7, s2;
	s3 =	sadd.s32 @!p2 s1, s3  }
0x1f3: {  	[hbm4b:s3+s2] =	stream.linear.scatter @!p2 [tilespmem:s4], [sflag:$0x5], $0x80, $0x38;
	[tilespmem:$0x1F6F8] =	vst v63  }
.LBB2_37:
0x1f4: {  	s0 =	sadd.s32 s5, s7  }
0x1f5: {  	s0 =	sshrl.u32 s0, $0x2  }
.LBB2_38:
0x1f6: {  	s2 =	simm.s32 $0x5  }
0x1f7: {  	_ =	swait.ge [sflag:s2], s0  }
0x1f8: {  	s31 =	ssub.s32 $0x0, s0;
	[sflag:s2] =	ssyncset.done $0x0  }
0x1f9: {  	[sflag:s2] =	ssyncadd.s32 s31  }
0x1fa: {  	[sflag:s2] =	ssyncpa.u1 $0x1  }
.LBB2_39:
0x1fb: {  	s0 =	sor.u32 s15, s16  }
0x1fc: {  	p1 =	sne.s32 s0, $0x0  }
.Ltmp30:
0x1fd: {  	_ = 	snop;
	(pc) =	sbr.rel @p1 .LBB2_54-.Ltmp30, $3  }
0x1fe: {  	_ =	sdelay $0x1  }
0x1ff: {  	[bflag:$0x0] =	sbarrier.arrive $0xFFFF  }
0x200: {  	_ =	sfence  }
0x201: {  	s0 =	simm.s32 $0x7  }
0x202: {  	s2 =	simm.s32 $0x1000;
	s3 =	simm.s32 $0xF218;
	[sflag:s0] =	ssyncpa.u1 $0x0  }
0x203: {  	[tilespmem:s3], [sflag:$0x7] =	stream.linear.gather [spmem:s2], $0x20, $0x38;
	[tilespmem:$0x1F6F8] =	vst v63  }
0x204: {  	s30 =	simm.s32 $0xF238;
	s2 =	simm.s32 $0x0  }
0x205: {  	[tilespmem:s30], [sflag:$0x7] =	stream.linear.gather [spmem:s2], $0x1000, $0x38;
	[tilespmem:$0x1F6F8] =	vst v63  }
.Ltmp31:
0x206: {  	_ = 	snop;
	(pc) =	sbr.rel .LBB2_41-.Ltmp31, $4  }
0x207: {  	_ =	swait.ge [sflag:s0], $0x1020  }
0x208: {  	[sflag:s0] =	ssyncset.done $0x0  }
0x209: {  	s31 =	simm.s32 $0x8;
	[sflag:s0] =	ssyncadd.s32 $0xFFFFEFE0  }
0x20a: {  	s3 =	simm.s32 $0x0;
	[sflag:s31] =	ssyncpa.u1 $0x0  }
.LBB2_47:
0x20b: {  	p1 =	slt.u32 s4, $0x270F1  }
0x20c: {  	s0 =	sand.u32 @p1 $0x3FFF8, s4  }
0x20d: {  	s4 =	sand.u32 @p1 $0x7, s4;
	s5 =	simm.s32 @p1 $0xF188;
	s0 =	sadd.s32 @p1 s1, s0  }
0x20e: {  	[tilespmem:s5], [sflag:$0x8] =	stream.linear.gather @p1 [hbm4b:s0+s4], $0x80, $0x38;
	[tilespmem:$0x1F6F8] =	vst v63  }
0x20f: {  	s0 =	simm.s32 @p1 $0x8  }
0x210: {  	_ =	swait.ge @p1 [sflag:s0], $0x80  }
0x211: {  	[sflag:s0] =	ssyncset.done @p1 $0x0  }
0x212: {  	[sflag:s0] =	ssyncadd.s32 @p1 $0xFFFFFF80  }
0x213: {  	v1 =	vld @p1 [tilespmem:$0xF188];
	_ =	sdelay $0x2  }
0x214: {  	s0 =	sshll.u32 @p1 s3, $0x9  }
0x215: {  	s4 =	sshrl.u32 @p1 s0, $0x2  }
0x216: {  	[tilespmem:s4+$0xF238] =	vst.add.f32.msk @p1 $0xffff, v1  }
0x217: {  	v1 =	vld @p1 [tilespmem:$0xF198];
	_ =	sdelay $0x4  }
0x218: {  	[tilespmem:s4+$0xF248] =	vst.add.f32.msk @p1 $0xffff, v1  }
0x219: {  	v1 =	vld @p1 [tilespmem:$0xF1A8];
	_ =	sdelay $0x4  }
0x21a: {  	[tilespmem:s4+$0xF258] =	vst.add.f32.msk @p1 $0xffff, v1  }
0x21b: {  	v1 =	vld @p1 [tilespmem:$0xF1B8];
	_ =	sdelay $0x4  }
0x21c: {  	[tilespmem:s4+$0xF268] =	vst.add.f32.msk @p1 $0xffff, v1  }
0x21d: {  	v1 =	vld @p1 [tilespmem:$0xF1C8];
	_ =	sdelay $0x4  }
0x21e: {  	[tilespmem:s4+$0xF278] =	vst.add.f32.msk @p1 $0xffff, v1  }
0x21f: {  	v1 =	vld @p1 [tilespmem:$0xF1D8];
	_ =	sdelay $0x4  }
0x220: {  	[tilespmem:s4+$0xF288] =	vst.add.f32.msk @p1 $0xffff, v1  }
0x221: {  	v1 =	vld @p1 [tilespmem:$0xF1E8];
	_ =	sdelay $0x4  }
0x222: {  	[tilespmem:s4+$0xF298] =	vst.add.f32.msk @p1 $0xffff, v1  }
0x223: {  	v1 =	vld @p1 [tilespmem:$0xF1F8];
	_ =	sdelay $0x3  }
0x224: {  	s5 =	sshll.u32 @!p1 s3, $0x9  }
0x225: {  	s5 =	smov.u32 @p1 s0;
	[tilespmem:s4+$0xF2A8] =	vst.add.f32.msk @p1 $0xffff, v1  }
0x226: {  	s0 =	sshrl.u32 s5, $0x2;
	[tilespmem:s2+$0xF218] =	vst.msk $0x1, v0  }
0x227: {  	v0 =	vld [tilespmem:s0+$0xF238];
	_ =	sdelay $0x2  }
0x228: {  	s31 =	sshll.u32 s2, $0x9  }
0x229: {  	s4 =	sshra.s32 s31, $0x2  }
0x22a: {  	[tilespmem:s4+$0xF238] =	vst v0  }
0x22b: {  	v0 =	vld [tilespmem:s0+$0xF248];
	_ =	sdelay $0x4  }
0x22c: {  	[tilespmem:s4+$0xF248] =	vst v0  }
0x22d: {  	v0 =	vld [tilespmem:s0+$0xF258];
	_ =	sdelay $0x4  }
0x22e: {  	[tilespmem:s4+$0xF258] =	vst v0  }
0x22f: {  	v0 =	vld [tilespmem:s0+$0xF268];
	_ =	sdelay $0x4  }
0x230: {  	[tilespmem:s4+$0xF268] =	vst v0  }
0x231: {  	v0 =	vld [tilespmem:s0+$0xF278];
	_ =	sdelay $0x4  }
0x232: {  	[tilespmem:s4+$0xF278] =	vst v0  }
0x233: {  	v0 =	vld [tilespmem:s0+$0xF288];
	_ =	sdelay $0x4  }
0x234: {  	[tilespmem:s4+$0xF288] =	vst v0  }
0x235: {  	v0 =	vld [tilespmem:s0+$0xF298];
	_ =	sdelay $0x4  }
0x236: {  	[tilespmem:s4+$0xF298] =	vst v0  }
0x237: {  	v0 =	vld [tilespmem:s0+$0xF2A8];
	_ =	sdelay $0x4  }
0x238: {  	s2 =	sadd.s32 $0x1, s2;
	[tilespmem:s4+$0xF2A8] =	vst v0  }
.LBB2_48:
0x239: {  	s3 =	sadd.s32 $0x1, s3  }
0x23a: {  	p1 =	sne.s32 s3, $0x20  }
.Ltmp32:
0x23b: {  	_ = 	snop;
	(pc) =	sbr.rel @!p1 .LBB2_49-.Ltmp32, $1  }
0x23c: {  	_ =	sdelay $0x3  }
.LBB2_41:
0x23d: {  	v0 =	vld.msk [tilespmem:s3+$0xF218], $0x1;
	_ =	sdelay $0x4  }
0x23e: {  	(v2sf) =	vpush v0, $0x0;
	_ =	sdelay $0xe  }
0x23f: {  	s4 =	spop (v2sf)  }
0x240: {  	p1 =	seq.s32 s4, $0xFFFFFFFF  }
.Ltmp33:
0x241: {  	_ = 	snop;
	(pc) =	sbr.rel @p1 .LBB2_48-.Ltmp33, $1  }
0x242: {  	_ =	sdelay $0x3  }
0x243: {  	p1 =	slt.s32 s2, $0x1  }
.Ltmp34:
0x244: {  	_ = 	snop;
	(pc) =	sbr.rel @p1 .LBB2_47-.Ltmp34, $1  }
0x245: {  	_ =	sdelay $0x3  }
0x246: {  	s5 =	simm.s32 $0xF218;
	p1 =	por $0x0, $0x0  }
0x247: {  	v1 =	vld.msk @!p1 [tilespmem:s5+$0x0], $0x1;
	_ =	sdelay $0x4  }
0x248: {  	(v2sf) =	vpush @!p1 v1, $0x0;
	_ =	sdelay $0xd  }
0x249: {  	p3 =	sne.s32 s2, $0x1  }
.Ltmp35:
0x24a: {  	s0 =	spop @!p1 (v2sf);
	(pc) =	sbr.rel @!p3 .LBB2_45-.Ltmp35, $4  }
0x24b: {  	p2 =	seq.s32 @!p1 s4, s0  }
0x24c: {  	s6 =	simm.s32 $0x0;
	p2 =	por !p2, p1  }
0x24d: {  	s7 =	simm.s32 $0xFFFFFFFF;
	s6 =	simm.s32 @p2 $0xFFFFFFFF  }
0x24e: {  	s0 =	simm.s32 $0x1;
	s6 =	smov.u32 @p1 s7  }
.LBB2_44:
0x24f: {  	s7 =	smov.u32 s6;
	p1 =	sne.s32 s6, $0xFFFFFFFF  }
0x250: {  	s5 =	sadd.s32 $0x1, s5;
	s6 =	smov.u32 s0;
	s0 =	sadd.s32 $0x1, s0  }
0x251: {  	p2 =	sne.s32 s2, s0;
	v1 =	vld.msk @!p1 [tilespmem:s5+$0x0], $0x1;
	_ =	sdelay $0x4  }
0x252: {  	(v2sf) =	vpush @!p1 v1, $0x0;
	_ =	sdelay $0xe  }
.Ltmp36:
0x253: {  	s8 =	spop @!p1 (v2sf);
	(pc) =	sbr.rel @p2 .LBB2_44-.Ltmp36, $4  }
0x254: {  	p3 =	seq.s32 @!p1 s4, s8  }
0x255: {  	p3 =	por !p3, p1  }
0x256: {  	s6 =	simm.s32 @p3 $0xFFFFFFFF  }
0x257: {  	s6 =	smov.u32 @p1 s7  }
.LBB2_45:
0x258: {  	p1 =	seq.s32 s6, $0xFFFFFFFF  }
.Ltmp37:
0x259: {  	_ = 	snop;
	(pc) =	sbr.rel @p1 .LBB2_47-.Ltmp37, $1  }
0x25a: {  	_ =	sdelay $0x3  }
0x25b: {  	s0 =	sshll.u32 s3, $0x7  }
0x25c: {  	s0 =	sand.u32 $0x3FFFFF80, s0  }
0x25d: {  	v0 =	vld [tilespmem:s0+$0xF238];
	_ =	sdelay $0x2  }
0x25e: {  	s4 =	sshll.u32 s6, $0x9  }
0x25f: {  	s4 =	sshra.s32 s4, $0x2  }
0x260: {  	[tilespmem:s4+$0xF238] =	vst.add.f32.msk $0xffff, v0  }
0x261: {  	v0 =	vld [tilespmem:s0+$0xF248];
	_ =	sdelay $0x4  }
0x262: {  	[tilespmem:s4+$0xF248] =	vst.add.f32.msk $0xffff, v0  }
0x263: {  	v0 =	vld [tilespmem:s0+$0xF258];
	_ =	sdelay $0x4  }
0x264: {  	[tilespmem:s4+$0xF258] =	vst.add.f32.msk $0xffff, v0  }
0x265: {  	v0 =	vld [tilespmem:s0+$0xF268];
	_ =	sdelay $0x4  }
0x266: {  	[tilespmem:s4+$0xF268] =	vst.add.f32.msk $0xffff, v0  }
0x267: {  	v0 =	vld [tilespmem:s0+$0xF278];
	_ =	sdelay $0x4  }
0x268: {  	[tilespmem:s4+$0xF278] =	vst.add.f32.msk $0xffff, v0  }
0x269: {  	v0 =	vld [tilespmem:s0+$0xF288];
	_ =	sdelay $0x4  }
0x26a: {  	[tilespmem:s4+$0xF288] =	vst.add.f32.msk $0xffff, v0  }
0x26b: {  	v0 =	vld [tilespmem:s0+$0xF298];
	_ =	sdelay $0x4  }
0x26c: {  	[tilespmem:s4+$0xF298] =	vst.add.f32.msk $0xffff, v0  }
0x26d: {  	v0 =	vld [tilespmem:s0+$0xF2A8]  }
.Ltmp38:
0x26e: {  	_ = 	snop;
	(pc) =	sbr.rel .LBB2_48-.Ltmp38, $2  }
0x26f: {  	_ =	sdelay $0x2  }
0x270: {  	[tilespmem:s4+$0xF2A8] =	vst.add.f32.msk $0xffff, v0  }
.LBB2_49:
0x271: {  	p1 =	slt.s32 s2, $0x1  }
.Ltmp39:
0x272: {  	_ = 	snop;
	(pc) =	sbr.rel @p1 .LBB2_53-.Ltmp39, $3  }
0x273: {  	_ =	sdelay $0x1  }
0x274: {  	s0 =	simm.s32 $0x8  }
0x275: {  	s3 =	simm.s32 $0x0;
	[sflag:s0] =	ssyncpa.u1 $0x1  }
0x276: {  	s0 =	simm.s32 $0xF218  }
0x277: {  	v0 =	vld.msk [tilespmem:s0+$0x0], $0x1;
	_ =	sdelay $0x4  }
0x278: {  	(v2sf) =	vpush v0, $0x0;
	_ =	sdelay $0xe  }
0x279: {  	s0 =	sadd.s32 $0xFFFFFFFF, s2;
	s5 =	spop (v2sf)  }
0x27a: {  	p2 =	sne.s32 s0, $0x0;
	p1 =	sgt.u32 s5, $0x270F0  }
.Ltmp40:
0x27b: {  	s6 =	sand.u32 @!p1 $0x3FFF8, s5;
	(pc) =	sbr.rel @!p2 .LBB2_52-.Ltmp40, $4  }
0x27c: {  	s4 =	simm.s32 $0xF238;
	s5 =	sand.u32 @!p1 $0x7, s5;
	s2 =	sadd.s32 @!p1 s1, s6  }
0x27d: {  	[hbm4b:s2+s5] =	stream.linear.scatter @!p1 [tilespmem:s4], [sflag:$0x7], $0x80, $0x38;
	[tilespmem:$0x1F6F8] =	vst v63  }
0x27e: {  	s5 =	simm.s32 $0x0  }
0x27f: {  	s2 =	simm.s32 $0xF219;
	s5 =	simm.s32 @!p1 $0x200  }
.LBB2_51:
0x280: {  	v0 =	vld.msk [tilespmem:s2+$0x0], $0x1;
	s0 =	sadd.s32 $0xFFFFFFFF, s0;
	s3 =	sadd.s32 s3, s5  }
0x281: {  	p1 =	sne.s32 s0, $0x0;
	_ =	sdelay $0x3  }
0x282: {  	(v2sf) =	vpush v0, $0x0;
	_ =	sdelay $0xe  }
.Ltmp41:
0x283: {  	s6 =	spop (v2sf);
	(pc) =	sbr.rel @p1 .LBB2_51-.Ltmp41, $4  }
0x284: {  	s5 =	simm.s32 $0x0;
	p2 =	sgt.u32 s6, $0x270F0  }
0x285: {  	s4 =	sadd.s32 $0x80, s4;
	s5 =	simm.s32 @!p2 $0x200;
	s7 =	sand.u32 @!p2 $0x3FFF8, s6  }
0x286: {  	s2 =	sadd.s32 $0x1, s2;
	s6 =	sand.u32 @!p2 $0x7, s6;
	s7 =	sadd.s32 @!p2 s1, s7  }
0x287: {  	[hbm4b:s7+s6] =	stream.linear.scatter @!p2 [tilespmem:s4], [sflag:$0x7], $0x80, $0x38;
	[tilespmem:$0x1F6F8] =	vst v63  }
.LBB2_52:
0x288: {  	s0 =	sadd.s32 s3, s5  }
0x289: {  	s3 =	sshrl.u32 s0, $0x2  }
.LBB2_53:
0x28a: {  	s0 =	simm.s32 $0x7  }
0x28b: {  	_ =	swait.ge [sflag:s0], s3  }
0x28c: {  	s1 =	ssub.s32 $0x0, s3;
	[sflag:s0] =	ssyncset.done $0x0  }
0x28d: {  	[sflag:s0] =	ssyncadd.s32 s1  }
0x28e: {  	[sflag:s0] =	ssyncpa.u1 $0x1  }
.LBB2_54:
0x28f: {  	_ =	sfence;
	s0 =	simm.s32 $0x1  }
0x290: {  	[sflag:s0] =	ssyncpa.u1 $0x1  }
0x291: {  	_ =	strace $0x90000062  }
0x292: {  	[bflag:$0x2] =	sbarrier.arrive $0xFFFF  }
0x293: {  	s0 =	rddreg [dreg:$0x4]  }
0x294: {  	s0 =	sadd.s32 @!p0 $0x100000, s0  }
0x295: {  	[sflag:s0] =	ssyncadd.tile.s32 @!p0 $0x1;
	_ =	shalt  }
.Lfunc_end2:
_tile_overlayer_lowered:
.L_overlay_start_2:
0x296: {  	(tag) =	ssettag $0x2  }
0x297: {  	s0 =	rddreg [dreg:$0x0];
	s2 =	stileid.u32  }
0x298: {  	s1 =	rddreg [dreg:$0x1];
	p0 =	sne.s32 s2, $0x0  }
0x299: {  	s3 =	rddreg [dreg:$0x2];
	[bflag:$0x3] =	sbarrier.arrive $0xFFFF;
	s2 =	simm.s32 @!p0 $0x1C01  }
0x29a: {  	[timem:s3], [sflag:s2] =	dma.local @!p0 [hbm:s0], s1  }
0x29b: {  	s0 =	simm.s32 @!p0 $0x1  }
0x29c: {  	_ =	swait.ge @!p0 [sflag:s0], s1  }
0x29d: {  	s1 =	ssub.s32 @!p0 $0x0, s1;
	[sflag:s0] =	ssyncset.done @!p0 $0x0  }
0x29e: {  	[sflag:s0] =	ssyncadd.s32 @!p0 s1  }
0x29f: {  	[bflag:$0x3] =	sbarrier.arrive $0xFFFF  }
0x2a0: {  	_ =	shalt  }

// kernel: scatter_offload_async_start.4
scs
__scs_entry_jumppad:
0x0: {  	(pc) =	sbr.rel $0x88, $3  }
0x1: {  	(tag) =	ssettag $0x0;
	lr =	simm.s32 $0x1  }
0x2: {  	[smem:$0x3F98] =	sst lr;
	_ =	strace $0xD0000000  }
0x3: {  	_ = 	snop  }
0x4: {  	_ = 	snop  }
0x5: {  	_ = 	snop  }
0x6: {  	_ = 	snop  }
0x7: {  	_ = 	snop  }
__scs_overlays_trampoline_lowered:
0x8: {  	[smem:$0x3FA7] =	sst s0  }
0x9: {  	[smem:$0x3FA8] =	sst s1  }
0xa: {  	[smem:$0x3FA9] =	sst s2  }
0xb: {  	[smem:$0x3FAA] =	sst s3  }
0xc: {  	[smem:$0x3FAB] =	sst s4  }
0xd: {  	[smem:$0x3FAC] =	sst s5  }
0xe: {  	[smem:$0x3FAD] =	sst s6  }
0xf: {  	[smem:$0x3FAE] =	sst s7  }
0x10: {  	[smem:$0x3FAF] =	sst s8  }
0x11: {  	[smem:$0x3FB0] =	sst s9;
	s0 =	simm.s32 @!p0 $0x0  }
0x12: {  	s1 =	sld [smem:$0x3F96];
	s0 =	simm.s32 @p0 $0x1  }
0x13: {  	[smem:$0x3FB1] =	sst s0;
	s0 =	simm.s32 @!p1 $0x0  }
0x14: {  	s2 =	sld [smem:$0x3F95];
	s0 =	simm.s32 @p1 $0x1  }
0x15: {  	[smem:$0x3FB2] =	sst s0;
	s0 =	simm.s32 @!p2 $0x0  }
0x16: {  	s3 =	sld [smem:$0x3FDB];
	s0 =	simm.s32 @p2 $0x1  }
0x17: {  	s4 =	simm.s32 $0x1BF5;
	[smem:$0x3FB4] =	sst s0  }
0x18: {  	s0 =	sld [smem:$0x3F97];
	_ =	swait.ge [sflag:s4], $0x0  }
0x19: {  	s7 =	sld [smem:$0x3F98]  }
0x1a: {  	s8 =	sadd.s32 $0xFFFFE003, lr  }
0x1b: {  	s9 =	sadd.s32 $0xFFFFFEF7, lr;
	s5 =	simm.s32 $0xFFFFFFFF;
	p2 =	slt.u32 s8, $0xFFFFF086  }
0x1c: {  	p1 =	slt.u32 s9, $0xF7A;
	s5 =	simm.s32 @!p2 $0x0  }
0x1d: {  	s5 =	simm.s32 @p1 $0x1;
	p0 =	seq.s32 s7, s2  }
0x1e: {  	s7 =	smul.u32 @!p0 $0xF7A, s2;
	p2 =	seq.s32 @!p0 s5, $0x0  }
0x1f: {  	s9 =	smul.u32 $0xF7A, s1;
	s8 =	simm.s32 @!p0 $0x1BF5;
	p2 =	por !p2, p0  }
0x20: {  	[sflag:s8] =	ssyncset.s32 @!p0 $0xFFFFF086;
	s6 =	sadd.s32 @!p0 s3, s7;
	s7 =	simm.s32 @!p0 $0x108  }
0x21: {  	s3 =	sadd.s32 s3, s9;
	s6 =	sadd.s32 @!p0 $0x88, s6;
	s7 =	simm.s32 @p2 $0x1082  }
0x22: {  	[simem:s7], [sflag:s8] =	dma.local @!p0 [hbm:s6], $0xF7A  }
0x23: {  	s9 =	sor.u32 $0xD0000000, s2;
	s6 =	simm.s32 $0x108;
	_ =	swait.ge @!p0 [sflag:s8], $0x0  }
0x24: {  	s3 =	sadd.s32 $0x88, s3;
	s6 =	simm.s32 @!p1 $0x1082;
	[sflag:s4] =	ssyncset.s32 $0xFFFFF086  }
0x25: {  	[simem:s6], [sflag:s4] =	dma.local [hbm:s3], $0xF7A  }
0x26: {  	[smem:$0x3F98] =	sst s1;
	(tag) =	ssettag s2;
	_ =	strace s9  }
0x27: {  	s1 =	sld [smem:$0x3FA8]  }
0x28: {  	s2 =	sld [smem:$0x3FA9]  }
0x29: {  	s4 =	sld [smem:$0x3FAB]  }
0x2a: {  	p0 =	seq.s32 s5, $0x0;
	s5 =	sld [smem:$0x3FAC]  }
0x2b: {  	s6 =	sld [smem:$0x3FAD]  }
0x2c: {  	s7 =	sld [smem:$0x3FAE]  }
0x2d: {  	s3 =	simm.s32 $0x108;
	s8 =	sld [smem:$0x3FAF]  }
0x2e: {  	s3 =	simm.s32 @!p0 $0x1082;
	s9 =	sld [smem:$0x3FB0]  }
0x2f: {  	lr =	sadd.s32 s0, s3;
	s0 =	sld [smem:$0x3FA7]  }
0x30: {  	s3 =	sld [smem:$0x3FAA]  }
0x31: {  	[smem:$0x3FB3] =	sst s10  }
0x32: {  	s10 =	sld [smem:$0x3FB1];
	_ =	sdelay $0x3  }
0x33: {  	p0 =	seq.s32 s10, $0x1;
	s10 =	sld [smem:$0x3FB3];
	_ =	sdelay $0x3  }
0x34: {  	[smem:$0x3FB3] =	sst s10  }
0x35: {  	s10 =	sld [smem:$0x3FB2];
	_ =	sdelay $0x3  }
0x36: {  	p1 =	seq.s32 s10, $0x1;
	s10 =	sld [smem:$0x3FB3];
	_ =	sdelay $0x3  }
0x37: {  	[smem:$0x3FB3] =	sst s10  }
0x38: {  	s10 =	sld [smem:$0x3FB4]  }
0x39: {  	_ = 	snop;
	(pc) =	sbr.ind lr, $3  }
0x3a: {  	_ = 	snop  }
0x3b: {  	_ = 	snop  }
0x3c: {  	p2 =	seq.s32 s10, $0x1;
	s10 =	sld [smem:$0x3FB3]  }
0x3d: {  	_ =	shalt  }
0x3e: {  	_ =	shalt  }
0x3f: {  	_ =	shalt  }
0x40: {  	_ =	shalt  }
0x41: {  	_ =	shalt  }
0x42: {  	_ =	shalt  }
0x43: {  	_ =	shalt  }
0x44: {  	_ =	shalt  }
0x45: {  	_ =	shalt  }
0x46: {  	_ =	shalt  }
0x47: {  	_ =	shalt  }
0x48: {  	_ =	shalt  }
0x49: {  	_ =	shalt  }
0x4a: {  	_ =	shalt  }
0x4b: {  	_ =	shalt  }
0x4c: {  	_ =	shalt  }
0x4d: {  	_ =	shalt  }
0x4e: {  	_ =	shalt  }
0x4f: {  	_ =	shalt  }
0x50: {  	_ =	shalt  }
0x51: {  	_ =	shalt  }
0x52: {  	_ =	shalt  }
0x53: {  	_ =	shalt  }
0x54: {  	_ =	shalt  }
0x55: {  	_ =	shalt  }
0x56: {  	_ =	shalt  }
0x57: {  	_ =	shalt  }
0x58: {  	_ =	shalt  }
0x59: {  	_ =	shalt  }
0x5a: {  	_ =	shalt  }
0x5b: {  	_ =	shalt  }
0x5c: {  	_ =	shalt  }
0x5d: {  	_ =	shalt  }
0x5e: {  	_ =	shalt  }
0x5f: {  	_ =	shalt  }
0x60: {  	_ =	shalt  }
0x61: {  	_ =	shalt  }
0x62: {  	_ =	shalt  }
0x63: {  	_ =	shalt  }
0x64: {  	_ =	shalt  }
0x65: {  	_ =	shalt  }
0x66: {  	_ =	shalt  }
0x67: {  	_ =	shalt  }
0x68: {  	_ =	shalt  }
0x69: {  	_ =	shalt  }
0x6a: {  	_ =	shalt  }
0x6b: {  	_ =	shalt  }
0x6c: {  	_ =	shalt  }
0x6d: {  	_ =	shalt  }
0x6e: {  	_ =	shalt  }
0x6f: {  	_ =	shalt  }
0x70: {  	_ =	shalt  }
0x71: {  	_ =	shalt  }
0x72: {  	_ =	shalt  }
0x73: {  	_ =	shalt  }
0x74: {  	_ =	shalt  }
0x75: {  	_ =	shalt  }
0x76: {  	_ =	shalt  }
0x77: {  	_ =	shalt  }
0x78: {  	_ =	shalt  }
0x79: {  	_ =	shalt  }
0x7a: {  	_ =	shalt  }
0x7b: {  	_ =	shalt  }
0x7c: {  	_ =	shalt  }
0x7d: {  	_ =	shalt  }
0x7e: {  	_ =	shalt  }
0x7f: {  	_ =	shalt  }
0x80: {  	_ =	shalt  }
0x81: {  	_ =	shalt  }
0x82: {  	_ =	shalt  }
0x83: {  	_ =	shalt  }
0x84: {  	_ =	shalt  }
0x85: {  	_ =	shalt  }
0x86: {  	_ =	shalt  }
0x87: {  	_ =	shalt  }
.Lfunc_end0:
.L_simem_size_0:
called_computation.4_lowered:
.L_overlay_start_0:
0x88: {  	s0 =	sld [smem:$0x3FD9]  }
0x89: {  	s1 =	sld [smem:$0x3FFE];
	_ =	sdelay $0x3  }
0x8a: {  	s0 =	sadd.s32 s1, s0  }
0x8b: {  	[smem:$0x3FBF] =	sst s0  }
0x8c: {  	_ = 	snop  }
0x8d: {  	(tm) =	ssettm $0x1  }
0x8e: {  	s14 =	sld [smem:$0x3FFB];
	_ =	sdelay $0x3  }
0x8f: {  	_ =	strace s14  }
0x90: {  	s0 =	sld [smem:$0x3FFC];
	_ =	sdelay $0x3  }
0x91: {  	_ =	strace s0  }
0x92: {  	s0 =	sld [smem:$0x3FFD];
	_ =	sdelay $0x3  }
0x93: {  	_ =	strace s0  }
0x94: {  	_ =	strace $0x8FFFFFFF  }
0x95: {  	s15 =	sld [smem:$0x3FDB];
	_ =	sdelay $0x1  }
0x96: {  	s16 =	simm.s32 $_scs_section_size  }
0x97: {  	s2 =	simm.s32 $_size__tile_overlayer_lowered;
	s3 =	simm.s32 $_tile_overlayer_lowered  }
0x98: {  	s4 =	simm.s32 $0x1BFF;
	s17 =	sshll.u32 s3, $0x1;
	s1 =	sadd.s32 s16, s15  }
0x99: {  	s18 =	simm.s32 $0x0;
	s2 =	sshll.u32 s2, $0x1;
	s3 =	sadd.s32 s17, s1  }
0x9a: {  	[timem:s18], [sflag:s4] =	dma.local [hbm:s3], s2  }
0x9b: {  	_ =	swait.ge [sflag:s4], s2  }
0x9c: {  	s2 =	ssub.s32 $0x0, s2;
	[sflag:s4] =	ssyncset.done $0x0  }
0x9d: {  	[sflag:s4] =	ssyncadd.s32 s2;
	_ =	sdelay $0x1  }
0x9e: {  	s19 =	simm.s32 $0x1B8B  }
0x9f: {  	_ =	swait.ge [sflag:s19], $0x1  }
0xa0: {  	[sflag:s19] =	ssyncset.done $0x0  }
0xa1: {  	s21 =	simm.s32 $0x1B8E;
	s20 =	sld [smem:$0x3FFE];
	[sflag:s19] =	ssyncadd.s32 $0xFFFFFFFF  }
0xa2: {  	s22 =	simm.s32 $execute0_lowered;
	[smem:$0x3FD2] =	sst s21  }
0xa3: {  	s3 =	sshll.u32 s22, $0x1;
	_ =	strace $0x80000052;
	[dreg:$0x1] =	wrdreg $0xFFFFFFFF  }
0xa4: {  	s23 =	simm.s32 $_size_execute0_lowered;
	s3 =	sadd.s32 s1, s3;
	[dreg:$0x0] =	wrdreg $0x0  }
0xa5: {  	s4 =	sshll.u32 s23, $0x1;
	[dreg:$0x2] =	wrdreg s3  }
0xa6: {  	[dreg:$0x3] =	wrdreg s4  }
0xa7: {  	[dreg:$0x4] =	wrdreg $0xC0  }
0xa8: {  	s24 =	simm.s32 $execute1_lowered;
	_ =	task [dreg:s18], $0x5FFFF  }
0xa9: {  	s3 =	sshll.u32 s24, $0x1;
	[dreg:$0x1] =	wrdreg $0xFFFFFFFF  }
0xaa: {  	s1 =	sadd.s32 s1, s3;
	[dreg:$0x0] =	wrdreg $0x60  }
0xab: {  	[dreg:$0x2] =	wrdreg s1  }
0xac: {  	[dreg:$0x3] =	wrdreg s20  }
0xad: {  	[dreg:$0x4] =	wrdreg $0xA  }
0xae: {  	_ =	task.clear_ibuf [dreg:s18], $0x5FFFF;
	_ =	strace $0x90000052  }
0xaf: {  	s25 =	simm.s32 $0xA;
	_ =	strace $0x80000054  }
0xb0: {  	_ =	swait.ge [sflag:s25], $0x1  }
0xb1: {  	[sflag:s25] =	ssyncadd.s32 $0xFFFFFFFF  }
0xb2: {  	_ =	strace $0x90000054  }
0xb3: {  	_ =	strace $0x80000055;
	[dreg:$0x1] =	wrdreg $0xFFFFFFFF  }
0xb4: {  	[dreg:$0x0] =	wrdreg $0x2030  }
0xb5: {  	[dreg:$0x2] =	wrdreg s20  }
0xb6: {  	[dreg:$0x3] =	wrdreg $0xB  }
0xb7: {  	_ =	task.clear_ibuf [dreg:s18], $0x4FFFF;
	_ =	strace $0x90000055  }
0xb8: {  	s26 =	simm.s32 $0xB;
	_ =	strace $0x80000057  }
0xb9: {  	_ =	swait.ge [sflag:s26], $0x1  }
0xba: {  	[sflag:s26] =	ssyncadd.s32 $0xFFFFFFFF  }
0xbb: {  	_ =	strace $0x90000057  }
0xbc: {  	_ =	sfence  }
0xbd: {  	s28 =	sld [smem:$0x0];
	_ =	sdelay $0x1  }
0xbe: {  	s29 =	srdreg.scid  }
0xbf: {  	s30 =	sshll.u32 s29, $0xD;
	s31 =	sshrl.u32 s29, $0x2  }
0xc0: {  	s2 =	sand.u32 $0x1, s29;
	s3 =	sand.u32 $0x4000, s30;
	s1 =	sadd.s32 s31, s28  }
0xc1: {  	s2 =	sor.u32 s3, s2;
	s1 =	sshll.u32 s1, $0x11  }
0xc2: {  	s1 =	sor.u32 s1, s2  }
0xc3: {  	s1 =	sadd.s32 $0x8F2B, s1  }
0xc4: {  	[sflag:s1] =	ssyncadd.remote.s32 $0x1  }
0xc5: {  	_ =	sfence.sel $0xFFFF  }
0xc6: {  	[dreg:$0x0] =	wrdreg $0xFFFFFFFF;
	(pc) =	sbr.abs _section_cstart, $3  }
0xc7: {  	[dreg:$0x1] =	wrdreg $0xFFFFFFFF  }
0xc8: {  	_ =	task.clear_ibuf [dreg:s18], $0x2FFFF;
	_ =	strace $0x9FFFFFFF  }
0xc9: {  	(tm) =	ssettm $0x7FFFFFFF  }
tec
execute0_lowered:
.L_overlay_start_1:
0x0: {  	(tag) =	ssettag $0x1  }
0x1: {  	s2 =	rddreg [dreg:$0x0]  }
0x2: {  	s6 =	rddreg [dreg:$0x1]  }
0x3: {  	s0 =	rddreg [dreg:$0x2];
	s3 =	stileid.u32  }
0x4: {  	[bflag:$0x3] =	sbarrier.arrive $0xFFFF;
	s1 =	simm.s32 $_size_execute1_lowered;
	p0 =	sne.s32 s3, $0x0  }
0x5: {  	s1 =	sshll.u32 s1, $0x1;
	s4 =	simm.s32 @!p0 $0x1C3F;
	s5 =	simm.s32 @!p0 $0x4060  }
0x6: {  	[timem:s5], [sflag:s4] =	dma.local @!p0 [hbm:s2], s1  }
0x7: {  	s7 =	simm.s32 $0x1;
	s8 =	simm.s32 $0x2;
	s2 =	sshll.u32 s3, $0xE  }
0x8: {  	s10 =	simm.s32 $0x0;
	s9 =	simm.s32 $0x0;
	s30 =	ssub.s32 $0x3200000, s2  }
.Ltmp0:
0x9: {  	s3 =	sadd.s32 $0x563400, s6;
	s31 =	sand.u32 $0x3C000, s30;
	(pc) =	sbr.rel .LBB2_1-.Ltmp0, $4  }
0xa: {  	s4 =	simm.s32 $0x1;
	_ =	strace $0x80000053;
	p1 =	sne.s32 s31, $0x0  }
0xb: {  	s5 =	sshrl.u32 s30, $0x12;
	[sflag:s4] =	ssyncpa.u1 $0x0;
	s7 =	simm.s32 @!p1 $0x0  }
0xc: {  	s6 =	sadd.s32 $0x11E3400, s6;
	[sflag:s8] =	ssyncpa.u1 $0x0;
	s5 =	sadd.s32 s7, s5  }
0xd: {  	s8 =	smov.u32 s2;
	p1 =	por $0x0, $0x0;
	s7 =	sadd.s32 $0x1, s5  }
.LBB2_4:
0xe: {  	[tilespmem:s11+$0xB0] =	vst v0  }
0xf: {  	[tilespmem:s11+$0xC0] =	vst v1  }
0x10: {  	[tilespmem:s11+$0xD0] =	vst v2  }
0x11: {  	[tilespmem:s11+$0xE0] =	vst v3;
	s13 =	sshrl.u32 s10, $0x3  }
0x12: {  	[tilespmem:s11+$0xFFFFFF00] =	vst v4;
	s31 =	sand.u32 $0x7, s10;
	s30 =	sadd.s32 s6, s13  }
0x13: {  	[hbm4b:s30+s31] =	stream.linear.scatter [tilespmem:s12], [sflag:$0x2], $0x4000, $0x38;
	[tilespmem:$0x10000] =	vst v63  }
.LBB2_5:
0x14: {  	s12 =	sadd.s32 $0x40000, s8  }
0x15: {  	p3 =	sgt.s32 s12, $0x31FFFFF  }
0x16: {  	s12 =	smov.u32 @p3 s2;
	p3 =	sne.s32 s9, s7  }
.Ltmp1:
0x17: {  	p2 =	slt.u32 s9, $0x2;
	(pc) =	sbr.rel @!p3 .LBB2_6-.Ltmp1, $4  }
0x18: {  	s11 =	simm.s32 @!p2 $0x2  }
0x19: {  	s13 =	sadd.s32 $0x1, s9;
	_ =	swait.ge @!p2 [sflag:s11], $0x4000  }
0x1a: {  	s10 =	smov.u32 s8;
	p1 =	por !p1, !p1;
	[sflag:s11] =	ssyncset.done @!p2 $0x0  }
0x1b: {  	s9 =	smov.u32 s13;
	s8 =	smov.u32 s12;
	[sflag:s11] =	ssyncadd.s32 @!p2 $0xFFFFC000  }
.LBB2_1:
0x1c: {  	p2 =	sge.u32 s9, s5  }
0x1d: {  	s11 =	sxor.u32 @!p2 $0xFFFFFFFF, s9  }
0x1e: {  	s31 =	sadd.s32 $0xFFFFFFFF, s9;
	s12 =	sshrl.u32 @!p2 s8, $0x3;
	s11 =	sshll.u32 @!p2 s11, $0xE  }
0x1f: {  	s13 =	sand.u32 @!p2 $0x7, s8;
	s12 =	sadd.s32 @!p2 s3, s12;
	s11 =	sand.u32 @!p2 $0x4000, s11  }
0x20: {  	[tilespmem:s11], [sflag:$0x1] =	stream.linear.gather @!p2 [hbm4b:s12+s13], $0x4000, $0x38;
	[tilespmem:$0x10000] =	vst v63  }
0x21: {  	p2 =	sge.u32 s31, s5  }
.Ltmp2:
0x22: {  	_ = 	snop;
	(pc) =	sbr.rel @p2 .LBB2_5-.Ltmp2, $1  }
0x23: {  	_ =	sdelay $0x3  }
0x24: {  	s11 =	simm.s32 $0x1  }
0x25: {  	_ =	swait.ge [sflag:s4], $0x4000;
	s11 =	simm.s32 @!p1 $0x0  }
0x26: {  	[sflag:s4] =	ssyncset.done $0x0;
	s11 =	sshll.u32 s11, $0xE  }
0x27: {  	[sflag:s4] =	ssyncadd.s32 $0xFFFFC000;
	s14 =	sor.u32 $0x100, s11  }
0x28: {  	v0 =	vld [tilespmem:s14+$0xF0]  }
0x29: {  	v1 =	vld [tilespmem:s14+$0xFFFFFF10]  }
0x2a: {  	v2 =	vld [tilespmem:s14+$0xFFFFFF20]  }
0x2b: {  	v3 =	vld [tilespmem:s14+$0xFFFFFF30]  }
0x2c: {  	s11 =	sor.u32 $0x8100, s11;
	v4 =	vld [tilespmem:s14+$0xFFFFFF40]  }
0x2d: {  	v5 =	vld [tilespmem:s14+$0xFFFFFF50];
	[tilespmem:s11+$0xF0] =	vst v0  }
0x2e: {  	[tilespmem:s11+$0xFFFFFF10] =	vst v1;
	v0 =	vld [tilespmem:s14+$0xFFFFFF60]  }
0x2f: {  	[tilespmem:s11+$0xFFFFFF20] =	vst v2;
	v1 =	vld [tilespmem:s14+$0xFFFFFF70]  }
0x30: {  	[tilespmem:s11+$0xFFFFFF30] =	vst v3;
	v2 =	vld [tilespmem:s14+$0xFFFFFF80]  }
0x31: {  	[tilespmem:s11+$0xFFFFFF40] =	vst v4;
	v3 =	vld [tilespmem:s14+$0xFFFFFF90]  }
0x32: {  	[tilespmem:s11+$0xFFFFFF50] =	vst v5;
	v4 =	vld [tilespmem:s14+$0xFFFFFFA0]  }
0x33: {  	v5 =	vld [tilespmem:s14+$0xA0];
	[tilespmem:s11+$0xFFFFFF60] =	vst v0  }
0x34: {  	v0 =	vld [tilespmem:s14+$0xFFFFFFB0];
	[tilespmem:s11+$0xFFFFFF70] =	vst v1  }
0x35: {  	v1 =	vld [tilespmem:s14+$0xFFFFFFC0];
	[tilespmem:s11+$0xFFFFFF80] =	vst v2  }
0x36: {  	v2 =	vld [tilespmem:s14+$0xFFFFFFD0];
	[tilespmem:s11+$0xFFFFFF90] =	vst v3  }
0x37: {  	v3 =	vld [tilespmem:s14+$0xFFFFFFE0];
	[tilespmem:s11+$0xFFFFFFA0] =	vst v4  }
0x38: {  	v4 =	vld [tilespmem:s14+$0xFFFFFFF0];
	[tilespmem:s11+$0xA0] =	vst v5  }
0x39: {  	[tilespmem:s11+$0xFFFFFFB0] =	vst v0;
	v0 =	vld [tilespmem:s14+$0x0]  }
0x3a: {  	[tilespmem:s11+$0xFFFFFFC0] =	vst v1;
	v1 =	vld [tilespmem:s14+$0x10]  }
0x3b: {  	[tilespmem:s11+$0xFFFFFFD0] =	vst v2;
	v2 =	vld [tilespmem:s14+$0x20]  }
0x3c: {  	[tilespmem:s11+$0xFFFFFFE0] =	vst v3;
	v3 =	vld [tilespmem:s14+$0x30]  }
0x3d: {  	[tilespmem:s11+$0xFFFFFFF0] =	vst v4;
	v4 =	vld [tilespmem:s14+$0x40]  }
0x3e: {  	[tilespmem:s11+$0x0] =	vst v0;
	v0 =	vld [tilespmem:s14+$0x50]  }
0x3f: {  	[tilespmem:s11+$0x10] =	vst v1;
	v1 =	vld [tilespmem:s14+$0x60]  }
0x40: {  	[tilespmem:s11+$0x20] =	vst v2;
	v2 =	vld [tilespmem:s14+$0x70]  }
0x41: {  	[tilespmem:s11+$0x30] =	vst v3;
	v3 =	vld [tilespmem:s14+$0x80]  }
0x42: {  	[tilespmem:s11+$0x40] =	vst v4;
	v4 =	vld [tilespmem:s14+$0x90]  }
0x43: {  	[tilespmem:s11+$0x50] =	vst v0;
	v0 =	vld [tilespmem:s14+$0xB0]  }
0x44: {  	[tilespmem:s11+$0x60] =	vst v1;
	v1 =	vld [tilespmem:s14+$0xC0]  }
0x45: {  	s12 =	sshll.u32 s9, $0xE;
	[tilespmem:s11+$0x70] =	vst v2;
	v2 =	vld [tilespmem:s14+$0xD0]  }
0x46: {  	s12 =	sand.u32 $0x4000, s12;
	[tilespmem:s11+$0x80] =	vst v3;
	v3 =	vld [tilespmem:s14+$0xE0]  }
0x47: {  	s13 =	simm.s32 $0x0;
	s12 =	sor.u32 $0x8000, s12;
	[tilespmem:s11+$0x90] =	vst v4;
	v4 =	vld [tilespmem:s14+$0xFFFFFF00];
	s14 =	sadd.s32 $0x200, s14  }
.LBB2_3:
0x48: {  	v5 =	vld [tilespmem:s14+$0xF0];
	s13 =	sadd.s32 $0x200, s13;
	[tilespmem:s11+$0xB0] =	vst v0  }
0x49: {  	v0 =	vld [tilespmem:s14+$0xFFFFFF10];
	p2 =	slt.u32 s13, $0x3E00;
	[tilespmem:s11+$0xC0] =	vst v1  }
0x4a: {  	v1 =	vld [tilespmem:s14+$0xFFFFFF20];
	[tilespmem:s11+$0xD0] =	vst v2  }
0x4b: {  	v2 =	vld [tilespmem:s14+$0xFFFFFF30];
	[tilespmem:s11+$0xE0] =	vst v3  }
0x4c: {  	v3 =	vld [tilespmem:s14+$0xFFFFFF40];
	[tilespmem:s11+$0xFFFFFF00] =	vst v4;
	s11 =	sadd.s32 $0x200, s11  }
0x4d: {  	v4 =	vld [tilespmem:s14+$0xFFFFFF50];
	[tilespmem:s11+$0xF0] =	vst v5  }
0x4e: {  	[tilespmem:s11+$0xFFFFFF10] =	vst v0;
	v0 =	vld [tilespmem:s14+$0xFFFFFF60]  }
0x4f: {  	[tilespmem:s11+$0xFFFFFF20] =	vst v1;
	v1 =	vld [tilespmem:s14+$0xFFFFFF70]  }
0x50: {  	[tilespmem:s11+$0xFFFFFF30] =	vst v2;
	v2 =	vld [tilespmem:s14+$0xFFFFFF80]  }
0x51: {  	[tilespmem:s11+$0xFFFFFF40] =	vst v3;
	v3 =	vld [tilespmem:s14+$0xFFFFFF90]  }
0x52: {  	[tilespmem:s11+$0xFFFFFF50] =	vst v4;
	v4 =	vld [tilespmem:s14+$0xFFFFFFA0]  }
0x53: {  	[tilespmem:s11+$0xFFFFFF60] =	vst v0;
	v0 =	vld [tilespmem:s14+$0xFFFFFFB0]  }
0x54: {  	[tilespmem:s11+$0xFFFFFF70] =	vst v1;
	v1 =	vld [tilespmem:s14+$0xFFFFFFC0]  }
0x55: {  	[tilespmem:s11+$0xFFFFFF80] =	vst v2;
	v2 =	vld [tilespmem:s14+$0xFFFFFFD0]  }
0x56: {  	[tilespmem:s11+$0xFFFFFF90] =	vst v3;
	v3 =	vld [tilespmem:s14+$0xFFFFFFE0]  }
0x57: {  	[tilespmem:s11+$0xFFFFFFA0] =	vst v4;
	v4 =	vld [tilespmem:s14+$0xFFFFFFF0]  }
0x58: {  	[tilespmem:s11+$0xFFFFFFB0] =	vst v0;
	v0 =	vld [tilespmem:s14+$0x0]  }
0x59: {  	[tilespmem:s11+$0xFFFFFFC0] =	vst v1;
	v1 =	vld [tilespmem:s14+$0x10]  }
0x5a: {  	[tilespmem:s11+$0xFFFFFFD0] =	vst v2;
	v2 =	vld [tilespmem:s14+$0x20]  }
0x5b: {  	[tilespmem:s11+$0xFFFFFFE0] =	vst v3;
	v3 =	vld [tilespmem:s14+$0x30]  }
0x5c: {  	[tilespmem:s11+$0xFFFFFFF0] =	vst v4;
	v4 =	vld [tilespmem:s14+$0x40]  }
0x5d: {  	[tilespmem:s11+$0x0] =	vst v0;
	v0 =	vld [tilespmem:s14+$0x50]  }
0x5e: {  	[tilespmem:s11+$0x10] =	vst v1;
	v1 =	vld [tilespmem:s14+$0x60]  }
0x5f: {  	[tilespmem:s11+$0x20] =	vst v2;
	v2 =	vld [tilespmem:s14+$0x70]  }
0x60: {  	[tilespmem:s11+$0x30] =	vst v3;
	v3 =	vld [tilespmem:s14+$0x80]  }
0x61: {  	[tilespmem:s11+$0x40] =	vst v4;
	v4 =	vld [tilespmem:s14+$0x90]  }
0x62: {  	[tilespmem:s11+$0x50] =	vst v0;
	v5 =	vld [tilespmem:s14+$0xA0]  }
.Ltmp3:
0x63: {  	[tilespmem:s11+$0x60] =	vst v1;
	v0 =	vld [tilespmem:s14+$0xB0];
	(pc) =	sbr.rel @p2 .LBB2_3-.Ltmp3, $4  }
0x64: {  	[tilespmem:s11+$0x70] =	vst v2;
	v1 =	vld [tilespmem:s14+$0xC0]  }
0x65: {  	[tilespmem:s11+$0x80] =	vst v3;
	v2 =	vld [tilespmem:s14+$0xD0]  }
0x66: {  	[tilespmem:s11+$0x90] =	vst v4;
	v3 =	vld [tilespmem:s14+$0xE0]  }
0x67: {  	v4 =	vld [tilespmem:s14+$0xFFFFFF00];
	[tilespmem:s11+$0xA0] =	vst v5;
	s14 =	sadd.s32 $0x200, s14  }
.Ltmp4:
0x68: {  	_ = 	snop;
	(pc) =	sbr.rel .LBB2_4-.Ltmp4, $1  }
0x69: {  	_ =	sdelay $0x3  }
.LBB2_6:
0x6a: {  	_ =	sfence.sel $0x180000  }
0x6b: {  	s2 =	simm.s32 $0x1;
	[bflag:$0x0] =	sbarrier.arrive $0xFFFF  }
0x6c: {  	s31 =	simm.s32 $0x2;
	[sflag:s2] =	ssyncpa.u1 $0x1  }
0x6d: {  	[sflag:s31] =	ssyncpa.u1 $0x1  }
0x6e: {  	_ =	strace $0x90000053  }
0x6f: {  	s0 =	sadd.s32 @!p0 $0x100000, s0;
	[bflag:$0x2] =	sbarrier.arrive $0xFFFF  }
0x70: {  	[sflag:s0] =	ssyncadd.tile.s32 @!p0 $0x1;
	s0 =	simm.s32 @!p0 $0x3F  }
0x71: {  	_ =	swait.ge @!p0 [sflag:s0], s1  }
0x72: {  	s1 =	ssub.s32 @!p0 $0x0, s1;
	[sflag:s0] =	ssyncset.done @!p0 $0x0  }
0x73: {  	[sflag:s0] =	ssyncadd.s32 @!p0 s1  }
0x74: {  	[bflag:$0x3] =	sbarrier.arrive $0xFFFF  }
0x75: {  	_ =	shalt  }
.Lfunc_end2:
execute1_lowered:
.L_overlay_start_2:
0x76: {  	(tag) =	ssettag $0x2  }
0x77: {  	s0 =	rddreg [dreg:$0x0];
	_ =	strace $0x80000056;
	s15 =	stileid.u32  }
0x78: {  	s2 =	simm.s32 $0x1;
	s1 =	smin.u32 s15, $0x8;
	s3 =	sshll.u32 s15, $0x1  }
0x79: {  	v1 =	vimm.s32 $0xFFFFFFFF;
	[sflag:s2] =	ssyncpa.u1 $0x0;
	s1 =	sadd.s32 s1, s3  }
0x7a: {  	p0 =	slt.u32 s15, $0x8;
	[tilespmem:$0x10] =	vst v1;
	s4 =	smul.u32 $0x1F40, s1;
	s1 =	simm.s32 $0x5DC0  }
0x7b: {  	v0 =	vimm.f32 $0.0e+00;
	[tilespmem:$0x20] =	vst v1;
	s1 =	simm.s32 @!p0 $0x3E80  }
0x7c: {  	[tilespmem:$0x30] =	vst v0;
	s1 =	sadd.s32 s1, s4  }
0x7d: {  	[tilespmem:$0x40] =	vst v0;
	s5 =	smin.u32 s1, $0x4E200  }
0x7e: {  	s7 =	simm.s32 $0x2;
	s8 =	simm.s32 $0x8;
	[tilespmem:$0x50] =	vst v0;
	s9 =	ssub.s32 s5, s4  }
0x7f: {  	s31 =	simm.s32 $0x9;
	s16 =	simm.s32 $0x0;
	[tilespmem:$0x60] =	vst v1;
	p0 =	sgt.s32 s9, $0x0  }
0x80: {  	s17 =	simm.s32 $0xF0;
	s18 =	simm.s32 $0xFFFFFFFF;
	[tilespmem:$0x70] =	vst v1;
	s9 =	simm.s32 @!p0 $0x0  }
0x81: {  	s19 =	simm.s32 $0xFFFFC280;
	s20 =	simm.s32 $0xFFFFFFFE;
	[tilespmem:$0x80] =	vst v1;
	s30 =	smulhi.u32 $0x10624DD3, s9  }
0x82: {  	s21 =	simm.s32 $0xF;
	s25 =	simm.s32 $0x0;
	s24 =	simm.s32 $0x0;
	v1 =	vimm.s32 $0x0;
	[tilespmem:$0xB0] =	vst v0  }
0x83: {  	s6 =	sadd.s32 $0x13C00, s0;
	s15 =	sshllo.u32 s15, $0x1;
	[tilespmem:$0x90] =	vst v1;
	s10 =	sshrl.u32 s30, $0x9  }
0x84: {  	[tilespmem:$0xA0] =	vst v1;
	[sflag:s7] =	ssyncpa.u1 $0x0;
	s7 =	simm.s32 $0x7;
	s11 =	smul.u32 $0x1F40, s10  }
.Ltmp5:
0x85: {  	s13 =	sor.u32 $0x80, s3;
	[sflag:s7] =	ssyncpa.u1 $0x0;
	(pc) =	sbr.rel .LBB3_1-.Ltmp5, $4  }
0x86: {  	s14 =	sor.u32 $0x81, s3;
	[sflag:s8] =	ssyncpa.u1 $0x0;
	p0 =	sne.s32 s9, s11  }
0x87: {  	s23 =	smov.u32 s4;
	s1 =	sadd.s32 $0x11E3400, s0;
	s2 =	simm.s32 @!p0 $0x0  }
0x88: {  	vm0 =	vmmov $0xffff;
	v2 =	vlaneseq.u32;
	[sflag:s31] =	ssyncpa.u1 $0x0;
	s9 =	sadd.s32 $0x1EE00, s0;
	s10 =	sadd.s32 s2, s10  }
0x89: {  	vm1 =	vmxor vm1, vm1;
	vm2 =	vmmov $0x1;
	vm3 =	vcmask $0x3F3C;
	p0 =	por $0x0, $0x0;
	s11 =	sadd.s32 $0x1, s10;
	s12 =	sadd.s32 $0x2, s10  }
.LBB3_9:
0x8a: {  	p1 =	slt.u32 s24, $0x3  }
0x8b: {  	s0 =	simm.s32 @!p1 $0x2  }
0x8c: {  	_ =	swait.ge @!p1 [sflag:s0], $0x1F40  }
0x8d: {  	[sflag:s0] =	ssyncset.done @!p1 $0x0  }
0x8e: {  	[sflag:s0] =	ssyncadd.s32 @!p1 $0xFFFFE0C0;
	s0 =	simm.s32 @!p1 $0x9  }
0x8f: {  	_ =	swait.ge @!p1 [sflag:s0], $0x10  }
0x90: {  	[sflag:s0] =	ssyncset.done @!p1 $0x0  }
0x91: {  	[sflag:s0] =	ssyncadd.s32 @!p1 $0xFFFFFFF0;
	p1 =	sne.s32 s24, s12  }
.Ltmp6:
0x92: {  	s2 =	sadd.s32 $0x1F40, s23;
	(pc) =	sbr.rel @!p1 .LBB3_10-.Ltmp6, $4  }
0x93: {  	s22 =	smov.u32 s4;
	s31 =	sadd.s32 $0x1, s24;
	s17 =	sadd.s32 $0x1F40, s17  }
0x94: {  	s18 =	sadd.s32 $0x1, s18;
	s25 =	smov.u32 s23;
	p2 =	slt.s32 s2, s5  }
0x95: {  	p0 =	por !p0, !p0;
	s19 =	sadd.s32 $0x1F40, s19;
	s22 =	smov.u32 @p2 s2  }
0x96: {  	s20 =	sadd.s32 $0x1, s20;
	s23 =	smov.u32 s22;
	s24 =	smov.u32 s31  }
.LBB3_1:
0x97: {  	p1 =	sge.u32 s24, s10  }
0x98: {  	s0 =	smulhi.u32 @!p1 $0xAAAAAAAB, s24;
	_ =	sdelay $0x1  }
0x99: {  	s0 =	sshrl.u32 @!p1 s0, $0x1  }
0x9a: {  	s0 =	smul.u32 @!p1 $0x3, s0;
	_ =	sdelay $0x1  }
0x9b: {  	s0 =	ssub.s32 @!p1 s24, s0  }
0x9c: {  	s0 =	smul.u32 @!p1 $0x7D00, s0;
	_ =	sdelay $0x1  }
0x9d: {  	s2 =	sshrl.u32 @!p1 s23, $0x3;
	s0 =	sshrl.u32 @!p1 s0, $0x2  }
0x9e: {  	s22 =	sand.u32 @!p1 $0x7, s23;
	s2 =	sadd.s32 @!p1 s6, s2;
	s0 =	sadd.s32 @!p1 $0x100, s0  }
0x9f: {  	[tilespmem:s0], [sflag:$0x7] =	stream.linear.gather @!p1 [hbm4b:s2+s22], $0x1F40, $0x38;
	[tilespmem:$0x11A60] =	vst v63  }
0xa0: {  	s0 =	sadd.s32 $0xFFFFFFFF, s24  }
0xa1: {  	p1 =	sge.u32 s0, s10  }
.Ltmp7:
0xa2: {  	_ = 	snop;
	(pc) =	sbr.rel @p1 .LBB3_5-.Ltmp7, $1  }
0xa3: {  	_ =	sdelay $0x3  }
0xa4: {  	s2 =	smulhi.u32 $0xAAAAAAAB, s0;
	_ =	sdelay $0x1  }
0xa5: {  	s2 =	sshrl.u32 s2, $0x1  }
0xa6: {  	s2 =	smul.u32 $0x3, s2;
	_ =	sdelay $0x1  }
0xa7: {  	s2 =	ssub.s32 s0, s2  }
0xa8: {  	s2 =	smul.u32 $0x7D00, s2  }
0xa9: {  	_ =	swait.ge [sflag:s7], $0x1F40  }
0xaa: {  	[sflag:s7] =	ssyncset.done $0x0;
	s2 =	sshrl.u32 s2, $0x2  }
0xab: {  	[sflag:s7] =	ssyncadd.s32 $0xFFFFE0C0;
	(ifvalue) =	ssetifvalue $0xFFFFFFFF;
	v3 =	vld.msk [tilespmem:s2+$0x100 ss:$0x1], $0xffff;
	_ =	sdelay $0x2  }
0xac: {  	s30 =	smulhi.u32 $0xAAAAAAAB, s18;
	p1 =	sne.s32 s24, $0x1  }
0xad: {  	v4 =	vimm.s32 @!p1 $0x0  }
0xae: {  	s2 =	sshrl.u32 s30, $0x1;
	v4 =	vperm.xlane @!p1 v3, v4  }
0xaf: {  	s22 =	sshll.u32 s24, $0x4;
	s2 =	smul.u32 $0xFFFE8900, s2;
	vm4 =	vlt.u32 v3, $0x3200000  }
0xb0: {  	s22 =	sand.u32 $0x10, s22;
	v3 =	vnsel vm4, $0xFFFFFFFE, v3;
	vm4 =	vlt.u32 @!p1 v4, $0x3200000  }
0xb1: {  	s2 =	sshra.s32 s2, $0x2;
	[tilespmem:s22+$0x60] =	vst v3;
	v3 =	vnsel @!p1 vm4, $0xFFFFFFFE, v4  }
0xb2: {  	s28 =	sadd.s32 s2, s17;
	[tilespmem:$0x80] =	vst @!p1 v3  }
0xb3: {  	v3 =	vld.msk [tilespmem:s28+$0x0 ss:$0x1], $0xffff;
	_ =	sdelay $0x4  }
0xb4: {  	(xrf1) =	vunique.msk.u32 $0xffff, v3;
	_ =	sdelay $0xd  }
0xb5: {  	v4 =	vimm.s32 $0xFFFFFFFF;
	v5, _, _ =	vpop (xrf1)  }
0xb6: {  	vm5 =	vne.s32 v3, v4;
	vm4 =	veq.s32 v5, v2  }
0xb7: {  	vm6 =	vlt.u32 v3, $0x3200000;
	vm4 =	vmand vm5, vm4  }
0xb8: {  	vm4 =	vmand vm6, vm4  }
0xb9: {  	v4 =	vnsel vm4, $0xFFFFFFFF, v3  }
0xba: {  	s31 =	sand.u32 $0x1, s0  }
0xbb: {  	s0 =	simm.s32 $0x1F40;
	p1 =	seq.s32 s31, $0x1  }
0xbc: {  	s0 =	simm.s32 @!p1 $0x0  }
0xbd: {  	s26 =	sadd.s32 $0x7DF0, s0;
	(ifvalue) =	ssetifvalue $0xFFFFFFFF  }
0xbe: {  	v3 =	vperm.xlane v3, v1;
	[tilespmem:s26], [sflag:$0x8] =	stream.indirect_vreg.gather [hbm4b:s1+s16], $0x1, v4, vm0, $0x4038;
	v4 =	vnsel vm6, $0xFFFFFFFE, v4;
	[tilespmem:$0x11A60] =	vst v63  }
0xbf: {  	s2 =	simm.s32 $0x0;
	s22 =	sadd.s32 $0xFFFFFFF0, s28;
	[tilespmem:s28+$0x0] =	vst v4  }
.LBB3_3:
0xc0: {  	v4 =	vld.msk [tilespmem:s22+$0x0 ss:$0x1], $0xffff;
	s2 =	sadd.s32 $0x10, s2;
	v5 =	vmov v3;
	s28 =	smov.u32 s22  }
0xc1: {  	p1 =	slt.u32 s2, $0x1F30;
	_ =	sdelay $0x4  }
0xc2: {  	v3 =	vperm.xlane v4, v1;
	(xrf1) =	vunique.msk.u32 $0xffff, v4;
	_ =	sdelay $0xd  }
0xc3: {  	v6, _, _ =	vpop (xrf1)  }
0xc4: {  	vm5 =	vne.s32 v4, v5;
	vm4 =	veq.s32 v6, v2  }
0xc5: {  	vm6 =	vlt.u32 v4, $0x3200000;
	vm4 =	vmand vm5, vm4  }
0xc6: {  	vm4 =	vmand vm6, vm4  }
0xc7: {  	v4 =	vnsel vm4, $0xFFFFFFFF, v4  }
.Ltmp8:
0xc8: {  	v5 =	vnsel vm6, $0xFFFFFFFE, v4;
	(pc) =	sbr.rel @p1 .LBB3_3-.Ltmp8, $3  }
0xc9: {  	_ =	sdelay $0x1  }
0xca: {  	s22 =	sadd.s32 $0xFFFFFFF0, s22;
	s26 =	sadd.s32 $0xFFFFFFF0, s26;
	(ifvalue) =	ssetifvalue $0xFFFFFFFF  }
0xcb: {  	[tilespmem:s26], [sflag:$0x8] =	stream.indirect_vreg.gather [hbm4b:s1+s16], $0x1, v4, vm0, $0x4038;
	[tilespmem:s28+$0x0] =	vst v5  }
0xcc: {  	s2 =	sshrl.u32 s25, $0x3  }
0xcd: {  	s0 =	sadd.s32 $0x9D40, s0;
	s2 =	sadd.s32 s9, s2  }
0xce: {  	[tilespmem:s0], [sflag:$0x8] =	stream.linear.gather [hbm:s2], $0x1F40, $0x38;
	[tilespmem:$0x11A60] =	vst v63  }
.LBB3_5:
0xcf: {  	p1 =	slt.u32 s24, $0x2  }
0xd0: {  	p2 =	sge.u32 @!p1 s24, s12  }
0xd1: {  	p1 =	por p1, p2  }
.Ltmp9:
0xd2: {  	_ = 	snop;
	(pc) =	sbr.rel @p1 .LBB3_9-.Ltmp9, $1  }
0xd3: {  	_ =	sdelay $0x3  }
0xd4: {  	s0 =	sadd.s32 $0xFFFFFFFE, s24  }
0xd5: {  	s2 =	smulhi.u32 $0xAAAAAAAB, s0;
	_ =	sdelay $0x1  }
0xd6: {  	s2 =	sshrl.u32 s2, $0x1  }
0xd7: {  	s2 =	smul.u32 $0x3, s2;
	_ =	sdelay $0x1  }
0xd8: {  	s0 =	ssub.s32 s0, s2  }
0xd9: {  	_ =	swait.ge [sflag:s8], $0x3E80;
	s0 =	smul.u32 $0x1F40, s0  }
0xda: {  	p1 =	sne.s32 s24, s11;
	[sflag:s8] =	ssyncset.done $0x0  }
0xdb: {  	[sflag:s8] =	ssyncadd.s32 $0xFFFFC180;
	s2 =	sadd.s32 @!p1 $0x203F, s0  }
0xdc: {  	[spmem:s14] =	stream.linear.scatter @!p1 [tilespmem:s2], [sflag:$0x1], $0x1, $0x38;
	[tilespmem:$0x11A60] =	vst v63  }
0xdd: {  	s2 =	simm.s32 @!p1 $0x1  }
0xde: {  	_ =	swait.ge @!p1 [sflag:s2], $0x1  }
0xdf: {  	s22 =	sshll.u32 s24, $0x4;
	[sflag:s2] =	ssyncset.done @!p1 $0x0  }
0xe0: {  	s25 =	sand.u32 $0x10, s22;
	[sflag:s2] =	ssyncadd.s32 @!p1 $0xFFFFFFFF  }
0xe1: {  	s2 =	sxor.u32 $0x10, s25;
	v4 =	vld [tilespmem:s25+$0x10]  }
0xe2: {  	v5 =	vld [tilespmem:s2+$0x60]  }
0xe3: {  	v3 =	vld [tilespmem:$0x80];
	_ =	sdelay $0x2  }
0xe4: {  	(v2sf) =	vpush v4, $0x0  }
0xe5: {  	(v2sf) =	vpush v5, $0x0  }
0xe6: {  	(v2sf) =	vpush v3, $0x0;
	_ =	sdelay $0xc  }
0xe7: {  	s22 =	spop (v2sf)  }
0xe8: {  	s26 =	spop (v2sf)  }
0xe9: {  	s28 =	spop (v2sf)  }
0xea: {  	p2 =	seq.s32 s22, s26;
	p3 =	seq.s32 s28, s22  }
0xeb: {  	p3 =	por p2, p3  }
0xec: {  	s26 =	sand.u32 $0x1, s24;
	v4 =	vpsel p3, $0xFFFFFFFF, v4  }
0xed: {  	s29 =	smul.u32 $0x1F40, s26;
	[tilespmem:s25+$0x10] =	vst.msk $0x1, v4  }
0xee: {  	v4 =	vld [tilespmem:$0x30]  }
0xef: {  	v5 =	vld [tilespmem:s29+$0x9D40]  }
0xf0: {  	v6 =	vld [tilespmem:s25+$0x40];
	_ =	sdelay $0x3  }
0xf1: {  	vm4 =	vmmov vm1;
	v5 =	vadd.f32 v5, v4  }
0xf2: {  	vm5 =	vmmov vm2;
	vm4 =	vmmov @p2 vm2;
	s22 =	sshll.u32 s26, $0x4;
	v4 =	vadd.f32 v6, v4  }
0xf3: {  	s26 =	sor.u32 $0x11A40, s22;
	vm5 =	vmmov @p3 vm1;
	[tilespmem:s29+$0x9D40] =	vst.msk vm4, v5  }
0xf4: {  	[tilespmem:s26+$0x0] =	vst.msk vm5, v4  }
0xf5: {  	v4 =	vld [tilespmem:s29+$0x7DF0];
	_ =	sdelay $0x3  }
0xf6: {  	v5 =	vimm.f32 $0.0e+00  }
0xf7: {  	v4 =	vshift.insert v4, v5, s21  }
0xf8: {  	s22 =	sor.u32 $0x40, s2  }
0xf9: {  	[tilespmem:s22+$0x0] =	vst.msk $0x1, v4  }
0xfa: {  	[tilespmem:s29+$0x7DFF] =	vst.msk $0x1, v5  }
0xfb: {  	v4 =	vld [tilespmem:s0+$0x2030];
	_ =	sdelay $0x1  }
0xfc: {  	s22 =	smulhi.u32 $0xAAAAAAAB, s20;
	s0 =	simm.s32 $0x1  }
0xfd: {  	s0 =	simm.s32 @!p0 $0x0  }
0xfe: {  	s22 =	sshrl.u32 s22, $0x1;
	s0 =	smul.u32 $0x7D00, s0  }
0xff: {  	s22 =	smul.u32 $0xFFFE8900, s22;
	v4 =	vshift.insert v4, v1, s21  }
0x100: {  	s0 =	sshrl.u32 s0, $0x2  }
0x101: {  	s22 =	sshra.s32 s22, $0x2;
	s30 =	sadd.s32 $0x9D40, s0;
	[tilespmem:s2+$0x10] =	vst.msk $0x1, v4  }
0x102: {  	s22 =	sadd.s32 s22, s19;
	v6 =	vld [tilespmem:s30+$0x0]  }
0x103: {  	v7 =	vld [tilespmem:s22+$0x0];
	_ =	sdelay $0x3  }
0x104: {  	v5 =	vadd.f32 v6, v5  }
0x105: {  	vm4 =	vne.s32 v7, $0xFFFFFFFF  }
0x106: {  	(xrf2) =	vadd.seg.scan.f32 vm4, v5;
	_ =	sdelay $0x3  }
0x107: {  	s31 =	sadd.s32 $0x5EC0, s0;
	v5 =	vperm.xlane v4, v1  }
0x108: {  	v6 =	vld [tilespmem:s31+$0x0]  }
0x109: {  	vm5 =	veq.s32 v7, v3;
	vm6 =	veq.s32 v7, v5  }
0x10a: {  	vm7 =	vgt.u32 v7, $0xFFFFFFFD;
	vm6 =	vmor vm6, vm5  }
0x10b: {  	vm6 =	vmor vm6, vm7  }
0x10c: {  	v9 =	vld [tilespmem:$0xA0];
	v7 =	vsel vm6, $0xFFFFFFFF, v7  }
0x10d: {  	v10 =	vld [tilespmem:$0x90];
	v6 =	vsel vm5, $0x0, v6;
	v8, _, _ =	vpop (xrf2)  }
0x10e: {  	v6 =	vadd.f32 v8, v6  }
0x10f: {  	s0 =	sadd.s32 $0xDBC0, s0  }
0x110: {  	vm4 =	vmand vm4, vm3;
	[tilespmem:s0+$0x0] =	vst v6;
	(ifvalue) =	ssetifvalue $0xFFFFFFFF  }
0x111: {  	vm6 =	veq.s32 v9, $0x1;
	[hbm4b:s1+s16] =	stream.indirect_vreg.scatter [tilespmem:s0], [sflag:$0x2], $0x1, v7, vm0, $0x4038;
	v7 =	vsel vm4, $0x0, v8;
	[tilespmem:$0x11A60] =	vst v63  }
0x112: {  	s2 =	simm.s32 $0x0;
	s22 =	sadd.s32 $0x10, s22;
	vm4 =	vmor vm6, vm5;
	v6 =	vsel vm5, v8, v10;
	v7 =	vshift.insert v7, v0, s21  }
.LBB3_7:
0x113: {  	v8 =	vld [tilespmem:s22+$0x0];
	s30 =	sadd.s32 $0x10, s30  }
0x114: {  	s31 =	sadd.s32 $0x10, s31;
	v9 =	vld [tilespmem:s30+$0x0]  }
0x115: {  	s2 =	sadd.s32 $0x10, s2;
	v10 =	vld [tilespmem:s31+$0x0]  }
0x116: {  	p2 =	slt.u32 s2, $0x1F30;
	_ =	sdelay $0x2  }
0x117: {  	v7 =	vadd.f32 v9, v7  }
0x118: {  	vm5 =	vne.s32 v8, $0xFFFFFFFF  }
0x119: {  	vm6 =	vmand vm5, vm3;
	(xrf2) =	vadd.seg.scan.f32 vm5, v7;
	_ =	sdelay $0x5  }
0x11a: {  	vm7 =	veq.s32 v8, v5;
	vm5 =	veq.s32 v8, v3  }
0x11b: {  	vm8 =	vgt.u32 v8, $0xFFFFFFFD;
	vm4 =	vmor vm4, vm5;
	vm7 =	vmor vm7, vm5  }
0x11c: {  	vm7 =	vmor vm7, vm8  }
0x11d: {  	v8 =	vsel vm7, $0xFFFFFFFF, v8  }
.Ltmp10:
0x11e: {  	v7 =	vsel vm5, $0x0, v10;
	v9, _, _ =	vpop (xrf2);
	(pc) =	sbr.rel @p2 .LBB3_7-.Ltmp10, $4  }
0x11f: {  	v6 =	vsel vm5, v9, v6;
	v10 =	vadd.f32 v9, v7;
	v7 =	vsel vm6, $0x0, v9  }
0x120: {  	s0 =	sadd.s32 $0x10, s0;
	v7 =	vshift.insert v7, v0, s21  }
0x121: {  	s22 =	sadd.s32 $0x10, s22;
	[tilespmem:s0+$0x0] =	vst v10;
	(ifvalue) =	ssetifvalue $0xFFFFFFFF  }
0x122: {  	[hbm4b:s1+s16] =	stream.indirect_vreg.scatter [tilespmem:s0], [sflag:$0x2], $0x1, v8, vm0, $0x4038;
	[tilespmem:$0x11A60] =	vst v63  }
0x123: {  	v3 =	vld [tilespmem:s29+$0xFAF0];
	_ =	sdelay $0x4  }
0x124: {  	v3 =	vshift.insert v3, v0, s21  }
0x125: {  	s0 =	simm.s32 $0x30  }
0x126: {  	[tilespmem:s0+$0x0] =	vst.msk $0x1, v3  }
0x127: {  	v3 =	vsel vm4, $0x1, v1;
	[tilespmem:$0x90] =	vst v6  }
0x128: {  	s0 =	sadd.s32 @!p1 $0xFAFF, s29;
	[tilespmem:$0xA0] =	vst v3  }
0x129: {  	[spmem:s15] =	stream.linear.scatter @!p1 [tilespmem:s0], [sflag:$0x1], $0x1, $0x38;
	[tilespmem:$0x11A60] =	vst v63  }
0x12a: {  	s0 =	simm.s32 @!p1 $0x1  }
0x12b: {  	v3 =	vmctz.xlane @!p1 vm4;
	_ =	swait.ge @!p1 [sflag:s0], $0x1  }
0x12c: {  	(v2sf) =	vpush @!p1 v4, $0x0  }
0x12d: {  	(v2sf) =	vpush @!p1 v3, $0x0;
	_ =	sdelay $0xd  }
0x12e: {  	s2 =	spop @!p1 (v2sf)  }
0x12f: {  	s22 =	spop @!p1 (v2sf)  }
0x130: {  	p2 =	sne.s32 @!p1 s28, s2;
	p3 =	slt.s32 @!p1 s22, $0xF  }
0x131: {  	[sflag:s0] =	ssyncset.done @!p1 $0x0;
	p2 =	por p2, p1;
	p3 =	por !p3, p1  }
0x132: {  	[sflag:s0] =	ssyncadd.s32 @!p1 $0xFFFFFFFF;
	v3 =	vimm.s32 @!p2 $0xFFFFFFFF;
	s22 =	simm.s32 @p3 $0xF  }
0x133: {  	[tilespmem:$0x80] =	vst @!p2 v3;
	s2 =	sadd.s32 @!p1 $0x90, s22  }
0x134: {  	[spmem:s3] =	stream.linear.scatter @!p1 [tilespmem:s2], [sflag:$0x1], $0x1, $0x38;
	[tilespmem:$0x11A60] =	vst v63  }
0x135: {  	_ =	swait.ge @!p1 [sflag:s0], $0x1  }
0x136: {  	[sflag:s0] =	ssyncset.done @!p1 $0x0  }
0x137: {  	s2 =	simm.s32 @!p1 $0x80;
	[sflag:s0] =	ssyncadd.s32 @!p1 $0xFFFFFFFF  }
0x138: {  	[spmem:s13] =	stream.linear.scatter @!p1 [tilespmem:s2], [sflag:$0x1], $0x1, $0x38;
	[tilespmem:$0x11A60] =	vst v63  }
0x139: {  	_ =	swait.ge @!p1 [sflag:s0], $0x1  }
0x13a: {  	[sflag:s0] =	ssyncset.done @!p1 $0x0  }
0x13b: {  	[sflag:s0] =	ssyncadd.s32 @!p1 $0xFFFFFFFF;
	(ifvalue) =	ssetifvalue $0xFFFFFFFF;
	v3 =	vld [tilespmem:s25+$0x10];
	_ =	sdelay $0x3  }
.Ltmp11:
0x13c: {  	_ = 	snop;
	(pc) =	sbr.rel .LBB3_9-.Ltmp11, $3  }
0x13d: {  	_ =	sdelay $0x1  }
0x13e: {  	(ifvalue) =	ssetifvalue $0xFFFFFFFF  }
0x13f: {  	[hbm4b:s1+s16] =	stream.indirect_vreg.scatter [tilespmem:s26], [sflag:$0x9], $0x1, v3, vm0, $0x4038;
	[tilespmem:$0x11A60] =	vst v63  }
.LBB3_10:
0x140: {  	_ =	sfence.sel $0x180000  }
0x141: {  	s0 =	simm.s32 $0x7;
	[bflag:$0x0] =	sbarrier.arrive $0xFFFF  }
0x142: {  	s26 =	simm.s32 $0x8;
	[sflag:s0] =	ssyncpa.u1 $0x1  }
0x143: {  	s28 =	simm.s32 $0x9;
	[sflag:s26] =	ssyncpa.u1 $0x1  }
0x144: {  	[sflag:s28] =	ssyncpa.u1 $0x1  }
0x145: {  	_ =	sfence.stream.spmem  }
0x146: {  	s29 =	simm.s32 $0x3;
	[bflag:$0x0] =	sbarrier.arrive $0xFFFF  }
0x147: {  	s30 =	simm.s32 $0x4;
	[sflag:s29] =	ssyncpa.u1 $0x1  }
0x148: {  	s31 =	simm.s32 $0x3C;
	s2 =	stileid.u32;
	[sflag:s30] =	ssyncpa.u1 $0x1  }
0x149: {  	p0 =	sne.s32 s2, $0x0;
	[sflag:s31] =	ssyncpa.u1 $0x1  }
0x14a: {  	s0 =	simm.s32 @p0 $0x1;
	_ =	sfence @p0  }
0x14b: {  	[sflag:s0] =	ssyncpa.u1 @p0 $0x1;
	s0 =	simm.s32 @p0 $0x2  }
0x14c: {  	[sflag:s0] =	ssyncpa.u1 @p0 $0x1  }
0x14d: {  	_ =	strace @p0 $0x90000056  }
0x14e: {  	[bflag:$0x2] =	sbarrier.arrive @p0 $0xFFFF  }
0x14f: {  	_ =	shalt @p0  }
.LBB3_11:
0x150: {  	_ =	sfence.stream.spmem;
	s0 =	simm.s32 $0x5  }
0x151: {  	s2 =	simm.s32 $0x80;
	s3 =	simm.s32 $0xC0;
	[sflag:s0] =	ssyncpa.u1 $0x0  }
0x152: {  	[tilespmem:s3], [sflag:$0x5] =	stream.linear.gather [spmem:s2], $0x20, $0x38;
	[tilespmem:$0x11A60] =	vst v63  }
0x153: {  	s2 =	simm.s32 $0x0;
	s3 =	simm.s32 $0xE0  }
0x154: {  	[tilespmem:s3], [sflag:$0x5] =	stream.linear.gather [spmem:s2], $0x20, $0x38;
	[tilespmem:$0x11A60] =	vst v63  }
.Ltmp12:
0x155: {  	_ = 	snop;
	(pc) =	sbr.rel .LBB3_12-.Ltmp12, $4  }
0x156: {  	_ =	swait.ge [sflag:s0], $0x40  }
0x157: {  	[sflag:s0] =	ssyncset.done $0x0  }
0x158: {  	s31 =	simm.s32 $0x6;
	[sflag:s0] =	ssyncadd.s32 $0xFFFFFFC0  }
0x159: {  	s4 =	simm.s32 $0x0;
	[sflag:s31] =	ssyncpa.u1 $0x0  }
.LBB3_17:
0x15a: {  	p0 =	sgt.u32 s5, $0x31FFFFF  }
0x15b: {  	s0 =	sshrl.u32 @!p0 s5, $0x3  }
0x15c: {  	s5 =	sand.u32 @!p0 $0x7, s5;
	s6 =	simm.s32 @!p0 $0xB0;
	s0 =	sadd.s32 @!p0 s1, s0  }
0x15d: {  	[tilespmem:s6], [sflag:$0x6] =	stream.linear.gather @!p0 [hbm4b:s0+s5], $0x1, $0x38;
	[tilespmem:$0x11A60] =	vst v63  }
0x15e: {  	s0 =	simm.s32 @!p0 $0x6  }
0x15f: {  	_ =	swait.ge @!p0 [sflag:s0], $0x1  }
0x160: {  	[sflag:s0] =	ssyncset.done @!p0 $0x0  }
0x161: {  	[sflag:s0] =	ssyncadd.s32 @!p0 $0xFFFFFFFF  }
0x162: {  	v2 =	vmov @!p0 s4;
	v1 =	vld.msk @!p0 [tilespmem:$0xB0], $0x1;
	_ =	sdelay $0x3  }
0x163: {  	s0 =	simm.s32 @!p0 $0xE0  }
0x164: {  	[tilespmem:v2+s0+$0x0], v1 =	vst.idx.ret.add.f32.msk @!p0 $0x1, v1  }
0x165: {  	[tilespmem:s2+$0xC0] =	vst.msk $0x1, v0  }
0x166: {  	v0 =	vld.msk [tilespmem:s4+$0xE0], $0x1;
	_ =	sdelay $0x4  }
0x167: {  	[tilespmem:s2+$0xE0] =	vst.msk $0x1, v0;
	s2 =	sadd.s32 $0x1, s2  }
.LBB3_19:
0x168: {  	s4 =	sadd.s32 $0x1, s4  }
0x169: {  	p0 =	sne.s32 s4, $0x20  }
.Ltmp13:
0x16a: {  	_ = 	snop;
	(pc) =	sbr.rel @!p0 .LBB3_20-.Ltmp13, $1  }
0x16b: {  	_ =	sdelay $0x3  }
.LBB3_12:
0x16c: {  	v0 =	vld.msk [tilespmem:s4+$0xC0], $0x1;
	_ =	sdelay $0x4  }
0x16d: {  	(v2sf) =	vpush v0, $0x0;
	_ =	sdelay $0xe  }
0x16e: {  	s5 =	spop (v2sf)  }
0x16f: {  	p0 =	seq.s32 s5, $0xFFFFFFFF  }
.Ltmp14:
0x170: {  	_ = 	snop;
	(pc) =	sbr.rel @p0 .LBB3_19-.Ltmp14, $1  }
0x171: {  	_ =	sdelay $0x3  }
0x172: {  	p0 =	slt.s32 s2, $0x1  }
.Ltmp15:
0x173: {  	_ = 	snop;
	(pc) =	sbr.rel @p0 .LBB3_17-.Ltmp15, $1  }
0x174: {  	_ =	sdelay $0x3  }
0x175: {  	s0 =	simm.s32 $0xC0;
	p0 =	por $0x0, $0x0  }
0x176: {  	v1 =	vld.msk @!p0 [tilespmem:s0+$0x0], $0x1;
	_ =	sdelay $0x4  }
0x177: {  	(v2sf) =	vpush @!p0 v1, $0x0;
	_ =	sdelay $0xd  }
0x178: {  	p2 =	sne.s32 s2, $0x1  }
.Ltmp16:
0x179: {  	s6 =	spop @!p0 (v2sf);
	(pc) =	sbr.rel @!p2 .LBB3_16-.Ltmp16, $4  }
0x17a: {  	p1 =	seq.s32 @!p0 s5, s6  }
0x17b: {  	s6 =	simm.s32 $0x0;
	p1 =	por !p1, p0  }
0x17c: {  	s8 =	simm.s32 $0xFFFFFFFF;
	s6 =	simm.s32 @p1 $0xFFFFFFFF  }
0x17d: {  	s7 =	simm.s32 $0x1;
	s6 =	smov.u32 @p0 s8  }
.LBB3_15:
0x17e: {  	s8 =	smov.u32 s6;
	p0 =	sne.s32 s6, $0xFFFFFFFF  }
0x17f: {  	s0 =	sadd.s32 $0x1, s0;
	s6 =	smov.u32 s7;
	s7 =	sadd.s32 $0x1, s7  }
0x180: {  	p1 =	sne.s32 s2, s7;
	v1 =	vld.msk @!p0 [tilespmem:s0+$0x0], $0x1;
	_ =	sdelay $0x4  }
0x181: {  	(v2sf) =	vpush @!p0 v1, $0x0;
	_ =	sdelay $0xe  }
.Ltmp17:
0x182: {  	s9 =	spop @!p0 (v2sf);
	(pc) =	sbr.rel @p1 .LBB3_15-.Ltmp17, $4  }
0x183: {  	p2 =	seq.s32 @!p0 s5, s9  }
0x184: {  	p2 =	por !p2, p0  }
0x185: {  	s6 =	simm.s32 @p2 $0xFFFFFFFF  }
0x186: {  	s6 =	smov.u32 @p0 s8  }
.LBB3_16:
0x187: {  	p0 =	sne.s32 s6, $0xFFFFFFFF  }
.Ltmp18:
0x188: {  	_ = 	snop;
	(pc) =	sbr.rel @!p0 .LBB3_17-.Ltmp18, $1  }
0x189: {  	_ =	sdelay $0x3  }
0x18a: {  	v0 =	vld.msk [tilespmem:s4+$0xE0], $0x1;
	v1 =	vmov s6  }
.Ltmp19:
0x18b: {  	_ = 	snop;
	(pc) =	sbr.rel .LBB3_19-.Ltmp19, $2  }
0x18c: {  	_ =	sdelay $0x2  }
0x18d: {  	[tilespmem:v1+s3+$0x0], v0 =	vst.idx.ret.add.f32.msk $0x1, v0  }
.LBB3_20:
0x18e: {  	p0 =	slt.s32 s2, $0x1  }
.Ltmp20:
0x18f: {  	_ = 	snop;
	(pc) =	sbr.rel @p0 .LBB3_24-.Ltmp20, $3  }
0x190: {  	_ =	sdelay $0x1  }
0x191: {  	s0 =	simm.s32 $0x6  }
0x192: {  	s3 =	simm.s32 $0x0;
	[sflag:s0] =	ssyncpa.u1 $0x1  }
0x193: {  	s0 =	simm.s32 $0xC0  }
0x194: {  	v0 =	vld.msk [tilespmem:s0+$0x0], $0x1;
	_ =	sdelay $0x4  }
0x195: {  	(v2sf) =	vpush v0, $0x0;
	_ =	sdelay $0xe  }
0x196: {  	s2 =	sadd.s32 $0xFFFFFFFF, s2;
	s4 =	spop (v2sf)  }
0x197: {  	p1 =	sne.s32 s2, $0x0;
	p0 =	sgt.u32 s4, $0x31FFFFF  }
.Ltmp21:
0x198: {  	s5 =	sshrl.u32 @!p0 s4, $0x3;
	(pc) =	sbr.rel @!p1 .LBB3_23-.Ltmp21, $4  }
0x199: {  	s0 =	simm.s32 $0xE0;
	s4 =	sand.u32 @!p0 $0x7, s4;
	s5 =	sadd.s32 @!p0 s1, s5  }
0x19a: {  	[hbm4b:s5+s4] =	stream.linear.scatter @!p0 [tilespmem:s0], [sflag:$0x5], $0x1, $0x38;
	[tilespmem:$0x11A60] =	vst v63  }
0x19b: {  	s5 =	simm.s32 $0x0  }
0x19c: {  	s4 =	simm.s32 $0xC1;
	s5 =	simm.s32 @!p0 $0x4  }
.LBB3_22:
0x19d: {  	v0 =	vld.msk [tilespmem:s4+$0x0], $0x1;
	s2 =	sadd.s32 $0xFFFFFFFF, s2;
	s3 =	sadd.s32 s3, s5  }
0x19e: {  	p0 =	sne.s32 s2, $0x0;
	_ =	sdelay $0x3  }
0x19f: {  	(v2sf) =	vpush v0, $0x0;
	_ =	sdelay $0xe  }
.Ltmp22:
0x1a0: {  	s6 =	spop (v2sf);
	(pc) =	sbr.rel @p0 .LBB3_22-.Ltmp22, $4  }
0x1a1: {  	s5 =	simm.s32 $0x0;
	p1 =	sgt.u32 s6, $0x31FFFFF  }
0x1a2: {  	s0 =	sadd.s32 $0x1, s0;
	s5 =	simm.s32 @!p1 $0x4;
	s7 =	sshrl.u32 @!p1 s6, $0x3  }
0x1a3: {  	s4 =	sadd.s32 $0x1, s4;
	s6 =	sand.u32 @!p1 $0x7, s6;
	s7 =	sadd.s32 @!p1 s1, s7  }
0x1a4: {  	[hbm4b:s7+s6] =	stream.linear.scatter @!p1 [tilespmem:s0], [sflag:$0x5], $0x1, $0x38;
	[tilespmem:$0x11A60] =	vst v63  }
.LBB3_23:
0x1a5: {  	s0 =	sadd.s32 s3, s5  }
0x1a6: {  	s3 =	sshrl.u32 s0, $0x2  }
.LBB3_24:
0x1a7: {  	s0 =	simm.s32 $0x5  }
0x1a8: {  	_ =	swait.ge [sflag:s0], s3  }
0x1a9: {  	s1 =	ssub.s32 $0x0, s3;
	[sflag:s0] =	ssyncset.done $0x0  }
0x1aa: {  	[sflag:s0] =	ssyncadd.s32 s1  }
0x1ab: {  	[sflag:s0] =	ssyncpa.u1 $0x1  }
0x1ac: {  	s29 =	simm.s32 $0x1;
	_ =	sfence  }
0x1ad: {  	s30 =	simm.s32 $0x2;
	[sflag:s29] =	ssyncpa.u1 $0x1  }
0x1ae: {  	[sflag:s30] =	ssyncpa.u1 $0x1  }
0x1af: {  	_ =	strace $0x90000056  }
0x1b0: {  	[bflag:$0x2] =	sbarrier.arrive $0xFFFF  }
0x1b1: {  	s31 =	rddreg [dreg:$0x1]  }
0x1b2: {  	s0 =	sadd.s32 $0x100000, s31  }
0x1b3: {  	[sflag:s0] =	ssyncadd.tile.s32 $0x1;
	_ =	shalt  }
.Lfunc_end3:
_tile_overlayer_lowered:
.L_overlay_start_3:
0x1b4: {  	(tag) =	ssettag $0x3  }
0x1b5: {  	s0 =	rddreg [dreg:$0x0];
	s2 =	stileid.u32  }
0x1b6: {  	s1 =	rddreg [dreg:$0x1];
	p0 =	sne.s32 s2, $0x0  }
0x1b7: {  	s3 =	rddreg [dreg:$0x2];
	[bflag:$0x3] =	sbarrier.arrive $0xFFFF;
	s2 =	simm.s32 @!p0 $0x1C01  }
0x1b8: {  	[timem:s3], [sflag:s2] =	dma.local @!p0 [hbm:s0], s1  }
0x1b9: {  	s0 =	simm.s32 @!p0 $0x1  }
0x1ba: {  	_ =	swait.ge @!p0 [sflag:s0], s1  }
0x1bb: {  	s1 =	ssub.s32 @!p0 $0x0, s1;
	[sflag:s0] =	ssyncset.done @!p0 $0x0  }
0x1bc: {  	[sflag:s0] =	ssyncadd.s32 @!p0 s1  }
0x1bd: {  	[bflag:$0x3] =	sbarrier.arrive $0xFFFF  }
0x1be: {  	_ =	shalt  }

// kernel: scatter_offload_async_start.5
scs
__scs_entry_jumppad:
0x0: {  	(pc) =	sbr.rel $0x88, $3  }
0x1: {  	(tag) =	ssettag $0x0;
	lr =	simm.s32 $0x1  }
0x2: {  	[smem:$0x3F98] =	sst lr;
	_ =	strace $0xD0000000  }
0x3: {  	_ = 	snop  }
0x4: {  	_ = 	snop  }
0x5: {  	_ = 	snop  }
0x6: {  	_ = 	snop  }
0x7: {  	_ = 	snop  }
__scs_overlays_trampoline_lowered:
0x8: {  	[smem:$0x3FA7] =	sst s0  }
0x9: {  	[smem:$0x3FA8] =	sst s1  }
0xa: {  	[smem:$0x3FA9] =	sst s2  }
0xb: {  	[smem:$0x3FAA] =	sst s3  }
0xc: {  	[smem:$0x3FAB] =	sst s4  }
0xd: {  	[smem:$0x3FAC] =	sst s5  }
0xe: {  	[smem:$0x3FAD] =	sst s6  }
0xf: {  	[smem:$0x3FAE] =	sst s7  }
0x10: {  	[smem:$0x3FAF] =	sst s8  }
0x11: {  	[smem:$0x3FB0] =	sst s9;
	s0 =	simm.s32 @!p0 $0x0  }
0x12: {  	s1 =	sld [smem:$0x3F96];
	s0 =	simm.s32 @p0 $0x1  }
0x13: {  	[smem:$0x3FB1] =	sst s0;
	s0 =	simm.s32 @!p1 $0x0  }
0x14: {  	s2 =	sld [smem:$0x3F95];
	s0 =	simm.s32 @p1 $0x1  }
0x15: {  	[smem:$0x3FB2] =	sst s0;
	s0 =	simm.s32 @!p2 $0x0  }
0x16: {  	s3 =	sld [smem:$0x3FDB];
	s0 =	simm.s32 @p2 $0x1  }
0x17: {  	s4 =	simm.s32 $0x1BF5;
	[smem:$0x3FB4] =	sst s0  }
0x18: {  	s0 =	sld [smem:$0x3F97];
	_ =	swait.ge [sflag:s4], $0x0  }
0x19: {  	s7 =	sld [smem:$0x3F98]  }
0x1a: {  	s8 =	sadd.s32 $0xFFFFE003, lr  }
0x1b: {  	s9 =	sadd.s32 $0xFFFFFEF7, lr;
	s5 =	simm.s32 $0xFFFFFFFF;
	p2 =	slt.u32 s8, $0xFFFFF086  }
0x1c: {  	p1 =	slt.u32 s9, $0xF7A;
	s5 =	simm.s32 @!p2 $0x0  }
0x1d: {  	s5 =	simm.s32 @p1 $0x1;
	p0 =	seq.s32 s7, s2  }
0x1e: {  	s7 =	smul.u32 @!p0 $0xF7A, s2;
	p2 =	seq.s32 @!p0 s5, $0x0  }
0x1f: {  	s9 =	smul.u32 $0xF7A, s1;
	s8 =	simm.s32 @!p0 $0x1BF5;
	p2 =	por !p2, p0  }
0x20: {  	[sflag:s8] =	ssyncset.s32 @!p0 $0xFFFFF086;
	s6 =	sadd.s32 @!p0 s3, s7;
	s7 =	simm.s32 @!p0 $0x108  }
0x21: {  	s3 =	sadd.s32 s3, s9;
	s6 =	sadd.s32 @!p0 $0x88, s6;
	s7 =	simm.s32 @p2 $0x1082  }
0x22: {  	[simem:s7], [sflag:s8] =	dma.local @!p0 [hbm:s6], $0xF7A  }
0x23: {  	s9 =	sor.u32 $0xD0000000, s2;
	s6 =	simm.s32 $0x108;
	_ =	swait.ge @!p0 [sflag:s8], $0x0  }
0x24: {  	s3 =	sadd.s32 $0x88, s3;
	s6 =	simm.s32 @!p1 $0x1082;
	[sflag:s4] =	ssyncset.s32 $0xFFFFF086  }
0x25: {  	[simem:s6], [sflag:s4] =	dma.local [hbm:s3], $0xF7A  }
0x26: {  	[smem:$0x3F98] =	sst s1;
	(tag) =	ssettag s2;
	_ =	strace s9  }
0x27: {  	s1 =	sld [smem:$0x3FA8]  }
0x28: {  	s2 =	sld [smem:$0x3FA9]  }
0x29: {  	s4 =	sld [smem:$0x3FAB]  }
0x2a: {  	p0 =	seq.s32 s5, $0x0;
	s5 =	sld [smem:$0x3FAC]  }
0x2b: {  	s6 =	sld [smem:$0x3FAD]  }
0x2c: {  	s7 =	sld [smem:$0x3FAE]  }
0x2d: {  	s3 =	simm.s32 $0x108;
	s8 =	sld [smem:$0x3FAF]  }
0x2e: {  	s3 =	simm.s32 @!p0 $0x1082;
	s9 =	sld [smem:$0x3FB0]  }
0x2f: {  	lr =	sadd.s32 s0, s3;
	s0 =	sld [smem:$0x3FA7]  }
0x30: {  	s3 =	sld [smem:$0x3FAA]  }
0x31: {  	[smem:$0x3FB3] =	sst s10  }
0x32: {  	s10 =	sld [smem:$0x3FB1];
	_ =	sdelay $0x3  }
0x33: {  	p0 =	seq.s32 s10, $0x1;
	s10 =	sld [smem:$0x3FB3];
	_ =	sdelay $0x3  }
0x34: {  	[smem:$0x3FB3] =	sst s10  }
0x35: {  	s10 =	sld [smem:$0x3FB2];
	_ =	sdelay $0x3  }
0x36: {  	p1 =	seq.s32 s10, $0x1;
	s10 =	sld [smem:$0x3FB3];
	_ =	sdelay $0x3  }
0x37: {  	[smem:$0x3FB3] =	sst s10  }
0x38: {  	s10 =	sld [smem:$0x3FB4]  }
0x39: {  	_ = 	snop;
	(pc) =	sbr.ind lr, $3  }
0x3a: {  	_ = 	snop  }
0x3b: {  	_ = 	snop  }
0x3c: {  	p2 =	seq.s32 s10, $0x1;
	s10 =	sld [smem:$0x3FB3]  }
0x3d: {  	_ =	shalt  }
0x3e: {  	_ =	shalt  }
0x3f: {  	_ =	shalt  }
0x40: {  	_ =	shalt  }
0x41: {  	_ =	shalt  }
0x42: {  	_ =	shalt  }
0x43: {  	_ =	shalt  }
0x44: {  	_ =	shalt  }
0x45: {  	_ =	shalt  }
0x46: {  	_ =	shalt  }
0x47: {  	_ =	shalt  }
0x48: {  	_ =	shalt  }
0x49: {  	_ =	shalt  }
0x4a: {  	_ =	shalt  }
0x4b: {  	_ =	shalt  }
0x4c: {  	_ =	shalt  }
0x4d: {  	_ =	shalt  }
0x4e: {  	_ =	shalt  }
0x4f: {  	_ =	shalt  }
0x50: {  	_ =	shalt  }
0x51: {  	_ =	shalt  }
0x52: {  	_ =	shalt  }
0x53: {  	_ =	shalt  }
0x54: {  	_ =	shalt  }
0x55: {  	_ =	shalt  }
0x56: {  	_ =	shalt  }
0x57: {  	_ =	shalt  }
0x58: {  	_ =	shalt  }
0x59: {  	_ =	shalt  }
0x5a: {  	_ =	shalt  }
0x5b: {  	_ =	shalt  }
0x5c: {  	_ =	shalt  }
0x5d: {  	_ =	shalt  }
0x5e: {  	_ =	shalt  }
0x5f: {  	_ =	shalt  }
0x60: {  	_ =	shalt  }
0x61: {  	_ =	shalt  }
0x62: {  	_ =	shalt  }
0x63: {  	_ =	shalt  }
0x64: {  	_ =	shalt  }
0x65: {  	_ =	shalt  }
0x66: {  	_ =	shalt  }
0x67: {  	_ =	shalt  }
0x68: {  	_ =	shalt  }
0x69: {  	_ =	shalt  }
0x6a: {  	_ =	shalt  }
0x6b: {  	_ =	shalt  }
0x6c: {  	_ =	shalt  }
0x6d: {  	_ =	shalt  }
0x6e: {  	_ =	shalt  }
0x6f: {  	_ =	shalt  }
0x70: {  	_ =	shalt  }
0x71: {  	_ =	shalt  }
0x72: {  	_ =	shalt  }
0x73: {  	_ =	shalt  }
0x74: {  	_ =	shalt  }
0x75: {  	_ =	shalt  }
0x76: {  	_ =	shalt  }
0x77: {  	_ =	shalt  }
0x78: {  	_ =	shalt  }
0x79: {  	_ =	shalt  }
0x7a: {  	_ =	shalt  }
0x7b: {  	_ =	shalt  }
0x7c: {  	_ =	shalt  }
0x7d: {  	_ =	shalt  }
0x7e: {  	_ =	shalt  }
0x7f: {  	_ =	shalt  }
0x80: {  	_ =	shalt  }
0x81: {  	_ =	shalt  }
0x82: {  	_ =	shalt  }
0x83: {  	_ =	shalt  }
0x84: {  	_ =	shalt  }
0x85: {  	_ =	shalt  }
0x86: {  	_ =	shalt  }
0x87: {  	_ =	shalt  }
.Lfunc_end0:
.L_simem_size_0:
called_computation.5_lowered:
.L_overlay_start_0:
0x88: {  	s0 =	sld [smem:$0x3FD9]  }
0x89: {  	s1 =	sld [smem:$0x3FFE];
	_ =	sdelay $0x3  }
0x8a: {  	s0 =	sadd.s32 s1, s0  }
0x8b: {  	[smem:$0x3FBF] =	sst s0  }
0x8c: {  	_ = 	snop  }
0x8d: {  	(tm) =	ssettm $0x1  }
0x8e: {  	s14 =	sld [smem:$0x3FFB];
	_ =	sdelay $0x3  }
0x8f: {  	_ =	strace s14  }
0x90: {  	s0 =	sld [smem:$0x3FFC];
	_ =	sdelay $0x3  }
0x91: {  	_ =	strace s0  }
0x92: {  	s0 =	sld [smem:$0x3FFD];
	_ =	sdelay $0x3  }
0x93: {  	_ =	strace s0  }
0x94: {  	_ =	strace $0x8FFFFFFF  }
0x95: {  	s15 =	sld [smem:$0x3FDB];
	_ =	sdelay $0x1  }
0x96: {  	s16 =	simm.s32 $_scs_section_size  }
0x97: {  	s2 =	simm.s32 $_size__tile_overlayer_lowered;
	s3 =	simm.s32 $_tile_overlayer_lowered  }
0x98: {  	s4 =	simm.s32 $0x1BFF;
	s17 =	sshll.u32 s3, $0x1;
	s1 =	sadd.s32 s16, s15  }
0x99: {  	s18 =	simm.s32 $0x0;
	s2 =	sshll.u32 s2, $0x1;
	s3 =	sadd.s32 s17, s1  }
0x9a: {  	[timem:s18], [sflag:s4] =	dma.local [hbm:s3], s2  }
0x9b: {  	_ =	swait.ge [sflag:s4], s2  }
0x9c: {  	s2 =	ssub.s32 $0x0, s2;
	[sflag:s4] =	ssyncset.done $0x0  }
0x9d: {  	[sflag:s4] =	ssyncadd.s32 s2;
	_ =	sdelay $0x1  }
0x9e: {  	s19 =	simm.s32 $0x1B8B  }
0x9f: {  	_ =	swait.ge [sflag:s19], $0x1  }
0xa0: {  	[sflag:s19] =	ssyncset.done $0x0  }
0xa1: {  	s21 =	simm.s32 $0x1B8E;
	s20 =	sld [smem:$0x3FFE];
	[sflag:s19] =	ssyncadd.s32 $0xFFFFFFFF  }
0xa2: {  	s22 =	simm.s32 $execute0_lowered;
	[smem:$0x3FD2] =	sst s21  }
0xa3: {  	s3 =	sshll.u32 s22, $0x1;
	_ =	strace $0x8000004C;
	[dreg:$0x1] =	wrdreg $0xFFFFFFFF  }
0xa4: {  	s23 =	simm.s32 $_size_execute0_lowered;
	s3 =	sadd.s32 s1, s3;
	[dreg:$0x0] =	wrdreg $0x0  }
0xa5: {  	s4 =	sshll.u32 s23, $0x1;
	[dreg:$0x2] =	wrdreg s3  }
0xa6: {  	[dreg:$0x3] =	wrdreg s4  }
0xa7: {  	[dreg:$0x4] =	wrdreg $0xC0  }
0xa8: {  	s24 =	simm.s32 $execute1_lowered;
	_ =	task [dreg:s18], $0x5FFFF  }
0xa9: {  	s3 =	sshll.u32 s24, $0x1;
	[dreg:$0x1] =	wrdreg $0xFFFFFFFF  }
0xaa: {  	s1 =	sadd.s32 s1, s3;
	[dreg:$0x0] =	wrdreg $0x60  }
0xab: {  	[dreg:$0x2] =	wrdreg s1  }
0xac: {  	[dreg:$0x3] =	wrdreg s20  }
0xad: {  	[dreg:$0x4] =	wrdreg $0xC  }
0xae: {  	_ =	task.clear_ibuf [dreg:s18], $0x5FFFF;
	_ =	strace $0x9000004C  }
0xaf: {  	s25 =	simm.s32 $0xC;
	_ =	strace $0x8000004E  }
0xb0: {  	_ =	swait.ge [sflag:s25], $0x1  }
0xb1: {  	[sflag:s25] =	ssyncadd.s32 $0xFFFFFFFF  }
0xb2: {  	_ =	strace $0x9000004E  }
0xb3: {  	_ =	strace $0x8000004F;
	[dreg:$0x1] =	wrdreg $0xFFFFFFFF  }
0xb4: {  	[dreg:$0x0] =	wrdreg $0x2030  }
0xb5: {  	[dreg:$0x2] =	wrdreg s20  }
0xb6: {  	[dreg:$0x3] =	wrdreg $0xD  }
0xb7: {  	_ =	task.clear_ibuf [dreg:s18], $0x4FFFF;
	_ =	strace $0x9000004F  }
0xb8: {  	s26 =	simm.s32 $0xD;
	_ =	strace $0x80000051  }
0xb9: {  	_ =	swait.ge [sflag:s26], $0x1  }
0xba: {  	[sflag:s26] =	ssyncadd.s32 $0xFFFFFFFF  }
0xbb: {  	_ =	strace $0x90000051  }
0xbc: {  	_ =	sfence  }
0xbd: {  	s28 =	sld [smem:$0x0];
	_ =	sdelay $0x1  }
0xbe: {  	s29 =	srdreg.scid  }
0xbf: {  	s30 =	sshll.u32 s29, $0xD;
	s31 =	sshrl.u32 s29, $0x2  }
0xc0: {  	s2 =	sand.u32 $0x1, s29;
	s3 =	sand.u32 $0x4000, s30;
	s1 =	sadd.s32 s31, s28  }
0xc1: {  	s2 =	sor.u32 s3, s2;
	s1 =	sshll.u32 s1, $0x11  }
0xc2: {  	s1 =	sor.u32 s1, s2  }
0xc3: {  	s1 =	sadd.s32 $0x8F2B, s1  }
0xc4: {  	[sflag:s1] =	ssyncadd.remote.s32 $0x1  }
0xc5: {  	_ =	sfence.sel $0xFFFF  }
0xc6: {  	[dreg:$0x0] =	wrdreg $0xFFFFFFFF;
	(pc) =	sbr.abs _section_cstart, $3  }
0xc7: {  	[dreg:$0x1] =	wrdreg $0xFFFFFFFF  }
0xc8: {  	_ =	task.clear_ibuf [dreg:s18], $0x2FFFF;
	_ =	strace $0x9FFFFFFF  }
0xc9: {  	(tm) =	ssettm $0x7FFFFFFF  }
tec
execute0_lowered:
.L_overlay_start_1:
0x0: {  	(tag) =	ssettag $0x1  }
0x1: {  	s2 =	rddreg [dreg:$0x0]  }
0x2: {  	s6 =	rddreg [dreg:$0x1]  }
0x3: {  	s0 =	rddreg [dreg:$0x2];
	s3 =	stileid.u32  }
0x4: {  	[bflag:$0x3] =	sbarrier.arrive $0xFFFF;
	s1 =	simm.s32 $_size_execute1_lowered;
	p0 =	sne.s32 s3, $0x0  }
0x5: {  	s1 =	sshll.u32 s1, $0x1;
	s4 =	simm.s32 @!p0 $0x1C3F;
	s5 =	simm.s32 @!p0 $0x4060  }
0x6: {  	[timem:s5], [sflag:s4] =	dma.local @!p0 [hbm:s2], s1  }
0x7: {  	s7 =	simm.s32 $0x1;
	s8 =	simm.s32 $0x2;
	s2 =	sshll.u32 s3, $0xE  }
0x8: {  	s10 =	simm.s32 $0x0;
	s9 =	simm.s32 $0x0;
	s30 =	ssub.s32 $0x3200000, s2  }
.Ltmp0:
0x9: {  	s3 =	sadd.s32 $0x563400, s6;
	s31 =	sand.u32 $0x3C000, s30;
	(pc) =	sbr.rel .LBB2_1-.Ltmp0, $4  }
0xa: {  	s4 =	simm.s32 $0x1;
	_ =	strace $0x8000004D;
	p1 =	sne.s32 s31, $0x0  }
0xb: {  	s5 =	sshrl.u32 s30, $0x12;
	[sflag:s4] =	ssyncpa.u1 $0x0;
	s7 =	simm.s32 @!p1 $0x0  }
0xc: {  	s6 =	sadd.s32 $0xBA3400, s6;
	[sflag:s8] =	ssyncpa.u1 $0x0;
	s5 =	sadd.s32 s7, s5  }
0xd: {  	s8 =	smov.u32 s2;
	p1 =	por $0x0, $0x0;
	s7 =	sadd.s32 $0x1, s5  }
.LBB2_4:
0xe: {  	[tilespmem:s11+$0xB0] =	vst v0  }
0xf: {  	[tilespmem:s11+$0xC0] =	vst v1  }
0x10: {  	[tilespmem:s11+$0xD0] =	vst v2  }
0x11: {  	[tilespmem:s11+$0xE0] =	vst v3;
	s13 =	sshrl.u32 s10, $0x3  }
0x12: {  	[tilespmem:s11+$0xFFFFFF00] =	vst v4;
	s31 =	sand.u32 $0x7, s10;
	s30 =	sadd.s32 s6, s13  }
0x13: {  	[hbm4b:s30+s31] =	stream.linear.scatter [tilespmem:s12], [sflag:$0x2], $0x4000, $0x38;
	[tilespmem:$0x10000] =	vst v63  }
.LBB2_5:
0x14: {  	s12 =	sadd.s32 $0x40000, s8  }
0x15: {  	p3 =	sgt.s32 s12, $0x31FFFFF  }
0x16: {  	s12 =	smov.u32 @p3 s2;
	p3 =	sne.s32 s9, s7  }
.Ltmp1:
0x17: {  	p2 =	slt.u32 s9, $0x2;
	(pc) =	sbr.rel @!p3 .LBB2_6-.Ltmp1, $4  }
0x18: {  	s11 =	simm.s32 @!p2 $0x2  }
0x19: {  	s13 =	sadd.s32 $0x1, s9;
	_ =	swait.ge @!p2 [sflag:s11], $0x4000  }
0x1a: {  	s10 =	smov.u32 s8;
	p1 =	por !p1, !p1;
	[sflag:s11] =	ssyncset.done @!p2 $0x0  }
0x1b: {  	s9 =	smov.u32 s13;
	s8 =	smov.u32 s12;
	[sflag:s11] =	ssyncadd.s32 @!p2 $0xFFFFC000  }
.LBB2_1:
0x1c: {  	p2 =	sge.u32 s9, s5  }
0x1d: {  	s11 =	sxor.u32 @!p2 $0xFFFFFFFF, s9  }
0x1e: {  	s31 =	sadd.s32 $0xFFFFFFFF, s9;
	s12 =	sshrl.u32 @!p2 s8, $0x3;
	s11 =	sshll.u32 @!p2 s11, $0xE  }
0x1f: {  	s13 =	sand.u32 @!p2 $0x7, s8;
	s12 =	sadd.s32 @!p2 s3, s12;
	s11 =	sand.u32 @!p2 $0x4000, s11  }
0x20: {  	[tilespmem:s11], [sflag:$0x1] =	stream.linear.gather @!p2 [hbm4b:s12+s13], $0x4000, $0x38;
	[tilespmem:$0x10000] =	vst v63  }
0x21: {  	p2 =	sge.u32 s31, s5  }
.Ltmp2:
0x22: {  	_ = 	snop;
	(pc) =	sbr.rel @p2 .LBB2_5-.Ltmp2, $1  }
0x23: {  	_ =	sdelay $0x3  }
0x24: {  	s11 =	simm.s32 $0x1  }
0x25: {  	_ =	swait.ge [sflag:s4], $0x4000;
	s11 =	simm.s32 @!p1 $0x0  }
0x26: {  	[sflag:s4] =	ssyncset.done $0x0;
	s11 =	sshll.u32 s11, $0xE  }
0x27: {  	[sflag:s4] =	ssyncadd.s32 $0xFFFFC000;
	s14 =	sor.u32 $0x100, s11  }
0x28: {  	v0 =	vld [tilespmem:s14+$0xF0]  }
0x29: {  	v1 =	vld [tilespmem:s14+$0xFFFFFF10]  }
0x2a: {  	v2 =	vld [tilespmem:s14+$0xFFFFFF20]  }
0x2b: {  	v3 =	vld [tilespmem:s14+$0xFFFFFF30]  }
0x2c: {  	s11 =	sor.u32 $0x8100, s11;
	v4 =	vld [tilespmem:s14+$0xFFFFFF40]  }
0x2d: {  	v5 =	vld [tilespmem:s14+$0xFFFFFF50];
	[tilespmem:s11+$0xF0] =	vst v0  }
0x2e: {  	[tilespmem:s11+$0xFFFFFF10] =	vst v1;
	v0 =	vld [tilespmem:s14+$0xFFFFFF60]  }
0x2f: {  	[tilespmem:s11+$0xFFFFFF20] =	vst v2;
	v1 =	vld [tilespmem:s14+$0xFFFFFF70]  }
0x30: {  	[tilespmem:s11+$0xFFFFFF30] =	vst v3;
	v2 =	vld [tilespmem:s14+$0xFFFFFF80]  }
0x31: {  	[tilespmem:s11+$0xFFFFFF40] =	vst v4;
	v3 =	vld [tilespmem:s14+$0xFFFFFF90]  }
0x32: {  	[tilespmem:s11+$0xFFFFFF50] =	vst v5;
	v4 =	vld [tilespmem:s14+$0xFFFFFFA0]  }
0x33: {  	v5 =	vld [tilespmem:s14+$0xA0];
	[tilespmem:s11+$0xFFFFFF60] =	vst v0  }
0x34: {  	v0 =	vld [tilespmem:s14+$0xFFFFFFB0];
	[tilespmem:s11+$0xFFFFFF70] =	vst v1  }
0x35: {  	v1 =	vld [tilespmem:s14+$0xFFFFFFC0];
	[tilespmem:s11+$0xFFFFFF80] =	vst v2  }
0x36: {  	v2 =	vld [tilespmem:s14+$0xFFFFFFD0];
	[tilespmem:s11+$0xFFFFFF90] =	vst v3  }
0x37: {  	v3 =	vld [tilespmem:s14+$0xFFFFFFE0];
	[tilespmem:s11+$0xFFFFFFA0] =	vst v4  }
0x38: {  	v4 =	vld [tilespmem:s14+$0xFFFFFFF0];
	[tilespmem:s11+$0xA0] =	vst v5  }
0x39: {  	[tilespmem:s11+$0xFFFFFFB0] =	vst v0;
	v0 =	vld [tilespmem:s14+$0x0]  }
0x3a: {  	[tilespmem:s11+$0xFFFFFFC0] =	vst v1;
	v1 =	vld [tilespmem:s14+$0x10]  }
0x3b: {  	[tilespmem:s11+$0xFFFFFFD0] =	vst v2;
	v2 =	vld [tilespmem:s14+$0x20]  }
0x3c: {  	[tilespmem:s11+$0xFFFFFFE0] =	vst v3;
	v3 =	vld [tilespmem:s14+$0x30]  }
0x3d: {  	[tilespmem:s11+$0xFFFFFFF0] =	vst v4;
	v4 =	vld [tilespmem:s14+$0x40]  }
0x3e: {  	[tilespmem:s11+$0x0] =	vst v0;
	v0 =	vld [tilespmem:s14+$0x50]  }
0x3f: {  	[tilespmem:s11+$0x10] =	vst v1;
	v1 =	vld [tilespmem:s14+$0x60]  }
0x40: {  	[tilespmem:s11+$0x20] =	vst v2;
	v2 =	vld [tilespmem:s14+$0x70]  }
0x41: {  	[tilespmem:s11+$0x30] =	vst v3;
	v3 =	vld [tilespmem:s14+$0x80]  }
0x42: {  	[tilespmem:s11+$0x40] =	vst v4;
	v4 =	vld [tilespmem:s14+$0x90]  }
0x43: {  	[tilespmem:s11+$0x50] =	vst v0;
	v0 =	vld [tilespmem:s14+$0xB0]  }
0x44: {  	[tilespmem:s11+$0x60] =	vst v1;
	v1 =	vld [tilespmem:s14+$0xC0]  }
0x45: {  	s12 =	sshll.u32 s9, $0xE;
	[tilespmem:s11+$0x70] =	vst v2;
	v2 =	vld [tilespmem:s14+$0xD0]  }
0x46: {  	s12 =	sand.u32 $0x4000, s12;
	[tilespmem:s11+$0x80] =	vst v3;
	v3 =	vld [tilespmem:s14+$0xE0]  }
0x47: {  	s13 =	simm.s32 $0x0;
	s12 =	sor.u32 $0x8000, s12;
	[tilespmem:s11+$0x90] =	vst v4;
	v4 =	vld [tilespmem:s14+$0xFFFFFF00];
	s14 =	sadd.s32 $0x200, s14  }
.LBB2_3:
0x48: {  	v5 =	vld [tilespmem:s14+$0xF0];
	s13 =	sadd.s32 $0x200, s13;
	[tilespmem:s11+$0xB0] =	vst v0  }
0x49: {  	v0 =	vld [tilespmem:s14+$0xFFFFFF10];
	p2 =	slt.u32 s13, $0x3E00;
	[tilespmem:s11+$0xC0] =	vst v1  }
0x4a: {  	v1 =	vld [tilespmem:s14+$0xFFFFFF20];
	[tilespmem:s11+$0xD0] =	vst v2  }
0x4b: {  	v2 =	vld [tilespmem:s14+$0xFFFFFF30];
	[tilespmem:s11+$0xE0] =	vst v3  }
0x4c: {  	v3 =	vld [tilespmem:s14+$0xFFFFFF40];
	[tilespmem:s11+$0xFFFFFF00] =	vst v4;
	s11 =	sadd.s32 $0x200, s11  }
0x4d: {  	v4 =	vld [tilespmem:s14+$0xFFFFFF50];
	[tilespmem:s11+$0xF0] =	vst v5  }
0x4e: {  	[tilespmem:s11+$0xFFFFFF10] =	vst v0;
	v0 =	vld [tilespmem:s14+$0xFFFFFF60]  }
0x4f: {  	[tilespmem:s11+$0xFFFFFF20] =	vst v1;
	v1 =	vld [tilespmem:s14+$0xFFFFFF70]  }
0x50: {  	[tilespmem:s11+$0xFFFFFF30] =	vst v2;
	v2 =	vld [tilespmem:s14+$0xFFFFFF80]  }
0x51: {  	[tilespmem:s11+$0xFFFFFF40] =	vst v3;
	v3 =	vld [tilespmem:s14+$0xFFFFFF90]  }
0x52: {  	[tilespmem:s11+$0xFFFFFF50] =	vst v4;
	v4 =	vld [tilespmem:s14+$0xFFFFFFA0]  }
0x53: {  	[tilespmem:s11+$0xFFFFFF60] =	vst v0;
	v0 =	vld [tilespmem:s14+$0xFFFFFFB0]  }
0x54: {  	[tilespmem:s11+$0xFFFFFF70] =	vst v1;
	v1 =	vld [tilespmem:s14+$0xFFFFFFC0]  }
0x55: {  	[tilespmem:s11+$0xFFFFFF80] =	vst v2;
	v2 =	vld [tilespmem:s14+$0xFFFFFFD0]  }
0x56: {  	[tilespmem:s11+$0xFFFFFF90] =	vst v3;
	v3 =	vld [tilespmem:s14+$0xFFFFFFE0]  }
0x57: {  	[tilespmem:s11+$0xFFFFFFA0] =	vst v4;
	v4 =	vld [tilespmem:s14+$0xFFFFFFF0]  }
0x58: {  	[tilespmem:s11+$0xFFFFFFB0] =	vst v0;
	v0 =	vld [tilespmem:s14+$0x0]  }
0x59: {  	[tilespmem:s11+$0xFFFFFFC0] =	vst v1;
	v1 =	vld [tilespmem:s14+$0x10]  }
0x5a: {  	[tilespmem:s11+$0xFFFFFFD0] =	vst v2;
	v2 =	vld [tilespmem:s14+$0x20]  }
0x5b: {  	[tilespmem:s11+$0xFFFFFFE0] =	vst v3;
	v3 =	vld [tilespmem:s14+$0x30]  }
0x5c: {  	[tilespmem:s11+$0xFFFFFFF0] =	vst v4;
	v4 =	vld [tilespmem:s14+$0x40]  }
0x5d: {  	[tilespmem:s11+$0x0] =	vst v0;
	v0 =	vld [tilespmem:s14+$0x50]  }
0x5e: {  	[tilespmem:s11+$0x10] =	vst v1;
	v1 =	vld [tilespmem:s14+$0x60]  }
0x5f: {  	[tilespmem:s11+$0x20] =	vst v2;
	v2 =	vld [tilespmem:s14+$0x70]  }
0x60: {  	[tilespmem:s11+$0x30] =	vst v3;
	v3 =	vld [tilespmem:s14+$0x80]  }
0x61: {  	[tilespmem:s11+$0x40] =	vst v4;
	v4 =	vld [tilespmem:s14+$0x90]  }
0x62: {  	[tilespmem:s11+$0x50] =	vst v0;
	v5 =	vld [tilespmem:s14+$0xA0]  }
.Ltmp3:
0x63: {  	[tilespmem:s11+$0x60] =	vst v1;
	v0 =	vld [tilespmem:s14+$0xB0];
	(pc) =	sbr.rel @p2 .LBB2_3-.Ltmp3, $4  }
0x64: {  	[tilespmem:s11+$0x70] =	vst v2;
	v1 =	vld [tilespmem:s14+$0xC0]  }
0x65: {  	[tilespmem:s11+$0x80] =	vst v3;
	v2 =	vld [tilespmem:s14+$0xD0]  }
0x66: {  	[tilespmem:s11+$0x90] =	vst v4;
	v3 =	vld [tilespmem:s14+$0xE0]  }
0x67: {  	v4 =	vld [tilespmem:s14+$0xFFFFFF00];
	[tilespmem:s11+$0xA0] =	vst v5;
	s14 =	sadd.s32 $0x200, s14  }
.Ltmp4:
0x68: {  	_ = 	snop;
	(pc) =	sbr.rel .LBB2_4-.Ltmp4, $1  }
0x69: {  	_ =	sdelay $0x3  }
.LBB2_6:
0x6a: {  	_ =	sfence.sel $0x180000  }
0x6b: {  	s2 =	simm.s32 $0x1;
	[bflag:$0x0] =	sbarrier.arrive $0xFFFF  }
0x6c: {  	s31 =	simm.s32 $0x2;
	[sflag:s2] =	ssyncpa.u1 $0x1  }
0x6d: {  	[sflag:s31] =	ssyncpa.u1 $0x1  }
0x6e: {  	_ =	strace $0x9000004D  }
0x6f: {  	s0 =	sadd.s32 @!p0 $0x100000, s0;
	[bflag:$0x2] =	sbarrier.arrive $0xFFFF  }
0x70: {  	[sflag:s0] =	ssyncadd.tile.s32 @!p0 $0x1;
	s0 =	simm.s32 @!p0 $0x3F  }
0x71: {  	_ =	swait.ge @!p0 [sflag:s0], s1  }
0x72: {  	s1 =	ssub.s32 @!p0 $0x0, s1;
	[sflag:s0] =	ssyncset.done @!p0 $0x0  }
0x73: {  	[sflag:s0] =	ssyncadd.s32 @!p0 s1  }
0x74: {  	[bflag:$0x3] =	sbarrier.arrive $0xFFFF  }
0x75: {  	_ =	shalt  }
.Lfunc_end2:
execute1_lowered:
.L_overlay_start_2:
0x76: {  	(tag) =	ssettag $0x2  }
0x77: {  	s3 =	rddreg [dreg:$0x0];
	_ =	strace $0x80000050;
	s15 =	stileid.u32  }
0x78: {  	s0 =	simm.s32 $0x1;
	s1 =	smin.u32 s15, $0x8;
	s4 =	sshll.u32 s15, $0x1  }
0x79: {  	v1 =	vimm.s32 $0xFFFFFFFF;
	[sflag:s0] =	ssyncpa.u1 $0x0;
	s1 =	sadd.s32 s1, s4  }
0x7a: {  	p0 =	slt.u32 s15, $0x8;
	[tilespmem:$0x10] =	vst v1;
	s5 =	smul.u32 $0x1F40, s1;
	s1 =	simm.s32 $0x5DC0  }
0x7b: {  	v0 =	vimm.f32 $0.0e+00;
	[tilespmem:$0x20] =	vst v1;
	s1 =	simm.s32 @!p0 $0x3E80  }
0x7c: {  	[tilespmem:$0x30] =	vst v0;
	s1 =	sadd.s32 s1, s5  }
0x7d: {  	[tilespmem:$0x40] =	vst v0;
	s6 =	smin.u32 s1, $0x4E200  }
0x7e: {  	s7 =	simm.s32 $0x2;
	[tilespmem:$0x50] =	vst v0;
	s2 =	ssub.s32 s6, s5  }
0x7f: {  	s8 =	simm.s32 $0x8;
	s31 =	simm.s32 $0x9;
	[tilespmem:$0x60] =	vst v1;
	p0 =	sgt.s32 s2, $0x0  }
0x80: {  	s16 =	simm.s32 $0x0;
	s17 =	simm.s32 $0xF0;
	[tilespmem:$0x70] =	vst v1;
	s2 =	simm.s32 @!p0 $0x0  }
0x81: {  	s18 =	simm.s32 $0xFFFFFFFF;
	s19 =	simm.s32 $0xFFFFC280;
	[tilespmem:$0x80] =	vst v1;
	s30 =	smulhi.u32 $0x10624DD3, s2  }
0x82: {  	s20 =	simm.s32 $0xFFFFFFFE;
	s21 =	simm.s32 $0xF;
	s25 =	simm.s32 $0x0;
	v1 =	vimm.s32 $0x0;
	[tilespmem:$0xB0] =	vst v0  }
0x83: {  	s24 =	simm.s32 $0x0;
	s15 =	sshllo.u32 s15, $0x1;
	[tilespmem:$0x90] =	vst v1;
	s10 =	sshrl.u32 s30, $0x9  }
0x84: {  	[tilespmem:$0xA0] =	vst v1;
	[sflag:s7] =	ssyncpa.u1 $0x0;
	s7 =	simm.s32 $0x7;
	s9 =	smul.u32 $0x1F40, s10  }
.Ltmp5:
0x85: {  	s13 =	sor.u32 $0x80, s4;
	[sflag:s7] =	ssyncpa.u1 $0x0;
	(pc) =	sbr.rel .LBB3_1-.Ltmp5, $4  }
0x86: {  	s14 =	sor.u32 $0x81, s4;
	[sflag:s8] =	ssyncpa.u1 $0x0;
	p0 =	sne.s32 s2, s9  }
0x87: {  	s23 =	smov.u32 s5;
	s1 =	sadd.s32 $0xBA3400, s3;
	s0 =	simm.s32 @!p0 $0x0  }
0x88: {  	vm0 =	vmmov $0xffff;
	v2 =	vlaneseq.u32;
	[sflag:s31] =	ssyncpa.u1 $0x0;
	s9 =	sadd.s32 $0x9E00, s3;
	s10 =	sadd.s32 s0, s10  }
0x89: {  	vm1 =	vmxor vm1, vm1;
	vm2 =	vmmov $0x1;
	vm3 =	vcmask $0x3F3C;
	p0 =	por $0x0, $0x0;
	s11 =	sadd.s32 $0x1, s10;
	s12 =	sadd.s32 $0x2, s10  }
.LBB3_9:
0x8a: {  	p1 =	slt.u32 s24, $0x3  }
0x8b: {  	s0 =	simm.s32 @!p1 $0x2  }
0x8c: {  	_ =	swait.ge @!p1 [sflag:s0], $0x1F40  }
0x8d: {  	[sflag:s0] =	ssyncset.done @!p1 $0x0  }
0x8e: {  	[sflag:s0] =	ssyncadd.s32 @!p1 $0xFFFFE0C0;
	s0 =	simm.s32 @!p1 $0x9  }
0x8f: {  	_ =	swait.ge @!p1 [sflag:s0], $0x10  }
0x90: {  	[sflag:s0] =	ssyncset.done @!p1 $0x0  }
0x91: {  	[sflag:s0] =	ssyncadd.s32 @!p1 $0xFFFFFFF0;
	p1 =	sne.s32 s24, s12  }
.Ltmp6:
0x92: {  	s2 =	sadd.s32 $0x1F40, s23;
	(pc) =	sbr.rel @!p1 .LBB3_10-.Ltmp6, $4  }
0x93: {  	s22 =	smov.u32 s5;
	s31 =	sadd.s32 $0x1, s24;
	s17 =	sadd.s32 $0x1F40, s17  }
0x94: {  	s18 =	sadd.s32 $0x1, s18;
	s25 =	smov.u32 s23;
	p2 =	slt.s32 s2, s6  }
0x95: {  	p0 =	por !p0, !p0;
	s19 =	sadd.s32 $0x1F40, s19;
	s22 =	smov.u32 @p2 s2  }
0x96: {  	s20 =	sadd.s32 $0x1, s20;
	s23 =	smov.u32 s22;
	s24 =	smov.u32 s31  }
.LBB3_1:
0x97: {  	p1 =	sge.u32 s24, s10  }
0x98: {  	s0 =	smulhi.u32 @!p1 $0xAAAAAAAB, s24;
	_ =	sdelay $0x1  }
0x99: {  	s0 =	sshrl.u32 @!p1 s0, $0x1  }
0x9a: {  	s0 =	smul.u32 @!p1 $0x3, s0;
	_ =	sdelay $0x1  }
0x9b: {  	s0 =	ssub.s32 @!p1 s24, s0  }
0x9c: {  	s0 =	smul.u32 @!p1 $0x7D00, s0;
	_ =	sdelay $0x1  }
0x9d: {  	s2 =	sshrl.u32 @!p1 s23, $0x3;
	s0 =	sshrl.u32 @!p1 s0, $0x2  }
0x9e: {  	s22 =	sand.u32 @!p1 $0x7, s23;
	s2 =	sadd.s32 @!p1 s3, s2;
	s0 =	sadd.s32 @!p1 $0x100, s0  }
0x9f: {  	[tilespmem:s0], [sflag:$0x7] =	stream.linear.gather @!p1 [hbm4b:s2+s22], $0x1F40, $0x38;
	[tilespmem:$0x11A60] =	vst v63  }
0xa0: {  	s0 =	sadd.s32 $0xFFFFFFFF, s24  }
0xa1: {  	p1 =	sge.u32 s0, s10  }
.Ltmp7:
0xa2: {  	_ = 	snop;
	(pc) =	sbr.rel @p1 .LBB3_5-.Ltmp7, $1  }
0xa3: {  	_ =	sdelay $0x3  }
0xa4: {  	s2 =	smulhi.u32 $0xAAAAAAAB, s0;
	_ =	sdelay $0x1  }
0xa5: {  	s2 =	sshrl.u32 s2, $0x1  }
0xa6: {  	s2 =	smul.u32 $0x3, s2;
	_ =	sdelay $0x1  }
0xa7: {  	s2 =	ssub.s32 s0, s2  }
0xa8: {  	s2 =	smul.u32 $0x7D00, s2  }
0xa9: {  	_ =	swait.ge [sflag:s7], $0x1F40  }
0xaa: {  	[sflag:s7] =	ssyncset.done $0x0;
	s2 =	sshrl.u32 s2, $0x2  }
0xab: {  	[sflag:s7] =	ssyncadd.s32 $0xFFFFE0C0;
	(ifvalue) =	ssetifvalue $0xFFFFFFFF;
	v3 =	vld.msk [tilespmem:s2+$0x100 ss:$0x1], $0xffff;
	_ =	sdelay $0x2  }
0xac: {  	s30 =	smulhi.u32 $0xAAAAAAAB, s18;
	p1 =	sne.s32 s24, $0x1  }
0xad: {  	v4 =	vimm.s32 @!p1 $0x0  }
0xae: {  	s2 =	sshrl.u32 s30, $0x1;
	v4 =	vperm.xlane @!p1 v3, v4  }
0xaf: {  	s22 =	sshll.u32 s24, $0x4;
	s2 =	smul.u32 $0xFFFE8900, s2;
	vm4 =	vlt.u32 v3, $0x3200000  }
0xb0: {  	s22 =	sand.u32 $0x10, s22;
	v3 =	vnsel vm4, $0xFFFFFFFE, v3;
	vm4 =	vlt.u32 @!p1 v4, $0x3200000  }
0xb1: {  	s2 =	sshra.s32 s2, $0x2;
	[tilespmem:s22+$0x60] =	vst v3;
	v3 =	vnsel @!p1 vm4, $0xFFFFFFFE, v4  }
0xb2: {  	s28 =	sadd.s32 s2, s17;
	[tilespmem:$0x80] =	vst @!p1 v3  }
0xb3: {  	v3 =	vld.msk [tilespmem:s28+$0x0 ss:$0x1], $0xffff;
	_ =	sdelay $0x4  }
0xb4: {  	(xrf1) =	vunique.msk.u32 $0xffff, v3;
	_ =	sdelay $0xd  }
0xb5: {  	v4 =	vimm.s32 $0xFFFFFFFF;
	v5, _, _ =	vpop (xrf1)  }
0xb6: {  	vm5 =	vne.s32 v3, v4;
	vm4 =	veq.s32 v5, v2  }
0xb7: {  	vm6 =	vlt.u32 v3, $0x3200000;
	vm4 =	vmand vm5, vm4  }
0xb8: {  	vm4 =	vmand vm6, vm4  }
0xb9: {  	v4 =	vnsel vm4, $0xFFFFFFFF, v3  }
0xba: {  	s31 =	sand.u32 $0x1, s0  }
0xbb: {  	s0 =	simm.s32 $0x1F40;
	p1 =	seq.s32 s31, $0x1  }
0xbc: {  	s0 =	simm.s32 @!p1 $0x0  }
0xbd: {  	s26 =	sadd.s32 $0x7DF0, s0;
	(ifvalue) =	ssetifvalue $0xFFFFFFFF  }
0xbe: {  	v3 =	vperm.xlane v3, v1;
	[tilespmem:s26], [sflag:$0x8] =	stream.indirect_vreg.gather [hbm4b:s1+s16], $0x1, v4, vm0, $0x4038;
	v4 =	vnsel vm6, $0xFFFFFFFE, v4;
	[tilespmem:$0x11A60] =	vst v63  }
0xbf: {  	s2 =	simm.s32 $0x0;
	s22 =	sadd.s32 $0xFFFFFFF0, s28;
	[tilespmem:s28+$0x0] =	vst v4  }
.LBB3_3:
0xc0: {  	v4 =	vld.msk [tilespmem:s22+$0x0 ss:$0x1], $0xffff;
	s2 =	sadd.s32 $0x10, s2;
	v5 =	vmov v3;
	s28 =	smov.u32 s22  }
0xc1: {  	p1 =	slt.u32 s2, $0x1F30;
	_ =	sdelay $0x4  }
0xc2: {  	v3 =	vperm.xlane v4, v1;
	(xrf1) =	vunique.msk.u32 $0xffff, v4;
	_ =	sdelay $0xd  }
0xc3: {  	v6, _, _ =	vpop (xrf1)  }
0xc4: {  	vm5 =	vne.s32 v4, v5;
	vm4 =	veq.s32 v6, v2  }
0xc5: {  	vm6 =	vlt.u32 v4, $0x3200000;
	vm4 =	vmand vm5, vm4  }
0xc6: {  	vm4 =	vmand vm6, vm4  }
0xc7: {  	v4 =	vnsel vm4, $0xFFFFFFFF, v4  }
.Ltmp8:
0xc8: {  	v5 =	vnsel vm6, $0xFFFFFFFE, v4;
	(pc) =	sbr.rel @p1 .LBB3_3-.Ltmp8, $3  }
0xc9: {  	_ =	sdelay $0x1  }
0xca: {  	s22 =	sadd.s32 $0xFFFFFFF0, s22;
	s26 =	sadd.s32 $0xFFFFFFF0, s26;
	(ifvalue) =	ssetifvalue $0xFFFFFFFF  }
0xcb: {  	[tilespmem:s26], [sflag:$0x8] =	stream.indirect_vreg.gather [hbm4b:s1+s16], $0x1, v4, vm0, $0x4038;
	[tilespmem:s28+$0x0] =	vst v5  }
0xcc: {  	s2 =	sshrl.u32 s25, $0x3  }
0xcd: {  	s0 =	sadd.s32 $0x9D40, s0;
	s2 =	sadd.s32 s9, s2  }
0xce: {  	[tilespmem:s0], [sflag:$0x8] =	stream.linear.gather [hbm:s2], $0x1F40, $0x38;
	[tilespmem:$0x11A60] =	vst v63  }
.LBB3_5:
0xcf: {  	p1 =	slt.u32 s24, $0x2  }
0xd0: {  	p2 =	sge.u32 @!p1 s24, s12  }
0xd1: {  	p1 =	por p1, p2  }
.Ltmp9:
0xd2: {  	_ = 	snop;
	(pc) =	sbr.rel @p1 .LBB3_9-.Ltmp9, $1  }
0xd3: {  	_ =	sdelay $0x3  }
0xd4: {  	s0 =	sadd.s32 $0xFFFFFFFE, s24  }
0xd5: {  	s2 =	smulhi.u32 $0xAAAAAAAB, s0;
	_ =	sdelay $0x1  }
0xd6: {  	s2 =	sshrl.u32 s2, $0x1  }
0xd7: {  	s2 =	smul.u32 $0x3, s2;
	_ =	sdelay $0x1  }
0xd8: {  	s0 =	ssub.s32 s0, s2  }
0xd9: {  	_ =	swait.ge [sflag:s8], $0x3E80;
	s0 =	smul.u32 $0x1F40, s0  }
0xda: {  	p1 =	sne.s32 s24, s11;
	[sflag:s8] =	ssyncset.done $0x0  }
0xdb: {  	[sflag:s8] =	ssyncadd.s32 $0xFFFFC180;
	s2 =	sadd.s32 @!p1 $0x203F, s0  }
0xdc: {  	[spmem:s14] =	stream.linear.scatter @!p1 [tilespmem:s2], [sflag:$0x1], $0x1, $0x38;
	[tilespmem:$0x11A60] =	vst v63  }
0xdd: {  	s2 =	simm.s32 @!p1 $0x1  }
0xde: {  	_ =	swait.ge @!p1 [sflag:s2], $0x1  }
0xdf: {  	s22 =	sshll.u32 s24, $0x4;
	[sflag:s2] =	ssyncset.done @!p1 $0x0  }
0xe0: {  	s25 =	sand.u32 $0x10, s22;
	[sflag:s2] =	ssyncadd.s32 @!p1 $0xFFFFFFFF  }
0xe1: {  	s2 =	sxor.u32 $0x10, s25;
	v4 =	vld [tilespmem:s25+$0x10]  }
0xe2: {  	v5 =	vld [tilespmem:s2+$0x60]  }
0xe3: {  	v3 =	vld [tilespmem:$0x80];
	_ =	sdelay $0x2  }
0xe4: {  	(v2sf) =	vpush v4, $0x0  }
0xe5: {  	(v2sf) =	vpush v5, $0x0  }
0xe6: {  	(v2sf) =	vpush v3, $0x0;
	_ =	sdelay $0xc  }
0xe7: {  	s22 =	spop (v2sf)  }
0xe8: {  	s26 =	spop (v2sf)  }
0xe9: {  	s28 =	spop (v2sf)  }
0xea: {  	p2 =	seq.s32 s22, s26;
	p3 =	seq.s32 s28, s22  }
0xeb: {  	p3 =	por p2, p3  }
0xec: {  	s26 =	sand.u32 $0x1, s24;
	v4 =	vpsel p3, $0xFFFFFFFF, v4  }
0xed: {  	s29 =	smul.u32 $0x1F40, s26;
	[tilespmem:s25+$0x10] =	vst.msk $0x1, v4  }
0xee: {  	v4 =	vld [tilespmem:$0x30]  }
0xef: {  	v5 =	vld [tilespmem:s29+$0x9D40]  }
0xf0: {  	v6 =	vld [tilespmem:s25+$0x40];
	_ =	sdelay $0x3  }
0xf1: {  	vm4 =	vmmov vm1;
	v5 =	vadd.f32 v5, v4  }
0xf2: {  	vm5 =	vmmov vm2;
	vm4 =	vmmov @p2 vm2;
	s22 =	sshll.u32 s26, $0x4;
	v4 =	vadd.f32 v6, v4  }
0xf3: {  	s26 =	sor.u32 $0x11A40, s22;
	vm5 =	vmmov @p3 vm1;
	[tilespmem:s29+$0x9D40] =	vst.msk vm4, v5  }
0xf4: {  	[tilespmem:s26+$0x0] =	vst.msk vm5, v4  }
0xf5: {  	v4 =	vld [tilespmem:s29+$0x7DF0];
	_ =	sdelay $0x3  }
0xf6: {  	v5 =	vimm.f32 $0.0e+00  }
0xf7: {  	v4 =	vshift.insert v4, v5, s21  }
0xf8: {  	s22 =	sor.u32 $0x40, s2  }
0xf9: {  	[tilespmem:s22+$0x0] =	vst.msk $0x1, v4  }
0xfa: {  	[tilespmem:s29+$0x7DFF] =	vst.msk $0x1, v5  }
0xfb: {  	v4 =	vld [tilespmem:s0+$0x2030];
	_ =	sdelay $0x1  }
0xfc: {  	s22 =	smulhi.u32 $0xAAAAAAAB, s20;
	s0 =	simm.s32 $0x1  }
0xfd: {  	s0 =	simm.s32 @!p0 $0x0  }
0xfe: {  	s22 =	sshrl.u32 s22, $0x1;
	s0 =	smul.u32 $0x7D00, s0  }
0xff: {  	s22 =	smul.u32 $0xFFFE8900, s22;
	v4 =	vshift.insert v4, v1, s21  }
0x100: {  	s0 =	sshrl.u32 s0, $0x2  }
0x101: {  	s22 =	sshra.s32 s22, $0x2;
	s30 =	sadd.s32 $0x9D40, s0;
	[tilespmem:s2+$0x10] =	vst.msk $0x1, v4  }
0x102: {  	s22 =	sadd.s32 s22, s19;
	v6 =	vld [tilespmem:s30+$0x0]  }
0x103: {  	v7 =	vld [tilespmem:s22+$0x0];
	_ =	sdelay $0x3  }
0x104: {  	v5 =	vadd.f32 v6, v5  }
0x105: {  	vm4 =	vne.s32 v7, $0xFFFFFFFF  }
0x106: {  	(xrf2) =	vadd.seg.scan.f32 vm4, v5;
	_ =	sdelay $0x3  }
0x107: {  	s31 =	sadd.s32 $0x5EC0, s0;
	v5 =	vperm.xlane v4, v1  }
0x108: {  	v6 =	vld [tilespmem:s31+$0x0]  }
0x109: {  	vm5 =	veq.s32 v7, v3;
	vm6 =	veq.s32 v7, v5  }
0x10a: {  	vm7 =	vgt.u32 v7, $0xFFFFFFFD;
	vm6 =	vmor vm6, vm5  }
0x10b: {  	vm6 =	vmor vm6, vm7  }
0x10c: {  	v9 =	vld [tilespmem:$0xA0];
	v7 =	vsel vm6, $0xFFFFFFFF, v7  }
0x10d: {  	v10 =	vld [tilespmem:$0x90];
	v6 =	vsel vm5, $0x0, v6;
	v8, _, _ =	vpop (xrf2)  }
0x10e: {  	v6 =	vadd.f32 v8, v6  }
0x10f: {  	s0 =	sadd.s32 $0xDBC0, s0  }
0x110: {  	vm4 =	vmand vm4, vm3;
	[tilespmem:s0+$0x0] =	vst v6;
	(ifvalue) =	ssetifvalue $0xFFFFFFFF  }
0x111: {  	vm6 =	veq.s32 v9, $0x1;
	[hbm4b:s1+s16] =	stream.indirect_vreg.scatter [tilespmem:s0], [sflag:$0x2], $0x1, v7, vm0, $0x4038;
	v7 =	vsel vm4, $0x0, v8;
	[tilespmem:$0x11A60] =	vst v63  }
0x112: {  	s2 =	simm.s32 $0x0;
	s22 =	sadd.s32 $0x10, s22;
	vm4 =	vmor vm6, vm5;
	v6 =	vsel vm5, v8, v10;
	v7 =	vshift.insert v7, v0, s21  }
.LBB3_7:
0x113: {  	v8 =	vld [tilespmem:s22+$0x0];
	s30 =	sadd.s32 $0x10, s30  }
0x114: {  	s31 =	sadd.s32 $0x10, s31;
	v9 =	vld [tilespmem:s30+$0x0]  }
0x115: {  	s2 =	sadd.s32 $0x10, s2;
	v10 =	vld [tilespmem:s31+$0x0]  }
0x116: {  	p2 =	slt.u32 s2, $0x1F30;
	_ =	sdelay $0x2  }
0x117: {  	v7 =	vadd.f32 v9, v7  }
0x118: {  	vm5 =	vne.s32 v8, $0xFFFFFFFF  }
0x119: {  	vm6 =	vmand vm5, vm3;
	(xrf2) =	vadd.seg.scan.f32 vm5, v7;
	_ =	sdelay $0x5  }
0x11a: {  	vm7 =	veq.s32 v8, v5;
	vm5 =	veq.s32 v8, v3  }
0x11b: {  	vm8 =	vgt.u32 v8, $0xFFFFFFFD;
	vm4 =	vmor vm4, vm5;
	vm7 =	vmor vm7, vm5  }
0x11c: {  	vm7 =	vmor vm7, vm8  }
0x11d: {  	v8 =	vsel vm7, $0xFFFFFFFF, v8  }
.Ltmp10:
0x11e: {  	v7 =	vsel vm5, $0x0, v10;
	v9, _, _ =	vpop (xrf2);
	(pc) =	sbr.rel @p2 .LBB3_7-.Ltmp10, $4  }
0x11f: {  	v6 =	vsel vm5, v9, v6;
	v10 =	vadd.f32 v9, v7;
	v7 =	vsel vm6, $0x0, v9  }
0x120: {  	s0 =	sadd.s32 $0x10, s0;
	v7 =	vshift.insert v7, v0, s21  }
0x121: {  	s22 =	sadd.s32 $0x10, s22;
	[tilespmem:s0+$0x0] =	vst v10;
	(ifvalue) =	ssetifvalue $0xFFFFFFFF  }
0x122: {  	[hbm4b:s1+s16] =	stream.indirect_vreg.scatter [tilespmem:s0], [sflag:$0x2], $0x1, v8, vm0, $0x4038;
	[tilespmem:$0x11A60] =	vst v63  }
0x123: {  	v3 =	vld [tilespmem:s29+$0xFAF0];
	_ =	sdelay $0x4  }
0x124: {  	v3 =	vshift.insert v3, v0, s21  }
0x125: {  	s0 =	simm.s32 $0x30  }
0x126: {  	[tilespmem:s0+$0x0] =	vst.msk $0x1, v3  }
0x127: {  	v3 =	vsel vm4, $0x1, v1;
	[tilespmem:$0x90] =	vst v6  }
0x128: {  	s0 =	sadd.s32 @!p1 $0xFAFF, s29;
	[tilespmem:$0xA0] =	vst v3  }
0x129: {  	[spmem:s15] =	stream.linear.scatter @!p1 [tilespmem:s0], [sflag:$0x1], $0x1, $0x38;
	[tilespmem:$0x11A60] =	vst v63  }
0x12a: {  	s0 =	simm.s32 @!p1 $0x1  }
0x12b: {  	v3 =	vmctz.xlane @!p1 vm4;
	_ =	swait.ge @!p1 [sflag:s0], $0x1  }
0x12c: {  	(v2sf) =	vpush @!p1 v4, $0x0  }
0x12d: {  	(v2sf) =	vpush @!p1 v3, $0x0;
	_ =	sdelay $0xd  }
0x12e: {  	s2 =	spop @!p1 (v2sf)  }
0x12f: {  	s22 =	spop @!p1 (v2sf)  }
0x130: {  	p2 =	sne.s32 @!p1 s28, s2;
	p3 =	slt.s32 @!p1 s22, $0xF  }
0x131: {  	[sflag:s0] =	ssyncset.done @!p1 $0x0;
	p2 =	por p2, p1;
	p3 =	por !p3, p1  }
0x132: {  	[sflag:s0] =	ssyncadd.s32 @!p1 $0xFFFFFFFF;
	v3 =	vimm.s32 @!p2 $0xFFFFFFFF;
	s22 =	simm.s32 @p3 $0xF  }
0x133: {  	[tilespmem:$0x80] =	vst @!p2 v3;
	s2 =	sadd.s32 @!p1 $0x90, s22  }
0x134: {  	[spmem:s4] =	stream.linear.scatter @!p1 [tilespmem:s2], [sflag:$0x1], $0x1, $0x38;
	[tilespmem:$0x11A60] =	vst v63  }
0x135: {  	_ =	swait.ge @!p1 [sflag:s0], $0x1  }
0x136: {  	[sflag:s0] =	ssyncset.done @!p1 $0x0  }
0x137: {  	s2 =	simm.s32 @!p1 $0x80;
	[sflag:s0] =	ssyncadd.s32 @!p1 $0xFFFFFFFF  }
0x138: {  	[spmem:s13] =	stream.linear.scatter @!p1 [tilespmem:s2], [sflag:$0x1], $0x1, $0x38;
	[tilespmem:$0x11A60] =	vst v63  }
0x139: {  	_ =	swait.ge @!p1 [sflag:s0], $0x1  }
0x13a: {  	[sflag:s0] =	ssyncset.done @!p1 $0x0  }
0x13b: {  	[sflag:s0] =	ssyncadd.s32 @!p1 $0xFFFFFFFF;
	(ifvalue) =	ssetifvalue $0xFFFFFFFF;
	v3 =	vld [tilespmem:s25+$0x10];
	_ =	sdelay $0x3  }
.Ltmp11:
0x13c: {  	_ = 	snop;
	(pc) =	sbr.rel .LBB3_9-.Ltmp11, $3  }
0x13d: {  	_ =	sdelay $0x1  }
0x13e: {  	(ifvalue) =	ssetifvalue $0xFFFFFFFF  }
0x13f: {  	[hbm4b:s1+s16] =	stream.indirect_vreg.scatter [tilespmem:s26], [sflag:$0x9], $0x1, v3, vm0, $0x4038;
	[tilespmem:$0x11A60] =	vst v63  }
.LBB3_10:
0x140: {  	_ =	sfence.sel $0x180000  }
0x141: {  	s0 =	simm.s32 $0x7;
	[bflag:$0x0] =	sbarrier.arrive $0xFFFF  }
0x142: {  	s26 =	simm.s32 $0x8;
	[sflag:s0] =	ssyncpa.u1 $0x1  }
0x143: {  	s28 =	simm.s32 $0x9;
	[sflag:s26] =	ssyncpa.u1 $0x1  }
0x144: {  	[sflag:s28] =	ssyncpa.u1 $0x1  }
0x145: {  	_ =	sfence.stream.spmem  }
0x146: {  	s29 =	simm.s32 $0x3;
	[bflag:$0x0] =	sbarrier.arrive $0xFFFF  }
0x147: {  	s30 =	simm.s32 $0x4;
	[sflag:s29] =	ssyncpa.u1 $0x1  }
0x148: {  	s31 =	simm.s32 $0x3C;
	s2 =	stileid.u32;
	[sflag:s30] =	ssyncpa.u1 $0x1  }
0x149: {  	p0 =	sne.s32 s2, $0x0;
	[sflag:s31] =	ssyncpa.u1 $0x1  }
0x14a: {  	s0 =	simm.s32 @p0 $0x1;
	_ =	sfence @p0  }
0x14b: {  	[sflag:s0] =	ssyncpa.u1 @p0 $0x1;
	s0 =	simm.s32 @p0 $0x2  }
0x14c: {  	[sflag:s0] =	ssyncpa.u1 @p0 $0x1  }
0x14d: {  	_ =	strace @p0 $0x90000050  }
0x14e: {  	[bflag:$0x2] =	sbarrier.arrive @p0 $0xFFFF  }
0x14f: {  	_ =	shalt @p0  }
.LBB3_11:
0x150: {  	_ =	sfence.stream.spmem;
	s0 =	simm.s32 $0x5  }
0x151: {  	s2 =	simm.s32 $0x80;
	s3 =	simm.s32 $0xC0;
	[sflag:s0] =	ssyncpa.u1 $0x0  }
0x152: {  	[tilespmem:s3], [sflag:$0x5] =	stream.linear.gather [spmem:s2], $0x20, $0x38;
	[tilespmem:$0x11A60] =	vst v63  }
0x153: {  	s2 =	simm.s32 $0x0;
	s3 =	simm.s32 $0xE0  }
0x154: {  	[tilespmem:s3], [sflag:$0x5] =	stream.linear.gather [spmem:s2], $0x20, $0x38;
	[tilespmem:$0x11A60] =	vst v63  }
.Ltmp12:
0x155: {  	_ = 	snop;
	(pc) =	sbr.rel .LBB3_12-.Ltmp12, $4  }
0x156: {  	_ =	swait.ge [sflag:s0], $0x40  }
0x157: {  	[sflag:s0] =	ssyncset.done $0x0  }
0x158: {  	s31 =	simm.s32 $0x6;
	[sflag:s0] =	ssyncadd.s32 $0xFFFFFFC0  }
0x159: {  	s4 =	simm.s32 $0x0;
	[sflag:s31] =	ssyncpa.u1 $0x0  }
.LBB3_17:
0x15a: {  	p0 =	sgt.u32 s5, $0x31FFFFF  }
0x15b: {  	s0 =	sshrl.u32 @!p0 s5, $0x3  }
0x15c: {  	s5 =	sand.u32 @!p0 $0x7, s5;
	s6 =	simm.s32 @!p0 $0xB0;
	s0 =	sadd.s32 @!p0 s1, s0  }
0x15d: {  	[tilespmem:s6], [sflag:$0x6] =	stream.linear.gather @!p0 [hbm4b:s0+s5], $0x1, $0x38;
	[tilespmem:$0x11A60] =	vst v63  }
0x15e: {  	s0 =	simm.s32 @!p0 $0x6  }
0x15f: {  	_ =	swait.ge @!p0 [sflag:s0], $0x1  }
0x160: {  	[sflag:s0] =	ssyncset.done @!p0 $0x0  }
0x161: {  	[sflag:s0] =	ssyncadd.s32 @!p0 $0xFFFFFFFF  }
0x162: {  	v2 =	vmov @!p0 s4;
	v1 =	vld.msk @!p0 [tilespmem:$0xB0], $0x1;
	_ =	sdelay $0x3  }
0x163: {  	s0 =	simm.s32 @!p0 $0xE0  }
0x164: {  	[tilespmem:v2+s0+$0x0], v1 =	vst.idx.ret.add.f32.msk @!p0 $0x1, v1  }
0x165: {  	[tilespmem:s2+$0xC0] =	vst.msk $0x1, v0  }
0x166: {  	v0 =	vld.msk [tilespmem:s4+$0xE0], $0x1;
	_ =	sdelay $0x4  }
0x167: {  	[tilespmem:s2+$0xE0] =	vst.msk $0x1, v0;
	s2 =	sadd.s32 $0x1, s2  }
.LBB3_19:
0x168: {  	s4 =	sadd.s32 $0x1, s4  }
0x169: {  	p0 =	sne.s32 s4, $0x20  }
.Ltmp13:
0x16a: {  	_ = 	snop;
	(pc) =	sbr.rel @!p0 .LBB3_20-.Ltmp13, $1  }
0x16b: {  	_ =	sdelay $0x3  }
.LBB3_12:
0x16c: {  	v0 =	vld.msk [tilespmem:s4+$0xC0], $0x1;
	_ =	sdelay $0x4  }
0x16d: {  	(v2sf) =	vpush v0, $0x0;
	_ =	sdelay $0xe  }
0x16e: {  	s5 =	spop (v2sf)  }
0x16f: {  	p0 =	seq.s32 s5, $0xFFFFFFFF  }
.Ltmp14:
0x170: {  	_ = 	snop;
	(pc) =	sbr.rel @p0 .LBB3_19-.Ltmp14, $1  }
0x171: {  	_ =	sdelay $0x3  }
0x172: {  	p0 =	slt.s32 s2, $0x1  }
.Ltmp15:
0x173: {  	_ = 	snop;
	(pc) =	sbr.rel @p0 .LBB3_17-.Ltmp15, $1  }
0x174: {  	_ =	sdelay $0x3  }
0x175: {  	s0 =	simm.s32 $0xC0;
	p0 =	por $0x0, $0x0  }
0x176: {  	v1 =	vld.msk @!p0 [tilespmem:s0+$0x0], $0x1;
	_ =	sdelay $0x4  }
0x177: {  	(v2sf) =	vpush @!p0 v1, $0x0;
	_ =	sdelay $0xd  }
0x178: {  	p2 =	sne.s32 s2, $0x1  }
.Ltmp16:
0x179: {  	s6 =	spop @!p0 (v2sf);
	(pc) =	sbr.rel @!p2 .LBB3_16-.Ltmp16, $4  }
0x17a: {  	p1 =	seq.s32 @!p0 s5, s6  }
0x17b: {  	s6 =	simm.s32 $0x0;
	p1 =	por !p1, p0  }
0x17c: {  	s8 =	simm.s32 $0xFFFFFFFF;
	s6 =	simm.s32 @p1 $0xFFFFFFFF  }
0x17d: {  	s7 =	simm.s32 $0x1;
	s6 =	smov.u32 @p0 s8  }
.LBB3_15:
0x17e: {  	s8 =	smov.u32 s6;
	p0 =	sne.s32 s6, $0xFFFFFFFF  }
0x17f: {  	s0 =	sadd.s32 $0x1, s0;
	s6 =	smov.u32 s7;
	s7 =	sadd.s32 $0x1, s7  }
0x180: {  	p1 =	sne.s32 s2, s7;
	v1 =	vld.msk @!p0 [tilespmem:s0+$0x0], $0x1;
	_ =	sdelay $0x4  }
0x181: {  	(v2sf) =	vpush @!p0 v1, $0x0;
	_ =	sdelay $0xe  }
.Ltmp17:
0x182: {  	s9 =	spop @!p0 (v2sf);
	(pc) =	sbr.rel @p1 .LBB3_15-.Ltmp17, $4  }
0x183: {  	p2 =	seq.s32 @!p0 s5, s9  }
0x184: {  	p2 =	por !p2, p0  }
0x185: {  	s6 =	simm.s32 @p2 $0xFFFFFFFF  }
0x186: {  	s6 =	smov.u32 @p0 s8  }
.LBB3_16:
0x187: {  	p0 =	sne.s32 s6, $0xFFFFFFFF  }
.Ltmp18:
0x188: {  	_ = 	snop;
	(pc) =	sbr.rel @!p0 .LBB3_17-.Ltmp18, $1  }
0x189: {  	_ =	sdelay $0x3  }
0x18a: {  	v0 =	vld.msk [tilespmem:s4+$0xE0], $0x1;
	v1 =	vmov s6  }
.Ltmp19:
0x18b: {  	_ = 	snop;
	(pc) =	sbr.rel .LBB3_19-.Ltmp19, $2  }
0x18c: {  	_ =	sdelay $0x2  }
0x18d: {  	[tilespmem:v1+s3+$0x0], v0 =	vst.idx.ret.add.f32.msk $0x1, v0  }
.LBB3_20:
0x18e: {  	p0 =	slt.s32 s2, $0x1  }
.Ltmp20:
0x18f: {  	_ = 	snop;
	(pc) =	sbr.rel @p0 .LBB3_24-.Ltmp20, $3  }
0x190: {  	_ =	sdelay $0x1  }
0x191: {  	s0 =	simm.s32 $0x6  }
0x192: {  	s3 =	simm.s32 $0x0;
	[sflag:s0] =	ssyncpa.u1 $0x1  }
0x193: {  	s0 =	simm.s32 $0xC0  }
0x194: {  	v0 =	vld.msk [tilespmem:s0+$0x0], $0x1;
	_ =	sdelay $0x4  }
0x195: {  	(v2sf) =	vpush v0, $0x0;
	_ =	sdelay $0xe  }
0x196: {  	s2 =	sadd.s32 $0xFFFFFFFF, s2;
	s4 =	spop (v2sf)  }
0x197: {  	p1 =	sne.s32 s2, $0x0;
	p0 =	sgt.u32 s4, $0x31FFFFF  }
.Ltmp21:
0x198: {  	s5 =	sshrl.u32 @!p0 s4, $0x3;
	(pc) =	sbr.rel @!p1 .LBB3_23-.Ltmp21, $4  }
0x199: {  	s0 =	simm.s32 $0xE0;
	s4 =	sand.u32 @!p0 $0x7, s4;
	s5 =	sadd.s32 @!p0 s1, s5  }
0x19a: {  	[hbm4b:s5+s4] =	stream.linear.scatter @!p0 [tilespmem:s0], [sflag:$0x5], $0x1, $0x38;
	[tilespmem:$0x11A60] =	vst v63  }
0x19b: {  	s5 =	simm.s32 $0x0  }
0x19c: {  	s4 =	simm.s32 $0xC1;
	s5 =	simm.s32 @!p0 $0x4  }
.LBB3_22:
0x19d: {  	v0 =	vld.msk [tilespmem:s4+$0x0], $0x1;
	s2 =	sadd.s32 $0xFFFFFFFF, s2;
	s3 =	sadd.s32 s3, s5  }
0x19e: {  	p0 =	sne.s32 s2, $0x0;
	_ =	sdelay $0x3  }
0x19f: {  	(v2sf) =	vpush v0, $0x0;
	_ =	sdelay $0xe  }
.Ltmp22:
0x1a0: {  	s6 =	spop (v2sf);
	(pc) =	sbr.rel @p0 .LBB3_22-.Ltmp22, $4  }
0x1a1: {  	s5 =	simm.s32 $0x0;
	p1 =	sgt.u32 s6, $0x31FFFFF  }
0x1a2: {  	s0 =	sadd.s32 $0x1, s0;
	s5 =	simm.s32 @!p1 $0x4;
	s7 =	sshrl.u32 @!p1 s6, $0x3  }
0x1a3: {  	s4 =	sadd.s32 $0x1, s4;
	s6 =	sand.u32 @!p1 $0x7, s6;
	s7 =	sadd.s32 @!p1 s1, s7  }
0x1a4: {  	[hbm4b:s7+s6] =	stream.linear.scatter @!p1 [tilespmem:s0], [sflag:$0x5], $0x1, $0x38;
	[tilespmem:$0x11A60] =	vst v63  }
.LBB3_23:
0x1a5: {  	s0 =	sadd.s32 s3, s5  }
0x1a6: {  	s3 =	sshrl.u32 s0, $0x2  }
.LBB3_24:
0x1a7: {  	s0 =	simm.s32 $0x5  }
0x1a8: {  	_ =	swait.ge [sflag:s0], s3  }
0x1a9: {  	s1 =	ssub.s32 $0x0, s3;
	[sflag:s0] =	ssyncset.done $0x0  }
0x1aa: {  	[sflag:s0] =	ssyncadd.s32 s1  }
0x1ab: {  	[sflag:s0] =	ssyncpa.u1 $0x1  }
0x1ac: {  	s29 =	simm.s32 $0x1;
	_ =	sfence  }
0x1ad: {  	s30 =	simm.s32 $0x2;
	[sflag:s29] =	ssyncpa.u1 $0x1  }
0x1ae: {  	[sflag:s30] =	ssyncpa.u1 $0x1  }
0x1af: {  	_ =	strace $0x90000050  }
0x1b0: {  	[bflag:$0x2] =	sbarrier.arrive $0xFFFF  }
0x1b1: {  	s31 =	rddreg [dreg:$0x1]  }
0x1b2: {  	s0 =	sadd.s32 $0x100000, s31  }
0x1b3: {  	[sflag:s0] =	ssyncadd.tile.s32 $0x1;
	_ =	shalt  }
.Lfunc_end3:
_tile_overlayer_lowered:
.L_overlay_start_3:
0x1b4: {  	(tag) =	ssettag $0x3  }
0x1b5: {  	s0 =	rddreg [dreg:$0x0];
	s2 =	stileid.u32  }
0x1b6: {  	s1 =	rddreg [dreg:$0x1];
	p0 =	sne.s32 s2, $0x0  }
0x1b7: {  	s3 =	rddreg [dreg:$0x2];
	[bflag:$0x3] =	sbarrier.arrive $0xFFFF;
	s2 =	simm.s32 @!p0 $0x1C01  }
0x1b8: {  	[timem:s3], [sflag:s2] =	dma.local @!p0 [hbm:s0], s1  }
0x1b9: {  	s0 =	simm.s32 @!p0 $0x1  }
0x1ba: {  	_ =	swait.ge @!p0 [sflag:s0], s1  }
0x1bb: {  	s1 =	ssub.s32 @!p0 $0x0, s1;
	[sflag:s0] =	ssyncset.done @!p0 $0x0  }
0x1bc: {  	[sflag:s0] =	ssyncadd.s32 @!p0 s1  }
0x1bd: {  	[bflag:$0x3] =	sbarrier.arrive $0xFFFF  }
0x1be: {  	_ =	shalt  }

// kernel: scatter_offload_async_start
scs
__scs_entry_jumppad:
0x0: {  	(pc) =	sbr.rel $0x88, $3  }
0x1: {  	(tag) =	ssettag $0x0;
	lr =	simm.s32 $0x1  }
0x2: {  	[smem:$0x3F98] =	sst lr;
	_ =	strace $0xD0000000  }
0x3: {  	_ = 	snop  }
0x4: {  	_ = 	snop  }
0x5: {  	_ = 	snop  }
0x6: {  	_ = 	snop  }
0x7: {  	_ = 	snop  }
__scs_overlays_trampoline_lowered:
0x8: {  	[smem:$0x3FA7] =	sst s0  }
0x9: {  	[smem:$0x3FA8] =	sst s1  }
0xa: {  	[smem:$0x3FA9] =	sst s2  }
0xb: {  	[smem:$0x3FAA] =	sst s3  }
0xc: {  	[smem:$0x3FAB] =	sst s4  }
0xd: {  	[smem:$0x3FAC] =	sst s5  }
0xe: {  	[smem:$0x3FAD] =	sst s6  }
0xf: {  	[smem:$0x3FAE] =	sst s7  }
0x10: {  	[smem:$0x3FAF] =	sst s8  }
0x11: {  	[smem:$0x3FB0] =	sst s9;
	s0 =	simm.s32 @!p0 $0x0  }
0x12: {  	s1 =	sld [smem:$0x3F96];
	s0 =	simm.s32 @p0 $0x1  }
0x13: {  	[smem:$0x3FB1] =	sst s0;
	s0 =	simm.s32 @!p1 $0x0  }
0x14: {  	s2 =	sld [smem:$0x3F95];
	s0 =	simm.s32 @p1 $0x1  }
0x15: {  	[smem:$0x3FB2] =	sst s0;
	s0 =	simm.s32 @!p2 $0x0  }
0x16: {  	s3 =	sld [smem:$0x3FDB];
	s0 =	simm.s32 @p2 $0x1  }
0x17: {  	s4 =	simm.s32 $0x1BF5;
	[smem:$0x3FB4] =	sst s0  }
0x18: {  	s0 =	sld [smem:$0x3F97];
	_ =	swait.ge [sflag:s4], $0x0  }
0x19: {  	s7 =	sld [smem:$0x3F98]  }
0x1a: {  	s8 =	sadd.s32 $0xFFFFE003, lr  }
0x1b: {  	s9 =	sadd.s32 $0xFFFFFEF7, lr;
	s5 =	simm.s32 $0xFFFFFFFF;
	p2 =	slt.u32 s8, $0xFFFFF086  }
0x1c: {  	p1 =	slt.u32 s9, $0xF7A;
	s5 =	simm.s32 @!p2 $0x0  }
0x1d: {  	s5 =	simm.s32 @p1 $0x1;
	p0 =	seq.s32 s7, s2  }
0x1e: {  	s7 =	smul.u32 @!p0 $0xF7A, s2;
	p2 =	seq.s32 @!p0 s5, $0x0  }
0x1f: {  	s9 =	smul.u32 $0xF7A, s1;
	s8 =	simm.s32 @!p0 $0x1BF5;
	p2 =	por !p2, p0  }
0x20: {  	[sflag:s8] =	ssyncset.s32 @!p0 $0xFFFFF086;
	s6 =	sadd.s32 @!p0 s3, s7;
	s7 =	simm.s32 @!p0 $0x108  }
0x21: {  	s3 =	sadd.s32 s3, s9;
	s6 =	sadd.s32 @!p0 $0x88, s6;
	s7 =	simm.s32 @p2 $0x1082  }
0x22: {  	[simem:s7], [sflag:s8] =	dma.local @!p0 [hbm:s6], $0xF7A  }
0x23: {  	s9 =	sor.u32 $0xD0000000, s2;
	s6 =	simm.s32 $0x108;
	_ =	swait.ge @!p0 [sflag:s8], $0x0  }
0x24: {  	s3 =	sadd.s32 $0x88, s3;
	s6 =	simm.s32 @!p1 $0x1082;
	[sflag:s4] =	ssyncset.s32 $0xFFFFF086  }
0x25: {  	[simem:s6], [sflag:s4] =	dma.local [hbm:s3], $0xF7A  }
0x26: {  	[smem:$0x3F98] =	sst s1;
	(tag) =	ssettag s2;
	_ =	strace s9  }
0x27: {  	s1 =	sld [smem:$0x3FA8]  }
0x28: {  	s2 =	sld [smem:$0x3FA9]  }
0x29: {  	s4 =	sld [smem:$0x3FAB]  }
0x2a: {  	p0 =	seq.s32 s5, $0x0;
	s5 =	sld [smem:$0x3FAC]  }
0x2b: {  	s6 =	sld [smem:$0x3FAD]  }
0x2c: {  	s7 =	sld [smem:$0x3FAE]  }
0x2d: {  	s3 =	simm.s32 $0x108;
	s8 =	sld [smem:$0x3FAF]  }
0x2e: {  	s3 =	simm.s32 @!p0 $0x1082;
	s9 =	sld [smem:$0x3FB0]  }
0x2f: {  	lr =	sadd.s32 s0, s3;
	s0 =	sld [smem:$0x3FA7]  }
0x30: {  	s3 =	sld [smem:$0x3FAA]  }
0x31: {  	[smem:$0x3FB3] =	sst s10  }
0x32: {  	s10 =	sld [smem:$0x3FB1];
	_ =	sdelay $0x3  }
0x33: {  	p0 =	seq.s32 s10, $0x1;
	s10 =	sld [smem:$0x3FB3];
	_ =	sdelay $0x3  }
0x34: {  	[smem:$0x3FB3] =	sst s10  }
0x35: {  	s10 =	sld [smem:$0x3FB2];
	_ =	sdelay $0x3  }
0x36: {  	p1 =	seq.s32 s10, $0x1;
	s10 =	sld [smem:$0x3FB3];
	_ =	sdelay $0x3  }
0x37: {  	[smem:$0x3FB3] =	sst s10  }
0x38: {  	s10 =	sld [smem:$0x3FB4]  }
0x39: {  	_ = 	snop;
	(pc) =	sbr.ind lr, $3  }
0x3a: {  	_ = 	snop  }
0x3b: {  	_ = 	snop  }
0x3c: {  	p2 =	seq.s32 s10, $0x1;
	s10 =	sld [smem:$0x3FB3]  }
0x3d: {  	_ =	shalt  }
0x3e: {  	_ =	shalt  }
0x3f: {  	_ =	shalt  }
0x40: {  	_ =	shalt  }
0x41: {  	_ =	shalt  }
0x42: {  	_ =	shalt  }
0x43: {  	_ =	shalt  }
0x44: {  	_ =	shalt  }
0x45: {  	_ =	shalt  }
0x46: {  	_ =	shalt  }
0x47: {  	_ =	shalt  }
0x48: {  	_ =	shalt  }
0x49: {  	_ =	shalt  }
0x4a: {  	_ =	shalt  }
0x4b: {  	_ =	shalt  }
0x4c: {  	_ =	shalt  }
0x4d: {  	_ =	shalt  }
0x4e: {  	_ =	shalt  }
0x4f: {  	_ =	shalt  }
0x50: {  	_ =	shalt  }
0x51: {  	_ =	shalt  }
0x52: {  	_ =	shalt  }
0x53: {  	_ =	shalt  }
0x54: {  	_ =	shalt  }
0x55: {  	_ =	shalt  }
0x56: {  	_ =	shalt  }
0x57: {  	_ =	shalt  }
0x58: {  	_ =	shalt  }
0x59: {  	_ =	shalt  }
0x5a: {  	_ =	shalt  }
0x5b: {  	_ =	shalt  }
0x5c: {  	_ =	shalt  }
0x5d: {  	_ =	shalt  }
0x5e: {  	_ =	shalt  }
0x5f: {  	_ =	shalt  }
0x60: {  	_ =	shalt  }
0x61: {  	_ =	shalt  }
0x62: {  	_ =	shalt  }
0x63: {  	_ =	shalt  }
0x64: {  	_ =	shalt  }
0x65: {  	_ =	shalt  }
0x66: {  	_ =	shalt  }
0x67: {  	_ =	shalt  }
0x68: {  	_ =	shalt  }
0x69: {  	_ =	shalt  }
0x6a: {  	_ =	shalt  }
0x6b: {  	_ =	shalt  }
0x6c: {  	_ =	shalt  }
0x6d: {  	_ =	shalt  }
0x6e: {  	_ =	shalt  }
0x6f: {  	_ =	shalt  }
0x70: {  	_ =	shalt  }
0x71: {  	_ =	shalt  }
0x72: {  	_ =	shalt  }
0x73: {  	_ =	shalt  }
0x74: {  	_ =	shalt  }
0x75: {  	_ =	shalt  }
0x76: {  	_ =	shalt  }
0x77: {  	_ =	shalt  }
0x78: {  	_ =	shalt  }
0x79: {  	_ =	shalt  }
0x7a: {  	_ =	shalt  }
0x7b: {  	_ =	shalt  }
0x7c: {  	_ =	shalt  }
0x7d: {  	_ =	shalt  }
0x7e: {  	_ =	shalt  }
0x7f: {  	_ =	shalt  }
0x80: {  	_ =	shalt  }
0x81: {  	_ =	shalt  }
0x82: {  	_ =	shalt  }
0x83: {  	_ =	shalt  }
0x84: {  	_ =	shalt  }
0x85: {  	_ =	shalt  }
0x86: {  	_ =	shalt  }
0x87: {  	_ =	shalt  }
.Lfunc_end0:
.L_simem_size_0:
called_computation_lowered:
.L_overlay_start_0:
0x88: {  	s0 =	sld [smem:$0x3FD9]  }
0x89: {  	s1 =	sld [smem:$0x3FFE];
	_ =	sdelay $0x3  }
0x8a: {  	s0 =	sadd.s32 s1, s0  }
0x8b: {  	[smem:$0x3FBF] =	sst s0  }
0x8c: {  	_ = 	snop  }
0x8d: {  	s0 =	sld [smem:$0x3FD0];
	(tm) =	ssettm $0x1  }
0x8e: {  	s16 =	sld [smem:$0x3FFB];
	_ =	sdelay $0x3  }
0x8f: {  	_ =	strace s16  }
0x90: {  	s1 =	sld [smem:$0x3FFC];
	_ =	sdelay $0x3  }
0x91: {  	_ =	strace s1  }
0x92: {  	s1 =	sld [smem:$0x3FFD];
	_ =	sdelay $0x3  }
0x93: {  	_ =	strace s1  }
0x94: {  	_ =	strace $0x8FFFFFFF  }
0x95: {  	s17 =	sld [smem:$0x3FDB];
	_ =	sdelay $0x1  }
0x96: {  	s2 =	simm.s32 $_scs_section_size  }
0x97: {  	s3 =	simm.s32 $_size__tile_overlayer_lowered;
	s4 =	simm.s32 $_tile_overlayer_lowered  }
0x98: {  	s20 =	simm.s32 $0x1BFF;
	s19 =	sshll.u32 s4, $0x1;
	s1 =	sadd.s32 s2, s17  }
0x99: {  	s5 =	simm.s32 $0x0;
	s18 =	sshll.u32 s3, $0x1;
	s3 =	sadd.s32 s19, s1  }
0x9a: {  	[timem:s5], [sflag:s20] =	dma.local [hbm:s3], s18  }
0x9b: {  	_ =	swait.ge [sflag:s20], s18  }
0x9c: {  	s2 =	ssub.s32 $0x0, s18;
	[sflag:s20] =	ssyncset.done $0x0  }
0x9d: {  	[sflag:s20] =	ssyncadd.s32 s2;
	_ =	sdelay $0x1  }
0x9e: {  	s21 =	simm.s32 $0x1B8B  }
0x9f: {  	_ =	swait.ge [sflag:s21], $0x1  }
0xa0: {  	[sflag:s21] =	ssyncset.done $0x0  }
0xa1: {  	s23 =	simm.s32 $0x1B8E;
	s22 =	sld [smem:$0x3FFE];
	[sflag:s21] =	ssyncadd.s32 $0xFFFFFFFF  }
0xa2: {  	s24 =	simm.s32 $execute0_lowered;
	[smem:$0x3FD2] =	sst s23  }
0xa3: {  	s3 =	sshll.u32 s24, $0x1;
	_ =	strace $0x80000046;
	[dreg:$0x1] =	wrdreg $0xFFFFFFFF  }
0xa4: {  	s25 =	simm.s32 $_size_execute0_lowered;
	s1 =	sadd.s32 s1, s3;
	[dreg:$0x0] =	wrdreg $0x0  }
0xa5: {  	s3 =	sshll.u32 s25, $0x1;
	[dreg:$0x2] =	wrdreg s1  }
0xa6: {  	[dreg:$0x3] =	wrdreg s3  }
0xa7: {  	[dreg:$0x4] =	wrdreg $0xC0  }
0xa8: {  	_ =	task [dreg:s5], $0x5FFFF  }
0xa9: {  	[dreg:$0x1] =	wrdreg $0xFFFFFFFF  }
0xaa: {  	[dreg:$0x0] =	wrdreg $0x60  }
0xab: {  	[dreg:$0x2] =	wrdreg s22  }
0xac: {  	[dreg:$0x3] =	wrdreg s0  }
0xad: {  	[dreg:$0x4] =	wrdreg $0x9  }
0xae: {  	_ =	task.clear_ibuf [dreg:s5], $0x5FFFF;
	_ =	strace $0x90000046  }
0xaf: {  	s26 =	simm.s32 $0x9;
	_ =	strace $0x80000048  }
0xb0: {  	_ =	swait.ge [sflag:s26], $0x1  }
0xb1: {  	[sflag:s26] =	ssyncadd.s32 $0xFFFFFFFF  }
0xb2: {  	_ =	strace $0x90000048  }
0xb3: {  	_ =	sfence  }
0xb4: {  	s28 =	sld [smem:$0x0];
	_ =	sdelay $0x1  }
0xb5: {  	s29 =	srdreg.scid  }
0xb6: {  	s30 =	sshll.u32 s29, $0xD;
	s31 =	sshrl.u32 s29, $0x2  }
0xb7: {  	s2 =	sand.u32 $0x4000, s30;
	s1 =	sand.u32 $0x1, s29;
	s0 =	sadd.s32 s31, s28  }
0xb8: {  	s1 =	sor.u32 s2, s1;
	s0 =	sshll.u32 s0, $0x11  }
0xb9: {  	s0 =	sor.u32 s0, s1  }
0xba: {  	s0 =	sadd.s32 $0x8F2B, s0  }
0xbb: {  	[sflag:s0] =	ssyncadd.remote.s32 $0x1  }
0xbc: {  	_ =	sfence.sel $0xFFFF  }
0xbd: {  	[dreg:$0x0] =	wrdreg $0xFFFFFFFF;
	(pc) =	sbr.abs _section_cstart, $3  }
0xbe: {  	[dreg:$0x1] =	wrdreg $0xFFFFFFFF  }
0xbf: {  	_ =	task.clear_ibuf [dreg:s5], $0x2FFFF;
	_ =	strace $0x9FFFFFFF  }
0xc0: {  	(tm) =	ssettm $0x7FFFFFFF  }
0xc1: {  	_ =	shalt  }
tec
execute0_lowered:
.L_overlay_start_1:
0x0: {  	(tag) =	ssettag $0x1  }
0x1: {  	s0 =	rddreg [dreg:$0x0]  }
0x2: {  	s3 =	rddreg [dreg:$0x1];
	_ =	strace $0x80000047;
	s15 =	stileid.u32  }
0x3: {  	s2 =	simm.s32 $0x1;
	s1 =	smin.u32 s15, $0x8;
	s4 =	sshll.u32 s15, $0x1  }
0x4: {  	v1 =	vimm.s32 $0xFFFFFFFF;
	[sflag:s2] =	ssyncpa.u1 $0x0;
	s1 =	sadd.s32 s1, s4  }
0x5: {  	p0 =	slt.u32 s15, $0x8;
	[tilespmem:$0x10] =	vst v1;
	s5 =	smul.u32 $0x1F40, s1;
	s1 =	simm.s32 $0x5DC0  }
0x6: {  	v0 =	vimm.f32 $0.0e+00;
	[tilespmem:$0x20] =	vst v1;
	s1 =	simm.s32 @!p0 $0x3E80  }
0x7: {  	[tilespmem:$0x30] =	vst v0;
	s1 =	sadd.s32 s1, s5  }
0x8: {  	[tilespmem:$0x40] =	vst v0;
	s6 =	smin.u32 s1, $0x4E200  }
0x9: {  	s7 =	simm.s32 $0x2;
	[tilespmem:$0x50] =	vst v0;
	s9 =	ssub.s32 s6, s5  }
0xa: {  	s8 =	simm.s32 $0x8;
	s31 =	simm.s32 $0x9;
	[tilespmem:$0x60] =	vst v1;
	p0 =	sgt.s32 s9, $0x0  }
0xb: {  	s16 =	simm.s32 $0x0;
	s17 =	simm.s32 $0xF0;
	[tilespmem:$0x70] =	vst v1;
	s9 =	simm.s32 @!p0 $0x0  }
0xc: {  	s18 =	simm.s32 $0xFFFFFFFF;
	s19 =	simm.s32 $0xFFFFC280;
	[tilespmem:$0x80] =	vst v1;
	s30 =	smulhi.u32 $0x10624DD3, s9  }
0xd: {  	s20 =	simm.s32 $0xFFFFFFFE;
	s21 =	simm.s32 $0xF;
	s25 =	simm.s32 $0x0;
	v1 =	vimm.s32 $0x0;
	[tilespmem:$0xB0] =	vst v0  }
0xe: {  	s24 =	simm.s32 $0x0;
	s15 =	sshllo.u32 s15, $0x1;
	[tilespmem:$0x90] =	vst v1;
	s10 =	sshrl.u32 s30, $0x9  }
0xf: {  	[tilespmem:$0xA0] =	vst v1;
	[sflag:s7] =	ssyncpa.u1 $0x0;
	s7 =	simm.s32 $0x7;
	s11 =	smul.u32 $0x1F40, s10  }
.Ltmp0:
0x10: {  	s13 =	sor.u32 $0x80, s4;
	[sflag:s7] =	ssyncpa.u1 $0x0;
	(pc) =	sbr.rel .LBB2_1-.Ltmp0, $4  }
0x11: {  	s14 =	sor.u32 $0x81, s4;
	[sflag:s8] =	ssyncpa.u1 $0x0;
	p0 =	sne.s32 s9, s11  }
0x12: {  	s23 =	smov.u32 s5;
	s1 =	sadd.s32 $0x77000, s0;
	s2 =	simm.s32 @!p0 $0x0  }
0x13: {  	vm0 =	vmmov $0xffff;
	v2 =	vlaneseq.u32;
	[sflag:s31] =	ssyncpa.u1 $0x0;
	s9 =	sadd.s32 $0x1DA00, s0;
	s10 =	sadd.s32 s2, s10  }
0x14: {  	vm1 =	vmxor vm1, vm1;
	vm2 =	vmmov $0x1;
	vm3 =	vcmask $0x3F3C;
	p0 =	por $0x0, $0x0;
	s11 =	sadd.s32 $0x1, s10;
	s12 =	sadd.s32 $0x2, s10  }
.LBB2_9:
0x15: {  	p1 =	slt.u32 s24, $0x3  }
0x16: {  	s0 =	simm.s32 @!p1 $0x2  }
0x17: {  	_ =	swait.ge @!p1 [sflag:s0], $0x1F40  }
0x18: {  	[sflag:s0] =	ssyncset.done @!p1 $0x0  }
0x19: {  	[sflag:s0] =	ssyncadd.s32 @!p1 $0xFFFFE0C0;
	s0 =	simm.s32 @!p1 $0x9  }
0x1a: {  	_ =	swait.ge @!p1 [sflag:s0], $0x10  }
0x1b: {  	[sflag:s0] =	ssyncset.done @!p1 $0x0  }
0x1c: {  	[sflag:s0] =	ssyncadd.s32 @!p1 $0xFFFFFFF0;
	p1 =	sne.s32 s24, s12  }
.Ltmp1:
0x1d: {  	s2 =	sadd.s32 $0x1F40, s23;
	(pc) =	sbr.rel @!p1 .LBB2_10-.Ltmp1, $4  }
0x1e: {  	s22 =	smov.u32 s5;
	s31 =	sadd.s32 $0x1, s24;
	s17 =	sadd.s32 $0x1F40, s17  }
0x1f: {  	s18 =	sadd.s32 $0x1, s18;
	s25 =	smov.u32 s23;
	p2 =	slt.s32 s2, s6  }
0x20: {  	p0 =	por !p0, !p0;
	s19 =	sadd.s32 $0x1F40, s19;
	s22 =	smov.u32 @p2 s2  }
0x21: {  	s20 =	sadd.s32 $0x1, s20;
	s23 =	smov.u32 s22;
	s24 =	smov.u32 s31  }
.LBB2_1:
0x22: {  	p1 =	sge.u32 s24, s10  }
0x23: {  	s0 =	smulhi.u32 @!p1 $0xAAAAAAAB, s24;
	_ =	sdelay $0x1  }
0x24: {  	s0 =	sshrl.u32 @!p1 s0, $0x1  }
0x25: {  	s0 =	smul.u32 @!p1 $0x3, s0;
	_ =	sdelay $0x1  }
0x26: {  	s0 =	ssub.s32 @!p1 s24, s0  }
0x27: {  	s0 =	smul.u32 @!p1 $0x7D00, s0;
	_ =	sdelay $0x1  }
0x28: {  	s2 =	sshrl.u32 @!p1 s23, $0x3;
	s0 =	sshrl.u32 @!p1 s0, $0x2  }
0x29: {  	s22 =	sand.u32 @!p1 $0x7, s23;
	s2 =	sadd.s32 @!p1 s3, s2;
	s0 =	sadd.s32 @!p1 $0x100, s0  }
0x2a: {  	[tilespmem:s0], [sflag:$0x7] =	stream.linear.gather @!p1 [hbm4b:s2+s22], $0x1F40, $0x38;
	[tilespmem:$0x11A60] =	vst v63  }
0x2b: {  	s0 =	sadd.s32 $0xFFFFFFFF, s24  }
0x2c: {  	p1 =	sge.u32 s0, s10  }
.Ltmp2:
0x2d: {  	_ = 	snop;
	(pc) =	sbr.rel @p1 .LBB2_5-.Ltmp2, $1  }
0x2e: {  	_ =	sdelay $0x3  }
0x2f: {  	s2 =	smulhi.u32 $0xAAAAAAAB, s0;
	_ =	sdelay $0x1  }
0x30: {  	s2 =	sshrl.u32 s2, $0x1  }
0x31: {  	s2 =	smul.u32 $0x3, s2;
	_ =	sdelay $0x1  }
0x32: {  	s2 =	ssub.s32 s0, s2  }
0x33: {  	s2 =	smul.u32 $0x7D00, s2  }
0x34: {  	_ =	swait.ge [sflag:s7], $0x1F40  }
0x35: {  	[sflag:s7] =	ssyncset.done $0x0;
	s2 =	sshrl.u32 s2, $0x2  }
0x36: {  	[sflag:s7] =	ssyncadd.s32 $0xFFFFE0C0;
	(ifvalue) =	ssetifvalue $0xFFFFFFFF;
	v3 =	vld.msk [tilespmem:s2+$0x100 ss:$0x1], $0xffff;
	_ =	sdelay $0x2  }
0x37: {  	s30 =	smulhi.u32 $0xAAAAAAAB, s18;
	p1 =	sne.s32 s24, $0x1  }
0x38: {  	v4 =	vimm.s32 @!p1 $0x0  }
0x39: {  	s2 =	sshrl.u32 s30, $0x1;
	v4 =	vperm.xlane @!p1 v3, v4  }
0x3a: {  	s22 =	sshll.u32 s24, $0x4;
	s2 =	smul.u32 $0xFFFE8900, s2;
	vm4 =	vlt.u32 v3, $0x2800  }
0x3b: {  	s22 =	sand.u32 $0x10, s22;
	v3 =	vnsel vm4, $0xFFFFFFFE, v3;
	vm4 =	vlt.u32 @!p1 v4, $0x2800  }
0x3c: {  	s2 =	sshra.s32 s2, $0x2;
	[tilespmem:s22+$0x60] =	vst v3;
	v3 =	vnsel @!p1 vm4, $0xFFFFFFFE, v4  }
0x3d: {  	s28 =	sadd.s32 s2, s17;
	[tilespmem:$0x80] =	vst @!p1 v3  }
0x3e: {  	v3 =	vld.msk [tilespmem:s28+$0x0 ss:$0x1], $0xffff;
	_ =	sdelay $0x4  }
0x3f: {  	(xrf1) =	vunique.msk.u32 $0xffff, v3;
	_ =	sdelay $0xd  }
0x40: {  	v4 =	vimm.s32 $0xFFFFFFFF;
	v5, _, _ =	vpop (xrf1)  }
0x41: {  	vm5 =	vne.s32 v3, v4;
	vm4 =	veq.s32 v5, v2  }
0x42: {  	vm6 =	vlt.u32 v3, $0x2800;
	vm4 =	vmand vm5, vm4  }
0x43: {  	vm4 =	vmand vm6, vm4  }
0x44: {  	v4 =	vnsel vm4, $0xFFFFFFFF, v3  }
0x45: {  	s31 =	sand.u32 $0x1, s0  }
0x46: {  	s0 =	simm.s32 $0x1F40;
	p1 =	seq.s32 s31, $0x1  }
0x47: {  	s0 =	simm.s32 @!p1 $0x0  }
0x48: {  	s26 =	sadd.s32 $0x7DF0, s0;
	(ifvalue) =	ssetifvalue $0xFFFFFFFF  }
0x49: {  	v3 =	vperm.xlane v3, v1;
	[tilespmem:s26], [sflag:$0x8] =	stream.indirect_vreg.gather [hbm4b:s1+s16], $0x1, v4, vm0, $0x4038;
	v4 =	vnsel vm6, $0xFFFFFFFE, v4;
	[tilespmem:$0x11A60] =	vst v63  }
0x4a: {  	s2 =	simm.s32 $0x0;
	s22 =	sadd.s32 $0xFFFFFFF0, s28;
	[tilespmem:s28+$0x0] =	vst v4  }
.LBB2_3:
0x4b: {  	v4 =	vld.msk [tilespmem:s22+$0x0 ss:$0x1], $0xffff;
	s2 =	sadd.s32 $0x10, s2;
	v5 =	vmov v3;
	s28 =	smov.u32 s22  }
0x4c: {  	p1 =	slt.u32 s2, $0x1F30;
	_ =	sdelay $0x4  }
0x4d: {  	v3 =	vperm.xlane v4, v1;
	(xrf1) =	vunique.msk.u32 $0xffff, v4;
	_ =	sdelay $0xd  }
0x4e: {  	v6, _, _ =	vpop (xrf1)  }
0x4f: {  	vm5 =	vne.s32 v4, v5;
	vm4 =	veq.s32 v6, v2  }
0x50: {  	vm6 =	vlt.u32 v4, $0x2800;
	vm4 =	vmand vm5, vm4  }
0x51: {  	vm4 =	vmand vm6, vm4  }
0x52: {  	v4 =	vnsel vm4, $0xFFFFFFFF, v4  }
.Ltmp3:
0x53: {  	v5 =	vnsel vm6, $0xFFFFFFFE, v4;
	(pc) =	sbr.rel @p1 .LBB2_3-.Ltmp3, $3  }
0x54: {  	_ =	sdelay $0x1  }
0x55: {  	s22 =	sadd.s32 $0xFFFFFFF0, s22;
	s26 =	sadd.s32 $0xFFFFFFF0, s26;
	(ifvalue) =	ssetifvalue $0xFFFFFFFF  }
0x56: {  	[tilespmem:s26], [sflag:$0x8] =	stream.indirect_vreg.gather [hbm4b:s1+s16], $0x1, v4, vm0, $0x4038;
	[tilespmem:s28+$0x0] =	vst v5  }
0x57: {  	s2 =	sshrl.u32 s25, $0x3  }
0x58: {  	s0 =	sadd.s32 $0x9D40, s0;
	s2 =	sadd.s32 s9, s2  }
0x59: {  	[tilespmem:s0], [sflag:$0x8] =	stream.linear.gather [hbm:s2], $0x1F40, $0x38;
	[tilespmem:$0x11A60] =	vst v63  }
.LBB2_5:
0x5a: {  	p1 =	slt.u32 s24, $0x2  }
0x5b: {  	p2 =	sge.u32 @!p1 s24, s12  }
0x5c: {  	p1 =	por p1, p2  }
.Ltmp4:
0x5d: {  	_ = 	snop;
	(pc) =	sbr.rel @p1 .LBB2_9-.Ltmp4, $1  }
0x5e: {  	_ =	sdelay $0x3  }
0x5f: {  	s0 =	sadd.s32 $0xFFFFFFFE, s24  }
0x60: {  	s2 =	smulhi.u32 $0xAAAAAAAB, s0;
	_ =	sdelay $0x1  }
0x61: {  	s2 =	sshrl.u32 s2, $0x1  }
0x62: {  	s2 =	smul.u32 $0x3, s2;
	_ =	sdelay $0x1  }
0x63: {  	s0 =	ssub.s32 s0, s2  }
0x64: {  	_ =	swait.ge [sflag:s8], $0x3E80;
	s0 =	smul.u32 $0x1F40, s0  }
0x65: {  	p1 =	sne.s32 s24, s11;
	[sflag:s8] =	ssyncset.done $0x0  }
0x66: {  	[sflag:s8] =	ssyncadd.s32 $0xFFFFC180;
	s2 =	sadd.s32 @!p1 $0x203F, s0  }
0x67: {  	[spmem:s14] =	stream.linear.scatter @!p1 [tilespmem:s2], [sflag:$0x1], $0x1, $0x38;
	[tilespmem:$0x11A60] =	vst v63  }
0x68: {  	s2 =	simm.s32 @!p1 $0x1  }
0x69: {  	_ =	swait.ge @!p1 [sflag:s2], $0x1  }
0x6a: {  	s22 =	sshll.u32 s24, $0x4;
	[sflag:s2] =	ssyncset.done @!p1 $0x0  }
0x6b: {  	s25 =	sand.u32 $0x10, s22;
	[sflag:s2] =	ssyncadd.s32 @!p1 $0xFFFFFFFF  }
0x6c: {  	s2 =	sxor.u32 $0x10, s25;
	v4 =	vld [tilespmem:s25+$0x10]  }
0x6d: {  	v5 =	vld [tilespmem:s2+$0x60]  }
0x6e: {  	v3 =	vld [tilespmem:$0x80];
	_ =	sdelay $0x2  }
0x6f: {  	(v2sf) =	vpush v4, $0x0  }
0x70: {  	(v2sf) =	vpush v5, $0x0  }
0x71: {  	(v2sf) =	vpush v3, $0x0;
	_ =	sdelay $0xc  }
0x72: {  	s22 =	spop (v2sf)  }
0x73: {  	s26 =	spop (v2sf)  }
0x74: {  	s28 =	spop (v2sf)  }
0x75: {  	p2 =	seq.s32 s22, s26;
	p3 =	seq.s32 s28, s22  }
0x76: {  	p3 =	por p2, p3  }
0x77: {  	s26 =	sand.u32 $0x1, s24;
	v4 =	vpsel p3, $0xFFFFFFFF, v4  }
0x78: {  	s29 =	smul.u32 $0x1F40, s26;
	[tilespmem:s25+$0x10] =	vst.msk $0x1, v4  }
0x79: {  	v4 =	vld [tilespmem:$0x30]  }
0x7a: {  	v5 =	vld [tilespmem:s29+$0x9D40]  }
0x7b: {  	v6 =	vld [tilespmem:s25+$0x40];
	_ =	sdelay $0x3  }
0x7c: {  	vm4 =	vmmov vm1;
	v5 =	vadd.f32 v5, v4  }
0x7d: {  	vm5 =	vmmov vm2;
	vm4 =	vmmov @p2 vm2;
	s22 =	sshll.u32 s26, $0x4;
	v4 =	vadd.f32 v6, v4  }
0x7e: {  	s26 =	sor.u32 $0x11A40, s22;
	vm5 =	vmmov @p3 vm1;
	[tilespmem:s29+$0x9D40] =	vst.msk vm4, v5  }
0x7f: {  	[tilespmem:s26+$0x0] =	vst.msk vm5, v4  }
0x80: {  	v4 =	vld [tilespmem:s29+$0x7DF0];
	_ =	sdelay $0x3  }
0x81: {  	v5 =	vimm.f32 $0.0e+00  }
0x82: {  	v4 =	vshift.insert v4, v5, s21  }
0x83: {  	s22 =	sor.u32 $0x40, s2  }
0x84: {  	[tilespmem:s22+$0x0] =	vst.msk $0x1, v4  }
0x85: {  	[tilespmem:s29+$0x7DFF] =	vst.msk $0x1, v5  }
0x86: {  	v4 =	vld [tilespmem:s0+$0x2030];
	_ =	sdelay $0x1  }
0x87: {  	s22 =	smulhi.u32 $0xAAAAAAAB, s20;
	s0 =	simm.s32 $0x1  }
0x88: {  	s0 =	simm.s32 @!p0 $0x0  }
0x89: {  	s22 =	sshrl.u32 s22, $0x1;
	s0 =	smul.u32 $0x7D00, s0  }
0x8a: {  	s22 =	smul.u32 $0xFFFE8900, s22;
	v4 =	vshift.insert v4, v1, s21  }
0x8b: {  	s0 =	sshrl.u32 s0, $0x2  }
0x8c: {  	s22 =	sshra.s32 s22, $0x2;
	s30 =	sadd.s32 $0x9D40, s0;
	[tilespmem:s2+$0x10] =	vst.msk $0x1, v4  }
0x8d: {  	s22 =	sadd.s32 s22, s19;
	v6 =	vld [tilespmem:s30+$0x0]  }
0x8e: {  	v7 =	vld [tilespmem:s22+$0x0];
	_ =	sdelay $0x3  }
0x8f: {  	v5 =	vadd.f32 v6, v5  }
0x90: {  	vm4 =	vne.s32 v7, $0xFFFFFFFF  }
0x91: {  	(xrf2) =	vadd.seg.scan.f32 vm4, v5;
	_ =	sdelay $0x3  }
0x92: {  	s31 =	sadd.s32 $0x5EC0, s0;
	v5 =	vperm.xlane v4, v1  }
0x93: {  	v6 =	vld [tilespmem:s31+$0x0]  }
0x94: {  	vm5 =	veq.s32 v7, v3;
	vm6 =	veq.s32 v7, v5  }
0x95: {  	vm7 =	vgt.u32 v7, $0xFFFFFFFD;
	vm6 =	vmor vm6, vm5  }
0x96: {  	vm6 =	vmor vm6, vm7  }
0x97: {  	v9 =	vld [tilespmem:$0xA0];
	v7 =	vsel vm6, $0xFFFFFFFF, v7  }
0x98: {  	v10 =	vld [tilespmem:$0x90];
	v6 =	vsel vm5, $0x0, v6;
	v8, _, _ =	vpop (xrf2)  }
0x99: {  	v6 =	vadd.f32 v8, v6  }
0x9a: {  	s0 =	sadd.s32 $0xDBC0, s0  }
0x9b: {  	vm4 =	vmand vm4, vm3;
	[tilespmem:s0+$0x0] =	vst v6;
	(ifvalue) =	ssetifvalue $0xFFFFFFFF  }
0x9c: {  	vm6 =	veq.s32 v9, $0x1;
	[hbm4b:s1+s16] =	stream.indirect_vreg.scatter [tilespmem:s0], [sflag:$0x2], $0x1, v7, vm0, $0x4038;
	v7 =	vsel vm4, $0x0, v8;
	[tilespmem:$0x11A60] =	vst v63  }
0x9d: {  	s2 =	simm.s32 $0x0;
	s22 =	sadd.s32 $0x10, s22;
	vm4 =	vmor vm6, vm5;
	v6 =	vsel vm5, v8, v10;
	v7 =	vshift.insert v7, v0, s21  }
.LBB2_7:
0x9e: {  	v8 =	vld [tilespmem:s22+$0x0];
	s30 =	sadd.s32 $0x10, s30  }
0x9f: {  	s31 =	sadd.s32 $0x10, s31;
	v9 =	vld [tilespmem:s30+$0x0]  }
0xa0: {  	s2 =	sadd.s32 $0x10, s2;
	v10 =	vld [tilespmem:s31+$0x0]  }
0xa1: {  	p2 =	slt.u32 s2, $0x1F30;
	_ =	sdelay $0x2  }
0xa2: {  	v7 =	vadd.f32 v9, v7  }
0xa3: {  	vm5 =	vne.s32 v8, $0xFFFFFFFF  }
0xa4: {  	vm6 =	vmand vm5, vm3;
	(xrf2) =	vadd.seg.scan.f32 vm5, v7;
	_ =	sdelay $0x5  }
0xa5: {  	vm7 =	veq.s32 v8, v5;
	vm5 =	veq.s32 v8, v3  }
0xa6: {  	vm8 =	vgt.u32 v8, $0xFFFFFFFD;
	vm4 =	vmor vm4, vm5;
	vm7 =	vmor vm7, vm5  }
0xa7: {  	vm7 =	vmor vm7, vm8  }
0xa8: {  	v8 =	vsel vm7, $0xFFFFFFFF, v8  }
.Ltmp5:
0xa9: {  	v7 =	vsel vm5, $0x0, v10;
	v9, _, _ =	vpop (xrf2);
	(pc) =	sbr.rel @p2 .LBB2_7-.Ltmp5, $4  }
0xaa: {  	v6 =	vsel vm5, v9, v6;
	v10 =	vadd.f32 v9, v7;
	v7 =	vsel vm6, $0x0, v9  }
0xab: {  	s0 =	sadd.s32 $0x10, s0;
	v7 =	vshift.insert v7, v0, s21  }
0xac: {  	s22 =	sadd.s32 $0x10, s22;
	[tilespmem:s0+$0x0] =	vst v10;
	(ifvalue) =	ssetifvalue $0xFFFFFFFF  }
0xad: {  	[hbm4b:s1+s16] =	stream.indirect_vreg.scatter [tilespmem:s0], [sflag:$0x2], $0x1, v8, vm0, $0x4038;
	[tilespmem:$0x11A60] =	vst v63  }
0xae: {  	v3 =	vld [tilespmem:s29+$0xFAF0];
	_ =	sdelay $0x4  }
0xaf: {  	v3 =	vshift.insert v3, v0, s21  }
0xb0: {  	s0 =	simm.s32 $0x30  }
0xb1: {  	[tilespmem:s0+$0x0] =	vst.msk $0x1, v3  }
0xb2: {  	v3 =	vsel vm4, $0x1, v1;
	[tilespmem:$0x90] =	vst v6  }
0xb3: {  	s0 =	sadd.s32 @!p1 $0xFAFF, s29;
	[tilespmem:$0xA0] =	vst v3  }
0xb4: {  	[spmem:s15] =	stream.linear.scatter @!p1 [tilespmem:s0], [sflag:$0x1], $0x1, $0x38;
	[tilespmem:$0x11A60] =	vst v63  }
0xb5: {  	s0 =	simm.s32 @!p1 $0x1  }
0xb6: {  	v3 =	vmctz.xlane @!p1 vm4;
	_ =	swait.ge @!p1 [sflag:s0], $0x1  }
0xb7: {  	(v2sf) =	vpush @!p1 v4, $0x0  }
0xb8: {  	(v2sf) =	vpush @!p1 v3, $0x0;
	_ =	sdelay $0xd  }
0xb9: {  	s2 =	spop @!p1 (v2sf)  }
0xba: {  	s22 =	spop @!p1 (v2sf)  }
0xbb: {  	p2 =	sne.s32 @!p1 s28, s2;
	p3 =	slt.s32 @!p1 s22, $0xF  }
0xbc: {  	[sflag:s0] =	ssyncset.done @!p1 $0x0;
	p2 =	por p2, p1;
	p3 =	por !p3, p1  }
0xbd: {  	[sflag:s0] =	ssyncadd.s32 @!p1 $0xFFFFFFFF;
	v3 =	vimm.s32 @!p2 $0xFFFFFFFF;
	s22 =	simm.s32 @p3 $0xF  }
0xbe: {  	[tilespmem:$0x80] =	vst @!p2 v3;
	s2 =	sadd.s32 @!p1 $0x90, s22  }
0xbf: {  	[spmem:s4] =	stream.linear.scatter @!p1 [tilespmem:s2], [sflag:$0x1], $0x1, $0x38;
	[tilespmem:$0x11A60] =	vst v63  }
0xc0: {  	_ =	swait.ge @!p1 [sflag:s0], $0x1  }
0xc1: {  	[sflag:s0] =	ssyncset.done @!p1 $0x0  }
0xc2: {  	s2 =	simm.s32 @!p1 $0x80;
	[sflag:s0] =	ssyncadd.s32 @!p1 $0xFFFFFFFF  }
0xc3: {  	[spmem:s13] =	stream.linear.scatter @!p1 [tilespmem:s2], [sflag:$0x1], $0x1, $0x38;
	[tilespmem:$0x11A60] =	vst v63  }
0xc4: {  	_ =	swait.ge @!p1 [sflag:s0], $0x1  }
0xc5: {  	[sflag:s0] =	ssyncset.done @!p1 $0x0  }
0xc6: {  	[sflag:s0] =	ssyncadd.s32 @!p1 $0xFFFFFFFF;
	(ifvalue) =	ssetifvalue $0xFFFFFFFF;
	v3 =	vld [tilespmem:s25+$0x10];
	_ =	sdelay $0x3  }
.Ltmp6:
0xc7: {  	_ = 	snop;
	(pc) =	sbr.rel .LBB2_9-.Ltmp6, $3  }
0xc8: {  	_ =	sdelay $0x1  }
0xc9: {  	(ifvalue) =	ssetifvalue $0xFFFFFFFF  }
0xca: {  	[hbm4b:s1+s16] =	stream.indirect_vreg.scatter [tilespmem:s26], [sflag:$0x9], $0x1, v3, vm0, $0x4038;
	[tilespmem:$0x11A60] =	vst v63  }
.LBB2_10:
0xcb: {  	_ =	sfence.sel $0x180000  }
0xcc: {  	s0 =	simm.s32 $0x7;
	[bflag:$0x0] =	sbarrier.arrive $0xFFFF  }
0xcd: {  	s26 =	simm.s32 $0x8;
	[sflag:s0] =	ssyncpa.u1 $0x1  }
0xce: {  	s28 =	simm.s32 $0x9;
	[sflag:s26] =	ssyncpa.u1 $0x1  }
0xcf: {  	[sflag:s28] =	ssyncpa.u1 $0x1  }
0xd0: {  	_ =	sfence.stream.spmem  }
0xd1: {  	s29 =	simm.s32 $0x3;
	[bflag:$0x0] =	sbarrier.arrive $0xFFFF  }
0xd2: {  	s30 =	simm.s32 $0x4;
	[sflag:s29] =	ssyncpa.u1 $0x1  }
0xd3: {  	s31 =	simm.s32 $0x3C;
	s2 =	stileid.u32;
	[sflag:s30] =	ssyncpa.u1 $0x1  }
0xd4: {  	p0 =	sne.s32 s2, $0x0;
	[sflag:s31] =	ssyncpa.u1 $0x1  }
0xd5: {  	s0 =	simm.s32 @p0 $0x1;
	_ =	sfence @p0  }
0xd6: {  	[sflag:s0] =	ssyncpa.u1 @p0 $0x1;
	s0 =	simm.s32 @p0 $0x2  }
0xd7: {  	[sflag:s0] =	ssyncpa.u1 @p0 $0x1  }
0xd8: {  	_ =	strace @p0 $0x90000047  }
0xd9: {  	[bflag:$0x2] =	sbarrier.arrive @p0 $0xFFFF  }
0xda: {  	_ =	shalt @p0  }
.LBB2_11:
0xdb: {  	_ =	sfence.stream.spmem;
	s0 =	simm.s32 $0x5  }
0xdc: {  	s2 =	simm.s32 $0x80;
	s3 =	simm.s32 $0xC0;
	[sflag:s0] =	ssyncpa.u1 $0x0  }
0xdd: {  	[tilespmem:s3], [sflag:$0x5] =	stream.linear.gather [spmem:s2], $0x20, $0x38;
	[tilespmem:$0x11A60] =	vst v63  }
0xde: {  	s2 =	simm.s32 $0x0;
	s3 =	simm.s32 $0xE0  }
0xdf: {  	[tilespmem:s3], [sflag:$0x5] =	stream.linear.gather [spmem:s2], $0x20, $0x38;
	[tilespmem:$0x11A60] =	vst v63  }
.Ltmp7:
0xe0: {  	_ = 	snop;
	(pc) =	sbr.rel .LBB2_12-.Ltmp7, $4  }
0xe1: {  	_ =	swait.ge [sflag:s0], $0x40  }
0xe2: {  	[sflag:s0] =	ssyncset.done $0x0  }
0xe3: {  	s31 =	simm.s32 $0x6;
	[sflag:s0] =	ssyncadd.s32 $0xFFFFFFC0  }
0xe4: {  	s4 =	simm.s32 $0x0;
	[sflag:s31] =	ssyncpa.u1 $0x0  }
.LBB2_17:
0xe5: {  	p0 =	sgt.u32 s5, $0x27FF  }
0xe6: {  	s0 =	sshrl.u32 @!p0 s5, $0x3  }
0xe7: {  	s5 =	sand.u32 @!p0 $0x7, s5;
	s6 =	simm.s32 @!p0 $0xB0;
	s0 =	sadd.s32 @!p0 s1, s0  }
0xe8: {  	[tilespmem:s6], [sflag:$0x6] =	stream.linear.gather @!p0 [hbm4b:s0+s5], $0x1, $0x38;
	[tilespmem:$0x11A60] =	vst v63  }
0xe9: {  	s0 =	simm.s32 @!p0 $0x6  }
0xea: {  	_ =	swait.ge @!p0 [sflag:s0], $0x1  }
0xeb: {  	[sflag:s0] =	ssyncset.done @!p0 $0x0  }
0xec: {  	[sflag:s0] =	ssyncadd.s32 @!p0 $0xFFFFFFFF  }
0xed: {  	v2 =	vmov @!p0 s4;
	v1 =	vld.msk @!p0 [tilespmem:$0xB0], $0x1;
	_ =	sdelay $0x3  }
0xee: {  	s0 =	simm.s32 @!p0 $0xE0  }
0xef: {  	[tilespmem:v2+s0+$0x0], v1 =	vst.idx.ret.add.f32.msk @!p0 $0x1, v1  }
0xf0: {  	[tilespmem:s2+$0xC0] =	vst.msk $0x1, v0  }
0xf1: {  	v0 =	vld.msk [tilespmem:s4+$0xE0], $0x1;
	_ =	sdelay $0x4  }
0xf2: {  	[tilespmem:s2+$0xE0] =	vst.msk $0x1, v0;
	s2 =	sadd.s32 $0x1, s2  }
.LBB2_19:
0xf3: {  	s4 =	sadd.s32 $0x1, s4  }
0xf4: {  	p0 =	sne.s32 s4, $0x20  }
.Ltmp8:
0xf5: {  	_ = 	snop;
	(pc) =	sbr.rel @!p0 .LBB2_20-.Ltmp8, $1  }
0xf6: {  	_ =	sdelay $0x3  }
.LBB2_12:
0xf7: {  	v0 =	vld.msk [tilespmem:s4+$0xC0], $0x1;
	_ =	sdelay $0x4  }
0xf8: {  	(v2sf) =	vpush v0, $0x0;
	_ =	sdelay $0xe  }
0xf9: {  	s5 =	spop (v2sf)  }
0xfa: {  	p0 =	seq.s32 s5, $0xFFFFFFFF  }
.Ltmp9:
0xfb: {  	_ = 	snop;
	(pc) =	sbr.rel @p0 .LBB2_19-.Ltmp9, $1  }
0xfc: {  	_ =	sdelay $0x3  }
0xfd: {  	p0 =	slt.s32 s2, $0x1  }
.Ltmp10:
0xfe: {  	_ = 	snop;
	(pc) =	sbr.rel @p0 .LBB2_17-.Ltmp10, $1  }
0xff: {  	_ =	sdelay $0x3  }
0x100: {  	s0 =	simm.s32 $0xC0;
	p0 =	por $0x0, $0x0  }
0x101: {  	v1 =	vld.msk @!p0 [tilespmem:s0+$0x0], $0x1;
	_ =	sdelay $0x4  }
0x102: {  	(v2sf) =	vpush @!p0 v1, $0x0;
	_ =	sdelay $0xd  }
0x103: {  	p2 =	sne.s32 s2, $0x1  }
.Ltmp11:
0x104: {  	s6 =	spop @!p0 (v2sf);
	(pc) =	sbr.rel @!p2 .LBB2_16-.Ltmp11, $4  }
0x105: {  	p1 =	seq.s32 @!p0 s5, s6  }
0x106: {  	s6 =	simm.s32 $0x0;
	p1 =	por !p1, p0  }
0x107: {  	s8 =	simm.s32 $0xFFFFFFFF;
	s6 =	simm.s32 @p1 $0xFFFFFFFF  }
0x108: {  	s7 =	simm.s32 $0x1;
	s6 =	smov.u32 @p0 s8  }
.LBB2_15:
0x109: {  	s8 =	smov.u32 s6;
	p0 =	sne.s32 s6, $0xFFFFFFFF  }
0x10a: {  	s0 =	sadd.s32 $0x1, s0;
	s6 =	smov.u32 s7;
	s7 =	sadd.s32 $0x1, s7  }
0x10b: {  	p1 =	sne.s32 s2, s7;
	v1 =	vld.msk @!p0 [tilespmem:s0+$0x0], $0x1;
	_ =	sdelay $0x4  }
0x10c: {  	(v2sf) =	vpush @!p0 v1, $0x0;
	_ =	sdelay $0xe  }
.Ltmp12:
0x10d: {  	s9 =	spop @!p0 (v2sf);
	(pc) =	sbr.rel @p1 .LBB2_15-.Ltmp12, $4  }
0x10e: {  	p2 =	seq.s32 @!p0 s5, s9  }
0x10f: {  	p2 =	por !p2, p0  }
0x110: {  	s6 =	simm.s32 @p2 $0xFFFFFFFF  }
0x111: {  	s6 =	smov.u32 @p0 s8  }
.LBB2_16:
0x112: {  	p0 =	sne.s32 s6, $0xFFFFFFFF  }
.Ltmp13:
0x113: {  	_ = 	snop;
	(pc) =	sbr.rel @!p0 .LBB2_17-.Ltmp13, $1  }
0x114: {  	_ =	sdelay $0x3  }
0x115: {  	v0 =	vld.msk [tilespmem:s4+$0xE0], $0x1;
	v1 =	vmov s6  }
.Ltmp14:
0x116: {  	_ = 	snop;
	(pc) =	sbr.rel .LBB2_19-.Ltmp14, $2  }
0x117: {  	_ =	sdelay $0x2  }
0x118: {  	[tilespmem:v1+s3+$0x0], v0 =	vst.idx.ret.add.f32.msk $0x1, v0  }
.LBB2_20:
0x119: {  	p0 =	slt.s32 s2, $0x1  }
.Ltmp15:
0x11a: {  	_ = 	snop;
	(pc) =	sbr.rel @p0 .LBB2_24-.Ltmp15, $3  }
0x11b: {  	_ =	sdelay $0x1  }
0x11c: {  	s0 =	simm.s32 $0x6  }
0x11d: {  	s3 =	simm.s32 $0x0;
	[sflag:s0] =	ssyncpa.u1 $0x1  }
0x11e: {  	s0 =	simm.s32 $0xC0  }
0x11f: {  	v0 =	vld.msk [tilespmem:s0+$0x0], $0x1;
	_ =	sdelay $0x4  }
0x120: {  	(v2sf) =	vpush v0, $0x0;
	_ =	sdelay $0xe  }
0x121: {  	s2 =	sadd.s32 $0xFFFFFFFF, s2;
	s4 =	spop (v2sf)  }
0x122: {  	p1 =	sne.s32 s2, $0x0;
	p0 =	sgt.u32 s4, $0x27FF  }
.Ltmp16:
0x123: {  	s5 =	sshrl.u32 @!p0 s4, $0x3;
	(pc) =	sbr.rel @!p1 .LBB2_23-.Ltmp16, $4  }
0x124: {  	s0 =	simm.s32 $0xE0;
	s4 =	sand.u32 @!p0 $0x7, s4;
	s5 =	sadd.s32 @!p0 s1, s5  }
0x125: {  	[hbm4b:s5+s4] =	stream.linear.scatter @!p0 [tilespmem:s0], [sflag:$0x5], $0x1, $0x38;
	[tilespmem:$0x11A60] =	vst v63  }
0x126: {  	s5 =	simm.s32 $0x0  }
0x127: {  	s4 =	simm.s32 $0xC1;
	s5 =	simm.s32 @!p0 $0x4  }
.LBB2_22:
0x128: {  	v0 =	vld.msk [tilespmem:s4+$0x0], $0x1;
	s2 =	sadd.s32 $0xFFFFFFFF, s2;
	s3 =	sadd.s32 s3, s5  }
0x129: {  	p0 =	sne.s32 s2, $0x0;
	_ =	sdelay $0x3  }
0x12a: {  	(v2sf) =	vpush v0, $0x0;
	_ =	sdelay $0xe  }
.Ltmp17:
0x12b: {  	s6 =	spop (v2sf);
	(pc) =	sbr.rel @p0 .LBB2_22-.Ltmp17, $4  }
0x12c: {  	s5 =	simm.s32 $0x0;
	p1 =	sgt.u32 s6, $0x27FF  }
0x12d: {  	s0 =	sadd.s32 $0x1, s0;
	s5 =	simm.s32 @!p1 $0x4;
	s7 =	sshrl.u32 @!p1 s6, $0x3  }
0x12e: {  	s4 =	sadd.s32 $0x1, s4;
	s6 =	sand.u32 @!p1 $0x7, s6;
	s7 =	sadd.s32 @!p1 s1, s7  }
0x12f: {  	[hbm4b:s7+s6] =	stream.linear.scatter @!p1 [tilespmem:s0], [sflag:$0x5], $0x1, $0x38;
	[tilespmem:$0x11A60] =	vst v63  }
.LBB2_23:
0x130: {  	s0 =	sadd.s32 s3, s5  }
0x131: {  	s3 =	sshrl.u32 s0, $0x2  }
.LBB2_24:
0x132: {  	s0 =	simm.s32 $0x5  }
0x133: {  	_ =	swait.ge [sflag:s0], s3  }
0x134: {  	s1 =	ssub.s32 $0x0, s3;
	[sflag:s0] =	ssyncset.done $0x0  }
0x135: {  	[sflag:s0] =	ssyncadd.s32 s1  }
0x136: {  	[sflag:s0] =	ssyncpa.u1 $0x1  }
0x137: {  	s29 =	simm.s32 $0x1;
	_ =	sfence  }
0x138: {  	s30 =	simm.s32 $0x2;
	[sflag:s29] =	ssyncpa.u1 $0x1  }
0x139: {  	[sflag:s30] =	ssyncpa.u1 $0x1  }
0x13a: {  	_ =	strace $0x90000047  }
0x13b: {  	[bflag:$0x2] =	sbarrier.arrive $0xFFFF  }
0x13c: {  	s31 =	rddreg [dreg:$0x2]  }
0x13d: {  	s0 =	sadd.s32 $0x100000, s31  }
0x13e: {  	[sflag:s0] =	ssyncadd.tile.s32 $0x1;
	_ =	shalt  }
.Lfunc_end2:
_tile_overlayer_lowered:
.L_overlay_start_2:
0x13f: {  	(tag) =	ssettag $0x2  }
0x140: {  	s0 =	rddreg [dreg:$0x0];
	s2 =	stileid.u32  }
0x141: {  	s1 =	rddreg [dreg:$0x1];
	p0 =	sne.s32 s2, $0x0  }
0x142: {  	s3 =	rddreg [dreg:$0x2];
	[bflag:$0x3] =	sbarrier.arrive $0xFFFF;
	s2 =	simm.s32 @!p0 $0x1C01  }
0x143: {  	[timem:s3], [sflag:s2] =	dma.local @!p0 [hbm:s0], s1  }
0x144: {  	s0 =	simm.s32 @!p0 $0x1  }
0x145: {  	_ =	swait.ge @!p0 [sflag:s0], s1  }
0x146: {  	s1 =	ssub.s32 @!p0 $0x0, s1;
	[sflag:s0] =	ssyncset.done @!p0 $0x0  }
0x147: {  	[sflag:s0] =	ssyncadd.s32 @!p0 s1  }
0x148: {  	[bflag:$0x3] =	sbarrier.arrive $0xFFFF  }
0x149: {  	_ =	shalt  }

// kernel: sparse-core-data-format-call.cloned.1.call-start
scs
called_computation.6_lowered:
.L_overlay_start_0:
0x0: {  	s2 =	sld [smem:$0x3FD9]  }
0x1: {  	s3 =	sld [smem:$0x3FFE];
	_ =	sdelay $0x1  }
0x2: {  	s1 =	srdreg.scid  }
0x3: {  	s0 =	sand.u32 $0x1, s1  }
0x4: {  	s18 =	sshll.u32 s0, $0xA;
	s2 =	sadd.s32 s3, s2  }
0x5: {  	s2 =	sadd.s32 s2, s18  }
0x6: {  	[smem:$0x3FBF] =	sst s2  }
0x7: {  	_ = 	snop  }
0x8: {  	(tm) =	ssettm $0x1  }
0x9: {  	s19 =	sld [smem:$0x3FFB];
	_ =	sdelay $0x3  }
0xa: {  	_ =	strace s19  }
0xb: {  	s2 =	sld [smem:$0x3FFC];
	_ =	sdelay $0x3  }
0xc: {  	_ =	strace s2  }
0xd: {  	s2 =	sld [smem:$0x3FFD];
	_ =	sdelay $0x3  }
0xe: {  	_ =	strace s2  }
0xf: {  	_ =	strace $0x8FFFFFFF  }
0x10: {  	s20 =	sld [smem:$0x3FDB];
	_ =	sdelay $0x1  }
0x11: {  	s21 =	simm.s32 $_scs_section_size  }
0x12: {  	s4 =	simm.s32 $_size__tile_overlayer_lowered;
	s5 =	simm.s32 $_tile_overlayer_lowered  }
0x13: {  	s6 =	simm.s32 $0x1BFF;
	s22 =	sshll.u32 s5, $0x1;
	s3 =	sadd.s32 s21, s20  }
0x14: {  	s23 =	simm.s32 $0x0;
	s4 =	sshll.u32 s4, $0x1;
	s5 =	sadd.s32 s22, s3  }
0x15: {  	[timem:s23], [sflag:s6] =	dma.local [hbm:s5], s4  }
0x16: {  	_ =	swait.ge [sflag:s6], s4  }
0x17: {  	s4 =	ssub.s32 $0x0, s4;
	[sflag:s6] =	ssyncset.done $0x0  }
0x18: {  	[sflag:s6] =	ssyncadd.s32 s4;
	_ =	sdelay $0x1  }
0x19: {  	s24 =	simm.s32 $0x1B8B  }
0x1a: {  	_ =	swait.ge [sflag:s24], $0x1  }
0x1b: {  	[sflag:s24] =	ssyncset.done $0x0  }
0x1c: {  	[sflag:s24] =	ssyncadd.s32 $0xFFFFFFFF  }
0x1d: {  	s4 =	sld [smem:$0x0]  }
0x1e: {  	s5 =	sand.u32 $0xFFFFFFFE, s1  }
0x1f: {  	p0 =	sne.s32 s1, s5  }
0x20: {  	s5 =	sshll.u32 @p0 s5, $0xE  }
0x21: {  	s5 =	sadd.s32 @p0 $0x11B8D, s5;
	s6 =	sshll.u32 @p0 s4, $0x11  }
0x22: {  	s5 =	sor.u32 @p0 s6, s5  }
0x23: {  	[sflag:s5] =	ssyncadd.remote.s32 @p0 $0x1;
	_ =	sdelay $0x1  }
0x24: {  	s5 =	simm.s32 @p0 $0x1B8D  }
0x25: {  	_ =	swait.eq @p0 [sflag:s5], $0x1  }
0x26: {  	[sflag:s5] =	ssyncadd.s32 @p0 $0xFFFFFFFF  }
0x27: {  	s6 =	sshll.u32 @!p0 s1, $0xE  }
0x28: {  	s6 =	sor.u32 @!p0 $0x4000, s6;
	s5 =	simm.s32 @!p0 $0x1B8D  }
0x29: {  	s4 =	sshll.u32 @!p0 s4, $0x11;
	s6 =	sadd.s32 @!p0 $0x11B8D, s6;
	_ =	swait.eq @!p0 [sflag:s5], $0x1  }
0x2a: {  	s4 =	sor.u32 @!p0 s4, s6;
	[sflag:s5] =	ssyncadd.s32 @!p0 $0xFFFFFFFF  }
0x2b: {  	s26 =	simm.s32 $0x1B8E;
	s25 =	sld [smem:$0x3FFE];
	[sflag:s4] =	ssyncadd.remote.s32 @!p0 $0x1  }
0x2c: {  	s27 =	simm.s32 $execute0_lowered;
	[smem:$0x3FD2] =	sst s26  }
0x2d: {  	s5 =	sshll.u32 s27, $0x1;
	_ =	strace $0x8000005B;
	[dreg:$0x1] =	wrdreg $0xFFFFFFFF  }
0x2e: {  	s28 =	simm.s32 $_size_execute0_lowered;
	s3 =	sadd.s32 s3, s5;
	[dreg:$0x0] =	wrdreg $0x0  }
0x2f: {  	s5 =	sshll.u32 s28, $0x1;
	[dreg:$0x2] =	wrdreg s3  }
0x30: {  	[dreg:$0x3] =	wrdreg s5  }
0x31: {  	[dreg:$0x4] =	wrdreg $0xC0  }
0x32: {  	_ =	task [dreg:s23], $0x5FFFF  }
0x33: {  	[dreg:$0x1] =	wrdreg $0xFFFFFFFF  }
0x34: {  	[dreg:$0x0] =	wrdreg $0x60  }
0x35: {  	[dreg:$0x2] =	wrdreg s25  }
0x36: {  	[dreg:$0x3] =	wrdreg $0xA  }
0x37: {  	_ =	task.clear_ibuf [dreg:s23], $0x4FFFF;
	_ =	strace $0x9000005B  }
0x38: {  	s29 =	simm.s32 $0xA;
	_ =	strace $0x8000005D  }
0x39: {  	_ =	swait.ge [sflag:s29], $0x1  }
0x3a: {  	[sflag:s29] =	ssyncadd.s32 $0xFFFFFFFF  }
0x3b: {  	_ =	strace $0x9000005D  }
0x3c: {  	_ =	sfence  }
0x3d: {  	s30 =	sld [smem:$0x0];
	_ =	sdelay $0x2  }
0x3e: {  	s31 =	sshll.u32 s1, $0xD;
	s1 =	sshrl.u32 s1, $0x2  }
0x3f: {  	s4 =	sand.u32 $0x4000, s31;
	s1 =	sadd.s32 s1, s30  }
0x40: {  	s0 =	sor.u32 s4, s0;
	s1 =	sshll.u32 s1, $0x11  }
0x41: {  	s0 =	sor.u32 s1, s0  }
0x42: {  	s0 =	sadd.s32 $0x8F2B, s0  }
0x43: {  	[sflag:s0] =	ssyncadd.remote.s32 $0x1  }
0x44: {  	_ =	sfence.sel $0xFFFF  }
0x45: {  	[dreg:$0x0] =	wrdreg $0xFFFFFFFF;
	(pc) =	sbr.abs _section_cstart, $3  }
0x46: {  	[dreg:$0x1] =	wrdreg $0xFFFFFFFF  }
0x47: {  	_ =	task.clear_ibuf [dreg:s23], $0x2FFFF;
	_ =	strace $0x9FFFFFFF  }
0x48: {  	(tm) =	ssettm $0x7FFFFFFF  }
0x49: {  	_ =	shalt  }
tec
execute0_lowered:
.L_overlay_start_1:
0x0: {  	(tag) =	ssettag $0x1  }
0x1: {  	s0 =	srdreg.scid  }
0x2: {  	s1 =	sshll.u32 s0, $0x4  }
0x3: {  	s0 =	stileid.u32;
	s1 =	sand.u32 $0x10, s1  }
0x4: {  	s6 =	rddreg [dreg:$0x0];
	s1 =	sor.u32 s0, s1  }
0x5: {  	s4 =	simm.s32 $0x1;
	s7 =	simm.s32 $0x2;
	s2 =	sshll.u32 s1, $0x1  }
0x6: {  	s14 =	simm.s32 $0x0;
	s8 =	simm.s32 $0x400;
	s3 =	ssub.s32 $0x280, s2  }
0x7: {  	s9 =	simm.s32 $0x1400;
	s10 =	simm.s32 $0x0;
	s31 =	sand.u32 $0x3E, s3  }
0x8: {  	s15 =	simm.s32 $0x0;
	s11 =	simm.s32 $0x0;
	p0 =	sne.s32 s31, $0x0  }
.Ltmp0:
0x9: {  	s3 =	sshrl.u32 s3, $0x6;
	s4 =	simm.s32 @!p0 $0x0;
	(pc) =	sbr.rel .LBB1_1-.Ltmp0, $4  }
0xa: {  	s13 =	simm.s32 $0x0;
	s1 =	rddreg [dreg:$0x1];
	s5 =	sadd.s32 s4, s3  }
0xb: {  	_ =	strace $0x8000005C;
	s4 =	simm.s32 $0x1;
	s5 =	smul.u32 $0x5, s5  }
0xc: {  	s12 =	smov.u32 s2;
	s3 =	sadd.s32 $0x563400, s6;
	[sflag:s4] =	ssyncpa.u1 $0x0  }
0xd: {  	s6 =	sadd.s32 $0x62A00, s6;
	[sflag:s7] =	ssyncpa.u1 $0x0;
	s7 =	sadd.s32 $0x1, s5  }
.LBB1_9:
0xe: {  	s16 =	sadd.s32 $0x8, s11  }
0xf: {  	s14 =	sadd.s32 $0x40, s12;
	s18 =	smov.u32 s12;
	p1 =	sgt.s32 s16, $0x27  }
0x10: {  	s18 =	smov.u32 @p1 s14  }
0x11: {  	s16 =	simm.s32 @p1 $0x0;
	p1 =	sgt.s32 s18, $0x27F  }
0x12: {  	s18 =	smov.u32 @p1 s2;
	p1 =	sne.s32 s13, s7  }
.Ltmp1:
0x13: {  	p0 =	slt.u32 s13, $0x2;
	(pc) =	sbr.rel @!p1 .LBB1_10-.Ltmp1, $4  }
0x14: {  	s17 =	simm.s32 @!p0 $0x2  }
0x15: {  	s15 =	smov.u32 s12;
	s10 =	sadd.s32 $0x4000, s10;
	_ =	swait.ge @!p0 [sflag:s17], $0x4000  }
0x16: {  	s14 =	smov.u32 s11;
	[sflag:s17] =	ssyncset.done @!p0 $0x0;
	s11 =	smov.u32 s16  }
0x17: {  	s13 =	sadd.s32 $0x1, s13;
	[sflag:s17] =	ssyncadd.s32 @!p0 $0xFFFFC000;
	s12 =	smov.u32 s18  }
.LBB1_1:
0x18: {  	p0 =	sge.u32 s13, s5  }
0x19: {  	s17 =	smul.u32 @!p0 $0x1400, s12  }
0x1a: {  	s31 =	sadd.s32 $0xFFFFFFFF, s13;
	s16 =	sxor.u32 @!p0 $0xFFFFFFFF, s13;
	s18 =	sshll.u32 @!p0 s11, $0x7  }
0x1b: {  	s19 =	simm.s32 @!p0 $0xA000;
	s16 =	sshll.u32 @!p0 s16, $0xE;
	s17 =	sadd.s32 @!p0 s3, s17  }
0x1c: {  	s16 =	sand.u32 @!p0 $0x4000, s16;
	s17 =	sadd.s32 @!p0 s18, s17;
	s18 =	simm.s32 @!p0 $0x2000  }
0x1d: {  	[tilespmem:s16], [sflag:$0x1] =	stream.strided.gather @!p0 [hbm4b:s17+s18], $0x4000, s19, s18, $0x38;
	[tilespmem:$0x10000] =	vst v63  }
0x1e: {  	p0 =	sge.u32 s31, s5  }
.Ltmp2:
0x1f: {  	_ = 	snop;
	(pc) =	sbr.rel @p0 .LBB1_9-.Ltmp2, $1  }
0x20: {  	_ =	sdelay $0x3  }
0x21: {  	s16 =	sshll.u32 s10, $0x2  }
0x22: {  	_ =	swait.ge [sflag:s4], $0x4000;
	s17 =	sshll.u32 s13, $0xE;
	s19 =	simm.s32 $0x0  }
0x23: {  	p1 =	por $0x1, $0x1;
	s16 =	sand.u32 $0x10000, s16;
	[sflag:s4] =	ssyncset.done $0x0  }
0x24: {  	s17 =	sand.u32 $0x4000, s17;
	s18 =	sshrl.u32 s16, $0x2;
	[sflag:s4] =	ssyncadd.s32 $0xFFFFC000  }
0x25: {  	s16 =	sor.u32 $0x8000, s17;
	s17 =	sadd.s32 $0x8040, s18;
	s18 =	sadd.s32 $0x40, s18  }
.LBB1_3:
0x26: {  	s19 =	sshll.u32 s19, $0x2  }
0x27: {  	p0 =	por p1, p1;
	s20 =	sshra.s32 s19, $0x2  }
0x28: {  	s21 =	simm.s32 $0x0;
	s19 =	sadd.s32 s20, s17;
	s20 =	sadd.s32 s20, s18  }
.LBB1_4:
0x29: {  	v0 =	vmov s20;
	_ =	sdelay $0x3  }
0x2a: {  	s23 =	simm.s32 $0x0  }
0x2b: {  	v6 =	vld.idx.msk [tilespmem:v0+s23+$0x30 ss:$0x1], $0xffff  }
0x2c: {  	v7 =	vld.idx.msk [tilespmem:v0+s23+$0xFFFFFFC0 ss:$0x1], $0xffff  }
0x2d: {  	v5 =	vld.idx.msk [tilespmem:v0+s23+$0xFFFFFFD0 ss:$0x1], $0xffff  }
0x2e: {  	v4 =	vld.idx.msk [tilespmem:v0+s23+$0xFFFFFFE0 ss:$0x1], $0xffff  }
0x2f: {  	v3 =	vld.idx.msk [tilespmem:v0+s23+$0xFFFFFFF0 ss:$0x1], $0xffff  }
0x30: {  	v1 =	vld.idx.msk [tilespmem:v0+s23+$0x0 ss:$0x1], $0xffff  }
0x31: {  	v2 =	vld.idx.msk [tilespmem:v0+s23+$0x10 ss:$0x1], $0xffff;
	[tilespmem:s19+$0x30] =	vst v6  }
0x32: {  	s22 =	simm.s32 $0x80;
	s24 =	simm.s32 $0x400;
	[tilespmem:s19+$0xFFFFFFC0] =	vst v7;
	v6 =	vld.idx.msk [tilespmem:v0+s23+$0x20 ss:$0x1], $0xffff;
	s23 =	smov.u32 s19  }
.LBB1_5:
0x33: {  	p1 =	sne.s32 s24, $0xE00;
	v7 =	vld.idx.msk [tilespmem:v0+s22+$0x30 ss:$0x1], $0xffff;
	[tilespmem:s23+$0xFFFFFFD0] =	vst v5  }
0x34: {  	v8 =	vld.idx.msk [tilespmem:v0+s22+$0xFFFFFFC0 ss:$0x1], $0xffff;
	[tilespmem:s23+$0xFFFFFFE0] =	vst v4  }
0x35: {  	v5 =	vld.idx.msk [tilespmem:v0+s22+$0xFFFFFFD0 ss:$0x1], $0xffff;
	[tilespmem:s23+$0xFFFFFFF0] =	vst v3  }
.Ltmp3:
0x36: {  	v4 =	vld.idx.msk [tilespmem:v0+s22+$0xFFFFFFE0 ss:$0x1], $0xffff;
	[tilespmem:s23+$0x0] =	vst v1;
	(pc) =	sbr.rel @p1 .LBB1_5-.Ltmp3, $4  }
0x37: {  	v3 =	vld.idx.msk [tilespmem:v0+s22+$0xFFFFFFF0 ss:$0x1], $0xffff;
	[tilespmem:s23+$0x10] =	vst v2  }
0x38: {  	v1 =	vld.idx.msk [tilespmem:v0+s22+$0x0 ss:$0x1], $0xffff;
	[tilespmem:s23+$0x20] =	vst v6;
	s23 =	sadd.s32 $0x400, s23  }
0x39: {  	v2 =	vld.idx.msk [tilespmem:v0+s22+$0x10 ss:$0x1], $0xffff;
	[tilespmem:s23+$0x30] =	vst v7  }
0x3a: {  	[tilespmem:s23+$0xFFFFFFC0] =	vst v8;
	v6 =	vld.idx.msk [tilespmem:v0+s22+$0x20 ss:$0x1], $0xffff;
	s22 =	sshra.s32 s24, $0x2;
	s24 =	sadd.s32 $0x200, s24  }
0x3b: {  	_ =	sdelay $0x2  }
0x3c: {  	[tilespmem:s23+$0xFFFFFFD0] =	vst v5  }
0x3d: {  	v56 =	vld.idx.msk [tilespmem:v0+s22+$0x30 ss:$0x1], $0xffff;
	[tilespmem:s23+$0xFFFFFFE0] =	vst v4  }
0x3e: {  	v57 =	vld.idx.msk [tilespmem:v0+s22+$0xFFFFFFC0 ss:$0x1], $0xffff;
	[tilespmem:s23+$0xFFFFFFF0] =	vst v3  }
0x3f: {  	v58 =	vld.idx.msk [tilespmem:v0+s22+$0xFFFFFFD0 ss:$0x1], $0xffff;
	[tilespmem:s23+$0x0] =	vst v1  }
0x40: {  	v59 =	vld.idx.msk [tilespmem:v0+s22+$0xFFFFFFE0 ss:$0x1], $0xffff;
	[tilespmem:s23+$0x10] =	vst v2  }
0x41: {  	v60 =	vld.idx.msk [tilespmem:v0+s22+$0xFFFFFFF0 ss:$0x1], $0xffff;
	s31 =	sadd.s32 $0x400, s23;
	[tilespmem:s23+$0x20] =	vst v6  }
0x42: {  	v61 =	vld.idx.msk [tilespmem:v0+s22+$0x0 ss:$0x1], $0xffff;
	[tilespmem:s31+$0x30] =	vst v56  }
0x43: {  	v62 =	vld.idx.msk [tilespmem:v0+s22+$0x10 ss:$0x1], $0xffff;
	s21 =	sadd.s32 $0x1, s21;
	[tilespmem:s31+$0xFFFFFFC0] =	vst v57  }
0x44: {  	v63 =	vld.idx.msk [tilespmem:v0+s22+$0x20 ss:$0x1], $0xffff;
	p1 =	sne.s32 s21, $0x8;
	[tilespmem:s31+$0xFFFFFFD0] =	vst v58  }
.Ltmp4:
0x45: {  	[tilespmem:s31+$0xFFFFFFE0] =	vst v59;
	(pc) =	sbr.rel @p1 .LBB1_4-.Ltmp4, $4  }
0x46: {  	[tilespmem:s31+$0xFFFFFFF0] =	vst v60  }
0x47: {  	[tilespmem:s31+$0x0] =	vst v61  }
0x48: {  	[tilespmem:s31+$0x10] =	vst v62  }
0x49: {  	s19 =	sadd.s32 $0x80, s19;
	s20 =	sadd.s32 $0x400, s20;
	[tilespmem:s31+$0x20] =	vst v63  }
.Ltmp5:
0x4a: {  	(pc) =	sbr.rel @p0 .LBB1_3-.Ltmp5, $2  }
0x4b: {  	_ =	sdelay $0x2  }
0x4c: {  	s19 =	simm.s32 $0x2000;
	p1 =	por $0x0, $0x0  }
0x4d: {  	s14 =	sand.u32 $0x1FFFFFF, s14  }
0x4e: {  	s17 =	smulhi.u32 $0x6666667, s14  }
0x4f: {  	s15 =	smul.u32 $0x1400, s15  }
0x50: {  	s17 =	smul.u32 $0x28, s17  }
.Ltmp6:
0x51: {  	_ = 	snop;
	(pc) =	sbr.rel .LBB1_9-.Ltmp6, $4  }
0x52: {  	s14 =	ssub.s32 s14, s17  }
0x53: {  	s15 =	sadd.s32 s6, s15;
	s14 =	sshll.u32 s14, $0x4  }
0x54: {  	s14 =	sadd.s32 s14, s15  }
0x55: {  	[hbm4b:s14+s8] =	stream.strided.scatter [tilespmem:s16], [sflag:$0x2], $0x4000, s9, s8, $0x38;
	[tilespmem:$0x10000] =	vst v63  }
.LBB1_10:
0x56: {  	_ =	sfence.sel $0x180000  }
0x57: {  	s2 =	simm.s32 $0x1;
	[bflag:$0x0] =	sbarrier.arrive $0xFFFF  }
0x58: {  	s31 =	simm.s32 $0x2;
	[sflag:s2] =	ssyncpa.u1 $0x1  }
0x59: {  	[sflag:s31] =	ssyncpa.u1 $0x1  }
0x5a: {  	p0 =	sne.s32 s0, $0x0;
	_ =	strace $0x9000005C  }
0x5b: {  	s0 =	sadd.s32 @!p0 $0x100000, s1;
	[bflag:$0x2] =	sbarrier.arrive $0xFFFF  }
0x5c: {  	[sflag:s0] =	ssyncadd.tile.s32 @!p0 $0x1;
	_ =	shalt  }
.Lfunc_end1:
_tile_overlayer_lowered:
.L_overlay_start_2:
0x5d: {  	(tag) =	ssettag $0x2  }
0x5e: {  	s0 =	rddreg [dreg:$0x0];
	s2 =	stileid.u32  }
0x5f: {  	s1 =	rddreg [dreg:$0x1];
	p0 =	sne.s32 s2, $0x0  }
0x60: {  	s3 =	rddreg [dreg:$0x2];
	[bflag:$0x3] =	sbarrier.arrive $0xFFFF;
	s2 =	simm.s32 @!p0 $0x1C01  }
0x61: {  	[timem:s3], [sflag:s2] =	dma.local @!p0 [hbm:s0], s1  }
0x62: {  	s0 =	simm.s32 @!p0 $0x1  }
0x63: {  	_ =	swait.ge @!p0 [sflag:s0], s1  }
0x64: {  	s1 =	ssub.s32 @!p0 $0x0, s1;
	[sflag:s0] =	ssyncset.done @!p0 $0x0  }
0x65: {  	[sflag:s0] =	ssyncadd.s32 @!p0 s1  }
0x66: {  	[bflag:$0x3] =	sbarrier.arrive $0xFFFF  }
0x67: {  	_ =	shalt  }

</sc_bundles>
